<compile_context>
chip_gen: v7x
topology: tpu7x:2x2x1
jax: 0.10.2.dev20260603
libtpu: 0.0.44.dev20260713+nightly
codegen_flags: <defaults>
</compile_context>

<pallas_src>
import functools

import jax
import jax.numpy as jnp
from jax import lax
from jax.experimental import pallas as pl
from jax.experimental.pallas import tpu as pltpu
from jax.experimental.pallas import tpu_sc as plsc

N_NODE = 10000
D = 128
DE = 16
E = 160000

NC = 2
NS = 16
NW = NC * NS
K = 128
CHUNKS = E // K
ECEIL = -(-CHUNKS // NW)
DS = 32

_i32 = jnp.int32
_f32 = jnp.float32


def _sc_body(x_hbm, src_hbm, m_out, sidx, rows, sem):
  c = lax.axis_index("c")
  t = lax.axis_index("s")
  w = c * NS + t

  def chunk_body(k, _):
    ci = w + NW * k

    @pl.when(ci < CHUNKS)
    def _():
      off = ci * K
      pltpu.sync_copy(src_hbm.at[pl.ds(off, K)], sidx.at[0])
      pltpu.async_copy(x_hbm.at[sidx.at[0]], rows, sem).wait()
      pltpu.sync_copy(rows, m_out.at[pl.ds(off, K)])
    return 0

  lax.fori_loop(0, ECEIL, chunk_body, 0)


_sc_gather = functools.partial(
    pl.kernel,
    out_type=[jax.ShapeDtypeStruct((E, D), _f32)],
    mesh=plsc.VectorSubcoreMesh(core_axis_name="c", subcore_axis_name="s"),
    scratch_types=[
        pltpu.VMEM((1, K), _i32),
        pltpu.VMEM((K, D), _f32),
        pltpu.SemaphoreType.DMA,
    ],
)(_sc_body)


_R = 1000


def _combine_body(acc_ref, sea_ref, w_ref, wa_ref, out_ref):
  h = jnp.dot(acc_ref[...], w_ref[...], preferred_element_type=_f32)
  h = h + jnp.dot(sea_ref[...], wa_ref[...], preferred_element_type=_f32)
  cnt = sea_ref[:, DE:DE + 1]
  out_ref[...] = h / jnp.maximum(cnt, 1.0)


def _combine(acc, sea_aug, w, w_aug):
  return pl.pallas_call(
      _combine_body,
      grid=(N_NODE // _R,),
      in_specs=[
          pl.BlockSpec((_R, D), lambda i: (i, 0)),
          pl.BlockSpec((_R, DS), lambda i: (i, 0)),
          pl.BlockSpec((D, D), lambda i: (0, 0)),
          pl.BlockSpec((DS, D), lambda i: (0, 0)),
      ],
      out_specs=pl.BlockSpec((_R, D), lambda i: (i, 0)),
      out_shape=jax.ShapeDtypeStruct((N_NODE, D), _f32),
  )(acc, sea_aug, w, w_aug)


def _augment_w(w_edge, b):
  return jnp.concatenate(
      [w_edge, b.reshape(1, D), jnp.zeros((DS - DE - 1, D), _f32)], axis=0)


def _etype(x_src, src, dst, ea, w_src, w_edge, b):
  (m_rows,) = _sc_gather(x_src, src)
  m_cat = jnp.concatenate(
      [m_rows, ea, jnp.ones((E, 1), _f32),
       jnp.zeros((E, DS - DE - 1), _f32)], axis=1)
  seg_cat = jax.ops.segment_sum(m_cat, dst, num_segments=N_NODE)
  return _combine(seg_cat[:, :D], seg_cat[:, D:D + DS],
                  w_src, _augment_w(w_edge, b))


def kernel(x_user, x_item, ei_ui, ea_ui, ei_iu, ea_iu,
           W_src_ui, W_edge_ui, b_ui, W_src_iu, W_edge_iu, b_iu):
  s_ui = ei_ui[0].astype(_i32)
  d_ui = ei_ui[1].astype(_i32)
  s_iu = ei_iu[0].astype(_i32)
  d_iu = ei_iu[1].astype(_i32)
  h_item = _etype(x_user, s_ui, d_ui, ea_ui, W_src_ui, W_edge_ui, b_ui)
  h_user = _etype(x_item, s_iu, d_iu, ea_iu, W_src_iu, W_edge_iu, b_iu)
  return (h_user, h_item)

# --- scband reference (transcript-rebuilt; emitter-appended) ---
"""Pipeline reference for scband-hetero-gnn-81372450390254 (READ-ONLY COPY).

The authoritative reference and input builder live on the scoring server;
editing this copy changes nothing except your own understanding.
"""

import jax, jax.numpy as jnp
import numpy as np

N_USER = 10000
N_ITEM = 10000
E = 160000
D = 128
DE = 16
H = 128


def setup_inputs(seed: int = 0) -> dict:
    key = jax.random.key(seed)
    ks = jax.random.split(key, 12)
    x_user = jax.random.normal(ks[0], (N_USER, D), dtype=jnp.float32)
    x_item = jax.random.normal(ks[1], (N_ITEM, D), dtype=jnp.float32)
    ei_ui = jnp.stack([
        jax.random.randint(ks[2], (E,), 0, N_USER),
        jax.random.randint(ks[3], (E,), 0, N_ITEM),
    ]).astype(jnp.int64)
    ea_ui = jax.random.normal(ks[4], (E, DE), dtype=jnp.float32)
    ei_iu = jnp.stack([
        jax.random.randint(ks[5], (E,), 0, N_ITEM),
        jax.random.randint(ks[6], (E,), 0, N_USER),
    ]).astype(jnp.int64)
    ea_iu = jax.random.normal(ks[7], (E, DE), dtype=jnp.float32)
    # learned parameters per edge-type conv (layer 0)
    W_src_ui = jax.random.normal(ks[8], (D, H), dtype=jnp.float32) * 0.05
    W_edge_ui = jax.random.normal(ks[9], (DE, H), dtype=jnp.float32) * 0.05
    b_ui = jnp.zeros((H,), dtype=jnp.float32)
    W_src_iu = jax.random.normal(ks[10], (D, H), dtype=jnp.float32) * 0.05
    W_edge_iu = jax.random.normal(ks[11], (DE, H), dtype=jnp.float32) * 0.05
    b_iu = jnp.zeros((H,), dtype=jnp.float32)
    return {
        "x_user": x_user, "x_item": x_item,
        "ei_ui": ei_ui, "ea_ui": ea_ui,
        "ei_iu": ei_iu, "ea_iu": ea_iu,
        "W_src_ui": W_src_ui, "W_edge_ui": W_edge_ui, "b_ui": b_ui,
        "W_src_iu": W_src_iu, "W_edge_iu": W_edge_iu, "b_iu": b_iu,
    }


def _segment_mean(data, seg_ids, num_segments):
    s = jax.ops.segment_sum(data, seg_ids, num_segments=num_segments)
    cnt = jax.ops.segment_sum(jnp.ones((data.shape[0], 1), dtype=data.dtype), seg_ids, num_segments=num_segments)
    return s / jnp.clip(cnt, 1.0, None)


def reference(x_user, x_item, ei_ui, ea_ui, ei_iu, ea_iu,
              W_src_ui, W_edge_ui, b_ui, W_src_iu, W_edge_iu, b_iu):
    # HeteroGraphConv layer 0, aggregate='mean' (single etype per dst type -> identity mean)
    # etype user:clicks:item -> messages gathered from user src nodes + edge feats, mean-reduced onto item dst
    m_ui = jnp.take(x_user, ei_ui[0], axis=0) @ W_src_ui + ea_ui @ W_edge_ui + b_ui
    h_item = _segment_mean(m_ui, ei_ui[1], N_ITEM)
    # etype item:clicked_by:user
    m_iu = jnp.take(x_item, ei_iu[0], axis=0) @ W_src_iu + ea_iu @ W_edge_iu + b_iu
    h_user = _segment_mean(m_iu, ei_iu[1], N_USER)
    # output node-type dict {'user': h_user, 'item': h_item} returned as a tuple
    return (h_user, h_item)

if __name__ == "__main__":
    import jax
    _d = setup_inputs()
    print(jax.jit(kernel)(*tuple(_d.values())))

</pallas_src>

<mosaic_0001>
#map = affine_map<(d0, d1) -> (0, 0)>
#map1 = affine_map<(d0, d1) -> (0)>
module attributes {stable_mosaic.version = 14 : i64} {
  func.func @_sc_body(%arg0: i32, %arg1: i32, %arg2: memref<10000x128xf32, #tpu.memory_space<hbm>>, %arg3: memref<160000xi32, #tpu.memory_space<hbm>>, %arg4: memref<160000x128xf32, #tpu.memory_space<hbm>>, %arg5: memref<1x128xi32, #tpu.memory_space<vmem>>, %arg6: memref<128x128xf32, #tpu.memory_space<vmem>>, %arg7: memref<!tpu.dma_semaphore, #tpu.memory_space<semaphore_mem>>) attributes {dimension_semantics = [#tpu.dimension_semantics<core_parallel>, #tpu.dimension_semantics<subcore_parallel>], iteration_bounds = array<i64: 2, 16>, scalar_prefetch = 0 : i64, scratch_operands = 3 : i64, tpu.core_type = #tpu.core_type<sc_vector_subcore>, window_params = [{transform_indices = #map}, {transform_indices = #map1}, {transform_indices = #map}]} {
    %mul3A = arith.constant 16 : i32
    %mul3A_0 = arith.muli %arg0, %mul3A : i32
    %add3A = arith.addi %mul3A_0, %arg1 : i32
    %scan3A = arith.constant 0 : i32
    %scan3A_1 = arith.constant 0 : i32
    %scan3A_2 = arith.constant 40 : i32
    %scan3A_3 = arith.addi %scan3A_1, %scan3A_2 : i32
    %scan3A_4 = arith.constant 1 : i32
    %scan3A_5 = scf.for %scan3A_7 = %scan3A_1 to %scan3A_3 step %scan3A_4 iter_args(%scan3A_8 = %scan3A) -> (i32)  : i32 {
      %mul3A_9 = arith.constant 32 : i32
      %mul3A_10 = arith.muli %mul3A_9, %scan3A_7 : i32
      %add3A_11 = arith.addi %add3A, %mul3A_10 : i32
      %lt3A = arith.constant 1250 : i32
      %lt3A_12 = arith.cmpi slt, %add3A_11, %lt3A : i32
      %convert_element_type3A = arith.extui %lt3A_12 : i1 to i32
      %cond3A = arith.constant 0 : i32
      %cond3A_13 = arith.cmpi ne, %convert_element_type3A, %cond3A : i32
      scf.if %cond3A_13 {
        %mul3A_15 = arith.constant 128 : i32
        %mul3A_16 = arith.muli %add3A_11, %mul3A_15 : i32
        %run_scoped3A = arith.constant 0 : i32
        "tpu.region"() ({
          %run_scoped3A_29 = tpu.sem_alloc : memref<!tpu.dma_semaphore, #tpu.memory_space<semaphore_mem>>
          %dma_start3A_30 = arith.constant 0 : i32
          %dma_start3A_31 = tpu.memref_slice %arg5[%run_scoped3A, %dma_start3A_30] : memref<1x128xi32, #tpu.memory_space<vmem>> -> memref<1x128xi32, #tpu.memory_space<vmem>>
          %dma_start3A_32 = tpu.memref_squeeze %dma_start3A_31 : memref<1x128xi32, #tpu.memory_space<vmem>> -> memref<128xi32, #tpu.memory_space<vmem>>
          %dma_start3A_33 = tpu.memref_slice %arg3[%mul3A_16] : memref<160000xi32, #tpu.memory_space<hbm>> -> memref<128xi32, #tpu.memory_space<hbm>>
          %dma_start3A_34 = arith.constant 0 : i32
          %dma_start3A_35 = tpu.memref_slice %arg5[%run_scoped3A, %dma_start3A_34] : memref<1x128xi32, #tpu.memory_space<vmem>> -> memref<1x128xi32, #tpu.memory_space<vmem>>
          %dma_start3A_36 = tpu.memref_squeeze %dma_start3A_35 : memref<1x128xi32, #tpu.memory_space<vmem>> -> memref<128xi32, #tpu.memory_space<vmem>>
          %dma_start3A_37 = tpu.memref_slice %arg3[%mul3A_16] : memref<160000xi32, #tpu.memory_space<hbm>> -> memref<128xi32, #tpu.memory_space<hbm>>
          tpu.enqueue_dma source(%dma_start3A_37 : memref<128xi32, #tpu.memory_space<hbm>>) target(%dma_start3A_36 : memref<128xi32, #tpu.memory_space<vmem>>) target_semaphore(%run_scoped3A_29 : memref<!tpu.dma_semaphore, #tpu.memory_space<semaphore_mem>>)
          %dma_wait3A_38 = arith.constant 0 : i32
          %dma_wait3A_39 = tpu.memref_slice %arg5[%run_scoped3A, %dma_wait3A_38] : memref<1x128xi32, #tpu.memory_space<vmem>> -> memref<1x128xi32, #tpu.memory_space<vmem>>
          %dma_wait3A_40 = tpu.memref_squeeze %dma_wait3A_39 : memref<1x128xi32, #tpu.memory_space<vmem>> -> memref<128xi32, #tpu.memory_space<vmem>>
          %dma_wait3A_41 = tpu.memref_slice %arg3[%mul3A_16] : memref<160000xi32, #tpu.memory_space<hbm>> -> memref<128xi32, #tpu.memory_space<hbm>>
          %dma_wait3A_42 = arith.constant 0 : i32
          %dma_wait3A_43 = tpu.memref_slice %arg5[%run_scoped3A, %dma_wait3A_42] : memref<1x128xi32, #tpu.memory_space<vmem>> -> memref<1x128xi32, #tpu.memory_space<vmem>>
          %dma_wait3A_44 = tpu.memref_squeeze %dma_wait3A_43 : memref<1x128xi32, #tpu.memory_space<vmem>> -> memref<128xi32, #tpu.memory_space<vmem>>
          %dma_wait3A_45 = tpu.memref_slice %arg3[%mul3A_16] : memref<160000xi32, #tpu.memory_space<hbm>> -> memref<128xi32, #tpu.memory_space<hbm>>
          tpu.wait_dma2 semaphore(%run_scoped3A_29 : memref<!tpu.dma_semaphore, #tpu.memory_space<semaphore_mem>>) src(%dma_wait3A_45 : memref<128xi32, #tpu.memory_space<hbm>>) dst(%dma_wait3A_44 : memref<128xi32, #tpu.memory_space<vmem>>)
          tpu.yield
        }) : () -> ()
        %dma_start3A = arith.constant 0 : i32
        %dma_start3A_17 = arith.constant 0 : i32
        %dma_start3A_18 = tpu.memref_slice %arg5[%dma_start3A, %dma_start3A_17] : memref<1x128xi32, #tpu.memory_space<vmem>> -> memref<1x128xi32, #tpu.memory_space<vmem>>
        %dma_start3A_19 = tpu.memref_squeeze %dma_start3A_18 : memref<1x128xi32, #tpu.memory_space<vmem>> -> memref<128xi32, #tpu.memory_space<vmem>>
        %dma_start3A_20 = arith.constant 0 : i32
        %dma_start3A_21 = arith.constant 0 : i32
        %dma_start3A_22 = tpu.memref_slice %arg2[%dma_start3A_20, %dma_start3A_21] : memref<10000x128xf32, #tpu.memory_space<hbm>> -> memref<10000x128xf32, #tpu.memory_space<hbm>>
        tpu.enqueue_indirect_dma source(%dma_start3A_22 : memref<10000x128xf32, #tpu.memory_space<hbm>>) target(%arg6 : memref<128x128xf32, #tpu.memory_space<vmem>>) offsets(%dma_start3A_19 : memref<128xi32, #tpu.memory_space<vmem>>) semaphore(%arg7 : memref<!tpu.dma_semaphore, #tpu.memory_space<semaphore_mem>>)
        %dma_wait3A = arith.constant 0 : i32
        %dma_wait3A_23 = arith.constant 0 : i32
        %dma_wait3A_24 = tpu.memref_slice %arg5[%dma_wait3A, %dma_wait3A_23] : memref<1x128xi32, #tpu.memory_space<vmem>> -> memref<1x128xi32, #tpu.memory_space<vmem>>
        %dma_wait3A_25 = tpu.memref_squeeze %dma_wait3A_24 : memref<1x128xi32, #tpu.memory_space<vmem>> -> memref<128xi32, #tpu.memory_space<vmem>>
        %dma_wait3A_26 = arith.constant 0 : i32
        %dma_wait3A_27 = arith.constant 0 : i32
        %dma_wait3A_28 = tpu.memref_slice %arg2[%dma_wait3A_26, %dma_wait3A_27] : memref<10000x128xf32, #tpu.memory_space<hbm>> -> memref<10000x128xf32, #tpu.memory_space<hbm>>
        tpu.wait_indirect_dma semaphore(%arg7 : memref<!tpu.dma_semaphore, #tpu.memory_space<semaphore_mem>>) src(%dma_wait3A_28 : memref<10000x128xf32, #tpu.memory_space<hbm>>) dst(%arg6 : memref<128x128xf32, #tpu.memory_space<vmem>>)
        "tpu.region"() ({
          %run_scoped3A_29 = tpu.sem_alloc : memref<!tpu.dma_semaphore, #tpu.memory_space<semaphore_mem>>
          %dma_start3A_30 = arith.constant 0 : i32
          %dma_start3A_31 = tpu.memref_slice %arg4[%mul3A_16, %dma_start3A_30] : memref<160000x128xf32, #tpu.memory_space<hbm>> -> memref<128x128xf32, #tpu.memory_space<hbm>>
          %dma_start3A_32 = arith.constant 0 : i32
          %dma_start3A_33 = tpu.memref_slice %arg4[%mul3A_16, %dma_start3A_32] : memref<160000x128xf32, #tpu.memory_space<hbm>> -> memref<128x128xf32, #tpu.memory_space<hbm>>
          tpu.enqueue_dma source(%arg6 : memref<128x128xf32, #tpu.memory_space<vmem>>) target(%dma_start3A_33 : memref<128x128xf32, #tpu.memory_space<hbm>>) target_semaphore(%run_scoped3A_29 : memref<!tpu.dma_semaphore, #tpu.memory_space<semaphore_mem>>)
          %dma_wait3A_34 = arith.constant 0 : i32
          %dma_wait3A_35 = tpu.memref_slice %arg4[%mul3A_16, %dma_wait3A_34] : memref<160000x128xf32, #tpu.memory_space<hbm>> -> memref<128x128xf32, #tpu.memory_space<hbm>>
          %dma_wait3A_36 = arith.constant 0 : i32
          %dma_wait3A_37 = tpu.memref_slice %arg4[%mul3A_16, %dma_wait3A_36] : memref<160000x128xf32, #tpu.memory_space<hbm>> -> memref<128x128xf32, #tpu.memory_space<hbm>>
          tpu.wait_dma2 semaphore(%run_scoped3A_29 : memref<!tpu.dma_semaphore, #tpu.memory_space<semaphore_mem>>) src(%arg6 : memref<128x128xf32, #tpu.memory_space<vmem>>) dst(%dma_wait3A_37 : memref<128x128xf32, #tpu.memory_space<hbm>>)
          tpu.yield
        }) : () -> ()
      } else {
      }
      %scan3A_14 = arith.constant 0 : i32
      scf.yield %scan3A_14 : i32
    }
    %scan3A_6 = arith.constant 40 : i32
    return
  }
}

#map = affine_map<(d0, d1) -> (0, 0)>
#map1 = affine_map<(d0, d1) -> (0)>
module attributes {stable_mosaic.version = 14 : i64} {
  func.func @_sc_body(%arg0: i32, %arg1: i32, %arg2: memref<10000x128xf32, #tpu.memory_space<hbm>>, %arg3: memref<160000xi32, #tpu.memory_space<hbm>>, %arg4: memref<160000x128xf32, #tpu.memory_space<hbm>>, %arg5: memref<1x128xi32, #tpu.memory_space<vmem>>, %arg6: memref<128x128xf32, #tpu.memory_space<vmem>>, %arg7: memref<!tpu.dma_semaphore, #tpu.memory_space<semaphore_mem>>) attributes {dimension_semantics = [#tpu.dimension_semantics<core_parallel>, #tpu.dimension_semantics<subcore_parallel>], iteration_bounds = array<i64: 2, 16>, scalar_prefetch = 0 : i64, scratch_operands = 3 : i64, tpu.core_type = #tpu.core_type<sc_vector_subcore>, window_params = [{transform_indices = #map}, {transform_indices = #map1}, {transform_indices = #map}]} {
    %mul3A = arith.constant 16 : i32
    %mul3A_0 = arith.muli %arg0, %mul3A : i32
    %add3A = arith.addi %mul3A_0, %arg1 : i32
    %scan3A = arith.constant 0 : i32
    %scan3A_1 = arith.constant 0 : i32
    %scan3A_2 = arith.constant 40 : i32
    %scan3A_3 = arith.addi %scan3A_1, %scan3A_2 : i32
    %scan3A_4 = arith.constant 1 : i32
    %scan3A_5 = scf.for %scan3A_7 = %scan3A_1 to %scan3A_3 step %scan3A_4 iter_args(%scan3A_8 = %scan3A) -> (i32)  : i32 {
      %mul3A_9 = arith.constant 32 : i32
      %mul3A_10 = arith.muli %mul3A_9, %scan3A_7 : i32
      %add3A_11 = arith.addi %add3A, %mul3A_10 : i32
      %lt3A = arith.constant 1250 : i32
      %lt3A_12 = arith.cmpi slt, %add3A_11, %lt3A : i32
      %convert_element_type3A = arith.extui %lt3A_12 : i1 to i32
      %cond3A = arith.constant 0 : i32
      %cond3A_13 = arith.cmpi ne, %convert_element_type3A, %cond3A : i32
      scf.if %cond3A_13 {
        %mul3A_15 = arith.constant 128 : i32
        %mul3A_16 = arith.muli %add3A_11, %mul3A_15 : i32
        %run_scoped3A = arith.constant 0 : i32
        "tpu.region"() ({
          %run_scoped3A_29 = tpu.sem_alloc : memref<!tpu.dma_semaphore, #tpu.memory_space<semaphore_mem>>
          %dma_start3A_30 = arith.constant 0 : i32
          %dma_start3A_31 = tpu.memref_slice %arg5[%run_scoped3A, %dma_start3A_30] : memref<1x128xi32, #tpu.memory_space<vmem>> -> memref<1x128xi32, #tpu.memory_space<vmem>>
          %dma_start3A_32 = tpu.memref_squeeze %dma_start3A_31 : memref<1x128xi32, #tpu.memory_space<vmem>> -> memref<128xi32, #tpu.memory_space<vmem>>
          %dma_start3A_33 = tpu.memref_slice %arg3[%mul3A_16] : memref<160000xi32, #tpu.memory_space<hbm>> -> memref<128xi32, #tpu.memory_space<hbm>>
          %dma_start3A_34 = arith.constant 0 : i32
          %dma_start3A_35 = tpu.memref_slice %arg5[%run_scoped3A, %dma_start3A_34] : memref<1x128xi32, #tpu.memory_space<vmem>> -> memref<1x128xi32, #tpu.memory_space<vmem>>
          %dma_start3A_36 = tpu.memref_squeeze %dma_start3A_35 : memref<1x128xi32, #tpu.memory_space<vmem>> -> memref<128xi32, #tpu.memory_space<vmem>>
          %dma_start3A_37 = tpu.memref_slice %arg3[%mul3A_16] : memref<160000xi32, #tpu.memory_space<hbm>> -> memref<128xi32, #tpu.memory_space<hbm>>
          tpu.enqueue_dma source(%dma_start3A_37 : memref<128xi32, #tpu.memory_space<hbm>>) target(%dma_start3A_36 : memref<128xi32, #tpu.memory_space<vmem>>) target_semaphore(%run_scoped3A_29 : memref<!tpu.dma_semaphore, #tpu.memory_space<semaphore_mem>>)
          %dma_wait3A_38 = arith.constant 0 : i32
          %dma_wait3A_39 = tpu.memref_slice %arg5[%run_scoped3A, %dma_wait3A_38] : memref<1x128xi32, #tpu.memory_space<vmem>> -> memref<1x128xi32, #tpu.memory_space<vmem>>
          %dma_wait3A_40 = tpu.memref_squeeze %dma_wait3A_39 : memref<1x128xi32, #tpu.memory_space<vmem>> -> memref<128xi32, #tpu.memory_space<vmem>>
          %dma_wait3A_41 = tpu.memref_slice %arg3[%mul3A_16] : memref<160000xi32, #tpu.memory_space<hbm>> -> memref<128xi32, #tpu.memory_space<hbm>>
          %dma_wait3A_42 = arith.constant 0 : i32
          %dma_wait3A_43 = tpu.memref_slice %arg5[%run_scoped3A, %dma_wait3A_42] : memref<1x128xi32, #tpu.memory_space<vmem>> -> memref<1x128xi32, #tpu.memory_space<vmem>>
          %dma_wait3A_44 = tpu.memref_squeeze %dma_wait3A_43 : memref<1x128xi32, #tpu.memory_space<vmem>> -> memref<128xi32, #tpu.memory_space<vmem>>
          %dma_wait3A_45 = tpu.memref_slice %arg3[%mul3A_16] : memref<160000xi32, #tpu.memory_space<hbm>> -> memref<128xi32, #tpu.memory_space<hbm>>
          tpu.wait_dma2 semaphore(%run_scoped3A_29 : memref<!tpu.dma_semaphore, #tpu.memory_space<semaphore_mem>>) src(%dma_wait3A_45 : memref<128xi32, #tpu.memory_space<hbm>>) dst(%dma_wait3A_44 : memref<128xi32, #tpu.memory_space<vmem>>)
          tpu.yield
        }) : () -> ()
        %dma_start3A = arith.constant 0 : i32
        %dma_start3A_17 = arith.constant 0 : i32
        %dma_start3A_18 = tpu.memref_slice %arg5[%dma_start3A, %dma_start3A_17] : memref<1x128xi32, #tpu.memory_space<vmem>> -> memref<1x128xi32, #tpu.memory_space<vmem>>
        %dma_start3A_19 = tpu.memref_squeeze %dma_start3A_18 : memref<1x128xi32, #tpu.memory_space<vmem>> -> memref<128xi32, #tpu.memory_space<vmem>>
        %dma_start3A_20 = arith.constant 0 : i32
        %dma_start3A_21 = arith.constant 0 : i32
        %dma_start3A_22 = tpu.memref_slice %arg2[%dma_start3A_20, %dma_start3A_21] : memref<10000x128xf32, #tpu.memory_space<hbm>> -> memref<10000x128xf32, #tpu.memory_space<hbm>>
        tpu.enqueue_indirect_dma source(%dma_start3A_22 : memref<10000x128xf32, #tpu.memory_space<hbm>>) target(%arg6 : memref<128x128xf32, #tpu.memory_space<vmem>>) offsets(%dma_start3A_19 : memref<128xi32, #tpu.memory_space<vmem>>) semaphore(%arg7 : memref<!tpu.dma_semaphore, #tpu.memory_space<semaphore_mem>>)
        %dma_wait3A = arith.constant 0 : i32
        %dma_wait3A_23 = arith.constant 0 : i32
        %dma_wait3A_24 = tpu.memref_slice %arg5[%dma_wait3A, %dma_wait3A_23] : memref<1x128xi32, #tpu.memory_space<vmem>> -> memref<1x128xi32, #tpu.memory_space<vmem>>
        %dma_wait3A_25 = tpu.memref_squeeze %dma_wait3A_24 : memref<1x128xi32, #tpu.memory_space<vmem>> -> memref<128xi32, #tpu.memory_space<vmem>>
        %dma_wait3A_26 = arith.constant 0 : i32
        %dma_wait3A_27 = arith.constant 0 : i32
        %dma_wait3A_28 = tpu.memref_slice %arg2[%dma_wait3A_26, %dma_wait3A_27] : memref<10000x128xf32, #tpu.memory_space<hbm>> -> memref<10000x128xf32, #tpu.memory_space<hbm>>
        tpu.wait_indirect_dma semaphore(%arg7 : memref<!tpu.dma_semaphore, #tpu.memory_space<semaphore_mem>>) src(%dma_wait3A_28 : memref<10000x128xf32, #tpu.memory_space<hbm>>) dst(%arg6 : memref<128x128xf32, #tpu.memory_space<vmem>>)
        "tpu.region"() ({
          %run_scoped3A_29 = tpu.sem_alloc : memref<!tpu.dma_semaphore, #tpu.memory_space<semaphore_mem>>
          %dma_start3A_30 = arith.constant 0 : i32
          %dma_start3A_31 = tpu.memref_slice %arg4[%mul3A_16, %dma_start3A_30] : memref<160000x128xf32, #tpu.memory_space<hbm>> -> memref<128x128xf32, #tpu.memory_space<hbm>>
          %dma_start3A_32 = arith.constant 0 : i32
          %dma_start3A_33 = tpu.memref_slice %arg4[%mul3A_16, %dma_start3A_32] : memref<160000x128xf32, #tpu.memory_space<hbm>> -> memref<128x128xf32, #tpu.memory_space<hbm>>
          tpu.enqueue_dma source(%arg6 : memref<128x128xf32, #tpu.memory_space<vmem>>) target(%dma_start3A_33 : memref<128x128xf32, #tpu.memory_space<hbm>>) target_semaphore(%run_scoped3A_29 : memref<!tpu.dma_semaphore, #tpu.memory_space<semaphore_mem>>)
          %dma_wait3A_34 = arith.constant 0 : i32
          %dma_wait3A_35 = tpu.memref_slice %arg4[%mul3A_16, %dma_wait3A_34] : memref<160000x128xf32, #tpu.memory_space<hbm>> -> memref<128x128xf32, #tpu.memory_space<hbm>>
          %dma_wait3A_36 = arith.constant 0 : i32
          %dma_wait3A_37 = tpu.memref_slice %arg4[%mul3A_16, %dma_wait3A_36] : memref<160000x128xf32, #tpu.memory_space<hbm>> -> memref<128x128xf32, #tpu.memory_space<hbm>>
          tpu.wait_dma2 semaphore(%run_scoped3A_29 : memref<!tpu.dma_semaphore, #tpu.memory_space<semaphore_mem>>) src(%arg6 : memref<128x128xf32, #tpu.memory_space<vmem>>) dst(%dma_wait3A_37 : memref<128x128xf32, #tpu.memory_space<hbm>>)
          tpu.yield
        }) : () -> ()
      } else {
      }
      %scan3A_14 = arith.constant 0 : i32
      scf.yield %scan3A_14 : i32
    }
    %scan3A_6 = arith.constant 40 : i32
    return
  }
}

module attributes {stable_mosaic.version = 14 : i64} {
  func.func @_combine_body(%arg0: i32, %arg1: memref<1000x128xf32, #tpu.memory_space<vmem>>, %arg2: memref<1000x32xf32, #tpu.memory_space<vmem>>, %arg3: memref<128x128xf32, #tpu.memory_space<vmem>>, %arg4: memref<32x128xf32, #tpu.memory_space<vmem>>, %arg5: memref<1000x128xf32, #tpu.memory_space<vmem>>) attributes {dimension_semantics = [#tpu.dimension_semantics<arbitrary>], iteration_bounds = array<i64: 10>, scalar_prefetch = 0 : i64, scratch_operands = 0 : i64, tpu.core_type = #tpu.core_type<tc>, window_params = [{transform_indices = @transform_0, window_bounds = array<i64: 1000, 128>}, {transform_indices = @transform_1, window_bounds = array<i64: 1000, 32>}, {pipeline_mode = #tpu.pipeline_mode<synchronous>, transform_indices = @transform_2, window_bounds = array<i64: 128, 128>}, {pipeline_mode = #tpu.pipeline_mode<synchronous>, transform_indices = @transform_3, window_bounds = array<i64: 32, 128>}, {transform_indices = @transform_4, window_bounds = array<i64: 1000, 128>}]} {
    %get3A = arith.constant 0 : index
    %get3A_0 = arith.constant 0 : index
    %get3A_1 = vector.load %arg1[%get3A, %get3A_0] : memref<1000x128xf32, #tpu.memory_space<vmem>>, vector<1000x128xf32>
    %get3A_2 = arith.constant 0 : index
    %get3A_3 = arith.constant 0 : index
    %get3A_4 = vector.load %arg3[%get3A_2, %get3A_3] : memref<128x128xf32, #tpu.memory_space<vmem>>, vector<128x128xf32>
    %dot_general3A = arith.constant dense<0.000000e+00> : vector<1000x128xf32>
    %dot_general3A_5 = tpu.matmul %get3A_1, %get3A_4, %dot_general3A {dimension_numbers = #tpu.dot_dimension_numbers<[1], [0], [0], [1], [0, 0, 1, 1], [], []>, transpose_lhs_hint = false} : vector<1000x128xf32>, vector<128x128xf32>, vector<1000x128xf32> -> vector<1000x128xf32>
    %get3A_6 = arith.constant 0 : index
    %get3A_7 = arith.constant 0 : index
    %get3A_8 = vector.load %arg2[%get3A_6, %get3A_7] : memref<1000x32xf32, #tpu.memory_space<vmem>>, vector<1000x32xf32>
    %get3A_9 = arith.constant 0 : index
    %get3A_10 = arith.constant 0 : index
    %get3A_11 = vector.load %arg4[%get3A_9, %get3A_10] : memref<32x128xf32, #tpu.memory_space<vmem>>, vector<32x128xf32>
    %dot_general3A_12 = arith.constant dense<0.000000e+00> : vector<1000x128xf32>
    %dot_general3A_13 = tpu.matmul %get3A_8, %get3A_11, %dot_general3A_12 {dimension_numbers = #tpu.dot_dimension_numbers<[1], [0], [0], [1], [0, 0, 1, 1], [], []>, transpose_lhs_hint = false} : vector<1000x32xf32>, vector<32x128xf32>, vector<1000x128xf32> -> vector<1000x128xf32>
    %add3A = arith.addf %dot_general3A_5, %dot_general3A_13 : vector<1000x128xf32>
    %get3A_14 = arith.constant 0 : index
    %get3A_15 = arith.constant 16 : index
    %get3A_16 = vector.load %arg2[%get3A_14, %get3A_15] : memref<1000x32xf32, #tpu.memory_space<vmem>>, vector<1000x1xf32>
    %max3A = arith.constant 1.000000e+00 : f32
    %max3A_17 = vector.broadcast %max3A : f32 to vector<1000x1xf32>
    %max3A_18 = arith.maximumf %get3A_16, %max3A_17 : vector<1000x1xf32>
    %div3A = vector.broadcast %max3A_18 : vector<1000x1xf32> to vector<1000x128xf32>
    %div3A_19 = arith.divf %add3A, %div3A : vector<1000x128xf32>
    %swap3A = arith.constant 0 : index
    %swap3A_20 = arith.constant 0 : index
    %swap3A_21 = vector.load %arg5[%swap3A, %swap3A_20] : memref<1000x128xf32, #tpu.memory_space<vmem>>, vector<1000x128xf32>
    tpu.vector_store %arg5[%swap3A, %swap3A_20], %div3A_19 {strides = array<i32>} : memref<1000x128xf32, #tpu.memory_space<vmem>>, vector<1000x128xf32>,
    return
  }
  func.func @transform_0(%arg0: i32) -> (i32, i32) {
    %c0_i32 = arith.constant 0 : i32
    %c0_i32_0 = arith.constant 0 : i32
    return %arg0, %c0_i32 : i32, i32
  }
  func.func @transform_1(%arg0: i32) -> (i32, i32) {
    %c0_i32 = arith.constant 0 : i32
    %c0_i32_0 = arith.constant 0 : i32
    return %arg0, %c0_i32 : i32, i32
  }
  func.func @transform_2(%arg0: i32) -> (i32, i32) {
    %c0_i32 = arith.constant 0 : i32
    %c0_i32_0 = arith.constant 0 : i32
    %c0_i32_1 = arith.constant 0 : i32
    return %c0_i32, %c0_i32_0 : i32, i32
  }
  func.func @transform_3(%arg0: i32) -> (i32, i32) {
    %c0_i32 = arith.constant 0 : i32
    %c0_i32_0 = arith.constant 0 : i32
    %c0_i32_1 = arith.constant 0 : i32
    return %c0_i32, %c0_i32_0 : i32, i32
  }
  func.func @transform_4(%arg0: i32) -> (i32, i32) {
    %c0_i32 = arith.constant 0 : i32
    %c0_i32_0 = arith.constant 0 : i32
    return %arg0, %c0_i32 : i32, i32
  }
}

</mosaic_0001>

<sc_bundles>
// kernel: kernel.6.cloned.1.call-start
scs
__scs_entry_jumppad:
0x0: {  	(pc) =	sbr.rel $0x88, $3  }
0x1: {  	(tag) =	ssettag $0x0;
	lr =	simm.s32 $0x1  }
0x2: {  	[smem:$0x3F95] =	sst lr;
	_ =	strace $0xD0000000  }
0x3: {  	_ = 	snop  }
0x4: {  	_ = 	snop  }
0x5: {  	_ = 	snop  }
0x6: {  	_ = 	snop  }
0x7: {  	_ = 	snop  }
__scs_overlays_trampoline_lowered:
0x8: {  	[smem:$0x3FA4] =	sst s0  }
0x9: {  	[smem:$0x3FA5] =	sst s1  }
0xa: {  	[smem:$0x3FA6] =	sst s2  }
0xb: {  	[smem:$0x3FA7] =	sst s3  }
0xc: {  	[smem:$0x3FA8] =	sst s4  }
0xd: {  	[smem:$0x3FA9] =	sst s5  }
0xe: {  	[smem:$0x3FAA] =	sst s6  }
0xf: {  	[smem:$0x3FAB] =	sst s7  }
0x10: {  	[smem:$0x3FAC] =	sst s8  }
0x11: {  	[smem:$0x3FAD] =	sst s9;
	s0 =	simm.s32 @!p0 $0x0  }
0x12: {  	s1 =	sld [smem:$0x3F93];
	s0 =	simm.s32 @p0 $0x1  }
0x13: {  	[smem:$0x3FAE] =	sst s0;
	s0 =	simm.s32 @!p1 $0x0  }
0x14: {  	s2 =	sld [smem:$0x3F92];
	s0 =	simm.s32 @p1 $0x1  }
0x15: {  	[smem:$0x3FAF] =	sst s0;
	s0 =	simm.s32 @!p2 $0x0  }
0x16: {  	s3 =	sld [smem:$0x3FDB];
	s0 =	simm.s32 @p2 $0x1  }
0x17: {  	s4 =	simm.s32 $0x1BF5;
	[smem:$0x3FB1] =	sst s0  }
0x18: {  	s0 =	sld [smem:$0x3F94];
	_ =	swait.ge [sflag:s4], $0x0  }
0x19: {  	s7 =	sld [smem:$0x3F95]  }
0x1a: {  	s8 =	sadd.s32 $0xFFFFE003, lr  }
0x1b: {  	s9 =	sadd.s32 $0xFFFFFEF7, lr;
	s5 =	simm.s32 $0xFFFFFFFF;
	p2 =	slt.u32 s8, $0xFFFFF086  }
0x1c: {  	p1 =	slt.u32 s9, $0xF7A;
	s5 =	simm.s32 @!p2 $0x0  }
0x1d: {  	s5 =	simm.s32 @p1 $0x1;
	p0 =	seq.s32 s7, s2  }
0x1e: {  	s7 =	smul.u32 @!p0 $0xF7A, s2;
	p2 =	seq.s32 @!p0 s5, $0x0  }
0x1f: {  	s9 =	smul.u32 $0xF7A, s1;
	s8 =	simm.s32 @!p0 $0x1BF5;
	p2 =	por !p2, p0  }
0x20: {  	[sflag:s8] =	ssyncset.s32 @!p0 $0xFFFFF086;
	s6 =	sadd.s32 @!p0 s3, s7;
	s7 =	simm.s32 @!p0 $0x108  }
0x21: {  	s3 =	sadd.s32 s3, s9;
	s6 =	sadd.s32 @!p0 $0x88, s6;
	s7 =	simm.s32 @p2 $0x1082  }
0x22: {  	[simem:s7], [sflag:s8] =	dma.local @!p0 [hbm:s6], $0xF7A  }
0x23: {  	s9 =	sor.u32 $0xD0000000, s2;
	s6 =	simm.s32 $0x108;
	_ =	swait.ge @!p0 [sflag:s8], $0x0  }
0x24: {  	s3 =	sadd.s32 $0x88, s3;
	s6 =	simm.s32 @!p1 $0x1082;
	[sflag:s4] =	ssyncset.s32 $0xFFFFF086  }
0x25: {  	[simem:s6], [sflag:s4] =	dma.local [hbm:s3], $0xF7A  }
0x26: {  	[smem:$0x3F95] =	sst s1;
	(tag) =	ssettag s2;
	_ =	strace s9  }
0x27: {  	s1 =	sld [smem:$0x3FA5]  }
0x28: {  	s2 =	sld [smem:$0x3FA6]  }
0x29: {  	s4 =	sld [smem:$0x3FA8]  }
0x2a: {  	p0 =	seq.s32 s5, $0x0;
	s5 =	sld [smem:$0x3FA9]  }
0x2b: {  	s6 =	sld [smem:$0x3FAA]  }
0x2c: {  	s7 =	sld [smem:$0x3FAB]  }
0x2d: {  	s3 =	simm.s32 $0x108;
	s8 =	sld [smem:$0x3FAC]  }
0x2e: {  	s3 =	simm.s32 @!p0 $0x1082;
	s9 =	sld [smem:$0x3FAD]  }
0x2f: {  	lr =	sadd.s32 s0, s3;
	s0 =	sld [smem:$0x3FA4]  }
0x30: {  	s3 =	sld [smem:$0x3FA7]  }
0x31: {  	[smem:$0x3FB0] =	sst s10  }
0x32: {  	s10 =	sld [smem:$0x3FAE];
	_ =	sdelay $0x3  }
0x33: {  	p0 =	seq.s32 s10, $0x1;
	s10 =	sld [smem:$0x3FB0];
	_ =	sdelay $0x3  }
0x34: {  	[smem:$0x3FB0] =	sst s10  }
0x35: {  	s10 =	sld [smem:$0x3FAF];
	_ =	sdelay $0x3  }
0x36: {  	p1 =	seq.s32 s10, $0x1;
	s10 =	sld [smem:$0x3FB0];
	_ =	sdelay $0x3  }
0x37: {  	[smem:$0x3FB0] =	sst s10  }
0x38: {  	s10 =	sld [smem:$0x3FB1]  }
0x39: {  	_ = 	snop;
	(pc) =	sbr.ind lr, $3  }
0x3a: {  	_ = 	snop  }
0x3b: {  	_ = 	snop  }
0x3c: {  	p2 =	seq.s32 s10, $0x1;
	s10 =	sld [smem:$0x3FB0]  }
0x3d: {  	_ =	shalt  }
0x3e: {  	_ =	shalt  }
0x3f: {  	_ =	shalt  }
0x40: {  	_ =	shalt  }
0x41: {  	_ =	shalt  }
0x42: {  	_ =	shalt  }
0x43: {  	_ =	shalt  }
0x44: {  	_ =	shalt  }
0x45: {  	_ =	shalt  }
0x46: {  	_ =	shalt  }
0x47: {  	_ =	shalt  }
0x48: {  	_ =	shalt  }
0x49: {  	_ =	shalt  }
0x4a: {  	_ =	shalt  }
0x4b: {  	_ =	shalt  }
0x4c: {  	_ =	shalt  }
0x4d: {  	_ =	shalt  }
0x4e: {  	_ =	shalt  }
0x4f: {  	_ =	shalt  }
0x50: {  	_ =	shalt  }
0x51: {  	_ =	shalt  }
0x52: {  	_ =	shalt  }
0x53: {  	_ =	shalt  }
0x54: {  	_ =	shalt  }
0x55: {  	_ =	shalt  }
0x56: {  	_ =	shalt  }
0x57: {  	_ =	shalt  }
0x58: {  	_ =	shalt  }
0x59: {  	_ =	shalt  }
0x5a: {  	_ =	shalt  }
0x5b: {  	_ =	shalt  }
0x5c: {  	_ =	shalt  }
0x5d: {  	_ =	shalt  }
0x5e: {  	_ =	shalt  }
0x5f: {  	_ =	shalt  }
0x60: {  	_ =	shalt  }
0x61: {  	_ =	shalt  }
0x62: {  	_ =	shalt  }
0x63: {  	_ =	shalt  }
0x64: {  	_ =	shalt  }
0x65: {  	_ =	shalt  }
0x66: {  	_ =	shalt  }
0x67: {  	_ =	shalt  }
0x68: {  	_ =	shalt  }
0x69: {  	_ =	shalt  }
0x6a: {  	_ =	shalt  }
0x6b: {  	_ =	shalt  }
0x6c: {  	_ =	shalt  }
0x6d: {  	_ =	shalt  }
0x6e: {  	_ =	shalt  }
0x6f: {  	_ =	shalt  }
0x70: {  	_ =	shalt  }
0x71: {  	_ =	shalt  }
0x72: {  	_ =	shalt  }
0x73: {  	_ =	shalt  }
0x74: {  	_ =	shalt  }
0x75: {  	_ =	shalt  }
0x76: {  	_ =	shalt  }
0x77: {  	_ =	shalt  }
0x78: {  	_ =	shalt  }
0x79: {  	_ =	shalt  }
0x7a: {  	_ =	shalt  }
0x7b: {  	_ =	shalt  }
0x7c: {  	_ =	shalt  }
0x7d: {  	_ =	shalt  }
0x7e: {  	_ =	shalt  }
0x7f: {  	_ =	shalt  }
0x80: {  	_ =	shalt  }
0x81: {  	_ =	shalt  }
0x82: {  	_ =	shalt  }
0x83: {  	_ =	shalt  }
0x84: {  	_ =	shalt  }
0x85: {  	_ =	shalt  }
0x86: {  	_ =	shalt  }
0x87: {  	_ =	shalt  }
.Lfunc_end0:
.L_simem_size_0:
called_computation.2_lowered:
.L_overlay_start_0:
0x88: {  	s2 =	sld [smem:$0x3FD9]  }
0x89: {  	s3 =	sld [smem:$0x3FFE];
	_ =	sdelay $0x1  }
0x8a: {  	s1 =	srdreg.scid  }
0x8b: {  	s0 =	sand.u32 $0x1, s1  }
0x8c: {  	s17 =	sshll.u32 s0, $0xA;
	s2 =	sadd.s32 s3, s2  }
0x8d: {  	s2 =	sadd.s32 s2, s17  }
0x8e: {  	[smem:$0x3FBC] =	sst s2  }
0x8f: {  	_ = 	snop  }
0x90: {  	s2 =	sld [smem:$0x3FC9];
	(tm) =	ssettm $0x1  }
0x91: {  	s18 =	sld [smem:$0x3FFB];
	_ =	sdelay $0x3  }
0x92: {  	_ =	strace s18  }
0x93: {  	s3 =	sld [smem:$0x3FFC];
	_ =	sdelay $0x3  }
0x94: {  	_ =	strace s3  }
0x95: {  	s3 =	sld [smem:$0x3FFD];
	_ =	sdelay $0x3  }
0x96: {  	_ =	strace s3  }
0x97: {  	_ =	strace $0x8FFFFFFF  }
0x98: {  	s19 =	sld [smem:$0x3FDB];
	_ =	sdelay $0x1  }
0x99: {  	s4 =	simm.s32 $_scs_section_size  }
0x9a: {  	s5 =	simm.s32 $_size__tile_overlayer_lowered;
	s6 =	simm.s32 $_tile_overlayer_lowered  }
0x9b: {  	s22 =	simm.s32 $0x1BFF;
	s21 =	sshll.u32 s6, $0x1;
	s3 =	sadd.s32 s4, s19  }
0x9c: {  	s7 =	simm.s32 $0x0;
	s20 =	sshll.u32 s5, $0x1;
	s5 =	sadd.s32 s21, s3  }
0x9d: {  	[timem:s7], [sflag:s22] =	dma.local [hbm:s5], s20  }
0x9e: {  	_ =	swait.ge [sflag:s22], s20  }
0x9f: {  	s4 =	ssub.s32 $0x0, s20;
	[sflag:s22] =	ssyncset.done $0x0  }
0xa0: {  	[sflag:s22] =	ssyncadd.s32 s4;
	_ =	sdelay $0x1  }
0xa1: {  	s23 =	simm.s32 $0x1B8B  }
0xa2: {  	_ =	swait.ge [sflag:s23], $0x1  }
0xa3: {  	[sflag:s23] =	ssyncset.done $0x0  }
0xa4: {  	s25 =	simm.s32 $0x1B8E;
	s24 =	sld [smem:$0x3FFE];
	[sflag:s23] =	ssyncadd.s32 $0xFFFFFFFF  }
0xa5: {  	s26 =	simm.s32 $execute0_lowered;
	[smem:$0x3FD2] =	sst s25  }
0xa6: {  	s5 =	sshll.u32 s26, $0x1;
	_ =	strace $0x80000046;
	[dreg:$0x1] =	wrdreg $0xFFFFFFFF  }
0xa7: {  	s28 =	simm.s32 $_size_execute0_lowered;
	s3 =	sadd.s32 s3, s5;
	[dreg:$0x0] =	wrdreg $0x0  }
0xa8: {  	s5 =	sshll.u32 s28, $0x1;
	[dreg:$0x2] =	wrdreg s3  }
0xa9: {  	[dreg:$0x3] =	wrdreg s5  }
0xaa: {  	[dreg:$0x4] =	wrdreg $0xC0  }
0xab: {  	_ =	task [dreg:s7], $0x5FFFF  }
0xac: {  	[dreg:$0x1] =	wrdreg $0xFFFFFFFF  }
0xad: {  	[dreg:$0x0] =	wrdreg $0x60  }
0xae: {  	[dreg:$0x2] =	wrdreg s2  }
0xaf: {  	[dreg:$0x3] =	wrdreg s24  }
0xb0: {  	[dreg:$0x4] =	wrdreg $0x9  }
0xb1: {  	_ =	task.clear_ibuf [dreg:s7], $0x5FFFF;
	_ =	strace $0x90000046  }
0xb2: {  	s29 =	simm.s32 $0x9;
	_ =	strace $0x80000048  }
0xb3: {  	_ =	swait.ge [sflag:s29], $0x1  }
0xb4: {  	[sflag:s29] =	ssyncadd.s32 $0xFFFFFFFF  }
0xb5: {  	_ =	strace $0x90000048  }
0xb6: {  	_ =	sfence  }
0xb7: {  	s30 =	sld [smem:$0x0];
	_ =	sdelay $0x2  }
0xb8: {  	s31 =	sshll.u32 s1, $0xD;
	s1 =	sshrl.u32 s1, $0x2  }
0xb9: {  	s3 =	sand.u32 $0x4000, s31;
	s1 =	sadd.s32 s1, s30  }
0xba: {  	s0 =	sor.u32 s3, s0;
	s1 =	sshll.u32 s1, $0x11  }
0xbb: {  	s0 =	sor.u32 s1, s0  }
0xbc: {  	s0 =	sadd.s32 $0x8F2B, s0  }
0xbd: {  	[sflag:s0] =	ssyncadd.remote.s32 $0x1  }
0xbe: {  	_ =	sfence.sel $0xFFFF  }
0xbf: {  	[dreg:$0x0] =	wrdreg $0xFFFFFFFF;
	(pc) =	sbr.abs _section_cstart, $3  }
0xc0: {  	[dreg:$0x1] =	wrdreg $0xFFFFFFFF  }
0xc1: {  	_ =	task.clear_ibuf [dreg:s7], $0x2FFFF;
	_ =	strace $0x9FFFFFFF  }
0xc2: {  	(tm) =	ssettm $0x7FFFFFFF  }
0xc3: {  	_ =	shalt  }
tec
execute0_lowered:
.L_overlay_start_1:
0x0: {  	(tag) =	ssettag $0x1  }
0x1: {  	s1 =	rddreg [dreg:$0x0]  }
0x2: {  	s0 =	srdreg.scid;
	s3 =	rddreg [dreg:$0x1]  }
0x3: {  	s2 =	simm.s32 $0x0;
	s4 =	sand.u32 $0x1, s0;
	s0 =	rddreg [dreg:$0x2]  }
0x4: {  	[smem:$0x7FF] =	sst s2  }
0x5: {  	s5 =	sshll.u32 s4, $0x8;
	s6 =	sshll.u32 s4, $0xF;
	s7 =	ssub.s32 $0x2, s4  }
0x6: {  	_ =	strace $0x80000047;
	s9 =	sshll.u32 s4, $0x4;
	s5 =	sadd.s32 s5, s3  }
0x7: {  	s6 =	sadd.s32 s6, s3;
	s3 =	stileid.u32;
	s8 =	sshrl.u32 s7, $0x1  }
0x8: {  	s7 =	ssub.s32 s7, s8;
	s30 =	sshll.u32 s3, $0x4;
	s31 =	sshll.u32 s3, $0xB  }
0x9: {  	s5 =	sadd.s32 s30, s5;
	s4 =	smax.u32 s7, $0x1;
	s6 =	sadd.s32 s31, s6  }
0xa: {  	s7 =	sor.u32 s9, s3;
	s5 =	sadd.s32 $0x5000, s5;
	s6 =	sadd.s32 $0xA000, s6  }
.LBB2_1:
0xb: {  	s8 =	sadd.s32 $0x0, s7  }
0xc: {  	p0 =	sgt.u32 s8, $0x4E1  }
0xd: {  	s8 =	simm.s32 @!p0 $0x0;
	s9 =	simm.s32 @!p0 $0x3  }
0xe: {  	[tilespmem:s8], [sflag:$0x3] =	stream.linear.gather @!p0 [hbm4b:s5+s8], $0x80, $0x38;
	[tilespmem:$0x4080] =	vst v63  }
0xf: {  	_ =	swait.ge @!p0 [sflag:s9], $0x80  }
0x10: {  	[sflag:s9] =	ssyncset.done @!p0 $0x0;
	p0 =	por p0, p0  }
0x11: {  	[sflag:s9] =	ssyncadd.s32 @!p0 $0xFFFFFF80;
	s10 =	simm.s32 @!p0 $0x80;
	s11 =	simm.s32 @!p0 $0x1  }
0x12: {  	[tilespmem:s10], [sflag:$0x1] =	stream.indirect.gather @!p0 [hbm4b:s1+s10], $0x80, s8, s10, $0xb8;
	[tilespmem:$0x4080] =	vst v63  }
0x13: {  	_ =	swait.ge @!p0 [sflag:s11], $0x4000  }
0x14: {  	[sflag:s11] =	ssyncset.done @!p0 $0x0  }
0x15: {  	s31 =	sadd.s32 $0x20, s7;
	[sflag:s11] =	ssyncadd.s32 @!p0 $0xFFFFC000;
	s11 =	simm.s32 @!p0 $0x2  }
0x16: {  	[hbm4b:s6+s8] =	stream.linear.scatter @!p0 [tilespmem:s10], [sflag:$0x2], $0x4000, $0x38;
	[tilespmem:$0x4080] =	vst v63  }
0x17: {  	p1 =	sgt.u32 s31, $0x4E1;
	s9 =	simm.s32 $0x40;
	_ =	swait.ge @!p0 [sflag:s11], $0x4000  }
0x18: {  	s8 =	sadd.s32 $0x10000, s6;
	s10 =	sadd.s32 $0x200, s5;
	[sflag:s11] =	ssyncset.done @!p0 $0x0  }
.LBB2_2:
0x19: {  	s12 =	simm.s32 @!p1 $0x0;
	s13 =	simm.s32 @!p1 $0x3;
	[sflag:s11] =	ssyncadd.s32 @!p0 $0xFFFFC000  }
0x1a: {  	[tilespmem:s12], [sflag:$0x3] =	stream.linear.gather @!p1 [hbm4b:s10+s12], $0x80, $0x38;
	[tilespmem:$0x4080] =	vst v63  }
0x1b: {  	s14 =	smov.u32 s9;
	s9 =	sadd.s32 $0x20, s9;
	_ =	swait.ge @!p1 [sflag:s13], $0x80  }
0x1c: {  	p0 =	por p1, p1;
	p2 =	sne.s32 s9, $0x500;
	[sflag:s13] =	ssyncset.done @!p1 $0x0  }
0x1d: {  	s11 =	simm.s32 @!p0 $0x1;
	[sflag:s13] =	ssyncadd.s32 @!p0 $0xFFFFFF80;
	s13 =	simm.s32 @!p0 $0x80  }
0x1e: {  	[tilespmem:s13], [sflag:$0x1] =	stream.indirect.gather @!p0 [hbm4b:s1+s13], $0x80, s12, s13, $0xb8;
	[tilespmem:$0x4080] =	vst v63  }
0x1f: {  	_ =	swait.ge @!p0 [sflag:s11], $0x4000  }
.Ltmp0:
0x20: {  	[sflag:s11] =	ssyncset.done @!p0 $0x0;
	(pc) =	sbr.rel @p2 .LBB2_2-.Ltmp0, $4  }
0x21: {  	[sflag:s11] =	ssyncadd.s32 @!p0 $0xFFFFC000;
	s11 =	simm.s32 @!p0 $0x2  }
0x22: {  	[hbm4b:s8+s12] =	stream.linear.scatter @!p0 [tilespmem:s13], [sflag:$0x2], $0x4000, $0x38;
	[tilespmem:$0x4080] =	vst v63  }
0x23: {  	s12 =	sadd.s32 s14, s7;
	s8 =	sadd.s32 $0x10000, s8;
	_ =	swait.ge @!p0 [sflag:s11], $0x4000  }
0x24: {  	s10 =	sadd.s32 $0x200, s10;
	p1 =	sgt.u32 s12, $0x4E1;
	[sflag:s11] =	ssyncset.done @!p0 $0x0  }
0x25: {  	s9 =	simm.s32 @!p1 $0x0;
	s12 =	simm.s32 @!p1 $0x3;
	[sflag:s11] =	ssyncadd.s32 @!p0 $0xFFFFC000  }
0x26: {  	[tilespmem:s9], [sflag:$0x3] =	stream.linear.gather @!p1 [hbm4b:s10+s9], $0x80, $0x38;
	[tilespmem:$0x4080] =	vst v63  }
0x27: {  	_ =	swait.ge @!p1 [sflag:s12], $0x80  }
0x28: {  	p0 =	por p1, p1;
	[sflag:s12] =	ssyncset.done @!p1 $0x0  }
0x29: {  	s10 =	simm.s32 @!p0 $0x80;
	s11 =	simm.s32 @!p0 $0x1;
	[sflag:s12] =	ssyncadd.s32 @!p0 $0xFFFFFF80  }
0x2a: {  	[tilespmem:s10], [sflag:$0x1] =	stream.indirect.gather @!p0 [hbm4b:s1+s10], $0x80, s9, s10, $0xb8;
	[tilespmem:$0x4080] =	vst v63  }
0x2b: {  	s2 =	sadd.s32 $0x1, s2;
	_ =	swait.ge @!p0 [sflag:s11], $0x4000  }
0x2c: {  	p1 =	sne.s32 s2, s4;
	[sflag:s11] =	ssyncset.done @!p0 $0x0  }
.Ltmp1:
0x2d: {  	[sflag:s11] =	ssyncadd.s32 @!p0 $0xFFFFC000;
	s11 =	simm.s32 @!p0 $0x2;
	(pc) =	sbr.rel @p1 .LBB2_1-.Ltmp1, $4  }
0x2e: {  	[hbm4b:s8+s9] =	stream.linear.scatter @!p0 [tilespmem:s10], [sflag:$0x2], $0x4000, $0x38;
	[tilespmem:$0x4080] =	vst v63  }
0x2f: {  	_ =	swait.ge @!p0 [sflag:s11], $0x4000  }
0x30: {  	[sflag:s11] =	ssyncset.done @!p0 $0x0  }
0x31: {  	[sflag:s11] =	ssyncadd.s32 @!p0 $0xFFFFC000  }
0x32: {  	_ =	sfence.sel $0x180000  }
0x33: {  	[bflag:$0x0] =	sbarrier.arrive $0xFFFF  }
0x34: {  	p0 =	sne.s32 s3, $0x0;
	_ =	strace $0x90000047  }
0x35: {  	s0 =	sadd.s32 @!p0 $0x100000, s0;
	[bflag:$0x2] =	sbarrier.arrive $0xFFFF  }
0x36: {  	[sflag:s0] =	ssyncadd.tile.s32 @!p0 $0x1;
	_ =	shalt  }
.Lfunc_end2:
_tile_overlayer_lowered:
.L_overlay_start_2:
0x37: {  	(tag) =	ssettag $0x2  }
0x38: {  	s0 =	rddreg [dreg:$0x0];
	s2 =	stileid.u32  }
0x39: {  	s1 =	rddreg [dreg:$0x1];
	p0 =	sne.s32 s2, $0x0  }
0x3a: {  	s3 =	rddreg [dreg:$0x2];
	[bflag:$0x3] =	sbarrier.arrive $0xFFFF;
	s2 =	simm.s32 @!p0 $0x1C02  }
0x3b: {  	[timem:s3], [sflag:s2] =	dma.local @!p0 [hbm:s0], s1  }
0x3c: {  	s0 =	simm.s32 @!p0 $0x2  }
0x3d: {  	_ =	swait.ge @!p0 [sflag:s0], s1  }
0x3e: {  	s1 =	ssub.s32 @!p0 $0x0, s1;
	[sflag:s0] =	ssyncset.done @!p0 $0x0  }
0x3f: {  	[sflag:s0] =	ssyncadd.s32 @!p0 s1  }
0x40: {  	[bflag:$0x3] =	sbarrier.arrive $0xFFFF  }
0x41: {  	_ =	shalt  }

// kernel: kernel.9.cloned.1.call-start
scs
__scs_entry_jumppad:
0x0: {  	(pc) =	sbr.rel $0x88, $3  }
0x1: {  	(tag) =	ssettag $0x0;
	lr =	simm.s32 $0x1  }
0x2: {  	[smem:$0x3F95] =	sst lr;
	_ =	strace $0xD0000000  }
0x3: {  	_ = 	snop  }
0x4: {  	_ = 	snop  }
0x5: {  	_ = 	snop  }
0x6: {  	_ = 	snop  }
0x7: {  	_ = 	snop  }
__scs_overlays_trampoline_lowered:
0x8: {  	[smem:$0x3FA4] =	sst s0  }
0x9: {  	[smem:$0x3FA5] =	sst s1  }
0xa: {  	[smem:$0x3FA6] =	sst s2  }
0xb: {  	[smem:$0x3FA7] =	sst s3  }
0xc: {  	[smem:$0x3FA8] =	sst s4  }
0xd: {  	[smem:$0x3FA9] =	sst s5  }
0xe: {  	[smem:$0x3FAA] =	sst s6  }
0xf: {  	[smem:$0x3FAB] =	sst s7  }
0x10: {  	[smem:$0x3FAC] =	sst s8  }
0x11: {  	[smem:$0x3FAD] =	sst s9;
	s0 =	simm.s32 @!p0 $0x0  }
0x12: {  	s1 =	sld [smem:$0x3F93];
	s0 =	simm.s32 @p0 $0x1  }
0x13: {  	[smem:$0x3FAE] =	sst s0;
	s0 =	simm.s32 @!p1 $0x0  }
0x14: {  	s2 =	sld [smem:$0x3F92];
	s0 =	simm.s32 @p1 $0x1  }
0x15: {  	[smem:$0x3FAF] =	sst s0;
	s0 =	simm.s32 @!p2 $0x0  }
0x16: {  	s3 =	sld [smem:$0x3FDB];
	s0 =	simm.s32 @p2 $0x1  }
0x17: {  	s4 =	simm.s32 $0x1BF5;
	[smem:$0x3FB1] =	sst s0  }
0x18: {  	s0 =	sld [smem:$0x3F94];
	_ =	swait.ge [sflag:s4], $0x0  }
0x19: {  	s7 =	sld [smem:$0x3F95]  }
0x1a: {  	s8 =	sadd.s32 $0xFFFFE003, lr  }
0x1b: {  	s9 =	sadd.s32 $0xFFFFFEF7, lr;
	s5 =	simm.s32 $0xFFFFFFFF;
	p2 =	slt.u32 s8, $0xFFFFF086  }
0x1c: {  	p1 =	slt.u32 s9, $0xF7A;
	s5 =	simm.s32 @!p2 $0x0  }
0x1d: {  	s5 =	simm.s32 @p1 $0x1;
	p0 =	seq.s32 s7, s2  }
0x1e: {  	s7 =	smul.u32 @!p0 $0xF7A, s2;
	p2 =	seq.s32 @!p0 s5, $0x0  }
0x1f: {  	s9 =	smul.u32 $0xF7A, s1;
	s8 =	simm.s32 @!p0 $0x1BF5;
	p2 =	por !p2, p0  }
0x20: {  	[sflag:s8] =	ssyncset.s32 @!p0 $0xFFFFF086;
	s6 =	sadd.s32 @!p0 s3, s7;
	s7 =	simm.s32 @!p0 $0x108  }
0x21: {  	s3 =	sadd.s32 s3, s9;
	s6 =	sadd.s32 @!p0 $0x88, s6;
	s7 =	simm.s32 @p2 $0x1082  }
0x22: {  	[simem:s7], [sflag:s8] =	dma.local @!p0 [hbm:s6], $0xF7A  }
0x23: {  	s9 =	sor.u32 $0xD0000000, s2;
	s6 =	simm.s32 $0x108;
	_ =	swait.ge @!p0 [sflag:s8], $0x0  }
0x24: {  	s3 =	sadd.s32 $0x88, s3;
	s6 =	simm.s32 @!p1 $0x1082;
	[sflag:s4] =	ssyncset.s32 $0xFFFFF086  }
0x25: {  	[simem:s6], [sflag:s4] =	dma.local [hbm:s3], $0xF7A  }
0x26: {  	[smem:$0x3F95] =	sst s1;
	(tag) =	ssettag s2;
	_ =	strace s9  }
0x27: {  	s1 =	sld [smem:$0x3FA5]  }
0x28: {  	s2 =	sld [smem:$0x3FA6]  }
0x29: {  	s4 =	sld [smem:$0x3FA8]  }
0x2a: {  	p0 =	seq.s32 s5, $0x0;
	s5 =	sld [smem:$0x3FA9]  }
0x2b: {  	s6 =	sld [smem:$0x3FAA]  }
0x2c: {  	s7 =	sld [smem:$0x3FAB]  }
0x2d: {  	s3 =	simm.s32 $0x108;
	s8 =	sld [smem:$0x3FAC]  }
0x2e: {  	s3 =	simm.s32 @!p0 $0x1082;
	s9 =	sld [smem:$0x3FAD]  }
0x2f: {  	lr =	sadd.s32 s0, s3;
	s0 =	sld [smem:$0x3FA4]  }
0x30: {  	s3 =	sld [smem:$0x3FA7]  }
0x31: {  	[smem:$0x3FB0] =	sst s10  }
0x32: {  	s10 =	sld [smem:$0x3FAE];
	_ =	sdelay $0x3  }
0x33: {  	p0 =	seq.s32 s10, $0x1;
	s10 =	sld [smem:$0x3FB0];
	_ =	sdelay $0x3  }
0x34: {  	[smem:$0x3FB0] =	sst s10  }
0x35: {  	s10 =	sld [smem:$0x3FAF];
	_ =	sdelay $0x3  }
0x36: {  	p1 =	seq.s32 s10, $0x1;
	s10 =	sld [smem:$0x3FB0];
	_ =	sdelay $0x3  }
0x37: {  	[smem:$0x3FB0] =	sst s10  }
0x38: {  	s10 =	sld [smem:$0x3FB1]  }
0x39: {  	_ = 	snop;
	(pc) =	sbr.ind lr, $3  }
0x3a: {  	_ = 	snop  }
0x3b: {  	_ = 	snop  }
0x3c: {  	p2 =	seq.s32 s10, $0x1;
	s10 =	sld [smem:$0x3FB0]  }
0x3d: {  	_ =	shalt  }
0x3e: {  	_ =	shalt  }
0x3f: {  	_ =	shalt  }
0x40: {  	_ =	shalt  }
0x41: {  	_ =	shalt  }
0x42: {  	_ =	shalt  }
0x43: {  	_ =	shalt  }
0x44: {  	_ =	shalt  }
0x45: {  	_ =	shalt  }
0x46: {  	_ =	shalt  }
0x47: {  	_ =	shalt  }
0x48: {  	_ =	shalt  }
0x49: {  	_ =	shalt  }
0x4a: {  	_ =	shalt  }
0x4b: {  	_ =	shalt  }
0x4c: {  	_ =	shalt  }
0x4d: {  	_ =	shalt  }
0x4e: {  	_ =	shalt  }
0x4f: {  	_ =	shalt  }
0x50: {  	_ =	shalt  }
0x51: {  	_ =	shalt  }
0x52: {  	_ =	shalt  }
0x53: {  	_ =	shalt  }
0x54: {  	_ =	shalt  }
0x55: {  	_ =	shalt  }
0x56: {  	_ =	shalt  }
0x57: {  	_ =	shalt  }
0x58: {  	_ =	shalt  }
0x59: {  	_ =	shalt  }
0x5a: {  	_ =	shalt  }
0x5b: {  	_ =	shalt  }
0x5c: {  	_ =	shalt  }
0x5d: {  	_ =	shalt  }
0x5e: {  	_ =	shalt  }
0x5f: {  	_ =	shalt  }
0x60: {  	_ =	shalt  }
0x61: {  	_ =	shalt  }
0x62: {  	_ =	shalt  }
0x63: {  	_ =	shalt  }
0x64: {  	_ =	shalt  }
0x65: {  	_ =	shalt  }
0x66: {  	_ =	shalt  }
0x67: {  	_ =	shalt  }
0x68: {  	_ =	shalt  }
0x69: {  	_ =	shalt  }
0x6a: {  	_ =	shalt  }
0x6b: {  	_ =	shalt  }
0x6c: {  	_ =	shalt  }
0x6d: {  	_ =	shalt  }
0x6e: {  	_ =	shalt  }
0x6f: {  	_ =	shalt  }
0x70: {  	_ =	shalt  }
0x71: {  	_ =	shalt  }
0x72: {  	_ =	shalt  }
0x73: {  	_ =	shalt  }
0x74: {  	_ =	shalt  }
0x75: {  	_ =	shalt  }
0x76: {  	_ =	shalt  }
0x77: {  	_ =	shalt  }
0x78: {  	_ =	shalt  }
0x79: {  	_ =	shalt  }
0x7a: {  	_ =	shalt  }
0x7b: {  	_ =	shalt  }
0x7c: {  	_ =	shalt  }
0x7d: {  	_ =	shalt  }
0x7e: {  	_ =	shalt  }
0x7f: {  	_ =	shalt  }
0x80: {  	_ =	shalt  }
0x81: {  	_ =	shalt  }
0x82: {  	_ =	shalt  }
0x83: {  	_ =	shalt  }
0x84: {  	_ =	shalt  }
0x85: {  	_ =	shalt  }
0x86: {  	_ =	shalt  }
0x87: {  	_ =	shalt  }
.Lfunc_end0:
.L_simem_size_0:
called_computation.3_lowered:
.L_overlay_start_0:
0x88: {  	s2 =	sld [smem:$0x3FD9]  }
0x89: {  	s3 =	sld [smem:$0x3FFE];
	_ =	sdelay $0x1  }
0x8a: {  	s1 =	srdreg.scid  }
0x8b: {  	s0 =	sand.u32 $0x1, s1  }
0x8c: {  	s15 =	sshll.u32 s0, $0xA;
	s2 =	sadd.s32 s3, s2  }
0x8d: {  	s2 =	sadd.s32 s2, s15  }
0x8e: {  	[smem:$0x3FBC] =	sst s2  }
0x8f: {  	_ = 	snop  }
0x90: {  	s16 =	sld [smem:$0x3FD0];
	_ =	sdelay $0x2  }
0x91: {  	s4 =	simm.s32 $0xD;
	s5 =	simm.s32 $0x10;
	s2 =	sld [smem:$0x3FC8]  }
0x92: {  	[smem:s5], [sflag:s4] =	dma.local [hbm:s16], $0x1  }
0x93: {  	_ =	swait.eq [sflag:s4], $0x1  }
0x94: {  	[sflag:s4] =	ssyncset.done $0x0  }
0x95: {  	[sflag:s4] =	ssyncadd.s32 $0xFFFFFFFF  }
0x96: {  	s17 =	sld [smem:$0x11];
	(tm) =	ssettm $0x1  }
0x97: {  	s18 =	sld [smem:$0x3FFB];
	_ =	sdelay $0x3  }
0x98: {  	_ =	strace s18  }
0x99: {  	s3 =	sld [smem:$0x3FFC];
	_ =	sdelay $0x3  }
0x9a: {  	_ =	strace s3  }
0x9b: {  	s3 =	sld [smem:$0x3FFD];
	_ =	sdelay $0x3  }
0x9c: {  	_ =	strace s3  }
0x9d: {  	_ =	strace $0x8FFFFFFF  }
0x9e: {  	s19 =	sld [smem:$0x3FDB];
	_ =	sdelay $0x1  }
0x9f: {  	s20 =	simm.s32 $_scs_section_size  }
0xa0: {  	s6 =	simm.s32 $_size__tile_overlayer_lowered;
	s7 =	simm.s32 $_tile_overlayer_lowered  }
0xa1: {  	s8 =	simm.s32 $0x1BFF;
	s21 =	sshll.u32 s7, $0x1;
	s5 =	sadd.s32 s20, s19  }
0xa2: {  	s22 =	simm.s32 $0x0;
	s6 =	sshll.u32 s6, $0x1;
	s7 =	sadd.s32 s21, s5  }
0xa3: {  	[timem:s22], [sflag:s8] =	dma.local [hbm:s7], s6  }
0xa4: {  	_ =	swait.ge [sflag:s8], s6  }
0xa5: {  	s6 =	ssub.s32 $0x0, s6;
	[sflag:s8] =	ssyncset.done $0x0  }
0xa6: {  	[sflag:s8] =	ssyncadd.s32 s6;
	_ =	sdelay $0x1  }
0xa7: {  	s23 =	simm.s32 $0x1B8B  }
0xa8: {  	_ =	swait.ge [sflag:s23], $0x1  }
0xa9: {  	[sflag:s23] =	ssyncset.done $0x0  }
0xaa: {  	[sflag:s23] =	ssyncadd.s32 $0xFFFFFFFF  }
0xab: {  	s6 =	sld [smem:$0x0]  }
0xac: {  	s7 =	sand.u32 $0xFFFFFFFE, s1  }
0xad: {  	p0 =	sne.s32 s1, s7  }
0xae: {  	s7 =	sshll.u32 @p0 s7, $0xE  }
0xaf: {  	s7 =	sadd.s32 @p0 $0x11B8D, s7;
	s8 =	sshll.u32 @p0 s6, $0x11  }
0xb0: {  	s7 =	sor.u32 @p0 s8, s7  }
0xb1: {  	[sflag:s7] =	ssyncadd.remote.s32 @p0 $0x1;
	_ =	sdelay $0x1  }
0xb2: {  	s7 =	simm.s32 @p0 $0x1B8D  }
0xb3: {  	_ =	swait.eq @p0 [sflag:s7], $0x1  }
0xb4: {  	[sflag:s7] =	ssyncadd.s32 @p0 $0xFFFFFFFF  }
0xb5: {  	s8 =	sshll.u32 @!p0 s1, $0xE  }
0xb6: {  	s8 =	sor.u32 @!p0 $0x4000, s8;
	s7 =	simm.s32 @!p0 $0x1B8D  }
0xb7: {  	s6 =	sshll.u32 @!p0 s6, $0x11;
	s8 =	sadd.s32 @!p0 $0x11B8D, s8;
	_ =	swait.eq @!p0 [sflag:s7], $0x1  }
0xb8: {  	s6 =	sor.u32 @!p0 s6, s8;
	[sflag:s7] =	ssyncadd.s32 @!p0 $0xFFFFFFFF  }
0xb9: {  	s25 =	simm.s32 $0x1B8E;
	s24 =	sld [smem:$0x3FFE];
	[sflag:s6] =	ssyncadd.remote.s32 @!p0 $0x1  }
0xba: {  	s26 =	simm.s32 $execute0_lowered;
	[smem:$0x3FD2] =	sst s25  }
0xbb: {  	s7 =	sshll.u32 s26, $0x1;
	_ =	strace $0x80000049;
	[dreg:$0x1] =	wrdreg $0xFFFFFFFF  }
0xbc: {  	s28 =	simm.s32 $_size_execute0_lowered;
	s5 =	sadd.s32 s5, s7;
	[dreg:$0x0] =	wrdreg $0x0  }
0xbd: {  	s7 =	sshll.u32 s28, $0x1;
	[dreg:$0x2] =	wrdreg s5  }
0xbe: {  	[dreg:$0x3] =	wrdreg s7  }
0xbf: {  	[dreg:$0x4] =	wrdreg $0xC0  }
0xc0: {  	_ =	task [dreg:s22], $0x5FFFF  }
0xc1: {  	[dreg:$0x1] =	wrdreg $0xFFFFFFFF  }
0xc2: {  	[dreg:$0x0] =	wrdreg $0x60  }
0xc3: {  	[dreg:$0x2] =	wrdreg s2  }
0xc4: {  	[dreg:$0x3] =	wrdreg s17  }
0xc5: {  	[dreg:$0x4] =	wrdreg s24  }
0xc6: {  	[dreg:$0x5] =	wrdreg $0xA  }
0xc7: {  	_ =	task.clear_ibuf [dreg:s22], $0x6FFFF;
	_ =	strace $0x90000049  }
0xc8: {  	s29 =	simm.s32 $0xA;
	_ =	strace $0x8000004B  }
0xc9: {  	_ =	swait.ge [sflag:s29], $0x1  }
0xca: {  	[sflag:s29] =	ssyncadd.s32 $0xFFFFFFFF  }
0xcb: {  	_ =	strace $0x9000004B  }
0xcc: {  	_ =	sfence  }
0xcd: {  	s30 =	sld [smem:$0x0];
	_ =	sdelay $0x2  }
0xce: {  	s31 =	sshll.u32 s1, $0xD;
	s1 =	sshrl.u32 s1, $0x2  }
0xcf: {  	s4 =	sand.u32 $0x4000, s31;
	s1 =	sadd.s32 s1, s30  }
0xd0: {  	s0 =	sor.u32 s4, s0;
	s1 =	sshll.u32 s1, $0x11  }
0xd1: {  	s0 =	sor.u32 s1, s0  }
0xd2: {  	s0 =	sadd.s32 $0x8F2B, s0  }
0xd3: {  	[sflag:s0] =	ssyncadd.remote.s32 $0x1  }
0xd4: {  	_ =	sfence.sel $0xFFFF  }
0xd5: {  	[dreg:$0x0] =	wrdreg $0xFFFFFFFF;
	(pc) =	sbr.abs _section_cstart, $3  }
0xd6: {  	[dreg:$0x1] =	wrdreg $0xFFFFFFFF  }
0xd7: {  	_ =	task.clear_ibuf [dreg:s22], $0x2FFFF;
	_ =	strace $0x9FFFFFFF  }
0xd8: {  	(tm) =	ssettm $0x7FFFFFFF  }
0xd9: {  	_ =	shalt  }
tec
execute0_lowered:
.L_overlay_start_1:
0x0: {  	(tag) =	ssettag $0x1  }
0x1: {  	s1 =	rddreg [dreg:$0x0]  }
0x2: {  	s4 =	rddreg [dreg:$0x1]  }
0x3: {  	s3 =	rddreg [dreg:$0x2];
	s5 =	srdreg.scid  }
0x4: {  	s0 =	rddreg [dreg:$0x3];
	s2 =	simm.s32 $0x0;
	s5 =	sand.u32 $0x1, s5  }
0x5: {  	[smem:$0x7FF] =	sst s2;
	s6 =	sshll.u32 s5, $0xF;
	s7 =	ssub.s32 $0x2, s5  }
0x6: {  	_ =	strace $0x8000004A;
	s28 =	sshll.u32 s5, $0x8;
	s9 =	sshll.u32 s5, $0x4  }
0x7: {  	s6 =	sadd.s32 s6, s3;
	s8 =	sshrl.u32 s7, $0x1;
	s3 =	stileid.u32  }
0x8: {  	s29 =	sadd.s32 s28, s4;
	s7 =	ssub.s32 s7, s8;
	s30 =	sshll.u32 s3, $0xB  }
0x9: {  	s31 =	sshll.u32 s3, $0x4;
	s4 =	smax.u32 s7, $0x1;
	s6 =	sadd.s32 s30, s6  }
0xa: {  	s5 =	sadd.s32 s31, s29;
	s7 =	sor.u32 s9, s3;
	s6 =	sadd.s32 $0x27B000, s6  }
.LBB2_1:
0xb: {  	s8 =	sadd.s32 $0x0, s7  }
0xc: {  	p0 =	sgt.u32 s8, $0x4E1  }
0xd: {  	s8 =	simm.s32 @!p0 $0x0;
	s9 =	simm.s32 @!p0 $0x3  }
0xe: {  	[tilespmem:s8], [sflag:$0x3] =	stream.linear.gather @!p0 [hbm4b:s5+s8], $0x80, $0x38;
	[tilespmem:$0x4080] =	vst v63  }
0xf: {  	_ =	swait.ge @!p0 [sflag:s9], $0x80  }
0x10: {  	[sflag:s9] =	ssyncset.done @!p0 $0x0;
	p0 =	por p0, p0  }
0x11: {  	[sflag:s9] =	ssyncadd.s32 @!p0 $0xFFFFFF80;
	s10 =	simm.s32 @!p0 $0x80;
	s11 =	simm.s32 @!p0 $0x1  }
0x12: {  	[tilespmem:s10], [sflag:$0x1] =	stream.indirect.gather @!p0 [hbm4b:s1+s10], $0x80, s8, s10, $0xb8;
	[tilespmem:$0x4080] =	vst v63  }
0x13: {  	_ =	swait.ge @!p0 [sflag:s11], $0x4000  }
0x14: {  	[sflag:s11] =	ssyncset.done @!p0 $0x0  }
0x15: {  	s31 =	sadd.s32 $0x20, s7;
	[sflag:s11] =	ssyncadd.s32 @!p0 $0xFFFFC000;
	s11 =	simm.s32 @!p0 $0x2  }
0x16: {  	[hbm4b:s6+s8] =	stream.linear.scatter @!p0 [tilespmem:s10], [sflag:$0x2], $0x4000, $0x38;
	[tilespmem:$0x4080] =	vst v63  }
0x17: {  	p1 =	sgt.u32 s31, $0x4E1;
	s9 =	simm.s32 $0x40;
	_ =	swait.ge @!p0 [sflag:s11], $0x4000  }
0x18: {  	s8 =	sadd.s32 $0x10000, s6;
	s10 =	sadd.s32 $0x200, s5;
	[sflag:s11] =	ssyncset.done @!p0 $0x0  }
.LBB2_2:
0x19: {  	s12 =	simm.s32 @!p1 $0x0;
	s13 =	simm.s32 @!p1 $0x3;
	[sflag:s11] =	ssyncadd.s32 @!p0 $0xFFFFC000  }
0x1a: {  	[tilespmem:s12], [sflag:$0x3] =	stream.linear.gather @!p1 [hbm4b:s10+s12], $0x80, $0x38;
	[tilespmem:$0x4080] =	vst v63  }
0x1b: {  	s14 =	smov.u32 s9;
	s9 =	sadd.s32 $0x20, s9;
	_ =	swait.ge @!p1 [sflag:s13], $0x80  }
0x1c: {  	p0 =	por p1, p1;
	p2 =	sne.s32 s9, $0x500;
	[sflag:s13] =	ssyncset.done @!p1 $0x0  }
0x1d: {  	s11 =	simm.s32 @!p0 $0x1;
	[sflag:s13] =	ssyncadd.s32 @!p0 $0xFFFFFF80;
	s13 =	simm.s32 @!p0 $0x80  }
0x1e: {  	[tilespmem:s13], [sflag:$0x1] =	stream.indirect.gather @!p0 [hbm4b:s1+s13], $0x80, s12, s13, $0xb8;
	[tilespmem:$0x4080] =	vst v63  }
0x1f: {  	_ =	swait.ge @!p0 [sflag:s11], $0x4000  }
.Ltmp0:
0x20: {  	[sflag:s11] =	ssyncset.done @!p0 $0x0;
	(pc) =	sbr.rel @p2 .LBB2_2-.Ltmp0, $4  }
0x21: {  	[sflag:s11] =	ssyncadd.s32 @!p0 $0xFFFFC000;
	s11 =	simm.s32 @!p0 $0x2  }
0x22: {  	[hbm4b:s8+s12] =	stream.linear.scatter @!p0 [tilespmem:s13], [sflag:$0x2], $0x4000, $0x38;
	[tilespmem:$0x4080] =	vst v63  }
0x23: {  	s12 =	sadd.s32 s14, s7;
	s8 =	sadd.s32 $0x10000, s8;
	_ =	swait.ge @!p0 [sflag:s11], $0x4000  }
0x24: {  	s10 =	sadd.s32 $0x200, s10;
	p1 =	sgt.u32 s12, $0x4E1;
	[sflag:s11] =	ssyncset.done @!p0 $0x0  }
0x25: {  	s9 =	simm.s32 @!p1 $0x0;
	s12 =	simm.s32 @!p1 $0x3;
	[sflag:s11] =	ssyncadd.s32 @!p0 $0xFFFFC000  }
0x26: {  	[tilespmem:s9], [sflag:$0x3] =	stream.linear.gather @!p1 [hbm4b:s10+s9], $0x80, $0x38;
	[tilespmem:$0x4080] =	vst v63  }
0x27: {  	_ =	swait.ge @!p1 [sflag:s12], $0x80  }
0x28: {  	p0 =	por p1, p1;
	[sflag:s12] =	ssyncset.done @!p1 $0x0  }
0x29: {  	s10 =	simm.s32 @!p0 $0x80;
	s11 =	simm.s32 @!p0 $0x1;
	[sflag:s12] =	ssyncadd.s32 @!p0 $0xFFFFFF80  }
0x2a: {  	[tilespmem:s10], [sflag:$0x1] =	stream.indirect.gather @!p0 [hbm4b:s1+s10], $0x80, s9, s10, $0xb8;
	[tilespmem:$0x4080] =	vst v63  }
0x2b: {  	s2 =	sadd.s32 $0x1, s2;
	_ =	swait.ge @!p0 [sflag:s11], $0x4000  }
0x2c: {  	p1 =	sne.s32 s2, s4;
	[sflag:s11] =	ssyncset.done @!p0 $0x0  }
.Ltmp1:
0x2d: {  	[sflag:s11] =	ssyncadd.s32 @!p0 $0xFFFFC000;
	s11 =	simm.s32 @!p0 $0x2;
	(pc) =	sbr.rel @p1 .LBB2_1-.Ltmp1, $4  }
0x2e: {  	[hbm4b:s8+s9] =	stream.linear.scatter @!p0 [tilespmem:s10], [sflag:$0x2], $0x4000, $0x38;
	[tilespmem:$0x4080] =	vst v63  }
0x2f: {  	_ =	swait.ge @!p0 [sflag:s11], $0x4000  }
0x30: {  	[sflag:s11] =	ssyncset.done @!p0 $0x0  }
0x31: {  	[sflag:s11] =	ssyncadd.s32 @!p0 $0xFFFFC000  }
0x32: {  	_ =	sfence.sel $0x180000  }
0x33: {  	[bflag:$0x0] =	sbarrier.arrive $0xFFFF  }
0x34: {  	p0 =	sne.s32 s3, $0x0;
	_ =	strace $0x9000004A  }
0x35: {  	s0 =	sadd.s32 @!p0 $0x100000, s0;
	[bflag:$0x2] =	sbarrier.arrive $0xFFFF  }
0x36: {  	[sflag:s0] =	ssyncadd.tile.s32 @!p0 $0x1;
	_ =	shalt  }
.Lfunc_end2:
_tile_overlayer_lowered:
.L_overlay_start_2:
0x37: {  	(tag) =	ssettag $0x2  }
0x38: {  	s0 =	rddreg [dreg:$0x0];
	s2 =	stileid.u32  }
0x39: {  	s1 =	rddreg [dreg:$0x1];
	p0 =	sne.s32 s2, $0x0  }
0x3a: {  	s3 =	rddreg [dreg:$0x2];
	[bflag:$0x3] =	sbarrier.arrive $0xFFFF;
	s2 =	simm.s32 @!p0 $0x1C02  }
0x3b: {  	[timem:s3], [sflag:s2] =	dma.local @!p0 [hbm:s0], s1  }
0x3c: {  	s0 =	simm.s32 @!p0 $0x2  }
0x3d: {  	_ =	swait.ge @!p0 [sflag:s0], s1  }
0x3e: {  	s1 =	ssub.s32 @!p0 $0x0, s1;
	[sflag:s0] =	ssyncset.done @!p0 $0x0  }
0x3f: {  	[sflag:s0] =	ssyncadd.s32 @!p0 s1  }
0x40: {  	[bflag:$0x3] =	sbarrier.arrive $0xFFFF  }
0x41: {  	_ =	shalt  }

// kernel: scatter_offload_async_start.1
scs
__scs_entry_jumppad:
0x0: {  	(pc) =	sbr.rel $0x88, $3  }
0x1: {  	(tag) =	ssettag $0x0;
	lr =	simm.s32 $0x1  }
0x2: {  	[smem:$0x3F95] =	sst lr;
	_ =	strace $0xD0000000  }
0x3: {  	_ = 	snop  }
0x4: {  	_ = 	snop  }
0x5: {  	_ = 	snop  }
0x6: {  	_ = 	snop  }
0x7: {  	_ = 	snop  }
__scs_overlays_trampoline_lowered:
0x8: {  	[smem:$0x3FA4] =	sst s0  }
0x9: {  	[smem:$0x3FA5] =	sst s1  }
0xa: {  	[smem:$0x3FA6] =	sst s2  }
0xb: {  	[smem:$0x3FA7] =	sst s3  }
0xc: {  	[smem:$0x3FA8] =	sst s4  }
0xd: {  	[smem:$0x3FA9] =	sst s5  }
0xe: {  	[smem:$0x3FAA] =	sst s6  }
0xf: {  	[smem:$0x3FAB] =	sst s7  }
0x10: {  	[smem:$0x3FAC] =	sst s8  }
0x11: {  	[smem:$0x3FAD] =	sst s9;
	s0 =	simm.s32 @!p0 $0x0  }
0x12: {  	s1 =	sld [smem:$0x3F93];
	s0 =	simm.s32 @p0 $0x1  }
0x13: {  	[smem:$0x3FAE] =	sst s0;
	s0 =	simm.s32 @!p1 $0x0  }
0x14: {  	s2 =	sld [smem:$0x3F92];
	s0 =	simm.s32 @p1 $0x1  }
0x15: {  	[smem:$0x3FAF] =	sst s0;
	s0 =	simm.s32 @!p2 $0x0  }
0x16: {  	s3 =	sld [smem:$0x3FDB];
	s0 =	simm.s32 @p2 $0x1  }
0x17: {  	s4 =	simm.s32 $0x1BF5;
	[smem:$0x3FB1] =	sst s0  }
0x18: {  	s0 =	sld [smem:$0x3F94];
	_ =	swait.ge [sflag:s4], $0x0  }
0x19: {  	s7 =	sld [smem:$0x3F95]  }
0x1a: {  	s8 =	sadd.s32 $0xFFFFE003, lr  }
0x1b: {  	s9 =	sadd.s32 $0xFFFFFEF7, lr;
	s5 =	simm.s32 $0xFFFFFFFF;
	p2 =	slt.u32 s8, $0xFFFFF086  }
0x1c: {  	p1 =	slt.u32 s9, $0xF7A;
	s5 =	simm.s32 @!p2 $0x0  }
0x1d: {  	s5 =	simm.s32 @p1 $0x1;
	p0 =	seq.s32 s7, s2  }
0x1e: {  	s7 =	smul.u32 @!p0 $0xF7A, s2;
	p2 =	seq.s32 @!p0 s5, $0x0  }
0x1f: {  	s9 =	smul.u32 $0xF7A, s1;
	s8 =	simm.s32 @!p0 $0x1BF5;
	p2 =	por !p2, p0  }
0x20: {  	[sflag:s8] =	ssyncset.s32 @!p0 $0xFFFFF086;
	s6 =	sadd.s32 @!p0 s3, s7;
	s7 =	simm.s32 @!p0 $0x108  }
0x21: {  	s3 =	sadd.s32 s3, s9;
	s6 =	sadd.s32 @!p0 $0x88, s6;
	s7 =	simm.s32 @p2 $0x1082  }
0x22: {  	[simem:s7], [sflag:s8] =	dma.local @!p0 [hbm:s6], $0xF7A  }
0x23: {  	s9 =	sor.u32 $0xD0000000, s2;
	s6 =	simm.s32 $0x108;
	_ =	swait.ge @!p0 [sflag:s8], $0x0  }
0x24: {  	s3 =	sadd.s32 $0x88, s3;
	s6 =	simm.s32 @!p1 $0x1082;
	[sflag:s4] =	ssyncset.s32 $0xFFFFF086  }
0x25: {  	[simem:s6], [sflag:s4] =	dma.local [hbm:s3], $0xF7A  }
0x26: {  	[smem:$0x3F95] =	sst s1;
	(tag) =	ssettag s2;
	_ =	strace s9  }
0x27: {  	s1 =	sld [smem:$0x3FA5]  }
0x28: {  	s2 =	sld [smem:$0x3FA6]  }
0x29: {  	s4 =	sld [smem:$0x3FA8]  }
0x2a: {  	p0 =	seq.s32 s5, $0x0;
	s5 =	sld [smem:$0x3FA9]  }
0x2b: {  	s6 =	sld [smem:$0x3FAA]  }
0x2c: {  	s7 =	sld [smem:$0x3FAB]  }
0x2d: {  	s3 =	simm.s32 $0x108;
	s8 =	sld [smem:$0x3FAC]  }
0x2e: {  	s3 =	simm.s32 @!p0 $0x1082;
	s9 =	sld [smem:$0x3FAD]  }
0x2f: {  	lr =	sadd.s32 s0, s3;
	s0 =	sld [smem:$0x3FA4]  }
0x30: {  	s3 =	sld [smem:$0x3FA7]  }
0x31: {  	[smem:$0x3FB0] =	sst s10  }
0x32: {  	s10 =	sld [smem:$0x3FAE];
	_ =	sdelay $0x3  }
0x33: {  	p0 =	seq.s32 s10, $0x1;
	s10 =	sld [smem:$0x3FB0];
	_ =	sdelay $0x3  }
0x34: {  	[smem:$0x3FB0] =	sst s10  }
0x35: {  	s10 =	sld [smem:$0x3FAF];
	_ =	sdelay $0x3  }
0x36: {  	p1 =	seq.s32 s10, $0x1;
	s10 =	sld [smem:$0x3FB0];
	_ =	sdelay $0x3  }
0x37: {  	[smem:$0x3FB0] =	sst s10  }
0x38: {  	s10 =	sld [smem:$0x3FB1]  }
0x39: {  	_ = 	snop;
	(pc) =	sbr.ind lr, $3  }
0x3a: {  	_ = 	snop  }
0x3b: {  	_ = 	snop  }
0x3c: {  	p2 =	seq.s32 s10, $0x1;
	s10 =	sld [smem:$0x3FB0]  }
0x3d: {  	_ =	shalt  }
0x3e: {  	_ =	shalt  }
0x3f: {  	_ =	shalt  }
0x40: {  	_ =	shalt  }
0x41: {  	_ =	shalt  }
0x42: {  	_ =	shalt  }
0x43: {  	_ =	shalt  }
0x44: {  	_ =	shalt  }
0x45: {  	_ =	shalt  }
0x46: {  	_ =	shalt  }
0x47: {  	_ =	shalt  }
0x48: {  	_ =	shalt  }
0x49: {  	_ =	shalt  }
0x4a: {  	_ =	shalt  }
0x4b: {  	_ =	shalt  }
0x4c: {  	_ =	shalt  }
0x4d: {  	_ =	shalt  }
0x4e: {  	_ =	shalt  }
0x4f: {  	_ =	shalt  }
0x50: {  	_ =	shalt  }
0x51: {  	_ =	shalt  }
0x52: {  	_ =	shalt  }
0x53: {  	_ =	shalt  }
0x54: {  	_ =	shalt  }
0x55: {  	_ =	shalt  }
0x56: {  	_ =	shalt  }
0x57: {  	_ =	shalt  }
0x58: {  	_ =	shalt  }
0x59: {  	_ =	shalt  }
0x5a: {  	_ =	shalt  }
0x5b: {  	_ =	shalt  }
0x5c: {  	_ =	shalt  }
0x5d: {  	_ =	shalt  }
0x5e: {  	_ =	shalt  }
0x5f: {  	_ =	shalt  }
0x60: {  	_ =	shalt  }
0x61: {  	_ =	shalt  }
0x62: {  	_ =	shalt  }
0x63: {  	_ =	shalt  }
0x64: {  	_ =	shalt  }
0x65: {  	_ =	shalt  }
0x66: {  	_ =	shalt  }
0x67: {  	_ =	shalt  }
0x68: {  	_ =	shalt  }
0x69: {  	_ =	shalt  }
0x6a: {  	_ =	shalt  }
0x6b: {  	_ =	shalt  }
0x6c: {  	_ =	shalt  }
0x6d: {  	_ =	shalt  }
0x6e: {  	_ =	shalt  }
0x6f: {  	_ =	shalt  }
0x70: {  	_ =	shalt  }
0x71: {  	_ =	shalt  }
0x72: {  	_ =	shalt  }
0x73: {  	_ =	shalt  }
0x74: {  	_ =	shalt  }
0x75: {  	_ =	shalt  }
0x76: {  	_ =	shalt  }
0x77: {  	_ =	shalt  }
0x78: {  	_ =	shalt  }
0x79: {  	_ =	shalt  }
0x7a: {  	_ =	shalt  }
0x7b: {  	_ =	shalt  }
0x7c: {  	_ =	shalt  }
0x7d: {  	_ =	shalt  }
0x7e: {  	_ =	shalt  }
0x7f: {  	_ =	shalt  }
0x80: {  	_ =	shalt  }
0x81: {  	_ =	shalt  }
0x82: {  	_ =	shalt  }
0x83: {  	_ =	shalt  }
0x84: {  	_ =	shalt  }
0x85: {  	_ =	shalt  }
0x86: {  	_ =	shalt  }
0x87: {  	_ =	shalt  }
.Lfunc_end0:
.L_simem_size_0:
called_computation.1_lowered:
.L_overlay_start_0:
0x88: {  	s2 =	sld [smem:$0x3FD9]  }
0x89: {  	s3 =	sld [smem:$0x3FFE];
	_ =	sdelay $0x1  }
0x8a: {  	s1 =	srdreg.scid  }
0x8b: {  	s0 =	sand.u32 $0x1, s1  }
0x8c: {  	s10 =	sshll.u32 s0, $0xA;
	s2 =	sadd.s32 s3, s2  }
0x8d: {  	s2 =	sadd.s32 s2, s10  }
0x8e: {  	[smem:$0x3FBC] =	sst s2  }
0x8f: {  	_ = 	snop  }
0x90: {  	s2 =	sld [smem:$0x3FD0];
	_ =	sdelay $0x2  }
0x91: {  	s11 =	simm.s32 $0xD;
	s4 =	simm.s32 $0x10  }
0x92: {  	[smem:s4], [sflag:s11] =	dma.local [hbm:s2], $0x1  }
0x93: {  	_ =	swait.eq [sflag:s11], $0x1  }
0x94: {  	[sflag:s11] =	ssyncset.done $0x0  }
0x95: {  	[sflag:s11] =	ssyncadd.s32 $0xFFFFFFFF  }
0x96: {  	s12 =	sld [smem:$0x10];
	(tm) =	ssettm $0x1  }
0x97: {  	s13 =	sld [smem:$0x3FFB];
	_ =	sdelay $0x3  }
0x98: {  	_ =	strace s13  }
0x99: {  	s2 =	sld [smem:$0x3FFC];
	_ =	sdelay $0x3  }
0x9a: {  	_ =	strace s2  }
0x9b: {  	s2 =	sld [smem:$0x3FFD];
	_ =	sdelay $0x3  }
0x9c: {  	_ =	strace s2  }
0x9d: {  	_ =	strace $0x8FFFFFFF  }
0x9e: {  	s14 =	sld [smem:$0x3FDB];
	_ =	sdelay $0x1  }
0x9f: {  	s15 =	simm.s32 $_scs_section_size  }
0xa0: {  	s5 =	simm.s32 $_size__tile_overlayer_lowered;
	s6 =	simm.s32 $_tile_overlayer_lowered  }
0xa1: {  	s19 =	simm.s32 $0x1BFF;
	s17 =	sshll.u32 s6, $0x1;
	s7 =	sadd.s32 s15, s14  }
0xa2: {  	s20 =	simm.s32 $0x0;
	s16 =	sshll.u32 s5, $0x1;
	s18 =	sadd.s32 s17, s7  }
0xa3: {  	[timem:s20], [sflag:s19] =	dma.local [hbm:s18], s16  }
0xa4: {  	_ =	swait.ge [sflag:s19], s16  }
0xa5: {  	s4 =	ssub.s32 $0x0, s16;
	[sflag:s19] =	ssyncset.done $0x0  }
0xa6: {  	[sflag:s19] =	ssyncadd.s32 s4;
	_ =	sdelay $0x1  }
0xa7: {  	s21 =	simm.s32 $0x1B8B  }
0xa8: {  	_ =	swait.ge [sflag:s21], $0x1  }
0xa9: {  	[sflag:s21] =	ssyncset.done $0x0  }
0xaa: {  	[sflag:s21] =	ssyncadd.s32 $0xFFFFFFFF  }
0xab: {  	s4 =	sld [smem:$0x0]  }
0xac: {  	s5 =	sand.u32 $0xFFFFFFFE, s1  }
0xad: {  	p0 =	sne.s32 s1, s5  }
0xae: {  	s5 =	sshll.u32 @p0 s5, $0xE  }
0xaf: {  	s6 =	sadd.s32 @p0 $0x11B8D, s5;
	s8 =	sshll.u32 @p0 s4, $0x11  }
0xb0: {  	s6 =	sor.u32 @p0 s8, s6  }
0xb1: {  	[sflag:s6] =	ssyncadd.remote.s32 @p0 $0x1;
	_ =	sdelay $0x1  }
0xb2: {  	s6 =	simm.s32 @p0 $0x1B8D  }
0xb3: {  	_ =	swait.eq @p0 [sflag:s6], $0x1  }
0xb4: {  	[sflag:s6] =	ssyncadd.s32 @p0 $0xFFFFFFFF  }
0xb5: {  	s8 =	sshll.u32 @!p0 s1, $0xE  }
0xb6: {  	s8 =	sor.u32 @!p0 $0x4000, s8;
	s6 =	simm.s32 @!p0 $0x1B8D  }
0xb7: {  	s10 =	sshll.u32 @!p0 s4, $0x11;
	s9 =	sadd.s32 @!p0 $0x11B8D, s8;
	_ =	swait.eq @!p0 [sflag:s6], $0x1  }
0xb8: {  	[sflag:s6] =	ssyncadd.s32 @!p0 $0xFFFFFFFF;
	s6 =	sor.u32 @!p0 s10, s9  }
0xb9: {  	s23 =	simm.s32 $0x1B8E;
	s22 =	sld [smem:$0x3FFE];
	[sflag:s6] =	ssyncadd.remote.s32 @!p0 $0x1  }
0xba: {  	s24 =	simm.s32 $execute0_lowered;
	[smem:$0x3FD2] =	sst s23  }
0xbb: {  	s9 =	sshll.u32 s24, $0x1;
	_ =	strace $0x80000052;
	[dreg:$0x1] =	wrdreg $0xFFFFFFFF  }
0xbc: {  	s25 =	simm.s32 $_size_execute0_lowered;
	s9 =	sadd.s32 s7, s9;
	[dreg:$0x0] =	wrdreg $0x0  }
0xbd: {  	s10 =	sshll.u32 s25, $0x1;
	[dreg:$0x2] =	wrdreg s9  }
0xbe: {  	[dreg:$0x3] =	wrdreg s10  }
0xbf: {  	[dreg:$0x4] =	wrdreg $0xC0  }
0xc0: {  	s26 =	simm.s32 $execute1_lowered;
	_ =	task [dreg:s20], $0x5FFFF  }
0xc1: {  	s9 =	sshll.u32 s26, $0x1;
	[dreg:$0x1] =	wrdreg $0xFFFFFFFF  }
0xc2: {  	s7 =	sadd.s32 s7, s9;
	[dreg:$0x0] =	wrdreg $0x60  }
0xc3: {  	[dreg:$0x2] =	wrdreg s7  }
0xc4: {  	[dreg:$0x3] =	wrdreg s22  }
0xc5: {  	[dreg:$0x4] =	wrdreg $0xB  }
0xc6: {  	_ =	task.clear_ibuf [dreg:s20], $0x5FFFF;
	_ =	strace $0x90000052  }
0xc7: {  	s28 =	simm.s32 $0xB;
	_ =	strace $0x80000054  }
0xc8: {  	_ =	swait.ge [sflag:s28], $0x1  }
0xc9: {  	[sflag:s28] =	ssyncadd.s32 $0xFFFFFFFF  }
0xca: {  	_ =	strace $0x90000054  }
0xcb: {  	s7 =	sld [smem:$0x0];
	_ =	sdelay $0x3  }
0xcc: {  	s5 =	sadd.s32 @p0 $0x11BF3, s5;
	s9 =	sshll.u32 @p0 s7, $0x11  }
0xcd: {  	s5 =	sor.u32 @p0 s9, s5  }
0xce: {  	[sflag:s5] =	ssyncadd.remote.s32 @p0 $0x1;
	_ =	sdelay $0x1  }
0xcf: {  	s5 =	simm.s32 @p0 $0x1BF3  }
0xd0: {  	_ =	swait.eq @p0 [sflag:s5], $0x1  }
0xd1: {  	[sflag:s5] =	ssyncadd.s32 @p0 $0xFFFFFFFF;
	_ =	sdelay $0x1  }
0xd2: {  	s5 =	simm.s32 @!p0 $0x1BF3  }
0xd3: {  	s8 =	sadd.s32 @!p0 $0x11BF3, s8;
	s7 =	sshll.u32 @!p0 s7, $0x11;
	_ =	swait.eq @!p0 [sflag:s5], $0x1  }
0xd4: {  	[sflag:s5] =	ssyncadd.s32 @!p0 $0xFFFFFFFF;
	s5 =	sor.u32 @!p0 s7, s8  }
0xd5: {  	[sflag:s5] =	ssyncadd.remote.s32 @!p0 $0x1  }
0xd6: {  	_ =	strace $0x80000055;
	[dreg:$0x1] =	wrdreg $0xFFFFFFFF  }
0xd7: {  	[dreg:$0x0] =	wrdreg $0x2030  }
0xd8: {  	[dreg:$0x2] =	wrdreg s22  }
0xd9: {  	[dreg:$0x3] =	wrdreg s12  }
0xda: {  	[dreg:$0x4] =	wrdreg s1  }
0xdb: {  	[dreg:$0x5] =	wrdreg s4  }
0xdc: {  	[dreg:$0x6] =	wrdreg $0xC  }
0xdd: {  	_ =	task.clear_ibuf [dreg:s20], $0x7FFFF;
	_ =	strace $0x90000055  }
0xde: {  	s29 =	simm.s32 $0xC;
	_ =	strace $0x80000057  }
0xdf: {  	_ =	swait.ge [sflag:s29], $0x1  }
0xe0: {  	[sflag:s29] =	ssyncadd.s32 $0xFFFFFFFF  }
0xe1: {  	_ =	strace $0x90000057  }
0xe2: {  	_ =	sfence  }
0xe3: {  	s30 =	sld [smem:$0x0];
	_ =	sdelay $0x2  }
0xe4: {  	s31 =	sshll.u32 s1, $0xD;
	s1 =	sshrl.u32 s1, $0x2  }
0xe5: {  	s4 =	sand.u32 $0x4000, s31;
	s1 =	sadd.s32 s1, s30  }
0xe6: {  	s0 =	sor.u32 s4, s0;
	s1 =	sshll.u32 s1, $0x11  }
0xe7: {  	s0 =	sor.u32 s1, s0  }
0xe8: {  	s0 =	sadd.s32 $0x8F2B, s0  }
0xe9: {  	[sflag:s0] =	ssyncadd.remote.s32 $0x1  }
0xea: {  	_ =	sfence.sel $0xFFFF  }
0xeb: {  	[dreg:$0x0] =	wrdreg $0xFFFFFFFF;
	(pc) =	sbr.abs _section_cstart, $3  }
0xec: {  	[dreg:$0x1] =	wrdreg $0xFFFFFFFF  }
0xed: {  	_ =	task.clear_ibuf [dreg:s20], $0x2FFFF;
	_ =	strace $0x9FFFFFFF  }
0xee: {  	(tm) =	ssettm $0x7FFFFFFF  }
0xef: {  	_ =	shalt  }
tec
execute0_lowered:
.L_overlay_start_1:
0x0: {  	(tag) =	ssettag $0x1  }
0x1: {  	s2 =	rddreg [dreg:$0x0]  }
0x2: {  	s4 =	rddreg [dreg:$0x1];
	s3 =	stileid.u32  }
0x3: {  	[bflag:$0x3] =	sbarrier.arrive $0xFFFF;
	s1 =	simm.s32 $_size_execute1_lowered;
	s29 =	srdreg.scid  }
0x4: {  	s7 =	simm.s32 $0x2;
	s8 =	simm.s32 $0x0;
	p0 =	sne.s32 s3, $0x0  }
0x5: {  	s1 =	sshll.u32 s1, $0x1;
	s5 =	simm.s32 @!p0 $0x1C3F;
	s6 =	simm.s32 @!p0 $0x4060  }
0x6: {  	[timem:s6], [sflag:s5] =	dma.local @!p0 [hbm:s2], s1  }
0x7: {  	s12 =	simm.s32 $0x0;
	s10 =	simm.s32 $0x0;
	s2 =	sshll.u32 s29, $0x6  }
.Ltmp0:
0x8: {  	s3 =	sshll.u32 s3, $0x7;
	s30 =	sand.u32 $0x40, s2;
	(pc) =	sbr.rel .LBB2_1-.Ltmp0, $4  }
0x9: {  	s11 =	simm.s32 $0x0;
	s5 =	simm.s32 $0x1;
	s3 =	sor.u32 s3, s30  }
0xa: {  	_ =	strace $0x80000053;
	s2 =	sadd.s32 $0x5000, s4;
	s31 =	ssub.s32 $0x2700, s3  }
0xb: {  	s4 =	sadd.s32 $0xA6400, s4;
	[sflag:s5] =	ssyncpa.u1 $0x0;
	s6 =	sshrl.u32 s31, $0xB  }
0xc: {  	[sflag:s7] =	ssyncpa.u1 $0x0;
	s9 =	smov.u32 s3;
	s7 =	sadd.s32 $0x2, s6  }
.LBB2_4:
0xd: {  	_ = 	snop  }
.LBB2_7:
0xe: {  	_ =	sdelay $0x3  }
0xf: {  	[tilespmem:v0+s24+$0x0 ss:$0x1] =	vst.idx.msk @p1 $0xffff, v2  }
0x10: {  	s0 =	sor.u32 s29, s28;
	v2 =	vld.idx.msk @p1 [tilespmem:v1+s16+$0x0 ss:$0x1], $0xffff;
	[tilespmem:v0+s22+$0x0 ss:$0x1] =	vst.idx.msk @p1 $0xffff, v3  }
0x11: {  	s18 =	sand.u32 $0x80, s18;
	v3 =	vld.idx.msk @p1 [tilespmem:v1+s17+$0x0 ss:$0x1], $0xffff;
	[tilespmem:v0+s20+$0x0 ss:$0x1] =	vst.idx.msk @p1 $0xffff, v4;
	s24 =	sand.u32 $0x3B00, s0  }
0x12: {  	v4 =	vld.idx.msk @p1 [tilespmem:v1+s15+$0x0 ss:$0x1], $0xffff;
	[tilespmem:v0+s21+$0x0 ss:$0x1] =	vst.idx.msk @p1 $0xffff, v5;
	s0 =	sand.u32 $0x3B80, s0;
	s18 =	sor.u32 s18, s24  }
0x13: {  	[tilespmem:v0+s19+$0x0 ss:$0x1] =	vst.idx.msk @p1 $0xffff, v6;
	s0 =	sor.u32 $0x410, s0;
	v54 =	vld.idx.msk [tilespmem:v1+s18+$0x0 ss:$0x1], $0xffff  }
0x14: {  	[tilespmem:v0+s23+$0x0 ss:$0x1] =	vst.idx.msk @p1 $0xffff, v7;
	s25 =	sor.u32 $0x400, s18;
	v63 =	vld.idx.msk [tilespmem:v1+s0+$0x0 ss:$0x1], $0xffff  }
0x15: {  	s26 =	sor.u32 $0x10, s18;
	v55 =	vld.idx.msk [tilespmem:v1+s25+$0x0 ss:$0x1], $0xffff;
	[tilespmem:v0+s16+$0x0 ss:$0x1] =	vst.idx.msk @p1 $0xffff, v2  }
0x16: {  	s28 =	sor.u32 $0x20, s18;
	v56 =	vld.idx.msk [tilespmem:v1+s26+$0x0 ss:$0x1], $0xffff;
	[tilespmem:v0+s17+$0x0 ss:$0x1] =	vst.idx.msk @p1 $0xffff, v3  }
0x17: {  	s29 =	sor.u32 $0x30, s18;
	v57 =	vld.idx.msk [tilespmem:v1+s28+$0x0 ss:$0x1], $0xffff;
	[tilespmem:v0+s15+$0x0 ss:$0x1] =	vst.idx.msk @p1 $0xffff, v4  }
0x18: {  	s30 =	sor.u32 $0x40, s18;
	v58 =	vld.idx.msk [tilespmem:v1+s29+$0x0 ss:$0x1], $0xffff;
	[tilespmem:v0+s18+$0x0 ss:$0x1] =	vst.idx.msk $0xffff, v54  }
0x19: {  	s31 =	sor.u32 $0x50, s18;
	v59 =	vld.idx.msk [tilespmem:v1+s30+$0x0 ss:$0x1], $0xffff;
	[tilespmem:v0+s0+$0x0 ss:$0x1] =	vst.idx.msk $0xffff, v63  }
0x1a: {  	s22 =	sor.u32 $0x60, s18;
	v60 =	vld.idx.msk [tilespmem:v1+s31+$0x0 ss:$0x1], $0xffff;
	[tilespmem:v0+s25+$0x0 ss:$0x1] =	vst.idx.msk $0xffff, v55  }
0x1b: {  	v61 =	vld.idx.msk [tilespmem:v1+s22+$0x0 ss:$0x1], $0xffff;
	s18 =	sor.u32 $0x70, s18;
	[tilespmem:v0+s26+$0x0 ss:$0x1] =	vst.idx.msk $0xffff, v56  }
0x1c: {  	v62 =	vld.idx.msk [tilespmem:v1+s18+$0x0 ss:$0x1], $0xffff;
	[tilespmem:v0+s28+$0x0 ss:$0x1] =	vst.idx.msk $0xffff, v57  }
0x1d: {  	[tilespmem:v0+s29+$0x0 ss:$0x1] =	vst.idx.msk $0xffff, v58  }
0x1e: {  	[tilespmem:v0+s30+$0x0 ss:$0x1] =	vst.idx.msk $0xffff, v59  }
0x1f: {  	[tilespmem:v0+s31+$0x0 ss:$0x1] =	vst.idx.msk $0xffff, v60  }
0x20: {  	[tilespmem:v0+s22+$0x0 ss:$0x1] =	vst.idx.msk $0xffff, v61  }
0x21: {  	[tilespmem:v0+s18+$0x0 ss:$0x1] =	vst.idx.msk $0xffff, v62  }
.LBB2_8:
0x22: {  	s0 =	sshll.u32 s10, $0x8;
	s15 =	sshll.u32 s10, $0x7  }
0x23: {  	s0 =	sand.u32 $0xFFFFF800, s0;
	s15 =	sand.u32 $0x300, s15  }
0x24: {  	s0 =	sor.u32 s15, s0  }
0x25: {  	s0 =	sshrl.u32 s0, $0x8  }
0x26: {  	s30 =	smulhi.u32 $0x1A36E3, s0;
	_ =	sdelay $0x1  }
0x27: {  	s15 =	sshrl.u32 s30, $0x2  }
0x28: {  	s15 =	smul.u32 $0x2710, s15  }
0x29: {  	s16 =	sshll.u32 s10, $0x4  }
0x2a: {  	s31 =	sand.u32 $0x10, s16;
	s0 =	ssub.s32 s0, s15  }
0x2b: {  	s15 =	sadd.s32 s4, s31;
	s0 =	sshll.u32 s0, $0x5  }
0x2c: {  	s0 =	sadd.s32 s0, s15  }
0x2d: {  	[hbm4b:s0+s8] =	stream.linear.scatter [tilespmem:s14], [sflag:$0x2], s13, $0x38;
	[tilespmem:$0x10000] =	vst v63  }
.LBB2_9:
0x2e: {  	p1 =	slt.u32 s11, $0x2  }
0x2f: {  	p2 =	sgt.s32 @!p1 s12, $0x26D0  }
0x30: {  	s0 =	smov.u32 s12;
	s13 =	sshra.s32 @!p1 s12, $0x1F;
	p2 =	por !p2, p1  }
0x31: {  	s12 =	sand.u32 @!p1 s13, s12;
	s0 =	simm.s32 @p2 $0x26D0  }
0x32: {  	s0 =	ssub.s32 @!p1 s0, s12  }
0x33: {  	s0 =	sadd.s32 @!p1 $0xFFFFD930, s0  }
0x34: {  	s12 =	sshll.u32 @!p1 s0, $0xA  }
0x35: {  	p2 =	sgt.s32 @!p1 s0, $0x3F;
	s0 =	ssub.s32 @!p1 $0x10000, s12  }
0x36: {  	s14 =	sadd.s32 $0x800, s9;
	p2 =	por !p2, p1;
	s0 =	sshrl.u32 @!p1 s0, $0x2  }
0x37: {  	s0 =	simm.s32 @!p2 $0x0;
	p2 =	sgt.s32 s14, $0x270F  }
0x38: {  	s14 =	smov.u32 @p2 s3;
	p2 =	sne.s32 s11, s7  }
.Ltmp1:
0x39: {  	_ = 	snop;
	(pc) =	sbr.rel @!p2 .LBB2_10-.Ltmp1, $4  }
0x3a: {  	s13 =	simm.s32 @!p1 $0x2  }
0x3b: {  	s12 =	smov.u32 s10;
	_ =	swait.ge @!p1 [sflag:s13], s0  }
0x3c: {  	s10 =	smov.u32 s9;
	s0 =	ssub.s32 @!p1 $0x0, s0;
	[sflag:s13] =	ssyncset.done @!p1 $0x0  }
0x3d: {  	s11 =	sadd.s32 $0x1, s11;
	s9 =	smov.u32 s14;
	[sflag:s13] =	ssyncadd.s32 @!p1 s0  }
.LBB2_1:
0x3e: {  	p1 =	sgt.u32 s11, s6  }
0x3f: {  	s13 =	sshll.u32 @!p1 s9, $0x8;
	s14 =	sshll.u32 @!p1 s9, $0x7  }
0x40: {  	s13 =	sand.u32 @!p1 $0xFFFFF800, s13;
	s14 =	sand.u32 @!p1 $0x300, s14  }
0x41: {  	s13 =	sor.u32 @!p1 s14, s13  }
0x42: {  	s15 =	smov.u32 s9;
	p2 =	sgt.s32 @!p1 s9, $0x26D0;
	s13 =	sshrl.u32 @!p1 s13, $0x8  }
0x43: {  	s16 =	sshra.s32 @!p1 s9, $0x1F;
	p2 =	por !p2, p1;
	s14 =	smulhi.u32 @!p1 $0x1A36E3, s13  }
0x44: {  	s16 =	sand.u32 @!p1 s16, s9;
	s15 =	simm.s32 @p2 $0x26D0  }
0x45: {  	s15 =	ssub.s32 @!p1 s15, s16;
	s16 =	sxor.u32 @!p1 $0xFFFFFFFF, s11;
	s14 =	sshrl.u32 @!p1 s14, $0x2  }
0x46: {  	s15 =	sadd.s32 @!p1 $0xFFFFD930, s15;
	s16 =	sshll.u32 @!p1 s16, $0xE;
	s14 =	smul.u32 @!p1 $0x2710, s14  }
0x47: {  	p2 =	sgt.s32 @!p1 s15, $0x3F;
	s16 =	sand.u32 @!p1 $0x4000, s16  }
0x48: {  	s13 =	ssub.s32 @!p1 s13, s14;
	s14 =	sshll.u32 @!p1 s15, $0xA;
	s15 =	sshll.u32 @!p1 s9, $0x4  }
0x49: {  	p2 =	por !p2, p1;
	s14 =	ssub.s32 @!p1 $0x10000, s14;
	s15 =	sand.u32 @!p1 $0x10, s15  }
0x4a: {  	s13 =	sshll.u32 @!p1 s13, $0x5;
	s14 =	sshrl.u32 @!p1 s14, $0x2;
	s15 =	sadd.s32 @!p1 s2, s15  }
0x4b: {  	s14 =	simm.s32 @!p2 $0x0;
	s13 =	sadd.s32 @!p1 s13, s15;
	s15 =	simm.s32 @!p1 $0x0  }
0x4c: {  	[tilespmem:s16], [sflag:$0x1] =	stream.linear.gather @!p1 [hbm4b:s13+s15], s14, $0x38;
	[tilespmem:$0x10000] =	vst v63  }
0x4d: {  	p1 =	seq.s32 s11, $0x0  }
0x4e: {  	p2 =	sge.u32 @!p1 s11, s7  }
0x4f: {  	p1 =	por p1, p2  }
.Ltmp2:
0x50: {  	_ = 	snop;
	(pc) =	sbr.rel @p1 .LBB2_9-.Ltmp2, $1  }
0x51: {  	_ =	sdelay $0x3  }
0x52: {  	p1 =	sgt.s32 s10, $0x26D0;
	s13 =	smov.u32 s10;
	s14 =	sshra.s32 s10, $0x1F  }
0x53: {  	s13 =	simm.s32 @!p1 $0x26D0;
	s14 =	sand.u32 s14, s10  }
0x54: {  	s13 =	ssub.s32 s13, s14  }
0x55: {  	s13 =	sadd.s32 $0xFFFFD930, s13  }
0x56: {  	s31 =	sshll.u32 s13, $0xA  }
0x57: {  	s14 =	ssub.s32 $0x10000, s31  }
0x58: {  	p1 =	sgt.s32 s13, $0x3F;
	s13 =	sshrl.u32 s14, $0x2;
	s14 =	sadd.s32 $0x40, s10  }
0x59: {  	s13 =	simm.s32 @p1 $0x0;
	p1 =	slt.s32 s14, $0x2710  }
0x5a: {  	s14 =	simm.s32 @!p1 $0x2710  }
0x5b: {  	s15 =	ssub.s32 s14, s10  }
0x5c: {  	p1 =	slt.s32 s15, $0x1  }
.Ltmp3:
0x5d: {  	_ = 	snop;
	(pc) =	sbr.rel @p1 .LBB2_8-.Ltmp3, $4  }
0x5e: {  	_ = 	snop  }
0x5f: {  	s16 =	sshll.u32 s11, $0xE;
	_ =	swait.ge [sflag:s5], s13  }
0x60: {  	s16 =	sand.u32 $0x4000, s16;
	s17 =	ssub.s32 $0x0, s13;
	[sflag:s5] =	ssyncset.done $0x0  }
0x61: {  	s14 =	sor.u32 $0x8000, s16;
	[sflag:s5] =	ssyncadd.s32 s17  }
0x62: {  	p2 =	sne.s32 s15, $0x1  }
.Ltmp4:
0x63: {  	v1 =	vmov s16;
	v0 =	vmov s14;
	(pc) =	sbr.rel @!p2 .LBB2_4-.Ltmp4, $3  }
0x64: {  	_ =	sdelay $0x1  }
0x65: {  	s18 =	simm.s32 $0x0;
	s26 =	sadd.s32 $0xFFFFFFFF, s15  }
0x66: {  	p1 =	por $0x0, $0x0;
	s28 =	sand.u32 $0xFFFFF800, s18;
	s29 =	sand.u32 $0x380, s18  }
0x67: {  	_ = 	snop  }
0x68: {  	s15 =	sor.u32 s29, s28  }
0x69: {  	s16 =	sand.u32 $0x80, s18;
	s17 =	sand.u32 $0x3B00, s15  }
0x6a: {  	s30 =	sor.u32 s16, s17  }
0x6b: {  	v7 =	vld.idx.msk [tilespmem:v1+s30+$0x0 ss:$0x1], $0xffff;
	s24 =	sor.u32 $0x400, s30  }
0x6c: {  	p2 =	sne.s32 s26, $0x1;
	s22 =	sor.u32 $0x10, s30;
	v2 =	vld.idx.msk [tilespmem:v1+s24+$0x0 ss:$0x1], $0xffff  }
.Ltmp5:
0x6d: {  	s25 =	simm.s32 $0x100;
	s20 =	sor.u32 $0x20, s30;
	v3 =	vld.idx.msk [tilespmem:v1+s22+$0x0 ss:$0x1], $0xffff;
	(pc) =	sbr.rel @!p2 .LBB2_7-.Ltmp5, $4  }
0x6e: {  	s18 =	simm.s32 $0x80;
	s26 =	sadd.s32 $0xFFFFFFFF, s26;
	s21 =	sor.u32 $0x30, s30;
	v4 =	vld.idx.msk [tilespmem:v1+s20+$0x0 ss:$0x1], $0xffff  }
0x6f: {  	p1 =	por $0x1, $0x1;
	s15 =	sand.u32 $0x3B80, s15;
	s19 =	sor.u32 $0x40, s30;
	v5 =	vld.idx.msk [tilespmem:v1+s21+$0x0 ss:$0x1], $0xffff  }
0x70: {  	s28 =	sand.u32 $0xFFFFF800, s25;
	s29 =	sand.u32 $0x380, s18;
	s23 =	sor.u32 $0x50, s30;
	v6 =	vld.idx.msk [tilespmem:v1+s19+$0x0 ss:$0x1], $0xffff  }
0x71: {  	s15 =	sor.u32 $0x410, s15;
	s16 =	sor.u32 $0x60, s30;
	s17 =	sor.u32 $0x70, s30;
	[tilespmem:v0+s30+$0x0 ss:$0x1] =	vst.idx.msk $0xffff, v7;
	v7 =	vld.idx.msk [tilespmem:v1+s23+$0x0 ss:$0x1], $0xffff  }
.LBB2_6:
0x72: {  	p2 =	sne.s32 s26, $0x1;
	s28 =	sor.u32 s29, s28;
	v8 =	vld.idx.msk [tilespmem:v1+s16+$0x0 ss:$0x1], $0xffff;
	[tilespmem:v0+s24+$0x0 ss:$0x1] =	vst.idx.msk $0xffff, v2  }
0x73: {  	s24 =	sand.u32 $0x80, s18;
	s29 =	sand.u32 $0x3B00, s28;
	s28 =	sand.u32 $0x3B80, s28;
	[tilespmem:v0+s22+$0x0 ss:$0x1] =	vst.idx.msk $0xffff, v3;
	v9 =	vld.idx.msk [tilespmem:v1+s17+$0x0 ss:$0x1], $0xffff  }
0x74: {  	s30 =	sor.u32 s24, s29;
	s28 =	sor.u32 $0x410, s28;
	[tilespmem:v0+s20+$0x0 ss:$0x1] =	vst.idx.msk $0xffff, v4;
	v10 =	vld.idx.msk [tilespmem:v1+s15+$0x0 ss:$0x1], $0xffff  }
0x75: {  	v11 =	vld.idx.msk [tilespmem:v1+s30+$0x0 ss:$0x1], $0xffff;
	s22 =	sor.u32 $0x10, s30;
	s20 =	sor.u32 $0x20, s30;
	s24 =	sor.u32 $0x400, s30;
	[tilespmem:v0+s21+$0x0 ss:$0x1] =	vst.idx.msk $0xffff, v5  }
0x76: {  	s21 =	sor.u32 $0x30, s30;
	s29 =	sor.u32 $0x50, s30;
	v2 =	vld.idx.msk [tilespmem:v1+s24+$0x0 ss:$0x1], $0xffff;
	[tilespmem:v0+s19+$0x0 ss:$0x1] =	vst.idx.msk $0xffff, v6;
	s19 =	sor.u32 $0x40, s30  }
.Ltmp6:
0x77: {  	s31 =	sor.u32 $0x60, s30;
	s0 =	sor.u32 $0x70, s30;
	v3 =	vld.idx.msk [tilespmem:v1+s22+$0x0 ss:$0x1], $0xffff;
	[tilespmem:v0+s23+$0x0 ss:$0x1] =	vst.idx.msk $0xffff, v7;
	(pc) =	sbr.rel @p2 .LBB2_6-.Ltmp6, $4  }
0x78: {  	s23 =	smov.u32 s29;
	v4 =	vld.idx.msk [tilespmem:v1+s20+$0x0 ss:$0x1], $0xffff;
	[tilespmem:v0+s16+$0x0 ss:$0x1] =	vst.idx.msk $0xffff, v8;
	s16 =	smov.u32 s31  }
0x79: {  	v5 =	vld.idx.msk [tilespmem:v1+s21+$0x0 ss:$0x1], $0xffff;
	[tilespmem:v0+s17+$0x0 ss:$0x1] =	vst.idx.msk $0xffff, v9;
	s17 =	smov.u32 s0  }
0x7a: {  	s18 =	sadd.s32 $0x80, s18;
	s25 =	sadd.s32 $0x100, s25;
	v6 =	vld.idx.msk [tilespmem:v1+s19+$0x0 ss:$0x1], $0xffff;
	[tilespmem:v0+s15+$0x0 ss:$0x1] =	vst.idx.msk $0xffff, v10;
	s15 =	smov.u32 s28  }
0x7b: {  	s26 =	sadd.s32 $0xFFFFFFFF, s26;
	s29 =	sand.u32 $0x380, s18;
	s28 =	sand.u32 $0xFFFFF800, s25;
	[tilespmem:v0+s30+$0x0 ss:$0x1] =	vst.idx.msk $0xffff, v11;
	v7 =	vld.idx.msk [tilespmem:v1+s23+$0x0 ss:$0x1], $0xffff  }
.Ltmp7:
0x7c: {  	_ = 	snop;
	(pc) =	sbr.rel .LBB2_7-.Ltmp7, $1  }
0x7d: {  	_ =	sdelay $0x3  }
.LBB2_10:
0x7e: {  	_ =	sfence.sel $0x180000  }
0x7f: {  	s0 =	simm.s32 $0x1;
	[bflag:$0x0] =	sbarrier.arrive $0xFFFF  }
0x80: {  	s31 =	simm.s32 $0x2;
	[sflag:s0] =	ssyncpa.u1 $0x1  }
0x81: {  	[sflag:s31] =	ssyncpa.u1 $0x1  }
0x82: {  	_ =	strace $0x90000053  }
0x83: {  	[bflag:$0x2] =	sbarrier.arrive $0xFFFF  }
0x84: {  	s0 =	rddreg [dreg:$0x2]  }
0x85: {  	s0 =	sadd.s32 @!p0 $0x100000, s0  }
0x86: {  	[sflag:s0] =	ssyncadd.tile.s32 @!p0 $0x1;
	s0 =	simm.s32 @!p0 $0x3F  }
0x87: {  	_ =	swait.ge @!p0 [sflag:s0], s1  }
0x88: {  	s1 =	ssub.s32 @!p0 $0x0, s1;
	[sflag:s0] =	ssyncset.done @!p0 $0x0  }
0x89: {  	[sflag:s0] =	ssyncadd.s32 @!p0 s1  }
0x8a: {  	[bflag:$0x3] =	sbarrier.arrive $0xFFFF  }
0x8b: {  	_ =	shalt  }
.Lfunc_end2:
execute1_lowered:
.L_overlay_start_2:
0x8c: {  	(tag) =	ssettag $0x2  }
0x8d: {  	s5 =	rddreg [dreg:$0x0]  }
0x8e: {  	s4 =	rddreg [dreg:$0x1]  }
0x8f: {  	s2 =	rddreg [dreg:$0x2];
	_ =	strace $0x80000056;
	s0 =	simm.s32 $0x1  }
0x90: {  	v0 =	vimm.s32 $0x0;
	[sflag:s0] =	ssyncpa.u1 $0x0  }
0x91: {  	[tilespmem:$0x148] =	vst v0  }
0x92: {  	[tilespmem:$0x158] =	vst v0  }
0x93: {  	[tilespmem:$0x168] =	vst v0  }
0x94: {  	[tilespmem:$0x178] =	vst v0  }
0x95: {  	[tilespmem:$0x188] =	vst v0  }
0x96: {  	[tilespmem:$0x198] =	vst v0  }
0x97: {  	[tilespmem:$0x1A8] =	vst v0  }
0x98: {  	[tilespmem:$0x1B8] =	vst v0  }
0x99: {  	[tilespmem:$0x1C8] =	vst v0  }
0x9a: {  	[tilespmem:$0x1D8] =	vst v0  }
0x9b: {  	[tilespmem:$0x1E8] =	vst v0  }
0x9c: {  	[tilespmem:$0x1F8] =	vst v0  }
0x9d: {  	[tilespmem:$0x208] =	vst v0  }
0x9e: {  	[tilespmem:$0x218] =	vst v0  }
0x9f: {  	[tilespmem:$0x228] =	vst v0  }
0xa0: {  	[tilespmem:$0x238] =	vst v0  }
0xa1: {  	[tilespmem:$0x248] =	vst v0  }
0xa2: {  	[tilespmem:$0x258] =	vst v0  }
0xa3: {  	[tilespmem:$0x268] =	vst v0  }
0xa4: {  	[tilespmem:$0x278] =	vst v0  }
0xa5: {  	[tilespmem:$0x288] =	vst v0  }
0xa6: {  	[tilespmem:$0x298] =	vst v0  }
0xa7: {  	[tilespmem:$0x2A8] =	vst v0  }
0xa8: {  	[tilespmem:$0x2B8] =	vst v0  }
0xa9: {  	[tilespmem:$0x2C8] =	vst v0  }
0xaa: {  	[tilespmem:$0x2D8] =	vst v0  }
0xab: {  	[tilespmem:$0x2E8] =	vst v0  }
0xac: {  	[tilespmem:$0x2F8] =	vst v0  }
0xad: {  	[tilespmem:$0x308] =	vst v0  }
0xae: {  	[tilespmem:$0x318] =	vst v0  }
0xaf: {  	[tilespmem:$0x328] =	vst v0  }
0xb0: {  	[tilespmem:$0x338] =	vst v0  }
0xb1: {  	[tilespmem:$0x348] =	vst v0  }
0xb2: {  	[tilespmem:$0x358] =	vst v0  }
0xb3: {  	[tilespmem:$0x368] =	vst v0  }
0xb4: {  	[tilespmem:$0x378] =	vst v0  }
0xb5: {  	[tilespmem:$0x388] =	vst v0  }
0xb6: {  	[tilespmem:$0x398] =	vst v0  }
0xb7: {  	[tilespmem:$0x3A8] =	vst v0  }
0xb8: {  	[tilespmem:$0x3B8] =	vst v0  }
0xb9: {  	[tilespmem:$0x3C8] =	vst v0  }
0xba: {  	[tilespmem:$0x3D8] =	vst v0  }
0xbb: {  	[tilespmem:$0x3E8] =	vst v0  }
0xbc: {  	[tilespmem:$0x3F8] =	vst v0  }
0xbd: {  	[tilespmem:$0x408] =	vst v0  }
0xbe: {  	[tilespmem:$0x418] =	vst v0  }
0xbf: {  	[tilespmem:$0x428] =	vst v0  }
0xc0: {  	[tilespmem:$0x438] =	vst v0  }
0xc1: {  	[tilespmem:$0x448] =	vst v0  }
0xc2: {  	[tilespmem:$0x458] =	vst v0  }
0xc3: {  	[tilespmem:$0x468] =	vst v0  }
0xc4: {  	[tilespmem:$0x478] =	vst v0  }
0xc5: {  	[tilespmem:$0x488] =	vst v0  }
0xc6: {  	[tilespmem:$0x498] =	vst v0  }
0xc7: {  	[tilespmem:$0x4A8] =	vst v0  }
0xc8: {  	[tilespmem:$0x4B8] =	vst v0  }
0xc9: {  	[tilespmem:$0x4C8] =	vst v0  }
0xca: {  	[tilespmem:$0x4D8] =	vst v0  }
0xcb: {  	[tilespmem:$0x4E8] =	vst v0  }
0xcc: {  	[tilespmem:$0x4F8] =	vst v0  }
0xcd: {  	[tilespmem:$0x508] =	vst v0  }
0xce: {  	[tilespmem:$0x518] =	vst v0  }
0xcf: {  	[tilespmem:$0x528] =	vst v0  }
0xd0: {  	[tilespmem:$0x538] =	vst v0  }
0xd1: {  	[tilespmem:$0x548] =	vst v0  }
0xd2: {  	[tilespmem:$0x558] =	vst v0  }
0xd3: {  	[tilespmem:$0x568] =	vst v0  }
0xd4: {  	[tilespmem:$0x578] =	vst v0  }
0xd5: {  	[tilespmem:$0x588] =	vst v0  }
0xd6: {  	[tilespmem:$0x598] =	vst v0  }
0xd7: {  	[tilespmem:$0x5A8] =	vst v0  }
0xd8: {  	[tilespmem:$0x5B8] =	vst v0  }
0xd9: {  	[tilespmem:$0x5C8] =	vst v0  }
0xda: {  	[tilespmem:$0x5D8] =	vst v0  }
0xdb: {  	[tilespmem:$0x5E8] =	vst v0  }
0xdc: {  	[tilespmem:$0x5F8] =	vst v0  }
0xdd: {  	[tilespmem:$0x608] =	vst v0  }
0xde: {  	[tilespmem:$0x618] =	vst v0  }
0xdf: {  	[tilespmem:$0x628] =	vst v0  }
0xe0: {  	[tilespmem:$0x638] =	vst v0  }
0xe1: {  	[tilespmem:$0x648] =	vst v0  }
0xe2: {  	[tilespmem:$0x658] =	vst v0  }
0xe3: {  	[tilespmem:$0x668] =	vst v0  }
0xe4: {  	[tilespmem:$0x678] =	vst v0  }
0xe5: {  	[tilespmem:$0x688] =	vst v0  }
0xe6: {  	[tilespmem:$0x698] =	vst v0  }
0xe7: {  	[tilespmem:$0x6A8] =	vst v0  }
0xe8: {  	[tilespmem:$0x6B8] =	vst v0  }
0xe9: {  	[tilespmem:$0x6C8] =	vst v0  }
0xea: {  	[tilespmem:$0x6D8] =	vst v0  }
0xeb: {  	[tilespmem:$0x6E8] =	vst v0  }
0xec: {  	[tilespmem:$0x6F8] =	vst v0  }
0xed: {  	[tilespmem:$0x708] =	vst v0  }
0xee: {  	[tilespmem:$0x718] =	vst v0  }
0xef: {  	[tilespmem:$0x728] =	vst v0  }
0xf0: {  	[tilespmem:$0x738] =	vst v0  }
0xf1: {  	[tilespmem:$0x748] =	vst v0  }
0xf2: {  	[tilespmem:$0x758] =	vst v0  }
0xf3: {  	[tilespmem:$0x768] =	vst v0  }
0xf4: {  	[tilespmem:$0x778] =	vst v0  }
0xf5: {  	[tilespmem:$0x788] =	vst v0  }
0xf6: {  	[tilespmem:$0x798] =	vst v0  }
0xf7: {  	[tilespmem:$0x7A8] =	vst v0  }
0xf8: {  	[tilespmem:$0x7B8] =	vst v0  }
0xf9: {  	[tilespmem:$0x7C8] =	vst v0  }
0xfa: {  	[tilespmem:$0x7D8] =	vst v0  }
0xfb: {  	[tilespmem:$0x7E8] =	vst v0  }
0xfc: {  	[tilespmem:$0x7F8] =	vst v0  }
0xfd: {  	[tilespmem:$0x808] =	vst v0  }
0xfe: {  	[tilespmem:$0x818] =	vst v0  }
0xff: {  	[tilespmem:$0x828] =	vst v0  }
0x100: {  	[tilespmem:$0x838] =	vst v0  }
0x101: {  	[tilespmem:$0x848] =	vst v0  }
0x102: {  	[tilespmem:$0x858] =	vst v0  }
0x103: {  	[tilespmem:$0x868] =	vst v0  }
0x104: {  	[tilespmem:$0x878] =	vst v0  }
0x105: {  	[tilespmem:$0x888] =	vst v0  }
0x106: {  	[tilespmem:$0x898] =	vst v0  }
0x107: {  	[tilespmem:$0x8A8] =	vst v0  }
0x108: {  	[tilespmem:$0x8B8] =	vst v0  }
0x109: {  	[tilespmem:$0x8C8] =	vst v0  }
0x10a: {  	[tilespmem:$0x8D8] =	vst v0  }
0x10b: {  	[tilespmem:$0x8E8] =	vst v0  }
0x10c: {  	[tilespmem:$0x8F8] =	vst v0  }
0x10d: {  	[tilespmem:$0x908] =	vst v0  }
0x10e: {  	[tilespmem:$0x918] =	vst v0  }
0x10f: {  	[tilespmem:$0x928] =	vst v0  }
0x110: {  	[tilespmem:$0x938] =	vst v0  }
0x111: {  	[tilespmem:$0x948] =	vst v0  }
0x112: {  	[tilespmem:$0x958] =	vst v0  }
0x113: {  	[tilespmem:$0x968] =	vst v0  }
0x114: {  	[tilespmem:$0x978] =	vst v0  }
0x115: {  	[tilespmem:$0x988] =	vst v0  }
0x116: {  	[tilespmem:$0x998] =	vst v0  }
0x117: {  	[tilespmem:$0x9A8] =	vst v0  }
0x118: {  	[tilespmem:$0x9B8] =	vst v0  }
0x119: {  	[tilespmem:$0x9C8] =	vst v0  }
0x11a: {  	[tilespmem:$0x9D8] =	vst v0  }
0x11b: {  	[tilespmem:$0x9E8] =	vst v0  }
0x11c: {  	[tilespmem:$0x9F8] =	vst v0  }
0x11d: {  	[tilespmem:$0xA08] =	vst v0  }
0x11e: {  	[tilespmem:$0xA18] =	vst v0  }
0x11f: {  	[tilespmem:$0xA28] =	vst v0  }
0x120: {  	[tilespmem:$0xA38] =	vst v0  }
0x121: {  	[tilespmem:$0xA48] =	vst v0  }
0x122: {  	[tilespmem:$0xA58] =	vst v0  }
0x123: {  	[tilespmem:$0xA68] =	vst v0  }
0x124: {  	[tilespmem:$0xA78] =	vst v0  }
0x125: {  	[tilespmem:$0xA88] =	vst v0  }
0x126: {  	[tilespmem:$0xA98] =	vst v0  }
0x127: {  	[tilespmem:$0xAA8] =	vst v0  }
0x128: {  	[tilespmem:$0xAB8] =	vst v0  }
0x129: {  	[tilespmem:$0xAC8] =	vst v0  }
0x12a: {  	[tilespmem:$0xAD8] =	vst v0  }
0x12b: {  	[tilespmem:$0xAE8] =	vst v0  }
0x12c: {  	[tilespmem:$0xAF8] =	vst v0  }
0x12d: {  	[tilespmem:$0xB08] =	vst v0  }
0x12e: {  	[tilespmem:$0xB18] =	vst v0  }
0x12f: {  	[tilespmem:$0xB28] =	vst v0  }
0x130: {  	[tilespmem:$0xB38] =	vst v0  }
0x131: {  	[tilespmem:$0xB48] =	vst v0  }
0x132: {  	[tilespmem:$0xB58] =	vst v0  }
0x133: {  	[tilespmem:$0xB68] =	vst v0  }
0x134: {  	[tilespmem:$0xB78] =	vst v0  }
0x135: {  	[tilespmem:$0xB88] =	vst v0  }
0x136: {  	[tilespmem:$0xB98] =	vst v0  }
0x137: {  	[tilespmem:$0xBA8] =	vst v0  }
0x138: {  	[tilespmem:$0xBB8] =	vst v0  }
0x139: {  	[tilespmem:$0xBC8] =	vst v0  }
0x13a: {  	[tilespmem:$0xBD8] =	vst v0  }
0x13b: {  	[tilespmem:$0xBE8] =	vst v0  }
0x13c: {  	[tilespmem:$0xBF8] =	vst v0  }
0x13d: {  	[tilespmem:$0xC08] =	vst v0  }
0x13e: {  	[tilespmem:$0xC18] =	vst v0  }
0x13f: {  	[tilespmem:$0xC28] =	vst v0  }
0x140: {  	[tilespmem:$0xC38] =	vst v0  }
0x141: {  	[tilespmem:$0xC48] =	vst v0  }
0x142: {  	[tilespmem:$0xC58] =	vst v0  }
0x143: {  	[tilespmem:$0xC68] =	vst v0  }
0x144: {  	[tilespmem:$0xC78] =	vst v0  }
0x145: {  	[tilespmem:$0xC88] =	vst v0  }
0x146: {  	[tilespmem:$0xC98] =	vst v0  }
0x147: {  	[tilespmem:$0xCA8] =	vst v0  }
0x148: {  	[tilespmem:$0xCB8] =	vst v0  }
0x149: {  	[tilespmem:$0xCC8] =	vst v0  }
0x14a: {  	[tilespmem:$0xCD8] =	vst v0  }
0x14b: {  	[tilespmem:$0xCE8] =	vst v0  }
0x14c: {  	[tilespmem:$0xCF8] =	vst v0  }
0x14d: {  	[tilespmem:$0xD08] =	vst v0  }
0x14e: {  	[tilespmem:$0xD18] =	vst v0  }
0x14f: {  	[tilespmem:$0xD28] =	vst v0  }
0x150: {  	[tilespmem:$0xD38] =	vst v0  }
0x151: {  	[tilespmem:$0xD48] =	vst v0  }
0x152: {  	[tilespmem:$0xD58] =	vst v0  }
0x153: {  	[tilespmem:$0xD68] =	vst v0  }
0x154: {  	[tilespmem:$0xD78] =	vst v0  }
0x155: {  	[tilespmem:$0xD88] =	vst v0  }
0x156: {  	[tilespmem:$0xD98] =	vst v0  }
0x157: {  	[tilespmem:$0xDA8] =	vst v0  }
0x158: {  	[tilespmem:$0xDB8] =	vst v0  }
0x159: {  	[tilespmem:$0xDC8] =	vst v0  }
0x15a: {  	[tilespmem:$0xDD8] =	vst v0  }
0x15b: {  	[tilespmem:$0xDE8] =	vst v0  }
0x15c: {  	[tilespmem:$0xDF8] =	vst v0  }
0x15d: {  	[tilespmem:$0xE08] =	vst v0  }
0x15e: {  	[tilespmem:$0xE18] =	vst v0  }
0x15f: {  	[tilespmem:$0xE28] =	vst v0  }
0x160: {  	[tilespmem:$0xE38] =	vst v0  }
0x161: {  	[tilespmem:$0xE48] =	vst v0  }
0x162: {  	[tilespmem:$0xE58] =	vst v0  }
0x163: {  	[tilespmem:$0xE68] =	vst v0  }
0x164: {  	[tilespmem:$0xE78] =	vst v0  }
0x165: {  	[tilespmem:$0xE88] =	vst v0  }
0x166: {  	[tilespmem:$0xE98] =	vst v0  }
0x167: {  	[tilespmem:$0xEA8] =	vst v0  }
0x168: {  	[tilespmem:$0xEB8] =	vst v0  }
0x169: {  	[tilespmem:$0xEC8] =	vst v0  }
0x16a: {  	[tilespmem:$0xED8] =	vst v0  }
0x16b: {  	[tilespmem:$0xEE8] =	vst v0  }
0x16c: {  	[tilespmem:$0xEF8] =	vst v0  }
0x16d: {  	[tilespmem:$0xF08] =	vst v0  }
0x16e: {  	[tilespmem:$0xF18] =	vst v0  }
0x16f: {  	[tilespmem:$0xF28] =	vst v0  }
0x170: {  	[tilespmem:$0xF38] =	vst v0  }
0x171: {  	[tilespmem:$0xF48] =	vst v0  }
0x172: {  	[tilespmem:$0xF58] =	vst v0  }
0x173: {  	[tilespmem:$0xF68] =	vst v0  }
0x174: {  	[tilespmem:$0xF78] =	vst v0  }
0x175: {  	[tilespmem:$0xF88] =	vst v0  }
0x176: {  	[tilespmem:$0xF98] =	vst v0  }
0x177: {  	[tilespmem:$0xFA8] =	vst v0  }
0x178: {  	[tilespmem:$0xFB8] =	vst v0  }
0x179: {  	[tilespmem:$0xFC8] =	vst v0  }
0x17a: {  	[tilespmem:$0xFD8] =	vst v0  }
0x17b: {  	[tilespmem:$0xFE8] =	vst v0  }
0x17c: {  	[tilespmem:$0xFF8] =	vst v0  }
0x17d: {  	[tilespmem:$0x1008] =	vst v0  }
0x17e: {  	[tilespmem:$0x1018] =	vst v0  }
0x17f: {  	[tilespmem:$0x1028] =	vst v0  }
0x180: {  	[tilespmem:$0x1038] =	vst v0  }
0x181: {  	[tilespmem:$0x1048] =	vst v0  }
0x182: {  	[tilespmem:$0x1058] =	vst v0  }
0x183: {  	[tilespmem:$0x1068] =	vst v0  }
0x184: {  	[tilespmem:$0x1078] =	vst v0  }
0x185: {  	[tilespmem:$0x1088] =	vst v0  }
0x186: {  	[tilespmem:$0x1098] =	vst v0  }
0x187: {  	[tilespmem:$0x10A8] =	vst v0  }
0x188: {  	[tilespmem:$0x10B8] =	vst v0  }
0x189: {  	[tilespmem:$0x10C8] =	vst v0  }
0x18a: {  	[tilespmem:$0x10D8] =	vst v0  }
0x18b: {  	[tilespmem:$0x10E8] =	vst v0  }
0x18c: {  	[tilespmem:$0x10F8] =	vst v0  }
0x18d: {  	[tilespmem:$0x1108] =	vst v0  }
0x18e: {  	[tilespmem:$0x1118] =	vst v0  }
0x18f: {  	[tilespmem:$0x1128] =	vst v0  }
0x190: {  	[tilespmem:$0x1DA8] =	vst v0  }
0x191: {  	[tilespmem:$0x1138] =	vst v0  }
0x192: {  	[tilespmem:$0x1148] =	vst v0  }
0x193: {  	[tilespmem:$0x1158] =	vst v0  }
0x194: {  	[tilespmem:$0x1168] =	vst v0  }
0x195: {  	[tilespmem:$0x1178] =	vst v0  }
0x196: {  	[tilespmem:$0x1188] =	vst v0  }
0x197: {  	[tilespmem:$0x1198] =	vst v0  }
0x198: {  	[tilespmem:$0x11A8] =	vst v0  }
0x199: {  	[tilespmem:$0x11B8] =	vst v0  }
0x19a: {  	[tilespmem:$0x11C8] =	vst v0  }
0x19b: {  	[tilespmem:$0x11D8] =	vst v0  }
0x19c: {  	[tilespmem:$0x11E8] =	vst v0  }
0x19d: {  	[tilespmem:$0x11F8] =	vst v0  }
0x19e: {  	[tilespmem:$0x1208] =	vst v0  }
0x19f: {  	[tilespmem:$0x1218] =	vst v0  }
0x1a0: {  	[tilespmem:$0x1228] =	vst v0  }
0x1a1: {  	[tilespmem:$0x1238] =	vst v0  }
0x1a2: {  	[tilespmem:$0x1248] =	vst v0  }
0x1a3: {  	[tilespmem:$0x1258] =	vst v0  }
0x1a4: {  	[tilespmem:$0x1268] =	vst v0  }
0x1a5: {  	[tilespmem:$0x1278] =	vst v0  }
0x1a6: {  	[tilespmem:$0x1288] =	vst v0  }
0x1a7: {  	[tilespmem:$0x1298] =	vst v0  }
0x1a8: {  	[tilespmem:$0x12A8] =	vst v0  }
0x1a9: {  	[tilespmem:$0x12B8] =	vst v0  }
0x1aa: {  	[tilespmem:$0x12C8] =	vst v0  }
0x1ab: {  	[tilespmem:$0x12D8] =	vst v0  }
0x1ac: {  	[tilespmem:$0x12E8] =	vst v0  }
0x1ad: {  	[tilespmem:$0x12F8] =	vst v0  }
0x1ae: {  	[tilespmem:$0x1308] =	vst v0  }
0x1af: {  	[tilespmem:$0x1318] =	vst v0  }
0x1b0: {  	[tilespmem:$0x1328] =	vst v0  }
0x1b1: {  	[tilespmem:$0x1338] =	vst v0  }
0x1b2: {  	[tilespmem:$0x1348] =	vst v0  }
0x1b3: {  	[tilespmem:$0x1358] =	vst v0  }
0x1b4: {  	[tilespmem:$0x1368] =	vst v0  }
0x1b5: {  	[tilespmem:$0x1378] =	vst v0  }
0x1b6: {  	[tilespmem:$0x1388] =	vst v0  }
0x1b7: {  	[tilespmem:$0x1398] =	vst v0  }
0x1b8: {  	[tilespmem:$0x13A8] =	vst v0  }
0x1b9: {  	[tilespmem:$0x13B8] =	vst v0  }
0x1ba: {  	[tilespmem:$0x13C8] =	vst v0  }
0x1bb: {  	[tilespmem:$0x13D8] =	vst v0  }
0x1bc: {  	[tilespmem:$0x13E8] =	vst v0  }
0x1bd: {  	[tilespmem:$0x13F8] =	vst v0  }
0x1be: {  	[tilespmem:$0x1408] =	vst v0  }
0x1bf: {  	[tilespmem:$0x1418] =	vst v0  }
0x1c0: {  	[tilespmem:$0x1428] =	vst v0  }
0x1c1: {  	[tilespmem:$0x1438] =	vst v0  }
0x1c2: {  	[tilespmem:$0x1448] =	vst v0  }
0x1c3: {  	[tilespmem:$0x1458] =	vst v0  }
0x1c4: {  	[tilespmem:$0x1468] =	vst v0  }
0x1c5: {  	[tilespmem:$0x1478] =	vst v0  }
0x1c6: {  	[tilespmem:$0x1488] =	vst v0  }
0x1c7: {  	[tilespmem:$0x1498] =	vst v0  }
0x1c8: {  	[tilespmem:$0x14A8] =	vst v0  }
0x1c9: {  	[tilespmem:$0x14B8] =	vst v0  }
0x1ca: {  	[tilespmem:$0x14C8] =	vst v0  }
0x1cb: {  	[tilespmem:$0x14D8] =	vst v0  }
0x1cc: {  	[tilespmem:$0x14E8] =	vst v0  }
0x1cd: {  	[tilespmem:$0x14F8] =	vst v0  }
0x1ce: {  	[tilespmem:$0x1508] =	vst v0  }
0x1cf: {  	[tilespmem:$0x1518] =	vst v0  }
0x1d0: {  	[tilespmem:$0x1528] =	vst v0  }
0x1d1: {  	[tilespmem:$0x1538] =	vst v0  }
0x1d2: {  	[tilespmem:$0x1548] =	vst v0  }
0x1d3: {  	[tilespmem:$0x1558] =	vst v0  }
0x1d4: {  	[tilespmem:$0x1568] =	vst v0  }
0x1d5: {  	[tilespmem:$0x1578] =	vst v0  }
0x1d6: {  	[tilespmem:$0x1588] =	vst v0  }
0x1d7: {  	[tilespmem:$0x1598] =	vst v0  }
0x1d8: {  	[tilespmem:$0x15A8] =	vst v0  }
0x1d9: {  	[tilespmem:$0x15B8] =	vst v0  }
0x1da: {  	[tilespmem:$0x15C8] =	vst v0  }
0x1db: {  	[tilespmem:$0x15D8] =	vst v0  }
0x1dc: {  	[tilespmem:$0x15E8] =	vst v0  }
0x1dd: {  	[tilespmem:$0x15F8] =	vst v0  }
0x1de: {  	[tilespmem:$0x1608] =	vst v0  }
0x1df: {  	[tilespmem:$0x1618] =	vst v0  }
0x1e0: {  	[tilespmem:$0x1628] =	vst v0  }
0x1e1: {  	[tilespmem:$0x1638] =	vst v0  }
0x1e2: {  	[tilespmem:$0x1648] =	vst v0  }
0x1e3: {  	[tilespmem:$0x1658] =	vst v0  }
0x1e4: {  	[tilespmem:$0x1668] =	vst v0  }
0x1e5: {  	[tilespmem:$0x1678] =	vst v0  }
0x1e6: {  	[tilespmem:$0x1688] =	vst v0  }
0x1e7: {  	[tilespmem:$0x1698] =	vst v0  }
0x1e8: {  	[tilespmem:$0x16A8] =	vst v0  }
0x1e9: {  	[tilespmem:$0x16B8] =	vst v0  }
0x1ea: {  	[tilespmem:$0x16C8] =	vst v0  }
0x1eb: {  	[tilespmem:$0x16D8] =	vst v0  }
0x1ec: {  	[tilespmem:$0x16E8] =	vst v0  }
0x1ed: {  	[tilespmem:$0x16F8] =	vst v0  }
0x1ee: {  	[tilespmem:$0x1708] =	vst v0  }
0x1ef: {  	[tilespmem:$0x1718] =	vst v0  }
0x1f0: {  	[tilespmem:$0x1728] =	vst v0  }
0x1f1: {  	[tilespmem:$0x1738] =	vst v0  }
0x1f2: {  	[tilespmem:$0x1748] =	vst v0  }
0x1f3: {  	[tilespmem:$0x1758] =	vst v0  }
0x1f4: {  	[tilespmem:$0x1768] =	vst v0  }
0x1f5: {  	[tilespmem:$0x1778] =	vst v0  }
0x1f6: {  	[tilespmem:$0x1788] =	vst v0  }
0x1f7: {  	[tilespmem:$0x1798] =	vst v0  }
0x1f8: {  	[tilespmem:$0x17A8] =	vst v0  }
0x1f9: {  	[tilespmem:$0x17B8] =	vst v0  }
0x1fa: {  	[tilespmem:$0x17C8] =	vst v0  }
0x1fb: {  	[tilespmem:$0x17D8] =	vst v0  }
0x1fc: {  	[tilespmem:$0x17E8] =	vst v0  }
0x1fd: {  	[tilespmem:$0x17F8] =	vst v0  }
0x1fe: {  	[tilespmem:$0x1808] =	vst v0  }
0x1ff: {  	[tilespmem:$0x1818] =	vst v0  }
0x200: {  	[tilespmem:$0x1828] =	vst v0  }
0x201: {  	[tilespmem:$0x1838] =	vst v0  }
0x202: {  	[tilespmem:$0x1848] =	vst v0  }
0x203: {  	[tilespmem:$0x1858] =	vst v0  }
0x204: {  	[tilespmem:$0x1868] =	vst v0  }
0x205: {  	[tilespmem:$0x1878] =	vst v0  }
0x206: {  	[tilespmem:$0x1888] =	vst v0  }
0x207: {  	[tilespmem:$0x1898] =	vst v0  }
0x208: {  	[tilespmem:$0x18A8] =	vst v0  }
0x209: {  	[tilespmem:$0x18B8] =	vst v0  }
0x20a: {  	[tilespmem:$0x18C8] =	vst v0  }
0x20b: {  	[tilespmem:$0x18D8] =	vst v0  }
0x20c: {  	[tilespmem:$0x18E8] =	vst v0  }
0x20d: {  	[tilespmem:$0x18F8] =	vst v0  }
0x20e: {  	[tilespmem:$0x1908] =	vst v0  }
0x20f: {  	[tilespmem:$0x1918] =	vst v0  }
0x210: {  	[tilespmem:$0x1928] =	vst v0  }
0x211: {  	[tilespmem:$0x1938] =	vst v0  }
0x212: {  	[tilespmem:$0x1948] =	vst v0  }
0x213: {  	[tilespmem:$0x1958] =	vst v0  }
0x214: {  	[tilespmem:$0x1968] =	vst v0  }
0x215: {  	[tilespmem:$0x1978] =	vst v0  }
0x216: {  	[tilespmem:$0x1988] =	vst v0  }
0x217: {  	[tilespmem:$0x1998] =	vst v0  }
0x218: {  	[tilespmem:$0x19A8] =	vst v0  }
0x219: {  	[tilespmem:$0x19B8] =	vst v0  }
0x21a: {  	[tilespmem:$0x19C8] =	vst v0  }
0x21b: {  	[tilespmem:$0x19D8] =	vst v0  }
0x21c: {  	[tilespmem:$0x19E8] =	vst v0  }
0x21d: {  	[tilespmem:$0x19F8] =	vst v0  }
0x21e: {  	[tilespmem:$0x1A08] =	vst v0  }
0x21f: {  	[tilespmem:$0x1A18] =	vst v0  }
0x220: {  	[tilespmem:$0x1A28] =	vst v0  }
0x221: {  	[tilespmem:$0x1A38] =	vst v0  }
0x222: {  	[tilespmem:$0x1A48] =	vst v0  }
0x223: {  	[tilespmem:$0x1A58] =	vst v0  }
0x224: {  	[tilespmem:$0x1A68] =	vst v0  }
0x225: {  	[tilespmem:$0x1A78] =	vst v0  }
0x226: {  	[tilespmem:$0x1A88] =	vst v0  }
0x227: {  	[tilespmem:$0x1A98] =	vst v0  }
0x228: {  	[tilespmem:$0x1AA8] =	vst v0  }
0x229: {  	[tilespmem:$0x1AB8] =	vst v0  }
0x22a: {  	[tilespmem:$0x1AC8] =	vst v0  }
0x22b: {  	[tilespmem:$0x1AD8] =	vst v0  }
0x22c: {  	[tilespmem:$0x1AE8] =	vst v0  }
0x22d: {  	[tilespmem:$0x1AF8] =	vst v0  }
0x22e: {  	[tilespmem:$0x1B08] =	vst v0  }
0x22f: {  	[tilespmem:$0x1B18] =	vst v0  }
0x230: {  	[tilespmem:$0x1B28] =	vst v0  }
0x231: {  	[tilespmem:$0x1B38] =	vst v0  }
0x232: {  	[tilespmem:$0x1B48] =	vst v0  }
0x233: {  	[tilespmem:$0x1B58] =	vst v0  }
0x234: {  	[tilespmem:$0x1B68] =	vst v0  }
0x235: {  	[tilespmem:$0x1B78] =	vst v0  }
0x236: {  	[tilespmem:$0x1B88] =	vst v0  }
0x237: {  	[tilespmem:$0x1B98] =	vst v0  }
0x238: {  	[tilespmem:$0x1BA8] =	vst v0  }
0x239: {  	[tilespmem:$0x1BB8] =	vst v0  }
0x23a: {  	[tilespmem:$0x1BC8] =	vst v0  }
0x23b: {  	[tilespmem:$0x1BD8] =	vst v0  }
0x23c: {  	[tilespmem:$0x1BE8] =	vst v0  }
0x23d: {  	[tilespmem:$0x1BF8] =	vst v0  }
0x23e: {  	[tilespmem:$0x1C08] =	vst v0  }
0x23f: {  	[tilespmem:$0x1C18] =	vst v0  }
0x240: {  	[tilespmem:$0x1C28] =	vst v0  }
0x241: {  	[tilespmem:$0x1C38] =	vst v0  }
0x242: {  	[tilespmem:$0x1C48] =	vst v0  }
0x243: {  	[tilespmem:$0x1C58] =	vst v0  }
0x244: {  	[tilespmem:$0x1C68] =	vst v0  }
0x245: {  	[tilespmem:$0x1C78] =	vst v0  }
0x246: {  	[tilespmem:$0x1C88] =	vst v0  }
0x247: {  	[tilespmem:$0x1C98] =	vst v0  }
0x248: {  	[tilespmem:$0x1CA8] =	vst v0  }
0x249: {  	[tilespmem:$0x1CB8] =	vst v0  }
0x24a: {  	[tilespmem:$0x1CC8] =	vst v0  }
0x24b: {  	[tilespmem:$0x1CD8] =	vst v0  }
0x24c: {  	[tilespmem:$0x1CE8] =	vst v0  }
0x24d: {  	[tilespmem:$0x1CF8] =	vst v0  }
0x24e: {  	[tilespmem:$0x1D08] =	vst v0  }
0x24f: {  	[tilespmem:$0x1D18] =	vst v0  }
0x250: {  	[tilespmem:$0x1D28] =	vst v0  }
0x251: {  	[tilespmem:$0x1D38] =	vst v0  }
0x252: {  	[tilespmem:$0x1D48] =	vst v0  }
0x253: {  	[tilespmem:$0x1D58] =	vst v0  }
0x254: {  	[tilespmem:$0x1D68] =	vst v0  }
0x255: {  	[tilespmem:$0x1D78] =	vst v0  }
0x256: {  	[tilespmem:$0x1D88] =	vst v0  }
0x257: {  	[tilespmem:$0x1D98] =	vst v0  }
0x258: {  	[tilespmem:$0x1DB8] =	vst v0  }
0x259: {  	[tilespmem:$0x1DC8] =	vst v0  }
0x25a: {  	[tilespmem:$0x1DD8] =	vst v0  }
0x25b: {  	[tilespmem:$0x1DE8] =	vst v0  }
0x25c: {  	[tilespmem:$0x1DF8] =	vst v0  }
0x25d: {  	[tilespmem:$0x1E08] =	vst v0  }
0x25e: {  	[tilespmem:$0x1E18] =	vst v0  }
0x25f: {  	[tilespmem:$0x1E28] =	vst v0  }
0x260: {  	[tilespmem:$0x1E38] =	vst v0  }
0x261: {  	[tilespmem:$0x1E48] =	vst v0  }
0x262: {  	[tilespmem:$0x1E58] =	vst v0  }
0x263: {  	[tilespmem:$0x1E68] =	vst v0  }
0x264: {  	[tilespmem:$0x1E78] =	vst v0  }
0x265: {  	[tilespmem:$0x1E88] =	vst v0  }
0x266: {  	[tilespmem:$0x1E98] =	vst v0  }
0x267: {  	[tilespmem:$0x1EA8] =	vst v0  }
0x268: {  	[tilespmem:$0x1EB8] =	vst v0  }
0x269: {  	[tilespmem:$0x1EC8] =	vst v0  }
0x26a: {  	[tilespmem:$0x1ED8] =	vst v0  }
0x26b: {  	[tilespmem:$0x1EE8] =	vst v0  }
0x26c: {  	[tilespmem:$0x1EF8] =	vst v0  }
0x26d: {  	[tilespmem:$0x1F08] =	vst v0  }
0x26e: {  	[tilespmem:$0x1F18] =	vst v0  }
0x26f: {  	[tilespmem:$0x1F28] =	vst v0  }
0x270: {  	[tilespmem:$0x1F38] =	vst v0  }
0x271: {  	[tilespmem:$0x1F48] =	vst v0  }
0x272: {  	[tilespmem:$0x1F58] =	vst v0  }
0x273: {  	[tilespmem:$0x1F68] =	vst v0  }
0x274: {  	[tilespmem:$0x1F78] =	vst v0  }
0x275: {  	[tilespmem:$0x1F88] =	vst v0  }
0x276: {  	[tilespmem:$0x1F98] =	vst v0  }
0x277: {  	[tilespmem:$0x1FA8] =	vst v0  }
0x278: {  	[tilespmem:$0x1FB8] =	vst v0  }
0x279: {  	[tilespmem:$0x1FC8] =	vst v0  }
0x27a: {  	[tilespmem:$0x1FD8] =	vst v0  }
0x27b: {  	[tilespmem:$0x1FE8] =	vst v0  }
0x27c: {  	[tilespmem:$0x1FF8] =	vst v0  }
0x27d: {  	[tilespmem:$0x2008] =	vst v0  }
0x27e: {  	[tilespmem:$0x2018] =	vst v0  }
0x27f: {  	[tilespmem:$0x2028] =	vst v0  }
0x280: {  	[tilespmem:$0x2038] =	vst v0  }
0x281: {  	[tilespmem:$0x2048] =	vst v0  }
0x282: {  	[tilespmem:$0x2058] =	vst v0  }
0x283: {  	[tilespmem:$0x2068] =	vst v0  }
0x284: {  	[tilespmem:$0x2078] =	vst v0  }
0x285: {  	[tilespmem:$0x2088] =	vst v0  }
0x286: {  	[tilespmem:$0x2098] =	vst v0  }
0x287: {  	[tilespmem:$0x20A8] =	vst v0  }
0x288: {  	[tilespmem:$0x20B8] =	vst v0  }
0x289: {  	[tilespmem:$0x20C8] =	vst v0  }
0x28a: {  	[tilespmem:$0x20D8] =	vst v0  }
0x28b: {  	[tilespmem:$0x20E8] =	vst v0  }
0x28c: {  	[tilespmem:$0x20F8] =	vst v0  }
0x28d: {  	[tilespmem:$0x2108] =	vst v0  }
0x28e: {  	[tilespmem:$0x2118] =	vst v0  }
0x28f: {  	[tilespmem:$0x2128] =	vst v0  }
0x290: {  	[tilespmem:$0x2138] =	vst v0  }
0x291: {  	[tilespmem:$0x2148] =	vst v0  }
0x292: {  	[tilespmem:$0x2158] =	vst v0  }
0x293: {  	[tilespmem:$0x2168] =	vst v0  }
0x294: {  	[tilespmem:$0x2178] =	vst v0  }
0x295: {  	[tilespmem:$0x2188] =	vst v0  }
0x296: {  	[tilespmem:$0x2198] =	vst v0  }
0x297: {  	[tilespmem:$0x21A8] =	vst v0  }
0x298: {  	[tilespmem:$0x21B8] =	vst v0  }
0x299: {  	[tilespmem:$0x21C8] =	vst v0  }
0x29a: {  	[tilespmem:$0x21D8] =	vst v0  }
0x29b: {  	[tilespmem:$0x21E8] =	vst v0  }
0x29c: {  	[tilespmem:$0x21F8] =	vst v0  }
0x29d: {  	[tilespmem:$0x2208] =	vst v0  }
0x29e: {  	[tilespmem:$0x2218] =	vst v0  }
0x29f: {  	[tilespmem:$0x2228] =	vst v0  }
0x2a0: {  	[tilespmem:$0x2238] =	vst v0  }
0x2a1: {  	[tilespmem:$0x2248] =	vst v0  }
0x2a2: {  	[tilespmem:$0x2258] =	vst v0  }
0x2a3: {  	[tilespmem:$0x2268] =	vst v0  }
0x2a4: {  	[tilespmem:$0x2278] =	vst v0  }
0x2a5: {  	[tilespmem:$0x2288] =	vst v0  }
0x2a6: {  	[tilespmem:$0x2298] =	vst v0  }
0x2a7: {  	[tilespmem:$0x22A8] =	vst v0  }
0x2a8: {  	[tilespmem:$0x22B8] =	vst v0  }
0x2a9: {  	[tilespmem:$0x22C8] =	vst v0  }
0x2aa: {  	[tilespmem:$0x22D8] =	vst v0  }
0x2ab: {  	[tilespmem:$0x22E8] =	vst v0  }
0x2ac: {  	[tilespmem:$0x22F8] =	vst v0  }
0x2ad: {  	[tilespmem:$0x2308] =	vst v0  }
0x2ae: {  	[tilespmem:$0x2318] =	vst v0  }
0x2af: {  	[tilespmem:$0x2328] =	vst v0  }
0x2b0: {  	[tilespmem:$0x2338] =	vst v0  }
0x2b1: {  	[tilespmem:$0x2348] =	vst v0  }
0x2b2: {  	[tilespmem:$0x2358] =	vst v0  }
0x2b3: {  	[tilespmem:$0x2368] =	vst v0  }
0x2b4: {  	[tilespmem:$0x2378] =	vst v0  }
0x2b5: {  	[tilespmem:$0x2388] =	vst v0  }
0x2b6: {  	[tilespmem:$0x2398] =	vst v0  }
0x2b7: {  	[tilespmem:$0x23A8] =	vst v0  }
0x2b8: {  	[tilespmem:$0x23B8] =	vst v0  }
0x2b9: {  	[tilespmem:$0x23C8] =	vst v0  }
0x2ba: {  	[tilespmem:$0x23D8] =	vst v0  }
0x2bb: {  	[tilespmem:$0x23E8] =	vst v0  }
0x2bc: {  	[tilespmem:$0x23F8] =	vst v0  }
0x2bd: {  	[tilespmem:$0x2408] =	vst v0  }
0x2be: {  	[tilespmem:$0x2418] =	vst v0  }
0x2bf: {  	[tilespmem:$0x2428] =	vst v0  }
0x2c0: {  	[tilespmem:$0x2438] =	vst v0  }
0x2c1: {  	[tilespmem:$0x2448] =	vst v0  }
0x2c2: {  	[tilespmem:$0x2458] =	vst v0  }
0x2c3: {  	[tilespmem:$0x2468] =	vst v0  }
0x2c4: {  	[tilespmem:$0x2478] =	vst v0  }
0x2c5: {  	[tilespmem:$0x2488] =	vst v0  }
0x2c6: {  	[tilespmem:$0x2498] =	vst v0  }
0x2c7: {  	[tilespmem:$0x24A8] =	vst v0  }
0x2c8: {  	[tilespmem:$0x24B8] =	vst v0  }
0x2c9: {  	[tilespmem:$0x24C8] =	vst v0  }
0x2ca: {  	[tilespmem:$0x24D8] =	vst v0  }
0x2cb: {  	[tilespmem:$0x24E8] =	vst v0  }
0x2cc: {  	[tilespmem:$0x24F8] =	vst v0  }
0x2cd: {  	[tilespmem:$0x2508] =	vst v0  }
0x2ce: {  	[tilespmem:$0x2518] =	vst v0  }
0x2cf: {  	[tilespmem:$0x2528] =	vst v0  }
0x2d0: {  	[tilespmem:$0x2538] =	vst v0  }
0x2d1: {  	[tilespmem:$0x2548] =	vst v0  }
0x2d2: {  	[tilespmem:$0x2558] =	vst v0  }
0x2d3: {  	[tilespmem:$0x2568] =	vst v0  }
0x2d4: {  	[tilespmem:$0x2578] =	vst v0  }
0x2d5: {  	[tilespmem:$0x2588] =	vst v0  }
0x2d6: {  	[tilespmem:$0x2598] =	vst v0  }
0x2d7: {  	[tilespmem:$0x25A8] =	vst v0  }
0x2d8: {  	[tilespmem:$0x25B8] =	vst v0  }
0x2d9: {  	[tilespmem:$0x25C8] =	vst v0  }
0x2da: {  	[tilespmem:$0x25D8] =	vst v0  }
0x2db: {  	[tilespmem:$0x25E8] =	vst v0  }
0x2dc: {  	[tilespmem:$0x25F8] =	vst v0  }
0x2dd: {  	[tilespmem:$0x2608] =	vst v0  }
0x2de: {  	[tilespmem:$0x2618] =	vst v0  }
0x2df: {  	[tilespmem:$0x2628] =	vst v0  }
0x2e0: {  	[tilespmem:$0x2638] =	vst v0  }
0x2e1: {  	[tilespmem:$0x2648] =	vst v0  }
0x2e2: {  	[tilespmem:$0x2658] =	vst v0  }
0x2e3: {  	[tilespmem:$0x2668] =	vst v0  }
0x2e4: {  	[tilespmem:$0x2678] =	vst v0  }
0x2e5: {  	[tilespmem:$0x2688] =	vst v0  }
0x2e6: {  	[tilespmem:$0x2698] =	vst v0  }
0x2e7: {  	[tilespmem:$0x26A8] =	vst v0  }
0x2e8: {  	[tilespmem:$0x26B8] =	vst v0  }
0x2e9: {  	[tilespmem:$0x26C8] =	vst v0  }
0x2ea: {  	[tilespmem:$0x26D8] =	vst v0  }
0x2eb: {  	[tilespmem:$0x26E8] =	vst v0  }
0x2ec: {  	[tilespmem:$0x26F8] =	vst v0  }
0x2ed: {  	[tilespmem:$0x2708] =	vst v0  }
0x2ee: {  	[tilespmem:$0x2718] =	vst v0  }
0x2ef: {  	[tilespmem:$0x2728] =	vst v0  }
0x2f0: {  	[tilespmem:$0x2738] =	vst v0  }
0x2f1: {  	[tilespmem:$0x2748] =	vst v0  }
0x2f2: {  	[tilespmem:$0x2758] =	vst v0  }
0x2f3: {  	[tilespmem:$0x2768] =	vst v0  }
0x2f4: {  	[tilespmem:$0x2778] =	vst v0  }
0x2f5: {  	[tilespmem:$0x2788] =	vst v0  }
0x2f6: {  	[tilespmem:$0x2798] =	vst v0  }
0x2f7: {  	[tilespmem:$0x27A8] =	vst v0  }
0x2f8: {  	[tilespmem:$0x27B8] =	vst v0  }
0x2f9: {  	[tilespmem:$0x27C8] =	vst v0  }
0x2fa: {  	[tilespmem:$0x27D8] =	vst v0  }
0x2fb: {  	[tilespmem:$0x27E8] =	vst v0  }
0x2fc: {  	[tilespmem:$0x27F8] =	vst v0  }
0x2fd: {  	[tilespmem:$0x2808] =	vst v0  }
0x2fe: {  	[tilespmem:$0x2818] =	vst v0  }
0x2ff: {  	[tilespmem:$0x2828] =	vst v0  }
0x300: {  	[tilespmem:$0x2838] =	vst v0  }
0x301: {  	[tilespmem:$0x2848] =	vst v0  }
0x302: {  	[tilespmem:$0x2858] =	vst v0  }
0x303: {  	[tilespmem:$0x2868] =	vst v0  }
0x304: {  	[tilespmem:$0x2878] =	vst v0  }
0x305: {  	[tilespmem:$0x2888] =	vst v0  }
0x306: {  	[tilespmem:$0x2898] =	vst v0  }
0x307: {  	[tilespmem:$0x28A8] =	vst v0  }
0x308: {  	[tilespmem:$0x28B8] =	vst v0  }
0x309: {  	[tilespmem:$0x28C8] =	vst v0  }
0x30a: {  	[tilespmem:$0x28D8] =	vst v0  }
0x30b: {  	[tilespmem:$0x28E8] =	vst v0  }
0x30c: {  	[tilespmem:$0x28F8] =	vst v0  }
0x30d: {  	[tilespmem:$0x2908] =	vst v0  }
0x30e: {  	[tilespmem:$0x2918] =	vst v0  }
0x30f: {  	[tilespmem:$0x2928] =	vst v0  }
0x310: {  	[tilespmem:$0x2938] =	vst v0  }
0x311: {  	[tilespmem:$0x2948] =	vst v0  }
0x312: {  	[tilespmem:$0x2958] =	vst v0  }
0x313: {  	[tilespmem:$0x2968] =	vst v0  }
0x314: {  	[tilespmem:$0x2978] =	vst v0  }
0x315: {  	[tilespmem:$0x2988] =	vst v0  }
0x316: {  	[tilespmem:$0x2998] =	vst v0  }
0x317: {  	[tilespmem:$0x29A8] =	vst v0  }
0x318: {  	[tilespmem:$0x29B8] =	vst v0  }
0x319: {  	[tilespmem:$0x29C8] =	vst v0  }
0x31a: {  	[tilespmem:$0x29D8] =	vst v0  }
0x31b: {  	[tilespmem:$0x29E8] =	vst v0  }
0x31c: {  	[tilespmem:$0x29F8] =	vst v0  }
0x31d: {  	[tilespmem:$0x2A08] =	vst v0  }
0x31e: {  	[tilespmem:$0x2A18] =	vst v0  }
0x31f: {  	[tilespmem:$0x2A28] =	vst v0  }
0x320: {  	[tilespmem:$0x2A38] =	vst v0  }
0x321: {  	[tilespmem:$0x2A48] =	vst v0  }
0x322: {  	[tilespmem:$0x2A58] =	vst v0  }
0x323: {  	[tilespmem:$0x2A68] =	vst v0  }
0x324: {  	[tilespmem:$0x2A78] =	vst v0  }
0x325: {  	[tilespmem:$0x2A88] =	vst v0  }
0x326: {  	[tilespmem:$0x2A98] =	vst v0  }
0x327: {  	[tilespmem:$0x2AA8] =	vst v0  }
0x328: {  	[tilespmem:$0x2AB8] =	vst v0  }
0x329: {  	[tilespmem:$0x2AC8] =	vst v0  }
0x32a: {  	[tilespmem:$0x2AD8] =	vst v0  }
0x32b: {  	[tilespmem:$0x2AE8] =	vst v0  }
0x32c: {  	[tilespmem:$0x2AF8] =	vst v0  }
0x32d: {  	[tilespmem:$0x2B08] =	vst v0  }
0x32e: {  	[tilespmem:$0x2B18] =	vst v0  }
0x32f: {  	[tilespmem:$0x2B28] =	vst v0  }
0x330: {  	[tilespmem:$0x2B38] =	vst v0  }
0x331: {  	[tilespmem:$0x2B48] =	vst v0  }
0x332: {  	[tilespmem:$0x2B58] =	vst v0  }
0x333: {  	[tilespmem:$0x2B68] =	vst v0  }
0x334: {  	[tilespmem:$0x2B78] =	vst v0  }
0x335: {  	[tilespmem:$0x2B88] =	vst v0  }
0x336: {  	[tilespmem:$0x2B98] =	vst v0  }
0x337: {  	[tilespmem:$0x2BA8] =	vst v0  }
0x338: {  	[tilespmem:$0x2BB8] =	vst v0  }
0x339: {  	[tilespmem:$0x2BC8] =	vst v0  }
0x33a: {  	[tilespmem:$0x2BD8] =	vst v0  }
0x33b: {  	[tilespmem:$0x2BE8] =	vst v0  }
0x33c: {  	[tilespmem:$0x2BF8] =	vst v0  }
0x33d: {  	[tilespmem:$0x2C08] =	vst v0  }
0x33e: {  	[tilespmem:$0x2C18] =	vst v0  }
0x33f: {  	[tilespmem:$0x2C28] =	vst v0  }
0x340: {  	[tilespmem:$0x2C38] =	vst v0  }
0x341: {  	[tilespmem:$0x2C48] =	vst v0  }
0x342: {  	[tilespmem:$0x2C58] =	vst v0  }
0x343: {  	[tilespmem:$0x2C68] =	vst v0  }
0x344: {  	[tilespmem:$0x2C78] =	vst v0  }
0x345: {  	[tilespmem:$0x2C88] =	vst v0  }
0x346: {  	[tilespmem:$0x2C98] =	vst v0  }
0x347: {  	[tilespmem:$0x2CA8] =	vst v0  }
0x348: {  	[tilespmem:$0x2CB8] =	vst v0  }
0x349: {  	[tilespmem:$0x2CC8] =	vst v0  }
0x34a: {  	[tilespmem:$0x2CD8] =	vst v0  }
0x34b: {  	[tilespmem:$0x2CE8] =	vst v0  }
0x34c: {  	[tilespmem:$0x2CF8] =	vst v0  }
0x34d: {  	[tilespmem:$0x2D08] =	vst v0  }
0x34e: {  	[tilespmem:$0x2D18] =	vst v0  }
0x34f: {  	[tilespmem:$0x2D28] =	vst v0  }
0x350: {  	[tilespmem:$0x2D38] =	vst v0  }
0x351: {  	[tilespmem:$0x2D48] =	vst v0  }
0x352: {  	[tilespmem:$0x2D58] =	vst v0  }
0x353: {  	[tilespmem:$0x2D68] =	vst v0  }
0x354: {  	[tilespmem:$0x2D78] =	vst v0  }
0x355: {  	[tilespmem:$0x2D88] =	vst v0  }
0x356: {  	[tilespmem:$0x2D98] =	vst v0  }
0x357: {  	[tilespmem:$0x2DA8] =	vst v0  }
0x358: {  	[tilespmem:$0x3CD8] =	vst v0  }
0x359: {  	[tilespmem:$0x3CE8] =	vst v0  }
0x35a: {  	[tilespmem:$0x2DB8] =	vst v0  }
0x35b: {  	[tilespmem:$0x2DC8] =	vst v0  }
0x35c: {  	[tilespmem:$0x2DD8] =	vst v0  }
0x35d: {  	[tilespmem:$0x2DE8] =	vst v0  }
0x35e: {  	[tilespmem:$0x2DF8] =	vst v0  }
0x35f: {  	[tilespmem:$0x2E08] =	vst v0  }
0x360: {  	[tilespmem:$0x2E18] =	vst v0  }
0x361: {  	[tilespmem:$0x2E28] =	vst v0  }
0x362: {  	[tilespmem:$0x2E38] =	vst v0  }
0x363: {  	[tilespmem:$0x2E48] =	vst v0  }
0x364: {  	[tilespmem:$0x2E58] =	vst v0  }
0x365: {  	[tilespmem:$0x2E68] =	vst v0  }
0x366: {  	[tilespmem:$0x2E78] =	vst v0  }
0x367: {  	[tilespmem:$0x2E88] =	vst v0  }
0x368: {  	[tilespmem:$0x2E98] =	vst v0  }
0x369: {  	[tilespmem:$0x2EA8] =	vst v0  }
0x36a: {  	[tilespmem:$0x2EB8] =	vst v0  }
0x36b: {  	[tilespmem:$0x2EC8] =	vst v0  }
0x36c: {  	[tilespmem:$0x2ED8] =	vst v0  }
0x36d: {  	[tilespmem:$0x2EE8] =	vst v0  }
0x36e: {  	[tilespmem:$0x2EF8] =	vst v0  }
0x36f: {  	[tilespmem:$0x2F08] =	vst v0  }
0x370: {  	[tilespmem:$0x2F18] =	vst v0  }
0x371: {  	[tilespmem:$0x2F28] =	vst v0  }
0x372: {  	[tilespmem:$0x2F38] =	vst v0  }
0x373: {  	[tilespmem:$0x2F48] =	vst v0  }
0x374: {  	[tilespmem:$0x2F58] =	vst v0  }
0x375: {  	[tilespmem:$0x2F68] =	vst v0  }
0x376: {  	[tilespmem:$0x2F78] =	vst v0  }
0x377: {  	[tilespmem:$0x2F88] =	vst v0  }
0x378: {  	[tilespmem:$0x2F98] =	vst v0  }
0x379: {  	[tilespmem:$0x2FA8] =	vst v0  }
0x37a: {  	[tilespmem:$0x2FB8] =	vst v0  }
0x37b: {  	[tilespmem:$0x2FC8] =	vst v0  }
0x37c: {  	[tilespmem:$0x2FD8] =	vst v0  }
0x37d: {  	[tilespmem:$0x2FE8] =	vst v0  }
0x37e: {  	[tilespmem:$0x2FF8] =	vst v0  }
0x37f: {  	[tilespmem:$0x3008] =	vst v0  }
0x380: {  	[tilespmem:$0x3018] =	vst v0  }
0x381: {  	[tilespmem:$0x3028] =	vst v0  }
0x382: {  	[tilespmem:$0x3038] =	vst v0  }
0x383: {  	[tilespmem:$0x3048] =	vst v0  }
0x384: {  	[tilespmem:$0x3058] =	vst v0  }
0x385: {  	[tilespmem:$0x3068] =	vst v0  }
0x386: {  	[tilespmem:$0x3078] =	vst v0  }
0x387: {  	[tilespmem:$0x3088] =	vst v0  }
0x388: {  	[tilespmem:$0x3098] =	vst v0  }
0x389: {  	[tilespmem:$0x30A8] =	vst v0  }
0x38a: {  	[tilespmem:$0x30B8] =	vst v0  }
0x38b: {  	[tilespmem:$0x30C8] =	vst v0  }
0x38c: {  	[tilespmem:$0x30D8] =	vst v0  }
0x38d: {  	[tilespmem:$0x30E8] =	vst v0  }
0x38e: {  	[tilespmem:$0x30F8] =	vst v0  }
0x38f: {  	[tilespmem:$0x3108] =	vst v0  }
0x390: {  	[tilespmem:$0x3118] =	vst v0  }
0x391: {  	[tilespmem:$0x3128] =	vst v0  }
0x392: {  	[tilespmem:$0x3138] =	vst v0  }
0x393: {  	[tilespmem:$0x3148] =	vst v0  }
0x394: {  	[tilespmem:$0x3158] =	vst v0  }
0x395: {  	[tilespmem:$0x3168] =	vst v0  }
0x396: {  	[tilespmem:$0x3178] =	vst v0  }
0x397: {  	[tilespmem:$0x3188] =	vst v0  }
0x398: {  	[tilespmem:$0x3198] =	vst v0  }
0x399: {  	[tilespmem:$0x31A8] =	vst v0  }
0x39a: {  	[tilespmem:$0x31B8] =	vst v0  }
0x39b: {  	[tilespmem:$0x31C8] =	vst v0  }
0x39c: {  	[tilespmem:$0x31D8] =	vst v0  }
0x39d: {  	[tilespmem:$0x31E8] =	vst v0  }
0x39e: {  	[tilespmem:$0x31F8] =	vst v0  }
0x39f: {  	[tilespmem:$0x3208] =	vst v0  }
0x3a0: {  	[tilespmem:$0x3218] =	vst v0  }
0x3a1: {  	[tilespmem:$0x3228] =	vst v0  }
0x3a2: {  	[tilespmem:$0x3238] =	vst v0  }
0x3a3: {  	[tilespmem:$0x3248] =	vst v0  }
0x3a4: {  	[tilespmem:$0x3258] =	vst v0  }
0x3a5: {  	[tilespmem:$0x3268] =	vst v0  }
0x3a6: {  	[tilespmem:$0x3278] =	vst v0  }
0x3a7: {  	[tilespmem:$0x3288] =	vst v0  }
0x3a8: {  	[tilespmem:$0x3298] =	vst v0  }
0x3a9: {  	[tilespmem:$0x32A8] =	vst v0  }
0x3aa: {  	[tilespmem:$0x32B8] =	vst v0  }
0x3ab: {  	[tilespmem:$0x32C8] =	vst v0  }
0x3ac: {  	[tilespmem:$0x32D8] =	vst v0  }
0x3ad: {  	[tilespmem:$0x32E8] =	vst v0  }
0x3ae: {  	[tilespmem:$0x32F8] =	vst v0  }
0x3af: {  	[tilespmem:$0x3308] =	vst v0  }
0x3b0: {  	[tilespmem:$0x3318] =	vst v0  }
0x3b1: {  	[tilespmem:$0x3328] =	vst v0  }
0x3b2: {  	[tilespmem:$0x3338] =	vst v0  }
0x3b3: {  	[tilespmem:$0x3348] =	vst v0  }
0x3b4: {  	[tilespmem:$0x3358] =	vst v0  }
0x3b5: {  	[tilespmem:$0x3368] =	vst v0  }
0x3b6: {  	[tilespmem:$0x3378] =	vst v0  }
0x3b7: {  	[tilespmem:$0x3388] =	vst v0  }
0x3b8: {  	[tilespmem:$0x3398] =	vst v0  }
0x3b9: {  	[tilespmem:$0x33A8] =	vst v0  }
0x3ba: {  	[tilespmem:$0x33B8] =	vst v0  }
0x3bb: {  	[tilespmem:$0x33C8] =	vst v0  }
0x3bc: {  	[tilespmem:$0x33D8] =	vst v0  }
0x3bd: {  	[tilespmem:$0x33E8] =	vst v0  }
0x3be: {  	[tilespmem:$0x33F8] =	vst v0  }
0x3bf: {  	[tilespmem:$0x3408] =	vst v0  }
0x3c0: {  	[tilespmem:$0x3418] =	vst v0  }
0x3c1: {  	[tilespmem:$0x3428] =	vst v0  }
0x3c2: {  	[tilespmem:$0x3438] =	vst v0  }
0x3c3: {  	[tilespmem:$0x3448] =	vst v0  }
0x3c4: {  	[tilespmem:$0x3458] =	vst v0  }
0x3c5: {  	[tilespmem:$0x3468] =	vst v0  }
0x3c6: {  	[tilespmem:$0x3478] =	vst v0  }
0x3c7: {  	[tilespmem:$0x3488] =	vst v0  }
0x3c8: {  	[tilespmem:$0x3498] =	vst v0  }
0x3c9: {  	[tilespmem:$0x34A8] =	vst v0  }
0x3ca: {  	[tilespmem:$0x34B8] =	vst v0  }
0x3cb: {  	[tilespmem:$0x34C8] =	vst v0  }
0x3cc: {  	[tilespmem:$0x34D8] =	vst v0  }
0x3cd: {  	[tilespmem:$0x34E8] =	vst v0  }
0x3ce: {  	[tilespmem:$0x34F8] =	vst v0  }
0x3cf: {  	[tilespmem:$0x3508] =	vst v0  }
0x3d0: {  	[tilespmem:$0x3518] =	vst v0  }
0x3d1: {  	[tilespmem:$0x3528] =	vst v0  }
0x3d2: {  	[tilespmem:$0x3538] =	vst v0  }
0x3d3: {  	[tilespmem:$0x3548] =	vst v0  }
0x3d4: {  	[tilespmem:$0x3558] =	vst v0  }
0x3d5: {  	[tilespmem:$0x3568] =	vst v0  }
0x3d6: {  	[tilespmem:$0x3578] =	vst v0  }
0x3d7: {  	[tilespmem:$0x3588] =	vst v0  }
0x3d8: {  	[tilespmem:$0x3598] =	vst v0  }
0x3d9: {  	[tilespmem:$0x35A8] =	vst v0  }
0x3da: {  	[tilespmem:$0x35B8] =	vst v0  }
0x3db: {  	[tilespmem:$0x35C8] =	vst v0  }
0x3dc: {  	[tilespmem:$0x35D8] =	vst v0  }
0x3dd: {  	[tilespmem:$0x35E8] =	vst v0  }
0x3de: {  	[tilespmem:$0x35F8] =	vst v0  }
0x3df: {  	[tilespmem:$0x3608] =	vst v0  }
0x3e0: {  	[tilespmem:$0x3618] =	vst v0  }
0x3e1: {  	[tilespmem:$0x3628] =	vst v0  }
0x3e2: {  	[tilespmem:$0x3638] =	vst v0  }
0x3e3: {  	[tilespmem:$0x3648] =	vst v0  }
0x3e4: {  	[tilespmem:$0x3658] =	vst v0  }
0x3e5: {  	[tilespmem:$0x3668] =	vst v0  }
0x3e6: {  	[tilespmem:$0x3678] =	vst v0  }
0x3e7: {  	[tilespmem:$0x3688] =	vst v0  }
0x3e8: {  	[tilespmem:$0x3698] =	vst v0  }
0x3e9: {  	[tilespmem:$0x36A8] =	vst v0  }
0x3ea: {  	[tilespmem:$0x36B8] =	vst v0  }
0x3eb: {  	[tilespmem:$0x36C8] =	vst v0  }
0x3ec: {  	[tilespmem:$0x36D8] =	vst v0  }
0x3ed: {  	[tilespmem:$0x36E8] =	vst v0  }
0x3ee: {  	[tilespmem:$0x36F8] =	vst v0  }
0x3ef: {  	[tilespmem:$0x3708] =	vst v0  }
0x3f0: {  	[tilespmem:$0x3718] =	vst v0  }
0x3f1: {  	[tilespmem:$0x3728] =	vst v0  }
0x3f2: {  	[tilespmem:$0x3738] =	vst v0  }
0x3f3: {  	[tilespmem:$0x3748] =	vst v0  }
0x3f4: {  	[tilespmem:$0x3758] =	vst v0  }
0x3f5: {  	[tilespmem:$0x3768] =	vst v0  }
0x3f6: {  	[tilespmem:$0x3778] =	vst v0  }
0x3f7: {  	[tilespmem:$0x3788] =	vst v0  }
0x3f8: {  	[tilespmem:$0x3798] =	vst v0  }
0x3f9: {  	[tilespmem:$0x37A8] =	vst v0  }
0x3fa: {  	[tilespmem:$0x37B8] =	vst v0  }
0x3fb: {  	[tilespmem:$0x37C8] =	vst v0  }
0x3fc: {  	[tilespmem:$0x37D8] =	vst v0  }
0x3fd: {  	[tilespmem:$0x37E8] =	vst v0  }
0x3fe: {  	[tilespmem:$0x37F8] =	vst v0  }
0x3ff: {  	[tilespmem:$0x3808] =	vst v0  }
0x400: {  	[tilespmem:$0x3818] =	vst v0  }
0x401: {  	[tilespmem:$0x3828] =	vst v0  }
0x402: {  	[tilespmem:$0x3838] =	vst v0  }
0x403: {  	[tilespmem:$0x3848] =	vst v0  }
0x404: {  	[tilespmem:$0x3858] =	vst v0  }
0x405: {  	[tilespmem:$0x3868] =	vst v0  }
0x406: {  	[tilespmem:$0x3878] =	vst v0  }
0x407: {  	[tilespmem:$0x3888] =	vst v0  }
0x408: {  	[tilespmem:$0x3898] =	vst v0  }
0x409: {  	[tilespmem:$0x38A8] =	vst v0  }
0x40a: {  	[tilespmem:$0x38B8] =	vst v0  }
0x40b: {  	[tilespmem:$0x38C8] =	vst v0  }
0x40c: {  	[tilespmem:$0x38D8] =	vst v0  }
0x40d: {  	[tilespmem:$0x38E8] =	vst v0  }
0x40e: {  	[tilespmem:$0x38F8] =	vst v0  }
0x40f: {  	[tilespmem:$0x3908] =	vst v0  }
0x410: {  	[tilespmem:$0x3918] =	vst v0  }
0x411: {  	[tilespmem:$0x3928] =	vst v0  }
0x412: {  	[tilespmem:$0x3938] =	vst v0  }
0x413: {  	[tilespmem:$0x3948] =	vst v0  }
0x414: {  	[tilespmem:$0x3958] =	vst v0  }
0x415: {  	[tilespmem:$0x3968] =	vst v0  }
0x416: {  	[tilespmem:$0x3978] =	vst v0  }
0x417: {  	[tilespmem:$0x3988] =	vst v0  }
0x418: {  	[tilespmem:$0x3998] =	vst v0  }
0x419: {  	[tilespmem:$0x39A8] =	vst v0  }
0x41a: {  	[tilespmem:$0x39B8] =	vst v0  }
0x41b: {  	[tilespmem:$0x39C8] =	vst v0  }
0x41c: {  	[tilespmem:$0x39D8] =	vst v0  }
0x41d: {  	[tilespmem:$0x39E8] =	vst v0  }
0x41e: {  	[tilespmem:$0x39F8] =	vst v0  }
0x41f: {  	[tilespmem:$0x3A08] =	vst v0  }
0x420: {  	[tilespmem:$0x3A18] =	vst v0  }
0x421: {  	[tilespmem:$0x3A28] =	vst v0  }
0x422: {  	[tilespmem:$0x3A38] =	vst v0  }
0x423: {  	[tilespmem:$0x3A48] =	vst v0  }
0x424: {  	[tilespmem:$0x3A58] =	vst v0  }
0x425: {  	[tilespmem:$0x3A68] =	vst v0  }
0x426: {  	[tilespmem:$0x3A78] =	vst v0  }
0x427: {  	[tilespmem:$0x3A88] =	vst v0  }
0x428: {  	[tilespmem:$0x3A98] =	vst v0  }
0x429: {  	[tilespmem:$0x3AA8] =	vst v0  }
0x42a: {  	[tilespmem:$0x3AB8] =	vst v0  }
0x42b: {  	[tilespmem:$0x3AC8] =	vst v0  }
0x42c: {  	[tilespmem:$0x3AD8] =	vst v0  }
0x42d: {  	[tilespmem:$0x3AE8] =	vst v0  }
0x42e: {  	[tilespmem:$0x3AF8] =	vst v0  }
0x42f: {  	[tilespmem:$0x3B08] =	vst v0  }
0x430: {  	[tilespmem:$0x3B18] =	vst v0  }
0x431: {  	[tilespmem:$0x3B28] =	vst v0  }
0x432: {  	[tilespmem:$0x3B38] =	vst v0  }
0x433: {  	[tilespmem:$0x3B48] =	vst v0  }
0x434: {  	[tilespmem:$0x3B58] =	vst v0  }
0x435: {  	[tilespmem:$0x3B68] =	vst v0  }
0x436: {  	[tilespmem:$0x3B78] =	vst v0  }
0x437: {  	[tilespmem:$0x3B88] =	vst v0  }
0x438: {  	[tilespmem:$0x3B98] =	vst v0  }
0x439: {  	[tilespmem:$0x3BA8] =	vst v0  }
0x43a: {  	[tilespmem:$0x3BB8] =	vst v0  }
0x43b: {  	[tilespmem:$0x3BC8] =	vst v0  }
0x43c: {  	[tilespmem:$0x3BD8] =	vst v0  }
0x43d: {  	[tilespmem:$0x3BE8] =	vst v0  }
0x43e: {  	[tilespmem:$0x3BF8] =	vst v0  }
0x43f: {  	[tilespmem:$0x3C08] =	vst v0  }
0x440: {  	[tilespmem:$0x3C18] =	vst v0  }
0x441: {  	[tilespmem:$0x3C28] =	vst v0  }
0x442: {  	[tilespmem:$0x3C38] =	vst v0  }
0x443: {  	[tilespmem:$0x3C48] =	vst v0  }
0x444: {  	[tilespmem:$0x3C58] =	vst v0  }
0x445: {  	[tilespmem:$0x3C68] =	vst v0  }
0x446: {  	[tilespmem:$0x3C78] =	vst v0  }
0x447: {  	[tilespmem:$0x3C88] =	vst v0  }
0x448: {  	[tilespmem:$0x3C98] =	vst v0  }
0x449: {  	[tilespmem:$0x3CA8] =	vst v0  }
0x44a: {  	[tilespmem:$0x3CB8] =	vst v0  }
0x44b: {  	[tilespmem:$0x3CC8] =	vst v0  }
0x44c: {  	[tilespmem:$0x3CF8] =	vst v0  }
0x44d: {  	[tilespmem:$0x3D08] =	vst v0  }
0x44e: {  	[tilespmem:$0x3D18] =	vst v0  }
0x44f: {  	[tilespmem:$0x3D28] =	vst v0  }
0x450: {  	[tilespmem:$0x3D38] =	vst v0  }
0x451: {  	[tilespmem:$0x3D48] =	vst v0  }
0x452: {  	[tilespmem:$0x3D58] =	vst v0  }
0x453: {  	[tilespmem:$0x3D68] =	vst v0  }
0x454: {  	[tilespmem:$0x3D78] =	vst v0  }
0x455: {  	[tilespmem:$0x3D88] =	vst v0  }
0x456: {  	[tilespmem:$0x3D98] =	vst v0  }
0x457: {  	[tilespmem:$0x3DA8] =	vst v0  }
0x458: {  	[tilespmem:$0x3DB8] =	vst v0  }
0x459: {  	[tilespmem:$0x3DC8] =	vst v0  }
0x45a: {  	[tilespmem:$0x3DD8] =	vst v0  }
0x45b: {  	[tilespmem:$0x3DE8] =	vst v0  }
0x45c: {  	[tilespmem:$0x3DF8] =	vst v0  }
0x45d: {  	[tilespmem:$0x3E08] =	vst v0  }
0x45e: {  	[tilespmem:$0x3E18] =	vst v0  }
0x45f: {  	[tilespmem:$0x3E28] =	vst v0  }
0x460: {  	[tilespmem:$0x3E38] =	vst v0  }
0x461: {  	[tilespmem:$0x3E48] =	vst v0  }
0x462: {  	[tilespmem:$0x3E58] =	vst v0  }
0x463: {  	[tilespmem:$0x3E68] =	vst v0  }
0x464: {  	[tilespmem:$0x3E78] =	vst v0  }
0x465: {  	[tilespmem:$0x3E88] =	vst v0  }
0x466: {  	[tilespmem:$0x3E98] =	vst v0  }
0x467: {  	[tilespmem:$0x3EA8] =	vst v0  }
0x468: {  	[tilespmem:$0x3EB8] =	vst v0  }
0x469: {  	[tilespmem:$0x3EC8] =	vst v0  }
0x46a: {  	[tilespmem:$0x3ED8] =	vst v0  }
0x46b: {  	[tilespmem:$0x3EE8] =	vst v0  }
0x46c: {  	[tilespmem:$0x3EF8] =	vst v0  }
0x46d: {  	[tilespmem:$0x3F08] =	vst v0  }
0x46e: {  	[tilespmem:$0x3F18] =	vst v0  }
0x46f: {  	[tilespmem:$0x3F28] =	vst v0  }
0x470: {  	[tilespmem:$0x3F38] =	vst v0  }
0x471: {  	[tilespmem:$0x3F48] =	vst v0  }
0x472: {  	[tilespmem:$0x3F58] =	vst v0  }
0x473: {  	[tilespmem:$0x3F68] =	vst v0  }
0x474: {  	[tilespmem:$0x3F78] =	vst v0  }
0x475: {  	[tilespmem:$0x3F88] =	vst v0  }
0x476: {  	[tilespmem:$0x3F98] =	vst v0  }
0x477: {  	[tilespmem:$0x3FA8] =	vst v0  }
0x478: {  	[tilespmem:$0x3FB8] =	vst v0  }
0x479: {  	[tilespmem:$0x3FC8] =	vst v0  }
0x47a: {  	[tilespmem:$0x3FD8] =	vst v0  }
0x47b: {  	[tilespmem:$0x3FE8] =	vst v0  }
0x47c: {  	[tilespmem:$0x3FF8] =	vst v0  }
0x47d: {  	[tilespmem:$0x4008] =	vst v0  }
0x47e: {  	[tilespmem:$0x4018] =	vst v0  }
0x47f: {  	[tilespmem:$0x4028] =	vst v0  }
0x480: {  	[tilespmem:$0x4038] =	vst v0  }
0x481: {  	[tilespmem:$0x4048] =	vst v0  }
0x482: {  	[tilespmem:$0x4058] =	vst v0  }
0x483: {  	[tilespmem:$0x4068] =	vst v0  }
0x484: {  	[tilespmem:$0x4078] =	vst v0  }
0x485: {  	[tilespmem:$0x4088] =	vst v0  }
0x486: {  	[tilespmem:$0x4098] =	vst v0  }
0x487: {  	[tilespmem:$0x40A8] =	vst v0  }
0x488: {  	[tilespmem:$0x40B8] =	vst v0  }
0x489: {  	[tilespmem:$0x40C8] =	vst v0  }
0x48a: {  	[tilespmem:$0x40D8] =	vst v0  }
0x48b: {  	[tilespmem:$0x40E8] =	vst v0  }
0x48c: {  	[tilespmem:$0x40F8] =	vst v0  }
0x48d: {  	[tilespmem:$0x4108] =	vst v0  }
0x48e: {  	[tilespmem:$0x4118] =	vst v0  }
0x48f: {  	[tilespmem:$0x4128] =	vst v0  }
0x490: {  	[tilespmem:$0x4138] =	vst v0  }
0x491: {  	[tilespmem:$0x4148] =	vst v0  }
0x492: {  	[tilespmem:$0x4158] =	vst v0  }
0x493: {  	[tilespmem:$0x4168] =	vst v0  }
0x494: {  	[tilespmem:$0x4178] =	vst v0  }
0x495: {  	[tilespmem:$0x4188] =	vst v0  }
0x496: {  	[tilespmem:$0x4198] =	vst v0  }
0x497: {  	[tilespmem:$0x41A8] =	vst v0  }
0x498: {  	[tilespmem:$0x41B8] =	vst v0  }
0x499: {  	[tilespmem:$0x41C8] =	vst v0  }
0x49a: {  	[tilespmem:$0x41D8] =	vst v0  }
0x49b: {  	[tilespmem:$0x41E8] =	vst v0  }
0x49c: {  	[tilespmem:$0x41F8] =	vst v0  }
0x49d: {  	[tilespmem:$0x4208] =	vst v0  }
0x49e: {  	[tilespmem:$0x4218] =	vst v0  }
0x49f: {  	[tilespmem:$0x4228] =	vst v0  }
0x4a0: {  	[tilespmem:$0x4238] =	vst v0  }
0x4a1: {  	[tilespmem:$0x4248] =	vst v0  }
0x4a2: {  	[tilespmem:$0x4258] =	vst v0  }
0x4a3: {  	[tilespmem:$0x4268] =	vst v0  }
0x4a4: {  	[tilespmem:$0x4278] =	vst v0  }
0x4a5: {  	[tilespmem:$0x4288] =	vst v0  }
0x4a6: {  	[tilespmem:$0x4298] =	vst v0  }
0x4a7: {  	[tilespmem:$0x42A8] =	vst v0  }
0x4a8: {  	[tilespmem:$0x42B8] =	vst v0  }
0x4a9: {  	[tilespmem:$0x42C8] =	vst v0  }
0x4aa: {  	[tilespmem:$0x42D8] =	vst v0  }
0x4ab: {  	[tilespmem:$0x42E8] =	vst v0  }
0x4ac: {  	[tilespmem:$0x42F8] =	vst v0  }
0x4ad: {  	[tilespmem:$0x4308] =	vst v0  }
0x4ae: {  	[tilespmem:$0x4318] =	vst v0  }
0x4af: {  	[tilespmem:$0x4328] =	vst v0  }
0x4b0: {  	[tilespmem:$0x4338] =	vst v0  }
0x4b1: {  	[tilespmem:$0x4348] =	vst v0  }
0x4b2: {  	[tilespmem:$0x4358] =	vst v0  }
0x4b3: {  	[tilespmem:$0x4368] =	vst v0  }
0x4b4: {  	[tilespmem:$0x4378] =	vst v0  }
0x4b5: {  	[tilespmem:$0x4388] =	vst v0  }
0x4b6: {  	[tilespmem:$0x4398] =	vst v0  }
0x4b7: {  	[tilespmem:$0x43A8] =	vst v0  }
0x4b8: {  	[tilespmem:$0x43B8] =	vst v0  }
0x4b9: {  	[tilespmem:$0x43C8] =	vst v0  }
0x4ba: {  	[tilespmem:$0x43D8] =	vst v0  }
0x4bb: {  	[tilespmem:$0x43E8] =	vst v0  }
0x4bc: {  	[tilespmem:$0x43F8] =	vst v0  }
0x4bd: {  	[tilespmem:$0x4408] =	vst v0  }
0x4be: {  	[tilespmem:$0x4418] =	vst v0  }
0x4bf: {  	[tilespmem:$0x4428] =	vst v0  }
0x4c0: {  	[tilespmem:$0x4438] =	vst v0  }
0x4c1: {  	[tilespmem:$0x4448] =	vst v0  }
0x4c2: {  	[tilespmem:$0x4458] =	vst v0  }
0x4c3: {  	[tilespmem:$0x4468] =	vst v0  }
0x4c4: {  	[tilespmem:$0x4478] =	vst v0  }
0x4c5: {  	[tilespmem:$0x4488] =	vst v0  }
0x4c6: {  	[tilespmem:$0x4498] =	vst v0  }
0x4c7: {  	[tilespmem:$0x44A8] =	vst v0  }
0x4c8: {  	[tilespmem:$0x44B8] =	vst v0  }
0x4c9: {  	[tilespmem:$0x44C8] =	vst v0  }
0x4ca: {  	[tilespmem:$0x44D8] =	vst v0  }
0x4cb: {  	[tilespmem:$0x44E8] =	vst v0  }
0x4cc: {  	[tilespmem:$0x44F8] =	vst v0  }
0x4cd: {  	[tilespmem:$0x4508] =	vst v0  }
0x4ce: {  	[tilespmem:$0x4518] =	vst v0  }
0x4cf: {  	[tilespmem:$0x4528] =	vst v0  }
0x4d0: {  	[tilespmem:$0x4538] =	vst v0  }
0x4d1: {  	[tilespmem:$0x4548] =	vst v0  }
0x4d2: {  	[tilespmem:$0x4558] =	vst v0  }
0x4d3: {  	[tilespmem:$0x4568] =	vst v0  }
0x4d4: {  	[tilespmem:$0x4578] =	vst v0  }
0x4d5: {  	[tilespmem:$0x4588] =	vst v0  }
0x4d6: {  	[tilespmem:$0x4598] =	vst v0  }
0x4d7: {  	[tilespmem:$0x45A8] =	vst v0  }
0x4d8: {  	[tilespmem:$0x45B8] =	vst v0  }
0x4d9: {  	[tilespmem:$0x45C8] =	vst v0  }
0x4da: {  	[tilespmem:$0x45D8] =	vst v0  }
0x4db: {  	[tilespmem:$0x45E8] =	vst v0  }
0x4dc: {  	[tilespmem:$0x45F8] =	vst v0  }
0x4dd: {  	[tilespmem:$0x4608] =	vst v0  }
0x4de: {  	[tilespmem:$0x4618] =	vst v0  }
0x4df: {  	[tilespmem:$0x4628] =	vst v0  }
0x4e0: {  	[tilespmem:$0x4638] =	vst v0  }
0x4e1: {  	[tilespmem:$0x4648] =	vst v0  }
0x4e2: {  	[tilespmem:$0x4658] =	vst v0  }
0x4e3: {  	[tilespmem:$0x4668] =	vst v0  }
0x4e4: {  	[tilespmem:$0x4678] =	vst v0  }
0x4e5: {  	[tilespmem:$0x4688] =	vst v0  }
0x4e6: {  	[tilespmem:$0x4698] =	vst v0  }
0x4e7: {  	[tilespmem:$0x46A8] =	vst v0  }
0x4e8: {  	[tilespmem:$0x46B8] =	vst v0  }
0x4e9: {  	[tilespmem:$0x46C8] =	vst v0  }
0x4ea: {  	[tilespmem:$0x46D8] =	vst v0  }
0x4eb: {  	[tilespmem:$0x46E8] =	vst v0  }
0x4ec: {  	[tilespmem:$0x46F8] =	vst v0  }
0x4ed: {  	[tilespmem:$0x4708] =	vst v0  }
0x4ee: {  	[tilespmem:$0x4718] =	vst v0  }
0x4ef: {  	[tilespmem:$0x4728] =	vst v0  }
0x4f0: {  	[tilespmem:$0x4738] =	vst v0  }
0x4f1: {  	[tilespmem:$0x4748] =	vst v0  }
0x4f2: {  	[tilespmem:$0x4758] =	vst v0  }
0x4f3: {  	[tilespmem:$0x4768] =	vst v0  }
0x4f4: {  	[tilespmem:$0x4778] =	vst v0  }
0x4f5: {  	[tilespmem:$0x4788] =	vst v0  }
0x4f6: {  	[tilespmem:$0x4798] =	vst v0  }
0x4f7: {  	[tilespmem:$0x47A8] =	vst v0  }
0x4f8: {  	[tilespmem:$0x47B8] =	vst v0  }
0x4f9: {  	[tilespmem:$0x47C8] =	vst v0  }
0x4fa: {  	[tilespmem:$0x47D8] =	vst v0  }
0x4fb: {  	[tilespmem:$0x47E8] =	vst v0  }
0x4fc: {  	[tilespmem:$0x47F8] =	vst v0  }
0x4fd: {  	[tilespmem:$0x4808] =	vst v0  }
0x4fe: {  	[tilespmem:$0x4818] =	vst v0  }
0x4ff: {  	[tilespmem:$0x4828] =	vst v0  }
0x500: {  	[tilespmem:$0x4838] =	vst v0  }
0x501: {  	[tilespmem:$0x4848] =	vst v0  }
0x502: {  	[tilespmem:$0x4858] =	vst v0  }
0x503: {  	[tilespmem:$0x4868] =	vst v0  }
0x504: {  	[tilespmem:$0x4878] =	vst v0  }
0x505: {  	[tilespmem:$0x4888] =	vst v0  }
0x506: {  	[tilespmem:$0x4898] =	vst v0  }
0x507: {  	[tilespmem:$0x48A8] =	vst v0  }
0x508: {  	[tilespmem:$0x48B8] =	vst v0  }
0x509: {  	[tilespmem:$0x48C8] =	vst v0  }
0x50a: {  	[tilespmem:$0x48D8] =	vst v0  }
0x50b: {  	[tilespmem:$0x48E8] =	vst v0  }
0x50c: {  	[tilespmem:$0x48F8] =	vst v0  }
0x50d: {  	[tilespmem:$0x4908] =	vst v0  }
0x50e: {  	[tilespmem:$0x4918] =	vst v0  }
0x50f: {  	[tilespmem:$0x4928] =	vst v0  }
0x510: {  	[tilespmem:$0x4938] =	vst v0  }
0x511: {  	[tilespmem:$0x4948] =	vst v0  }
0x512: {  	[tilespmem:$0x4958] =	vst v0  }
0x513: {  	[tilespmem:$0x4968] =	vst v0  }
0x514: {  	[tilespmem:$0x4978] =	vst v0  }
0x515: {  	[tilespmem:$0x4988] =	vst v0  }
0x516: {  	[tilespmem:$0x4998] =	vst v0  }
0x517: {  	[tilespmem:$0x49A8] =	vst v0  }
0x518: {  	[tilespmem:$0x49B8] =	vst v0  }
0x519: {  	[tilespmem:$0x49C8] =	vst v0  }
0x51a: {  	[tilespmem:$0x49D8] =	vst v0  }
0x51b: {  	[tilespmem:$0x49E8] =	vst v0  }
0x51c: {  	[tilespmem:$0x49F8] =	vst v0  }
0x51d: {  	[tilespmem:$0x4A08] =	vst v0  }
0x51e: {  	[tilespmem:$0x4A18] =	vst v0  }
0x51f: {  	[tilespmem:$0x4A28] =	vst v0  }
0x520: {  	[tilespmem:$0x4A38] =	vst v0  }
0x521: {  	[tilespmem:$0x4A48] =	vst v0  }
0x522: {  	[tilespmem:$0x4A58] =	vst v0  }
0x523: {  	[tilespmem:$0x4A68] =	vst v0  }
0x524: {  	[tilespmem:$0x4A78] =	vst v0  }
0x525: {  	[tilespmem:$0x4A88] =	vst v0  }
0x526: {  	[tilespmem:$0x4A98] =	vst v0  }
0x527: {  	[tilespmem:$0x4AA8] =	vst v0  }
0x528: {  	[tilespmem:$0x4AB8] =	vst v0  }
0x529: {  	[tilespmem:$0x4AC8] =	vst v0  }
0x52a: {  	[tilespmem:$0x4AD8] =	vst v0  }
0x52b: {  	[tilespmem:$0x4AE8] =	vst v0  }
0x52c: {  	[tilespmem:$0x4AF8] =	vst v0  }
0x52d: {  	[tilespmem:$0x4B08] =	vst v0  }
0x52e: {  	[tilespmem:$0x4B18] =	vst v0  }
0x52f: {  	[tilespmem:$0x4B28] =	vst v0  }
0x530: {  	[tilespmem:$0x4B38] =	vst v0  }
0x531: {  	[tilespmem:$0x4B48] =	vst v0  }
0x532: {  	[tilespmem:$0x4B58] =	vst v0  }
0x533: {  	[tilespmem:$0x4B68] =	vst v0  }
0x534: {  	[tilespmem:$0x4B78] =	vst v0  }
0x535: {  	[tilespmem:$0x4B88] =	vst v0  }
0x536: {  	[tilespmem:$0x4B98] =	vst v0  }
0x537: {  	[tilespmem:$0x4BA8] =	vst v0  }
0x538: {  	[tilespmem:$0x4BB8] =	vst v0  }
0x539: {  	[tilespmem:$0x4BC8] =	vst v0  }
0x53a: {  	[tilespmem:$0x4BD8] =	vst v0  }
0x53b: {  	[tilespmem:$0x4BE8] =	vst v0  }
0x53c: {  	[tilespmem:$0x4BF8] =	vst v0  }
0x53d: {  	[tilespmem:$0x4C08] =	vst v0  }
0x53e: {  	[tilespmem:$0x4C18] =	vst v0  }
0x53f: {  	[tilespmem:$0x4C28] =	vst v0  }
0x540: {  	[tilespmem:$0x4C38] =	vst v0  }
0x541: {  	[tilespmem:$0x4C48] =	vst v0  }
0x542: {  	[tilespmem:$0x4C58] =	vst v0  }
0x543: {  	[tilespmem:$0x4C68] =	vst v0  }
0x544: {  	[tilespmem:$0x4C78] =	vst v0  }
0x545: {  	[tilespmem:$0x4C88] =	vst v0  }
0x546: {  	[tilespmem:$0x4C98] =	vst v0  }
0x547: {  	[tilespmem:$0x4CA8] =	vst v0  }
0x548: {  	[tilespmem:$0x4CB8] =	vst v0  }
0x549: {  	[tilespmem:$0x4CC8] =	vst v0  }
0x54a: {  	[tilespmem:$0x4CD8] =	vst v0  }
0x54b: {  	[tilespmem:$0x4CF8] =	vst v0  }
0x54c: {  	[tilespmem:$0x4DA8] =	vst v0  }
0x54d: {  	[tilespmem:$0x5BD8] =	vst v0  }
0x54e: {  	[tilespmem:$0x5BC8] =	vst v0  }
0x54f: {  	[tilespmem:$0x4D38] =	vst v0  }
0x550: {  	[tilespmem:$0x5BB8] =	vst v0  }
0x551: {  	[tilespmem:$0x5BA8] =	vst v0  }
0x552: {  	[tilespmem:$0x5B98] =	vst v0  }
0x553: {  	[tilespmem:$0x5B88] =	vst v0  }
0x554: {  	[tilespmem:$0x5B78] =	vst v0  }
0x555: {  	[tilespmem:$0x5B68] =	vst v0  }
0x556: {  	[tilespmem:$0x5B58] =	vst v0  }
0x557: {  	[tilespmem:$0x5B48] =	vst v0  }
0x558: {  	[tilespmem:$0x5B38] =	vst v0  }
0x559: {  	[tilespmem:$0x5B28] =	vst v0  }
0x55a: {  	[tilespmem:$0x5B18] =	vst v0  }
0x55b: {  	[tilespmem:$0x5B08] =	vst v0  }
0x55c: {  	[tilespmem:$0x5AF8] =	vst v0  }
0x55d: {  	[tilespmem:$0x5AE8] =	vst v0  }
0x55e: {  	[tilespmem:$0x5AD8] =	vst v0  }
0x55f: {  	[tilespmem:$0x5AC8] =	vst v0  }
0x560: {  	[tilespmem:$0x5AB8] =	vst v0  }
0x561: {  	[tilespmem:$0x5AA8] =	vst v0  }
0x562: {  	[tilespmem:$0x5A98] =	vst v0  }
0x563: {  	[tilespmem:$0x5A88] =	vst v0  }
0x564: {  	[tilespmem:$0x5A78] =	vst v0  }
0x565: {  	[tilespmem:$0x5A68] =	vst v0  }
0x566: {  	[tilespmem:$0x5A58] =	vst v0  }
0x567: {  	[tilespmem:$0x5A48] =	vst v0  }
0x568: {  	[tilespmem:$0x5A38] =	vst v0  }
0x569: {  	[tilespmem:$0x5A28] =	vst v0  }
0x56a: {  	[tilespmem:$0x5A18] =	vst v0  }
0x56b: {  	[tilespmem:$0x5A08] =	vst v0  }
0x56c: {  	[tilespmem:$0x59F8] =	vst v0  }
0x56d: {  	[tilespmem:$0x59E8] =	vst v0  }
0x56e: {  	[tilespmem:$0x59D8] =	vst v0  }
0x56f: {  	[tilespmem:$0x59C8] =	vst v0  }
0x570: {  	[tilespmem:$0x59B8] =	vst v0  }
0x571: {  	[tilespmem:$0x59A8] =	vst v0  }
0x572: {  	[tilespmem:$0x5998] =	vst v0  }
0x573: {  	[tilespmem:$0x5988] =	vst v0  }
0x574: {  	[tilespmem:$0x5978] =	vst v0  }
0x575: {  	[tilespmem:$0x5968] =	vst v0  }
0x576: {  	[tilespmem:$0x5958] =	vst v0  }
0x577: {  	[tilespmem:$0x5948] =	vst v0  }
0x578: {  	[tilespmem:$0x5938] =	vst v0  }
0x579: {  	[tilespmem:$0x5928] =	vst v0  }
0x57a: {  	[tilespmem:$0x5918] =	vst v0  }
0x57b: {  	[tilespmem:$0x5908] =	vst v0  }
0x57c: {  	[tilespmem:$0x58F8] =	vst v0  }
0x57d: {  	[tilespmem:$0x58E8] =	vst v0  }
0x57e: {  	[tilespmem:$0x58D8] =	vst v0  }
0x57f: {  	[tilespmem:$0x58C8] =	vst v0  }
0x580: {  	[tilespmem:$0x58B8] =	vst v0  }
0x581: {  	[tilespmem:$0x58A8] =	vst v0  }
0x582: {  	[tilespmem:$0x5898] =	vst v0  }
0x583: {  	[tilespmem:$0x5888] =	vst v0  }
0x584: {  	[tilespmem:$0x5878] =	vst v0  }
0x585: {  	[tilespmem:$0x5868] =	vst v0  }
0x586: {  	[tilespmem:$0x5858] =	vst v0  }
0x587: {  	[tilespmem:$0x5848] =	vst v0  }
0x588: {  	[tilespmem:$0x5838] =	vst v0  }
0x589: {  	[tilespmem:$0x5828] =	vst v0  }
0x58a: {  	[tilespmem:$0x5818] =	vst v0  }
0x58b: {  	[tilespmem:$0x5808] =	vst v0  }
0x58c: {  	[tilespmem:$0x57F8] =	vst v0  }
0x58d: {  	[tilespmem:$0x57E8] =	vst v0  }
0x58e: {  	[tilespmem:$0x57D8] =	vst v0  }
0x58f: {  	[tilespmem:$0x57C8] =	vst v0  }
0x590: {  	[tilespmem:$0x57B8] =	vst v0  }
0x591: {  	[tilespmem:$0x57A8] =	vst v0  }
0x592: {  	[tilespmem:$0x5798] =	vst v0  }
0x593: {  	[tilespmem:$0x5788] =	vst v0  }
0x594: {  	[tilespmem:$0x5778] =	vst v0  }
0x595: {  	[tilespmem:$0x5768] =	vst v0  }
0x596: {  	[tilespmem:$0x5758] =	vst v0  }
0x597: {  	[tilespmem:$0x5748] =	vst v0  }
0x598: {  	[tilespmem:$0x5738] =	vst v0  }
0x599: {  	[tilespmem:$0x5728] =	vst v0  }
0x59a: {  	[tilespmem:$0x5718] =	vst v0  }
0x59b: {  	[tilespmem:$0x5708] =	vst v0  }
0x59c: {  	[tilespmem:$0x56F8] =	vst v0  }
0x59d: {  	[tilespmem:$0x56E8] =	vst v0  }
0x59e: {  	[tilespmem:$0x56D8] =	vst v0  }
0x59f: {  	[tilespmem:$0x56C8] =	vst v0  }
0x5a0: {  	[tilespmem:$0x56B8] =	vst v0  }
0x5a1: {  	[tilespmem:$0x56A8] =	vst v0  }
0x5a2: {  	[tilespmem:$0x5698] =	vst v0  }
0x5a3: {  	[tilespmem:$0x5688] =	vst v0  }
0x5a4: {  	[tilespmem:$0x5678] =	vst v0  }
0x5a5: {  	[tilespmem:$0x5668] =	vst v0  }
0x5a6: {  	[tilespmem:$0x5658] =	vst v0  }
0x5a7: {  	[tilespmem:$0x5648] =	vst v0  }
0x5a8: {  	[tilespmem:$0x5638] =	vst v0  }
0x5a9: {  	[tilespmem:$0x5628] =	vst v0  }
0x5aa: {  	[tilespmem:$0x5618] =	vst v0  }
0x5ab: {  	[tilespmem:$0x5608] =	vst v0  }
0x5ac: {  	[tilespmem:$0x55F8] =	vst v0  }
0x5ad: {  	[tilespmem:$0x55E8] =	vst v0  }
0x5ae: {  	[tilespmem:$0x55D8] =	vst v0  }
0x5af: {  	[tilespmem:$0x55C8] =	vst v0  }
0x5b0: {  	[tilespmem:$0x55B8] =	vst v0  }
0x5b1: {  	[tilespmem:$0x55A8] =	vst v0  }
0x5b2: {  	[tilespmem:$0x5598] =	vst v0  }
0x5b3: {  	[tilespmem:$0x5588] =	vst v0  }
0x5b4: {  	[tilespmem:$0x5578] =	vst v0  }
0x5b5: {  	[tilespmem:$0x5568] =	vst v0  }
0x5b6: {  	[tilespmem:$0x5558] =	vst v0  }
0x5b7: {  	[tilespmem:$0x5548] =	vst v0  }
0x5b8: {  	[tilespmem:$0x5538] =	vst v0  }
0x5b9: {  	[tilespmem:$0x5528] =	vst v0  }
0x5ba: {  	[tilespmem:$0x5518] =	vst v0  }
0x5bb: {  	[tilespmem:$0x5508] =	vst v0  }
0x5bc: {  	[tilespmem:$0x54F8] =	vst v0  }
0x5bd: {  	[tilespmem:$0x54E8] =	vst v0  }
0x5be: {  	[tilespmem:$0x54D8] =	vst v0  }
0x5bf: {  	[tilespmem:$0x54C8] =	vst v0  }
0x5c0: {  	[tilespmem:$0x54B8] =	vst v0  }
0x5c1: {  	[tilespmem:$0x54A8] =	vst v0  }
0x5c2: {  	[tilespmem:$0x5498] =	vst v0  }
0x5c3: {  	[tilespmem:$0x5488] =	vst v0  }
0x5c4: {  	[tilespmem:$0x5478] =	vst v0  }
0x5c5: {  	[tilespmem:$0x5468] =	vst v0  }
0x5c6: {  	[tilespmem:$0x5458] =	vst v0  }
0x5c7: {  	[tilespmem:$0x5448] =	vst v0  }
0x5c8: {  	[tilespmem:$0x5438] =	vst v0  }
0x5c9: {  	[tilespmem:$0x5428] =	vst v0  }
0x5ca: {  	[tilespmem:$0x5418] =	vst v0  }
0x5cb: {  	[tilespmem:$0x5408] =	vst v0  }
0x5cc: {  	[tilespmem:$0x53F8] =	vst v0  }
0x5cd: {  	[tilespmem:$0x53E8] =	vst v0  }
0x5ce: {  	[tilespmem:$0x53D8] =	vst v0  }
0x5cf: {  	[tilespmem:$0x53C8] =	vst v0  }
0x5d0: {  	[tilespmem:$0x53B8] =	vst v0  }
0x5d1: {  	[tilespmem:$0x53A8] =	vst v0  }
0x5d2: {  	[tilespmem:$0x5398] =	vst v0  }
0x5d3: {  	[tilespmem:$0x5388] =	vst v0  }
0x5d4: {  	[tilespmem:$0x5378] =	vst v0  }
0x5d5: {  	[tilespmem:$0x5368] =	vst v0  }
0x5d6: {  	[tilespmem:$0x5358] =	vst v0  }
0x5d7: {  	[tilespmem:$0x5348] =	vst v0  }
0x5d8: {  	[tilespmem:$0x5338] =	vst v0  }
0x5d9: {  	[tilespmem:$0x5328] =	vst v0  }
0x5da: {  	[tilespmem:$0x5318] =	vst v0  }
0x5db: {  	[tilespmem:$0x5308] =	vst v0  }
0x5dc: {  	[tilespmem:$0x52F8] =	vst v0  }
0x5dd: {  	[tilespmem:$0x52E8] =	vst v0  }
0x5de: {  	[tilespmem:$0x52D8] =	vst v0  }
0x5df: {  	[tilespmem:$0x52C8] =	vst v0  }
0x5e0: {  	[tilespmem:$0x52B8] =	vst v0  }
0x5e1: {  	[tilespmem:$0x52A8] =	vst v0  }
0x5e2: {  	[tilespmem:$0x5298] =	vst v0  }
0x5e3: {  	[tilespmem:$0x5288] =	vst v0  }
0x5e4: {  	[tilespmem:$0x5278] =	vst v0  }
0x5e5: {  	[tilespmem:$0x5268] =	vst v0  }
0x5e6: {  	[tilespmem:$0x5258] =	vst v0  }
0x5e7: {  	[tilespmem:$0x5248] =	vst v0  }
0x5e8: {  	[tilespmem:$0x5238] =	vst v0  }
0x5e9: {  	[tilespmem:$0x5228] =	vst v0  }
0x5ea: {  	[tilespmem:$0x5218] =	vst v0  }
0x5eb: {  	[tilespmem:$0x5208] =	vst v0  }
0x5ec: {  	[tilespmem:$0x51F8] =	vst v0  }
0x5ed: {  	[tilespmem:$0x51E8] =	vst v0  }
0x5ee: {  	[tilespmem:$0x51D8] =	vst v0  }
0x5ef: {  	[tilespmem:$0x51C8] =	vst v0  }
0x5f0: {  	[tilespmem:$0x51B8] =	vst v0  }
0x5f1: {  	[tilespmem:$0x51A8] =	vst v0  }
0x5f2: {  	[tilespmem:$0x5198] =	vst v0  }
0x5f3: {  	[tilespmem:$0x5188] =	vst v0  }
0x5f4: {  	[tilespmem:$0x5178] =	vst v0  }
0x5f5: {  	[tilespmem:$0x5168] =	vst v0  }
0x5f6: {  	[tilespmem:$0x5158] =	vst v0  }
0x5f7: {  	[tilespmem:$0x5148] =	vst v0  }
0x5f8: {  	[tilespmem:$0x5138] =	vst v0  }
0x5f9: {  	[tilespmem:$0x5128] =	vst v0  }
0x5fa: {  	[tilespmem:$0x5118] =	vst v0  }
0x5fb: {  	[tilespmem:$0x5108] =	vst v0  }
0x5fc: {  	[tilespmem:$0x50F8] =	vst v0  }
0x5fd: {  	[tilespmem:$0x50E8] =	vst v0  }
0x5fe: {  	[tilespmem:$0x50D8] =	vst v0  }
0x5ff: {  	[tilespmem:$0x50C8] =	vst v0  }
0x600: {  	[tilespmem:$0x50B8] =	vst v0  }
0x601: {  	[tilespmem:$0x50A8] =	vst v0  }
0x602: {  	[tilespmem:$0x5098] =	vst v0  }
0x603: {  	[tilespmem:$0x5088] =	vst v0  }
0x604: {  	[tilespmem:$0x5078] =	vst v0  }
0x605: {  	[tilespmem:$0x5068] =	vst v0  }
0x606: {  	[tilespmem:$0x5058] =	vst v0  }
0x607: {  	[tilespmem:$0x5048] =	vst v0  }
0x608: {  	[tilespmem:$0x5038] =	vst v0  }
0x609: {  	[tilespmem:$0x5028] =	vst v0  }
0x60a: {  	[tilespmem:$0x5018] =	vst v0  }
0x60b: {  	[tilespmem:$0x5008] =	vst v0  }
0x60c: {  	[tilespmem:$0x4FF8] =	vst v0  }
0x60d: {  	[tilespmem:$0x4FE8] =	vst v0  }
0x60e: {  	[tilespmem:$0x4FD8] =	vst v0  }
0x60f: {  	[tilespmem:$0x4FC8] =	vst v0  }
0x610: {  	[tilespmem:$0x4FB8] =	vst v0  }
0x611: {  	[tilespmem:$0x4FA8] =	vst v0  }
0x612: {  	[tilespmem:$0x4F98] =	vst v0  }
0x613: {  	[tilespmem:$0x4F88] =	vst v0  }
0x614: {  	[tilespmem:$0x4F78] =	vst v0  }
0x615: {  	[tilespmem:$0x4F68] =	vst v0  }
0x616: {  	[tilespmem:$0x4F58] =	vst v0  }
0x617: {  	[tilespmem:$0x4F48] =	vst v0  }
0x618: {  	[tilespmem:$0x4F38] =	vst v0  }
0x619: {  	[tilespmem:$0x4F28] =	vst v0  }
0x61a: {  	[tilespmem:$0x4F18] =	vst v0  }
0x61b: {  	[tilespmem:$0x4F08] =	vst v0  }
0x61c: {  	[tilespmem:$0x4EF8] =	vst v0  }
0x61d: {  	[tilespmem:$0x4EE8] =	vst v0  }
0x61e: {  	[tilespmem:$0x4ED8] =	vst v0  }
0x61f: {  	[tilespmem:$0x4EC8] =	vst v0  }
0x620: {  	[tilespmem:$0x4EB8] =	vst v0  }
0x621: {  	[tilespmem:$0x4EA8] =	vst v0  }
0x622: {  	[tilespmem:$0x4E98] =	vst v0  }
0x623: {  	[tilespmem:$0x4E88] =	vst v0  }
0x624: {  	[tilespmem:$0x4E78] =	vst v0  }
0x625: {  	[tilespmem:$0x4E68] =	vst v0  }
0x626: {  	[tilespmem:$0x4E58] =	vst v0  }
0x627: {  	[tilespmem:$0x4E48] =	vst v0  }
0x628: {  	[tilespmem:$0x4E38] =	vst v0  }
0x629: {  	[tilespmem:$0x4E28] =	vst v0  }
0x62a: {  	[tilespmem:$0x4E18] =	vst v0  }
0x62b: {  	[tilespmem:$0x4E08] =	vst v0  }
0x62c: {  	[tilespmem:$0x4DF8] =	vst v0  }
0x62d: {  	s3 =	stileid.u32;
	[tilespmem:$0x4DE8] =	vst v0  }
0x62e: {  	s24 =	smul.u32 $0x22, s3;
	[tilespmem:$0x4DD8] =	vst v0  }
0x62f: {  	s1 =	smin.u32 s3, $0xC;
	[tilespmem:$0x4DC8] =	vst v0  }
0x630: {  	[tilespmem:$0x4DB8] =	vst v0;
	s0 =	sadd.s32 s1, s24  }
0x631: {  	p0 =	slt.u32 s3, $0xC;
	[tilespmem:$0x4D88] =	vst v0;
	s1 =	simm.s32 $0x13B0;
	s9 =	smul.u32 $0x90, s0  }
0x632: {  	[tilespmem:$0x4D98] =	vst v0;
	s1 =	simm.s32 @!p0 $0x1320  }
0x633: {  	s7 =	simm.s32 $0x2;
	[tilespmem:$0x4D78] =	vst v0;
	s0 =	sadd.s32 s1, s9  }
0x634: {  	s8 =	simm.s32 $0x9;
	s29 =	simm.s32 $0xA;
	[tilespmem:$0x4D08] =	vst v0;
	s10 =	smin.u32 s0, $0x13880  }
0x635: {  	s11 =	simm.s32 $0xB;
	p1 =	por $0x0, $0x0;
	[tilespmem:$0x4D68] =	vst v0;
	s0 =	ssub.s32 s10, s9  }
0x636: {  	s18 =	simm.s32 $0x80;
	s19 =	simm.s32 $0x400;
	[tilespmem:$0x4D58] =	vst v0;
	p0 =	sgt.s32 s0, $0x0  }
0x637: {  	s20 =	simm.s32 $0xC;
	s21 =	simm.s32 $0x0;
	[tilespmem:$0x4D48] =	vst v0;
	s0 =	simm.s32 @!p0 $0x0  }
0x638: {  	s23 =	simm.s32 $0x0;
	s6 =	sadd.s32 $0xA6400, s5;
	[tilespmem:$0x4D28] =	vst v0;
	s25 =	smulhi.u32 $0x38E38E39, s0  }
0x639: {  	s12 =	sadd.s32 $0xEB5200, s5;
	s26 =	sand.u32 $0x1, s2;
	s30 =	smul.u32 $0x500, s3;
	[tilespmem:$0x4D18] =	vst v0  }
0x63a: {  	[tilespmem:$0x4CE8] =	vst v0;
	[sflag:s7] =	ssyncpa.u1 $0x0;
	v0 =	vimm.s32 $0xFFFFFFFF;
	s7 =	smul.u32 $0x2710, s26;
	s1 =	sshrl.u32 s25, $0x5  }
0x63b: {  	[dreg:$0x5] =	wrdreg s26;
	[tilespmem:$0xB688] =	vst v0;
	[sflag:s8] =	ssyncpa.u1 $0x0;
	s28 =	smul.u32 $0x90, s1  }
.Ltmp8:
0x63c: {  	s16 =	sshrl.u32 s30, $0x2;
	s24 =	simm.s32 $0x0;
	(pc) =	sbr.rel .LBB3_1-.Ltmp8, $4  }
0x63d: {  	[sflag:s29] =	ssyncpa.u1 $0x0;
	p0 =	sne.s32 s0, s28;
	s0 =	simm.s32 $0x1  }
0x63e: {  	s31 =	sadd.s32 s7, s5;
	s4 =	sadd.s32 s7, s4;
	s0 =	simm.s32 @!p0 $0x0  }
0x63f: {  	[sflag:s11] =	ssyncpa.u1 $0x0;
	s15 =	sadd.s32 $0xA1400, s31;
	s5 =	sadd.s32 s0, s1  }
0x640: {  	v0 =	vlaneseq.u32;
	s22 =	smov.u32 s9;
	p0 =	por $0x1, $0x1;
	s17 =	sadd.s32 $0x1, s5  }
.LBB3_22:
0x641: {  	s1 =	sshrl.u32 s1, $0x2  }
.LBB3_24:
0x642: {  	_ =	swait.ge [sflag:s20], s1  }
0x643: {  	s31 =	ssub.s32 $0x0, s1;
	v1 =	vmov s26;
	vm0 =	veq.s32 v0, $0x0;
	[sflag:s20] =	ssyncset.done $0x0  }
0x644: {  	vm15 =	veq.s32 v0, $0x2;
	v1 =	vsel vm0, s0, v1;
	[sflag:s20] =	ssyncadd.s32 s31  }
0x645: {  	v1 =	vsel vm15, s24, v1;
	[sflag:s20] =	ssyncpa.u1 $0x1  }
0x646: {  	[tilespmem:$0xB688] =	vst v1  }
.LBB3_25:
0x647: {  	s0 =	sadd.s32 $0x90, s22  }
0x648: {  	s1 =	smov.u32 s9;
	p2 =	slt.s32 s0, s10  }
0x649: {  	s1 =	smov.u32 @p2 s0;
	p2 =	sne.s32 s23, s17  }
.Ltmp9:
0x64a: {  	_ = 	snop;
	(pc) =	sbr.rel @!p2 .LBB3_26-.Ltmp9, $4  }
0x64b: {  	_ = 	snop  }
0x64c: {  	s24 =	smov.u32 s21  }
0x64d: {  	s31 =	sadd.s32 $0x1, s23;
	s21 =	smov.u32 s22;
	p0 =	por !p0, !p0  }
0x64e: {  	p1 =	por !p1, !p1;
	s23 =	smov.u32 s31;
	s22 =	smov.u32 s1  }
.LBB3_1:
0x64f: {  	p2 =	sge.u32 s23, s5  }
0x650: {  	s0 =	smulhi.u32 @!p2 $0xAAAAAAAB, s23  }
0x651: {  	s1 =	smov.u32 s22;
	p3 =	sgt.s32 @!p2 s22, $0x137F0  }
0x652: {  	s2 =	sshra.s32 @!p2 s22, $0x1F;
	p3 =	por !p3, p2;
	s0 =	sshrl.u32 @!p2 s0, $0x1  }
0x653: {  	s2 =	sand.u32 @!p2 s2, s22;
	s1 =	simm.s32 @p3 $0x137F0;
	s0 =	smul.u32 @!p2 $0x3, s0  }
0x654: {  	s1 =	ssub.s32 @!p2 s1, s2  }
0x655: {  	s1 =	sadd.s32 @!p2 $0xFFFEC810, s1;
	s0 =	ssub.s32 @!p2 s23, s0  }
0x656: {  	s2 =	sshll.u32 @!p2 s1, $0x2;
	p3 =	sgt.s32 @!p2 s1, $0x8F;
	s0 =	smul.u32 @!p2 $0x240, s0  }
0x657: {  	s7 =	sand.u32 @!p2 $0x7, s22;
	s1 =	ssub.s32 @!p2 $0x240, s2;
	p3 =	por !p3, p2  }
0x658: {  	s2 =	sshrl.u32 @!p2 s22, $0x3;
	s1 =	sshrl.u32 @!p2 s1, $0x2;
	s0 =	sshrl.u32 @!p2 s0, $0x2  }
0x659: {  	s2 =	sadd.s32 @!p2 s2, s15;
	s1 =	simm.s32 @!p3 $0x0;
	s0 =	sadd.s32 @!p2 $0xCAC8, s0  }
0x65a: {  	[tilespmem:s0], [sflag:$0xA] =	stream.linear.gather @!p2 [hbm4b:s2+s7], s1, $0x38;
	[tilespmem:$0x1ED98] =	vst v63  }
0x65b: {  	s1 =	sadd.s32 $0xFFFFFFFF, s23  }
0x65c: {  	p2 =	sge.u32 s1, s5  }
0x65d: {  	p3 =	sgt.s32 @!p2 s21, $0x137F0  }
0x65e: {  	s0 =	smov.u32 s21;
	s2 =	sshra.s32 @!p2 s21, $0x1F;
	p3 =	por !p3, p2  }
0x65f: {  	s2 =	sand.u32 @!p2 s2, s21;
	s0 =	simm.s32 @p3 $0x137F0  }
0x660: {  	s0 =	ssub.s32 @!p2 s0, s2  }
0x661: {  	s0 =	sadd.s32 @!p2 $0xFFFEC810, s0  }
0x662: {  	s2 =	sshll.u32 @!p2 s0, $0x2  }
0x663: {  	p3 =	sgt.s32 @!p2 s0, $0x8F;
	s0 =	ssub.s32 @!p2 $0x240, s2  }
0x664: {  	p3 =	por !p3, p2;
	s0 =	sshrl.u32 @!p2 s0, $0x2  }
0x665: {  	s7 =	simm.s32 @!p2 $0xA;
	s2 =	sand.u32 @!p2 $0x1, s1;
	s0 =	simm.s32 @!p3 $0x0  }
0x666: {  	s2 =	smul.u32 @!p2 $0x240, s2;
	_ =	swait.ge @!p2 [sflag:s7], s0  }
0x667: {  	s8 =	ssub.s32 @!p2 $0x0, s0;
	[sflag:s7] =	ssyncset.done @!p2 $0x0  }
0x668: {  	s2 =	sshrl.u32 @!p2 s2, $0x2;
	[sflag:s7] =	ssyncadd.s32 @!p2 s8;
	s7 =	sshrl.u32 @!p2 s21, $0x3  }
0x669: {  	s2 =	sadd.s32 @!p2 $0xCC78, s2;
	s8 =	sand.u32 @!p2 $0x7, s21;
	s7 =	sadd.s32 @!p2 s7, s4  }
0x66a: {  	[tilespmem:s2], [sflag:$0xB] =	stream.linear.gather @!p2 [hbm4b:s7+s8], s0, $0x38;
	[tilespmem:$0x1ED98] =	vst v63  }
0x66b: {  	s0 =	ssub.s32 @!p2 $0x13880, s21  }
0x66c: {  	p3 =	slt.s32 @!p2 s0, $0x1  }
0x66d: {  	p3 =	por p2, p3  }
.Ltmp10:
0x66e: {  	_ = 	snop;
	(pc) =	sbr.rel @p3 .LBB3_7-.Ltmp10, $1  }
0x66f: {  	_ =	sdelay $0x3  }
0x670: {  	s2 =	smulhi.u32 $0xAAAAAAAB, s1;
	_ =	sdelay $0x1  }
0x671: {  	s2 =	sshrl.u32 s2, $0x1  }
0x672: {  	s2 =	smul.u32 $0x3, s2;
	_ =	sdelay $0x1  }
0x673: {  	s29 =	ssub.s32 s1, s2  }
0x674: {  	s7 =	simm.s32 $0x1;
	s1 =	smul.u32 $0x240, s29  }
.Ltmp11:
0x675: {  	s7 =	simm.s32 @!p0 $0x0;
	(pc) =	sbr.rel .LBB3_4-.Ltmp11, $4  }
0x676: {  	s30 =	smul.u32 $0x24000, s7  }
0x677: {  	p3 =	slt.s32 @!p2 s0, $0x90;
	s1 =	sshrl.u32 s1, $0x2  }
0x678: {  	p2 =	por !p3, p2;
	s2 =	sshrl.u32 s30, $0x2;
	s31 =	sadd.s32 $0xCAC8, s1  }
0x679: {  	s0 =	simm.s32 @p2 $0x90;
	s1 =	sadd.s32 $0xCD98, s2;
	s2 =	simm.s32 $0x0;
	v1 =	vmov s31  }
.LBB3_3:
0x67a: {  	p2 =	sge.s32 s2, s0  }
.Ltmp12:
0x67b: {  	_ = 	snop;
	(pc) =	sbr.rel @p2 .LBB3_7-.Ltmp12, $2  }
0x67c: {  	_ =	sdelay $0x2  }
0x67d: {  	s1 =	sadd.s32 $0x1000, s1  }
.LBB3_4:
0x67e: {  	p2 =	sle.s32 s0, s2  }
.Ltmp13:
0x67f: {  	_ = 	snop;
	(pc) =	sbr.rel @p2 .LBB3_3-.Ltmp13, $2  }
0x680: {  	_ =	sdelay $0x2  }
0x681: {  	s8 =	smov.u32 s2;
	s2 =	sadd.s32 $0x10, s2  }
0x682: {  	s7 =	ssub.s32 s0, s8  }
0x683: {  	p2 =	slt.s32 s7, $0x10  }
0x684: {  	s7 =	simm.s32 @!p2 $0x10  }
0x685: {  	v2 =	vmov s7  }
0x686: {  	vm0 =	vgt.s32 v2, v0;
	_ =	sdelay $0x5  }
0x687: {  	v2 =	vld.idx.msk [tilespmem:v1+s8+$0x0 ss:$0x1], vm0;
	_ =	sdelay $0x2  }
0x688: {  	p2 =	slt.s32 s2, s0;
	s7 =	smov.u32 s0  }
0x689: {  	s11 =	smov.u32 s1;
	s25 =	simm.s32 $0x0;
	s7 =	smov.u32 @p2 s2  }
.LBB3_6:
0x68a: {  	(v2sf) =	vpush v2, s25;
	_ =	sdelay $0xe  }
0x68b: {  	s25 =	sadd.s32 $0x1, s25;
	s13 =	spop (v2sf)  }
0x68c: {  	s31 =	sadd.s32 s25, s8;
	s26 =	sshll.u32 s13, $0x8;
	s13 =	sshll.u32 s13, $0x7  }
0x68d: {  	p2 =	slt.s32 s31, s7;
	s26 =	sand.u32 $0xFFFFF800, s26;
	s13 =	sand.u32 $0x380, s13  }
.Ltmp14:
0x68e: {  	s13 =	sor.u32 s13, s26;
	(pc) =	sbr.rel @p2 .LBB3_6-.Ltmp14, $4  }
0x68f: {  	s13 =	sshrl.u32 s13, $0x3  }
0x690: {  	s13 =	sadd.s32 s12, s13  }
0x691: {  	[tilespmem:s11], [sflag:$0x9] =	stream.strided.gather [hbm4b:s13+s18], $0x100, s19, s18, $0x38;
	[tilespmem:$0x1ED98] =	vst v63  }
0x692: {  	s11 =	sadd.s32 $0x100, s11  }
.Ltmp15:
0x693: {  	_ = 	snop;
	(pc) =	sbr.rel .LBB3_3-.Ltmp15, $1  }
0x694: {  	_ =	sdelay $0x3  }
.LBB3_7:
0x695: {  	p2 =	slt.u32 s23, $0x2  }
.Ltmp16:
0x696: {  	_ = 	snop;
	(pc) =	sbr.rel @p2 .LBB3_25-.Ltmp16, $1  }
0x697: {  	_ =	sdelay $0x3  }
0x698: {  	p2 =	sgt.s32 s24, $0x137F0  }
0x699: {  	s0 =	smov.u32 s24;
	s1 =	sshra.s32 s24, $0x1F;
	s2 =	ssub.s32 $0x13880, s24  }
0x69a: {  	s0 =	simm.s32 @!p2 $0x137F0;
	s1 =	sand.u32 s1, s24;
	p2 =	slt.s32 s2, $0x90  }
0x69b: {  	s0 =	ssub.s32 s0, s1;
	s2 =	simm.s32 @!p2 $0x90  }
0x69c: {  	s0 =	sadd.s32 $0xFFFEC810, s0;
	s14 =	sshll.u32 s2, $0x8  }
0x69d: {  	s29 =	simm.s32 $0x9;
	s25 =	sshll.u32 s0, $0x2;
	s1 =	sand.u32 $0x3FFFFF00, s14  }
0x69e: {  	p2 =	sgt.s32 s0, $0x8F;
	s26 =	ssub.s32 $0x240, s25;
	_ =	swait.ge [sflag:s29], s1  }
0x69f: {  	s1 =	ssub.s32 $0x0, s1;
	[sflag:s29] =	ssyncset.done $0x0;
	s0 =	sshrl.u32 s26, $0x2  }
0x6a0: {  	s30 =	simm.s32 $0xB;
	[sflag:s29] =	ssyncadd.s32 s1;
	s0 =	simm.s32 @p2 $0x0  }
0x6a1: {  	_ =	swait.ge [sflag:s30], s0  }
0x6a2: {  	s0 =	ssub.s32 $0x0, s0;
	[sflag:s30] =	ssyncset.done $0x0  }
0x6a3: {  	[sflag:s30] =	ssyncadd.s32 s0  }
0x6a4: {  	v1 =	vld [tilespmem:$0xB688];
	_ =	sdelay $0x4  }
0x6a5: {  	(v2sf) =	vpush v1, $0x0  }
0x6a6: {  	(v2sf) =	vpush v1, $0x1  }
0x6a7: {  	(v2sf) =	vpush v1, $0x2;
	_ =	sdelay $0x3  }
0x6a8: {  	s0 =	sadd.s32 $0x90, s24  }
0x6a9: {  	s7 =	ssub.s32 $0x27100, s24;
	p2 =	slt.s32 s10, s0  }
0x6aa: {  	s0 =	smov.u32 @p2 s10;
	p2 =	sgt.s32 s7, $0x0  }
0x6ab: {  	s0 =	ssub.s32 s0, s24;
	s7 =	simm.s32 @!p2 $0x0  }
0x6ac: {  	p2 =	slt.s32 s7, s0  }
0x6ad: {  	s0 =	smov.u32 @p2 s7  }
0x6ae: {  	s1 =	simm.s32 $0x1;
	p2 =	slt.s32 s0, $0x1  }
.Ltmp17:
0x6af: {  	s1 =	simm.s32 @!p1 $0x0;
	(pc) =	sbr.rel @p2 .LBB3_12-.Ltmp17, $4  }
0x6b0: {  	s8 =	smul.u32 $0x240, s1  }
0x6b1: {  	s2 =	spop (v2sf)  }
0x6b2: {  	s31 =	sshrl.u32 s8, $0x2;
	s28 =	spop (v2sf)  }
0x6b3: {  	s25 =	sadd.s32 $0xCC78, s31;
	s24 =	spop (v2sf)  }
0x6b4: {  	s7 =	smin.u32 s0, $0x10  }
0x6b5: {  	v1 =	vmov s7  }
0x6b6: {  	vm1 =	vgt.u32 v1, v0  }
0x6b7: {  	p3 =	sgt.s32 s0, $0x10  }
.Ltmp18:
0x6b8: {  	_ = 	snop;
	(pc) =	sbr.rel @!p3 .LBB3_11-.Ltmp18, $2  }
0x6b9: {  	_ =	sdelay $0x2  }
0x6ba: {  	s26 =	simm.s32 $0x10;
	s29 =	sadd.s32 $0xFFFFFFF0, s0;
	s8 =	smov.u32 s25;
	vm0 =	vmmov vm1;
	v1 =	vld.msk [tilespmem:s25+$0x0 ss:$0x1], vm1  }
.LBB3_10:
0x6bb: {  	s7 =	smin.u32 s29, $0x10;
	s26 =	sadd.s32 $0x10, s26  }
0x6bc: {  	v2 =	vmov s7;
	p3 =	slt.s32 s26, s0  }
0x6bd: {  	vm1 =	vgt.u32 v2, v0;
	_ =	sdelay $0x1  }
0x6be: {  	v2 =	vshll.u32 v1, $0x5;
	v1 =	vshll.u32 v1, $0x4  }
.Ltmp19:
0x6bf: {  	v2 =	vand.u32 $0xFFFFFF00, v2;
	v1 =	vand.u32 $0x70, v1;
	(pc) =	sbr.rel @p3 .LBB3_10-.Ltmp19, $4  }
0x6c0: {  	v1 =	vor.u32 v1, v2  }
0x6c1: {  	[tilespmem:s8+$0x0] =	vst.msk vm0, v1;
	s8 =	sadd.s32 $0x10, s8;
	vm0 =	vmmov vm1  }
0x6c2: {  	v1 =	vld.msk [tilespmem:s8+$0x0 ss:$0x1], vm1  }
0x6c3: {  	s29 =	sadd.s32 $0xFFFFFFF0, s29  }
.LBB3_11:
0x6c4: {  	_ =	sdelay $0x3  }
0x6c5: {  	v2 =	vshll.u32 v1, $0x5;
	v1 =	vshll.u32 v1, $0x4  }
0x6c6: {  	v2 =	vand.u32 $0xFFFFFF00, v2;
	v1 =	vand.u32 $0x70, v1  }
0x6c7: {  	v1 =	vor.u32 v1, v2  }
0x6c8: {  	[tilespmem:s8+$0x0] =	vst.msk vm0, v1  }
.LBB3_12:
0x6c9: {  	s7 =	sand.u32 $0x1, s23  }
0x6ca: {  	s7 =	smul.u32 $0x90, s7  }
0x6cb: {  	p3 =	sne.s32 s28, $0xFFFFFFFF  }
0x6cc: {  	v1 =	vld.msk @!p3 [tilespmem:s7+$0xCC78], $0x1;
	_ =	sdelay $0x4  }
0x6cd: {  	(v2sf) =	vpush @!p3 v1, $0x0;
	_ =	sdelay $0xc  }
.Ltmp20:
0x6ce: {  	_ = 	snop;
	(pc) =	sbr.rel @p2 .LBB3_23-.Ltmp20, $4  }
0x6cf: {  	_ = 	snop  }
0x6d0: {  	s31 =	spop @!p3 (v2sf)  }
0x6d1: {  	s24 =	simm.s32 @!p3 $0x0;
	s26 =	smov.u32 s31  }
0x6d2: {  	[sflag:s20] =	ssyncpa.u1 $0x0;
	s31 =	smov.u32 @p3 s2;
	s26 =	smov.u32 @p3 s28  }
0x6d3: {  	v1 =	vld.msk [tilespmem:s25+$0x0], $0x1;
	_ =	sdelay $0x4  }
0x6d4: {  	(v2sf) =	vpush v1, $0x0;
	_ =	sdelay $0xe  }
0x6d5: {  	s1 =	smul.u32 $0x24000, s1;
	s2 =	spop (v2sf)  }
0x6d6: {  	s28 =	simm.s32 $0x0;
	s8 =	smov.u32 s31;
	p2 =	seq.s32 s31, s2  }
0x6d7: {  	s30 =	ssub.s32 $0x0, s0;
	p3 =	sgt.s32 @!p2 s31, $0x0;
	s7 =	smul.u32 @!p2 $0x280, s28  }
0x6d8: {  	s0 =	sadd.s32 $0x1, s30;
	s1 =	sshrl.u32 s1, $0x2;
	p3 =	por !p3, p2  }
0x6d9: {  	s29 =	sadd.s32 $0xCDE8, s1;
	s8 =	simm.s32 @p3 $0x0;
	s1 =	sshra.s32 @!p2 s7, $0x2  }
0x6da: {  	p3 =	seq.s32 s0, $0x0;
	s7 =	smin.u32 @!p2 s8, $0x4E17C;
	s8 =	simm.s32 @!p2 $0x1  }
.Ltmp21:
0x6db: {  	s11 =	sadd.s32 @!p2 $0x5BE8, s1;
	s13 =	sand.u32 @!p2 $0x7FFF8, s7;
	(pc) =	sbr.rel @p3 .LBB3_15-.Ltmp21, $4  }
0x6dc: {  	s14 =	sadd.s32 @!p2 $0x80, s7;
	s7 =	sand.u32 @!p2 $0x7, s7;
	s13 =	sadd.s32 @!p2 s6, s13  }
0x6dd: {  	[tilespmem:s11], [sflag:$0x2] =	stream.linear.gather @!p2 [hbm4b:s13+s7], $0x80, $0x38;
	[tilespmem:$0x1ED98] =	vst v63  }
0x6de: {  	s8 =	smov.u32 @p2 s28;
	s13 =	sand.u32 @!p2 $0xFFFF8, s14  }
0x6df: {  	s11 =	sadd.s32 @!p2 $0x5C68, s1;
	s1 =	sadd.s32 $0x1, s25;
	s13 =	sadd.s32 @!p2 s6, s13  }
.LBB3_14:
0x6e0: {  	s14 =	smov.u32 s8  }
0x6e1: {  	[tilespmem:s11], [sflag:$0x2] =	stream.linear.gather @!p2 [hbm4b:s13+s7], $0x20, $0x38;
	[tilespmem:$0x1ED98] =	vst v63  }
0x6e2: {  	s0 =	sadd.s32 $0x1, s0;
	s7 =	smov.u32 s2;
	v1 =	vld.msk [tilespmem:s1+$0x0], $0x1  }
0x6e3: {  	p3 =	seq.s32 s0, $0x0;
	_ =	sdelay $0x3  }
0x6e4: {  	(v2sf) =	vpush v1, $0x0;
	_ =	sdelay $0xe  }
0x6e5: {  	s2 =	spop (v2sf)  }
0x6e6: {  	p2 =	seq.s32 s7, s2  }
0x6e7: {  	p4 =	sgt.s32 @!p2 s7, $0x0;
	s11 =	smul.u32 @!p2 $0x280, s8;
	s8 =	sadd.s32 @!p2 $0x1, s8  }
0x6e8: {  	p4 =	por !p4, p2;
	s8 =	smov.u32 @p2 s14  }
0x6e9: {  	s7 =	simm.s32 @p4 $0x0;
	s11 =	sshra.s32 @!p2 s11, $0x2  }
.Ltmp22:
0x6ea: {  	s7 =	smin.u32 @!p2 s7, $0x4E17C;
	s13 =	sadd.s32 @!p2 $0x5BE8, s11;
	(pc) =	sbr.rel @!p3 .LBB3_14-.Ltmp22, $4  }
0x6eb: {  	s11 =	sadd.s32 @!p2 $0x5C68, s11;
	s14 =	sand.u32 @!p2 $0x7FFF8, s7;
	s3 =	sadd.s32 @!p2 $0x80, s7  }
0x6ec: {  	s7 =	sand.u32 @!p2 $0x7, s7;
	s14 =	sadd.s32 @!p2 s6, s14;
	s3 =	sand.u32 @!p2 $0xFFFF8, s3  }
0x6ed: {  	[tilespmem:s13], [sflag:$0x2] =	stream.linear.gather @!p2 [hbm4b:s14+s7], $0x80, $0x38;
	[tilespmem:$0x1ED98] =	vst v63  }
0x6ee: {  	s1 =	sadd.s32 $0x1, s1;
	s13 =	sadd.s32 @!p2 s6, s3  }
.LBB3_15:
0x6ef: {  	s0 =	smul.u32 $0x280, s8  }
0x6f0: {  	[tilespmem:s11], [sflag:$0x2] =	stream.linear.gather @!p2 [hbm4b:s13+s7], $0x20, $0x38;
	[tilespmem:$0x1ED98] =	vst v63  }
.Ltmp23:
0x6f1: {  	_ = 	snop;
	(pc) =	sbr.rel .LBB3_16-.Ltmp23, $4  }
0x6f2: {  	s1 =	simm.s32 $0x2;
	s0 =	sshrl.u32 s0, $0x2  }
0x6f3: {  	_ =	swait.ge [sflag:s1], s0  }
0x6f4: {  	s0 =	ssub.s32 $0x0, s0;
	[sflag:s1] =	ssyncset.done $0x0  }
0x6f5: {  	s11 =	simm.s32 $0x1;
	[sflag:s1] =	ssyncadd.s32 s0;
	s1 =	simm.s32 $0x0  }
.LBB3_17:
0x6f6: {  	v1 =	vld [tilespmem:s29+$0xFFFFFFB0];
	_ =	sdelay $0x4  }
0x6f7: {  	[tilespmem:s2+$0x148] =	vst.add.f32.msk $0xffff, v1  }
0x6f8: {  	v1 =	vld [tilespmem:s29+$0xFFFFFFC0];
	_ =	sdelay $0x4  }
0x6f9: {  	[tilespmem:s2+$0x158] =	vst.add.f32.msk $0xffff, v1  }
0x6fa: {  	v1 =	vld [tilespmem:s29+$0xFFFFFFD0];
	_ =	sdelay $0x4  }
0x6fb: {  	[tilespmem:s2+$0x168] =	vst.add.f32.msk $0xffff, v1  }
0x6fc: {  	v1 =	vld [tilespmem:s29+$0xFFFFFFE0];
	_ =	sdelay $0x4  }
0x6fd: {  	[tilespmem:s2+$0x178] =	vst.add.f32.msk $0xffff, v1  }
0x6fe: {  	v1 =	vld [tilespmem:s29+$0xFFFFFFF0];
	_ =	sdelay $0x4  }
0x6ff: {  	[tilespmem:s2+$0x188] =	vst.add.f32.msk $0xffff, v1  }
0x700: {  	v1 =	vld [tilespmem:s29+$0x0];
	_ =	sdelay $0x4  }
0x701: {  	[tilespmem:s2+$0x198] =	vst.add.f32.msk $0xffff, v1  }
0x702: {  	v1 =	vld [tilespmem:s29+$0x10];
	_ =	sdelay $0x4  }
0x703: {  	[tilespmem:s2+$0x1A8] =	vst.add.f32.msk $0xffff, v1  }
0x704: {  	v1 =	vld [tilespmem:s29+$0x20];
	_ =	sdelay $0x4  }
0x705: {  	[tilespmem:s2+$0x1B8] =	vst.add.f32.msk $0xffff, v1  }
0x706: {  	v1 =	vld [tilespmem:s29+$0x30];
	_ =	sdelay $0x4  }
0x707: {  	[tilespmem:s2+$0x1C8] =	vst.add.f32.msk $0xffff, v1  }
0x708: {  	v1 =	vld [tilespmem:s29+$0x40];
	_ =	sdelay $0x4  }
0x709: {  	[tilespmem:s2+$0x1D8] =	vst.add.f32.msk $0xffff, v1  }
.LBB3_21:
0x70a: {  	s30 =	sadd.s32 $0x1, s30  }
0x70b: {  	p2 =	seq.s32 s30, $0x0  }
.Ltmp24:
0x70c: {  	_ = 	snop;
	(pc) =	sbr.rel @p2 .LBB3_22-.Ltmp24, $2  }
0x70d: {  	_ =	sdelay $0x2  }
0x70e: {  	s25 =	sadd.s32 $0x1, s25;
	s29 =	sadd.s32 $0x100, s29;
	s31 =	smov.u32 s0  }
.LBB3_16:
0x70f: {  	v1 =	vld.msk [tilespmem:s25+$0x0], $0x1;
	_ =	sdelay $0x4  }
0x710: {  	(v2sf) =	vpush v1, $0x0;
	_ =	sdelay $0xe  }
0x711: {  	s0 =	spop (v2sf)  }
0x712: {  	p2 =	sne.s32 s31, s0  }
.Ltmp25:
0x713: {  	_ = 	snop;
	(pc) =	sbr.rel @!p2 .LBB3_17-.Ltmp25, $3  }
0x714: {  	_ = 	snop  }
0x715: {  	s2 =	smul.u32 $0x280, s24;
	_ =	sdelay $0x1  }
0x716: {  	s2 =	sshra.s32 s2, $0x2  }
0x717: {  	p2 =	seq.s32 s31, s26  }
.Ltmp26:
0x718: {  	_ = 	snop;
	(pc) =	sbr.rel @!p2 .LBB3_19-.Ltmp26, $1  }
0x719: {  	_ =	sdelay $0x3  }
.Ltmp27:
0x71a: {  	s2 =	sadd.s32 $0x148, s2;
	(pc) =	sbr.rel .LBB3_20-.Ltmp27, $4  }
0x71b: {  	[spmem:s16] =	stream.linear.scatter [tilespmem:s2], [sflag:$0x1], $0xA0, $0x38;
	[tilespmem:$0x1ED98] =	vst v63  }
0x71c: {  	_ =	swait.ge [sflag:s11], $0xA0  }
0x71d: {  	[sflag:s11] =	ssyncset.done $0x0  }
0x71e: {  	[sflag:s11] =	ssyncadd.s32 $0xFFFFFF60  }
.LBB3_19:
0x71f: {  	s3 =	smul.u32 $0x280, s28;
	_ =	sdelay $0x1  }
0x720: {  	s3 =	sshra.s32 s3, $0x2  }
0x721: {  	v1 =	vld [tilespmem:s3+$0x5BE8];
	_ =	sdelay $0x4  }
0x722: {  	[tilespmem:s2+$0x148] =	vst.add.f32.msk $0xffff, v1  }
0x723: {  	v1 =	vld [tilespmem:s3+$0x5BF8];
	_ =	sdelay $0x4  }
0x724: {  	[tilespmem:s2+$0x158] =	vst.add.f32.msk $0xffff, v1  }
0x725: {  	v1 =	vld [tilespmem:s3+$0x5C08];
	_ =	sdelay $0x4  }
0x726: {  	[tilespmem:s2+$0x168] =	vst.add.f32.msk $0xffff, v1  }
0x727: {  	v1 =	vld [tilespmem:s3+$0x5C18];
	_ =	sdelay $0x4  }
0x728: {  	[tilespmem:s2+$0x178] =	vst.add.f32.msk $0xffff, v1  }
0x729: {  	v1 =	vld [tilespmem:s3+$0x5C28];
	_ =	sdelay $0x4  }
0x72a: {  	[tilespmem:s2+$0x188] =	vst.add.f32.msk $0xffff, v1  }
0x72b: {  	v1 =	vld [tilespmem:s3+$0x5C38];
	_ =	sdelay $0x4  }
0x72c: {  	[tilespmem:s2+$0x198] =	vst.add.f32.msk $0xffff, v1  }
0x72d: {  	v1 =	vld [tilespmem:s3+$0x5C48];
	_ =	sdelay $0x4  }
0x72e: {  	[tilespmem:s2+$0x1A8] =	vst.add.f32.msk $0xffff, v1  }
0x72f: {  	v1 =	vld [tilespmem:s3+$0x5C58];
	_ =	sdelay $0x4  }
0x730: {  	[tilespmem:s2+$0x1B8] =	vst.add.f32.msk $0xffff, v1  }
0x731: {  	v1 =	vld [tilespmem:s3+$0x5C68];
	_ =	sdelay $0x4  }
0x732: {  	[tilespmem:s2+$0x1C8] =	vst.add.f32.msk $0xffff, v1  }
0x733: {  	v1 =	vld [tilespmem:s3+$0x5C78];
	_ =	sdelay $0x2  }
0x734: {  	p2 =	sgt.u32 s31, $0x4E17C  }
0x735: {  	s3 =	sand.u32 @!p2 $0x7FFF8, s31  }
0x736: {  	s7 =	sadd.s32 $0x148, s2;
	s8 =	sand.u32 @!p2 $0x7, s31;
	s3 =	sadd.s32 @!p2 s6, s3;
	[tilespmem:s2+$0x1D8] =	vst.add.f32.msk $0xffff, v1  }
0x737: {  	[hbm4b:s3+s8] =	stream.linear.scatter @!p2 [tilespmem:s7], [sflag:$0xC], $0x80, $0x38;
	[tilespmem:$0x1ED98] =	vst v63  }
0x738: {  	s3 =	sadd.s32 @!p2 $0x80, s31  }
0x739: {  	s3 =	sand.u32 @!p2 $0xFFFF8, s3  }
0x73a: {  	s2 =	sadd.s32 $0x1C8, s2;
	s3 =	sadd.s32 @!p2 s6, s3  }
0x73b: {  	[hbm4b:s3+s8] =	stream.linear.scatter @!p2 [tilespmem:s2], [sflag:$0xC], $0x20, $0x38;
	[tilespmem:$0x1ED98] =	vst v63  }
0x73c: {  	s2 =	simm.s32 $0x0  }
0x73d: {  	s2 =	simm.s32 @!p2 $0x280  }
0x73e: {  	s1 =	sadd.s32 s2, s1  }
.LBB3_20:
0x73f: {  	s2 =	sadd.s32 $0x1, s24  }
0x740: {  	s3 =	smulhi.u32 $0x38E38E39, s2;
	_ =	sdelay $0x1  }
0x741: {  	s3 =	sshrl.u32 s3, $0x5  }
0x742: {  	s3 =	smul.u32 $0x90, s3  }
0x743: {  	v1 =	vld [tilespmem:s29+$0xFFFFFFB0]  }
0x744: {  	s24 =	ssub.s32 s2, s3  }
0x745: {  	s2 =	smul.u32 $0x280, s24;
	_ =	sdelay $0x1  }
0x746: {  	s2 =	sshrl.u32 s2, $0x2  }
0x747: {  	[tilespmem:s2+$0x148] =	vst v1  }
0x748: {  	v1 =	vld [tilespmem:s29+$0xFFFFFFC0];
	_ =	sdelay $0x4  }
0x749: {  	[tilespmem:s2+$0x158] =	vst v1  }
0x74a: {  	v1 =	vld [tilespmem:s29+$0xFFFFFFD0];
	_ =	sdelay $0x4  }
0x74b: {  	[tilespmem:s2+$0x168] =	vst v1  }
0x74c: {  	v1 =	vld [tilespmem:s29+$0xFFFFFFE0];
	_ =	sdelay $0x4  }
0x74d: {  	[tilespmem:s2+$0x178] =	vst v1  }
0x74e: {  	v1 =	vld [tilespmem:s29+$0xFFFFFFF0];
	_ =	sdelay $0x4  }
0x74f: {  	[tilespmem:s2+$0x188] =	vst v1  }
0x750: {  	v1 =	vld [tilespmem:s29+$0x0];
	_ =	sdelay $0x4  }
0x751: {  	[tilespmem:s2+$0x198] =	vst v1  }
0x752: {  	v1 =	vld [tilespmem:s29+$0x10];
	_ =	sdelay $0x4  }
0x753: {  	[tilespmem:s2+$0x1A8] =	vst v1  }
0x754: {  	v1 =	vld [tilespmem:s29+$0x20];
	_ =	sdelay $0x4  }
0x755: {  	[tilespmem:s2+$0x1B8] =	vst v1  }
0x756: {  	v1 =	vld [tilespmem:s29+$0x30];
	_ =	sdelay $0x4  }
0x757: {  	[tilespmem:s2+$0x1C8] =	vst v1  }
0x758: {  	v1 =	vld [tilespmem:s29+$0x40]  }
.Ltmp28:
0x759: {  	_ = 	snop;
	(pc) =	sbr.rel .LBB3_21-.Ltmp28, $2  }
0x75a: {  	_ =	sdelay $0x2  }
0x75b: {  	s28 =	sadd.s32 $0x1, s28;
	[tilespmem:s2+$0x1D8] =	vst v1  }
.LBB3_23:
.Ltmp29:
0x75c: {  	(pc) =	sbr.rel .LBB3_24-.Ltmp29, $4  }
0x75d: {  	_ = 	snop  }
0x75e: {  	s0 =	simm.s32 $0x2  }
0x75f: {  	_ =	swait.ge [sflag:s0], $0x0  }
0x760: {  	s1 =	simm.s32 $0x0;
	[sflag:s0] =	ssyncset.done $0x0;
	s0 =	smov.u32 s31  }
.LBB3_26:
0x761: {  	_ =	sfence.sel $0x180000  }
0x762: {  	s0 =	simm.s32 $0x9;
	[bflag:$0x0] =	sbarrier.arrive $0xFFFF  }
0x763: {  	s24 =	simm.s32 $0xA;
	[sflag:s0] =	ssyncpa.u1 $0x1  }
0x764: {  	s25 =	simm.s32 $0xB;
	[sflag:s24] =	ssyncpa.u1 $0x1  }
0x765: {  	s26 =	simm.s32 $0x2;
	[sflag:s25] =	ssyncpa.u1 $0x1  }
0x766: {  	[sflag:s26] =	ssyncpa.u1 $0x1  }
0x767: {  	v0 =	vld [tilespmem:$0xB688];
	_ =	sdelay $0x4  }
0x768: {  	(v2sf) =	vpush v0, $0x0  }
0x769: {  	(v2sf) =	vpush v0, $0x1  }
0x76a: {  	(v2sf) =	vpush v0, $0x2;
	_ =	sdelay $0xc  }
0x76b: {  	s0 =	spop (v2sf)  }
0x76c: {  	s1 =	spop (v2sf)  }
0x76d: {  	s2 =	smov.u32 s0;
	p0 =	sne.s32 s0, s1;
	s3 =	spop (v2sf)  }
0x76e: {  	s2 =	simm.s32 @!p0 $0xFFFFFFFF;
	p0 =	seq.s32 s3, $0xFFFFFFFF  }
0x76f: {  	v2 =	vimm.s32 $0x1;
	v3 =	vlaneseq.u32;
	v1 =	vmov s2;
	p1 =	sne.s32 @!p0 s0, s1  }
0x770: {  	s14 =	stileid.u32;
	v0 =	vperm.xlane v0, v2;
	s0 =	simm.s32 @!p0 $0x1;
	v1 =	vperm.xlane v1, v3;
	p1 =	por !p1, p0  }
0x771: {  	vm0 =	vcmask $0x3F04;
	s2 =	sshll.u32 s14, $0x1;
	s1 =	smul.u32 @!p0 $0x280, s3;
	s0 =	simm.s32 @p1 $0x0  }
0x772: {  	s5 =	simm.s32 $0xB688;
	v0 =	vsel vm0, v1, v0;
	s0 =	sor.u32 @!p0 s0, s2  }
0x773: {  	s4 =	sor.u32 $0x1400, s2;
	s1 =	sshra.s32 @!p0 s1, $0x2;
	[tilespmem:$0xB688] =	vst v0;
	s0 =	smul.u32 @!p0 $0x280, s0  }
0x774: {  	[spmem:s4] =	stream.linear.scatter [tilespmem:s5], [sflag:$0x1], $0x2, $0x38;
	[tilespmem:$0x1ED98] =	vst v63  }
0x775: {  	s1 =	sadd.s32 @!p0 $0x148, s1;
	s0 =	sshrl.u32 @!p0 s0, $0x2  }
0x776: {  	[spmem:s0] =	stream.linear.scatter @!p0 [tilespmem:s1], [sflag:$0x1], $0xA0, $0x38;
	[tilespmem:$0x1ED98] =	vst v63  }
0x777: {  	s0 =	simm.s32 @!p0 $0xA2  }
0x778: {  	s28 =	simm.s32 $0x1;
	s0 =	simm.s32 @p0 $0x2  }
0x779: {  	_ =	swait.ge [sflag:s28], s0  }
0x77a: {  	s0 =	ssub.s32 $0x0, s0;
	[sflag:s28] =	ssyncset.done $0x0  }
0x77b: {  	p0 =	sne.s32 s14, $0x0;
	[sflag:s28] =	ssyncadd.s32 s0  }
.Ltmp30:
0x77c: {  	_ =	sfence.stream.spmem;
	(pc) =	sbr.rel @p0 .LBB3_43-.Ltmp30, $4  }
0x77d: {  	s29 =	simm.s32 $0x3;
	[bflag:$0x0] =	sbarrier.arrive $0xFFFF  }
0x77e: {  	s30 =	simm.s32 $0x4;
	[sflag:s29] =	ssyncpa.u1 $0x1  }
0x77f: {  	s31 =	simm.s32 $0x3C;
	[sflag:s30] =	ssyncpa.u1 $0x1  }
0x780: {  	s15 =	rddreg [dreg:$0x5];
	[sflag:s31] =	ssyncpa.u1 $0x1  }
0x781: {  	_ =	sfence.stream.spmem;
	s0 =	simm.s32 $0x5  }
0x782: {  	s1 =	simm.s32 $0x1400;
	s2 =	simm.s32 $0xB698;
	[sflag:s0] =	ssyncpa.u1 $0x0  }
0x783: {  	[tilespmem:s2], [sflag:$0x5] =	stream.linear.gather [spmem:s1], $0x20, $0x38;
	[tilespmem:$0x1ED98] =	vst v63  }
0x784: {  	s26 =	simm.s32 $0x0;
	s28 =	simm.s32 $0xB6B8  }
0x785: {  	[tilespmem:s28], [sflag:$0x5] =	stream.linear.gather [spmem:s26], $0x1400, $0x38;
	[tilespmem:$0x1ED98] =	vst v63  }
0x786: {  	_ =	swait.ge [sflag:s0], $0x1420  }
0x787: {  	[sflag:s0] =	ssyncset.done $0x0  }
0x788: {  	s29 =	simm.s32 $0x0;
	[sflag:s0] =	ssyncadd.s32 $0xFFFFEBE0  }
0x789: {  	v0 =	vld.msk [tilespmem:s29+$0xB698], $0x1;
	_ =	sdelay $0x1  }
0x78a: {  	s30 =	simm.s32 $0x1  }
0x78b: {  	v1 =	vld.msk [tilespmem:s30+$0xB698], $0x1;
	_ =	sdelay $0x1  }
0x78c: {  	(v2sf) =	vpush v0, $0x0;
	_ =	sdelay $0x2  }
0x78d: {  	(v2sf) =	vpush v1, $0x0;
	_ =	sdelay $0x2  }
0x78e: {  	s31 =	simm.s32 $0x2  }
0x78f: {  	v0 =	vld.msk [tilespmem:s31+$0xB698], $0x1;
	_ =	sdelay $0x2  }
0x790: {  	s1 =	simm.s32 $0xFFFFFFFF;
	s2 =	simm.s32 $0xFFFFFFFF;
	s0 =	simm.s32 $0xC  }
.LBB3_28:
0x791: {  	s3 =	smov.u32 s2;
	s4 =	smov.u32 s1  }
0x792: {  	s1 =	sshra.s32 s0, $0x2;
	p1 =	sne.s32 s0, $0x7C;
	s0 =	sadd.s32 $0x4, s0;
	(v2sf) =	vpush v0, $0x0  }
0x793: {  	v0 =	vld.msk [tilespmem:s1+$0xB698], $0x1  }
.Ltmp31:
0x794: {  	(pc) =	sbr.rel @p1 .LBB3_28-.Ltmp31, $4  }
0x795: {  	s2 =	spop (v2sf)  }
0x796: {  	p2 =	sne.s32 s4, $0xFFFFFFFF;
	s1 =	smov.u32 s2  }
0x797: {  	p3 =	seq.s32 s2, $0xFFFFFFFF;
	s1 =	smov.u32 @p2 s4  }
0x798: {  	s2 =	smov.u32 @p3 s3;
	s1 =	smov.u32 @p3 s4  }
0x799: {  	(v2sf) =	vpush v0, $0x0;
	_ =	sdelay $0x8  }
0x79a: {  	s0 =	spop (v2sf)  }
0x79b: {  	p1 =	sne.s32 s1, $0xFFFFFFFF;
	s9 =	simm.s32 $0x6;
	s3 =	smov.u32 s0  }
0x79c: {  	s10 =	simm.s32 $0xB5E8;
	p2 =	seq.s32 s0, $0xFFFFFFFF;
	s3 =	smov.u32 @p1 s1  }
0x79d: {  	s11 =	simm.s32 $0xB668;
	s3 =	smov.u32 @p2 s1;
	s1 =	spop (v2sf)  }
0x79e: {  	s0 =	smov.u32 @p2 s2;
	p1 =	sne.s32 s3, $0xFFFFFFFF;
	s7 =	smov.u32 s1  }
.Ltmp32:
0x79f: {  	p2 =	seq.s32 s1, $0xFFFFFFFF;
	s7 =	smov.u32 @p1 s3;
	(pc) =	sbr.rel .LBB3_30-.Ltmp32, $4  }
0x7a0: {  	s12 =	simm.s32 $0x0;
	s7 =	smov.u32 @p2 s3;
	s4 =	spop (v2sf)  }
0x7a1: {  	[sflag:s9] =	ssyncpa.u1 $0x0;
	p1 =	sne.s32 s7, $0xFFFFFFFF;
	s5 =	smov.u32 s4  }
0x7a2: {  	s1 =	smov.u32 @p2 s0;
	p2 =	seq.s32 s4, $0xFFFFFFFF;
	s5 =	smov.u32 @p1 s7  }
0x7a3: {  	s3 =	simm.s32 $0x0;
	s4 =	smov.u32 @p2 s1;
	s5 =	smov.u32 @p2 s7  }
.LBB3_36:
0x7a4: {  	p1 =	sgt.u32 s0, $0x4E17C  }
0x7a5: {  	p2 =	seq.s32 @!p1 s0, s5  }
0x7a6: {  	p1 =	por p1, p2  }
0x7a7: {  	p2 =	sne.s32 @!p1 s0, s4  }
0x7a8: {  	p1 =	por p1, !p2  }
0x7a9: {  	s0 =	smul.u32 @p1 $0x280, s12;
	_ =	sdelay $0x1  }
0x7aa: {  	s1 =	sand.u32 @!p1 $0x7FFF8, s0;
	s2 =	sand.u32 @!p1 $0x7, s0;
	s0 =	sadd.s32 @!p1 $0x80, s0  }
0x7ab: {  	s1 =	sadd.s32 @!p1 s6, s1;
	s0 =	sand.u32 @!p1 $0xFFFF8, s0  }
0x7ac: {  	[tilespmem:s10], [sflag:$0x6] =	stream.linear.gather @!p1 [hbm4b:s1+s2], $0x80, $0x38;
	[tilespmem:$0x1ED98] =	vst v63  }
0x7ad: {  	s0 =	sadd.s32 @!p1 s6, s0  }
0x7ae: {  	[tilespmem:s11], [sflag:$0x6] =	stream.linear.gather @!p1 [hbm4b:s0+s2], $0x20, $0x38;
	[tilespmem:$0x1ED98] =	vst v63  }
0x7af: {  	_ =	swait.ge @!p1 [sflag:s9], $0xA0  }
0x7b0: {  	[sflag:s9] =	ssyncset.done @!p1 $0x0  }
0x7b1: {  	[sflag:s9] =	ssyncadd.s32 @!p1 $0xFFFFFF60  }
0x7b2: {  	v1 =	vld @!p1 [tilespmem:$0xB5E8];
	_ =	sdelay $0x1  }
0x7b3: {  	s0 =	smul.u32 @!p1 $0x280, s12;
	_ =	sdelay $0x1  }
0x7b4: {  	s1 =	sshra.s32 @!p1 s0, $0x2  }
0x7b5: {  	[tilespmem:s1+$0xB6B8] =	vst.add.f32.msk @!p1 $0xffff, v1  }
0x7b6: {  	v1 =	vld @!p1 [tilespmem:$0xB5F8];
	_ =	sdelay $0x4  }
0x7b7: {  	[tilespmem:s1+$0xB6C8] =	vst.add.f32.msk @!p1 $0xffff, v1  }
0x7b8: {  	v1 =	vld @!p1 [tilespmem:$0xB608];
	_ =	sdelay $0x4  }
0x7b9: {  	[tilespmem:s1+$0xB6D8] =	vst.add.f32.msk @!p1 $0xffff, v1  }
0x7ba: {  	v1 =	vld @!p1 [tilespmem:$0xB618];
	_ =	sdelay $0x4  }
0x7bb: {  	[tilespmem:s1+$0xB6E8] =	vst.add.f32.msk @!p1 $0xffff, v1  }
0x7bc: {  	v1 =	vld @!p1 [tilespmem:$0xB628];
	_ =	sdelay $0x4  }
0x7bd: {  	[tilespmem:s1+$0xB6F8] =	vst.add.f32.msk @!p1 $0xffff, v1  }
0x7be: {  	v1 =	vld @!p1 [tilespmem:$0xB638];
	_ =	sdelay $0x4  }
0x7bf: {  	[tilespmem:s1+$0xB708] =	vst.add.f32.msk @!p1 $0xffff, v1  }
0x7c0: {  	v1 =	vld @!p1 [tilespmem:$0xB648];
	_ =	sdelay $0x4  }
0x7c1: {  	[tilespmem:s1+$0xB718] =	vst.add.f32.msk @!p1 $0xffff, v1  }
0x7c2: {  	v1 =	vld @!p1 [tilespmem:$0xB658];
	_ =	sdelay $0x4  }
0x7c3: {  	[tilespmem:s1+$0xB728] =	vst.add.f32.msk @!p1 $0xffff, v1  }
0x7c4: {  	v1 =	vld @!p1 [tilespmem:$0xB668];
	_ =	sdelay $0x4  }
0x7c5: {  	[tilespmem:s1+$0xB738] =	vst.add.f32.msk @!p1 $0xffff, v1  }
0x7c6: {  	v1 =	vld @!p1 [tilespmem:$0xB678];
	_ =	sdelay $0x4  }
0x7c7: {  	[tilespmem:s1+$0xB748] =	vst.add.f32.msk @!p1 $0xffff, v1  }
0x7c8: {  	s0 =	sshra.s32 s0, $0x2;
	[tilespmem:s3+$0xB698] =	vst.msk $0x1, v0  }
0x7c9: {  	v0 =	vld [tilespmem:s0+$0xB6B8];
	_ =	sdelay $0x1  }
0x7ca: {  	s31 =	smul.u32 $0x280, s3;
	_ =	sdelay $0x1  }
0x7cb: {  	s1 =	sshra.s32 s31, $0x2  }
0x7cc: {  	[tilespmem:s1+$0xB6B8] =	vst v0  }
0x7cd: {  	v0 =	vld [tilespmem:s0+$0xB6C8];
	_ =	sdelay $0x4  }
0x7ce: {  	[tilespmem:s1+$0xB6C8] =	vst v0  }
0x7cf: {  	v0 =	vld [tilespmem:s0+$0xB6D8];
	_ =	sdelay $0x4  }
0x7d0: {  	[tilespmem:s1+$0xB6D8] =	vst v0  }
0x7d1: {  	v0 =	vld [tilespmem:s0+$0xB6E8];
	_ =	sdelay $0x4  }
0x7d2: {  	[tilespmem:s1+$0xB6E8] =	vst v0  }
0x7d3: {  	v0 =	vld [tilespmem:s0+$0xB6F8];
	_ =	sdelay $0x4  }
0x7d4: {  	[tilespmem:s1+$0xB6F8] =	vst v0  }
0x7d5: {  	v0 =	vld [tilespmem:s0+$0xB708];
	_ =	sdelay $0x4  }
0x7d6: {  	[tilespmem:s1+$0xB708] =	vst v0  }
0x7d7: {  	v0 =	vld [tilespmem:s0+$0xB718];
	_ =	sdelay $0x4  }
0x7d8: {  	[tilespmem:s1+$0xB718] =	vst v0  }
0x7d9: {  	v0 =	vld [tilespmem:s0+$0xB728];
	_ =	sdelay $0x4  }
0x7da: {  	[tilespmem:s1+$0xB728] =	vst v0  }
0x7db: {  	v0 =	vld [tilespmem:s0+$0xB738];
	_ =	sdelay $0x4  }
0x7dc: {  	[tilespmem:s1+$0xB738] =	vst v0  }
0x7dd: {  	v0 =	vld [tilespmem:s0+$0xB748];
	_ =	sdelay $0x4  }
0x7de: {  	s3 =	sadd.s32 $0x1, s3;
	[tilespmem:s1+$0xB748] =	vst v0  }
.LBB3_37:
0x7df: {  	s12 =	sadd.s32 $0x1, s12  }
0x7e0: {  	p1 =	sne.s32 s12, $0x20  }
.Ltmp33:
0x7e1: {  	_ = 	snop;
	(pc) =	sbr.rel @!p1 .LBB3_38-.Ltmp33, $1  }
0x7e2: {  	_ =	sdelay $0x3  }
.LBB3_30:
0x7e3: {  	v0 =	vld.msk [tilespmem:s12+$0xB698], $0x1;
	_ =	sdelay $0x4  }
0x7e4: {  	(v2sf) =	vpush v0, $0x0;
	_ =	sdelay $0xe  }
0x7e5: {  	s0 =	spop (v2sf)  }
0x7e6: {  	p1 =	seq.s32 s0, $0xFFFFFFFF  }
.Ltmp34:
0x7e7: {  	_ = 	snop;
	(pc) =	sbr.rel @p1 .LBB3_37-.Ltmp34, $1  }
0x7e8: {  	_ =	sdelay $0x3  }
0x7e9: {  	p1 =	slt.s32 s3, $0x1  }
.Ltmp35:
0x7ea: {  	_ = 	snop;
	(pc) =	sbr.rel @p1 .LBB3_36-.Ltmp35, $1  }
0x7eb: {  	_ =	sdelay $0x3  }
0x7ec: {  	s1 =	simm.s32 $0xB698;
	p1 =	por $0x0, $0x0  }
0x7ed: {  	v1 =	vld.msk @!p1 [tilespmem:s1+$0x0], $0x1;
	_ =	sdelay $0x4  }
0x7ee: {  	(v2sf) =	vpush @!p1 v1, $0x0;
	_ =	sdelay $0xd  }
0x7ef: {  	p3 =	sne.s32 s3, $0x1  }
.Ltmp36:
0x7f0: {  	s2 =	spop @!p1 (v2sf);
	(pc) =	sbr.rel @!p3 .LBB3_34-.Ltmp36, $4  }
0x7f1: {  	p2 =	seq.s32 @!p1 s0, s2  }
0x7f2: {  	s2 =	simm.s32 $0x0;
	p2 =	por !p2, p1  }
0x7f3: {  	s7 =	simm.s32 $0xFFFFFFFF;
	s2 =	simm.s32 @p2 $0xFFFFFFFF  }
0x7f4: {  	s13 =	simm.s32 $0x1;
	s2 =	smov.u32 @p1 s7  }
.LBB3_33:
0x7f5: {  	s7 =	smov.u32 s2;
	p1 =	sne.s32 s2, $0xFFFFFFFF  }
0x7f6: {  	s1 =	sadd.s32 $0x1, s1;
	s2 =	smov.u32 s13;
	s13 =	sadd.s32 $0x1, s13  }
0x7f7: {  	p2 =	sne.s32 s3, s13;
	v1 =	vld.msk @!p1 [tilespmem:s1+$0x0], $0x1;
	_ =	sdelay $0x4  }
0x7f8: {  	(v2sf) =	vpush @!p1 v1, $0x0;
	_ =	sdelay $0xe  }
.Ltmp37:
0x7f9: {  	s8 =	spop @!p1 (v2sf);
	(pc) =	sbr.rel @p2 .LBB3_33-.Ltmp37, $4  }
0x7fa: {  	p3 =	seq.s32 @!p1 s0, s8  }
0x7fb: {  	p3 =	por !p3, p1  }
0x7fc: {  	s2 =	simm.s32 @p3 $0xFFFFFFFF  }
0x7fd: {  	s2 =	smov.u32 @p1 s7  }
.LBB3_34:
0x7fe: {  	p1 =	seq.s32 s2, $0xFFFFFFFF  }
.Ltmp38:
0x7ff: {  	_ = 	snop;
	(pc) =	sbr.rel @p1 .LBB3_36-.Ltmp38, $1  }
0x800: {  	_ =	sdelay $0x3  }
0x801: {  	s0 =	smul.u32 $0x280, s12;
	_ =	sdelay $0x1  }
0x802: {  	s0 =	sshra.s32 s0, $0x2  }
0x803: {  	v0 =	vld [tilespmem:s0+$0xB6B8];
	_ =	sdelay $0x1  }
0x804: {  	s1 =	smul.u32 $0x280, s2;
	_ =	sdelay $0x1  }
0x805: {  	s1 =	sshra.s32 s1, $0x2  }
0x806: {  	[tilespmem:s1+$0xB6B8] =	vst.add.f32.msk $0xffff, v0  }
0x807: {  	v0 =	vld [tilespmem:s0+$0xB6C8];
	_ =	sdelay $0x4  }
0x808: {  	[tilespmem:s1+$0xB6C8] =	vst.add.f32.msk $0xffff, v0  }
0x809: {  	v0 =	vld [tilespmem:s0+$0xB6D8];
	_ =	sdelay $0x4  }
0x80a: {  	[tilespmem:s1+$0xB6D8] =	vst.add.f32.msk $0xffff, v0  }
0x80b: {  	v0 =	vld [tilespmem:s0+$0xB6E8];
	_ =	sdelay $0x4  }
0x80c: {  	[tilespmem:s1+$0xB6E8] =	vst.add.f32.msk $0xffff, v0  }
0x80d: {  	v0 =	vld [tilespmem:s0+$0xB6F8];
	_ =	sdelay $0x4  }
0x80e: {  	[tilespmem:s1+$0xB6F8] =	vst.add.f32.msk $0xffff, v0  }
0x80f: {  	v0 =	vld [tilespmem:s0+$0xB708];
	_ =	sdelay $0x4  }
0x810: {  	[tilespmem:s1+$0xB708] =	vst.add.f32.msk $0xffff, v0  }
0x811: {  	v0 =	vld [tilespmem:s0+$0xB718];
	_ =	sdelay $0x4  }
0x812: {  	[tilespmem:s1+$0xB718] =	vst.add.f32.msk $0xffff, v0  }
0x813: {  	v0 =	vld [tilespmem:s0+$0xB728];
	_ =	sdelay $0x4  }
0x814: {  	[tilespmem:s1+$0xB728] =	vst.add.f32.msk $0xffff, v0  }
0x815: {  	v0 =	vld [tilespmem:s0+$0xB738];
	_ =	sdelay $0x4  }
0x816: {  	[tilespmem:s1+$0xB738] =	vst.add.f32.msk $0xffff, v0  }
0x817: {  	v0 =	vld [tilespmem:s0+$0xB748]  }
.Ltmp39:
0x818: {  	_ = 	snop;
	(pc) =	sbr.rel .LBB3_37-.Ltmp39, $2  }
0x819: {  	_ =	sdelay $0x2  }
0x81a: {  	[tilespmem:s1+$0xB748] =	vst.add.f32.msk $0xffff, v0  }
.LBB3_38:
0x81b: {  	s0 =	simm.s32 $0x6;
	p1 =	seq.s32 s3, $0x0  }
0x81c: {  	[sflag:s0] =	ssyncpa.u1 $0x1;
	v0 =	vimm.s32 @p1 $0xFFFFFFFF  }
0x81d: {  	s0 =	sadd.s32 $0xFFFFFFFF, s3;
	[tilespmem:$0xCAB8] =	vst @p1 v0  }
0x81e: {  	v0 =	vld.msk @!p1 [tilespmem:s0+$0xB698], $0x1;
	_ =	sdelay $0x1  }
0x81f: {  	v1 =	vld.msk @!p1 [tilespmem:$0xB698], $0x1;
	_ =	sdelay $0x2  }
0x820: {  	p2 =	seq.s32 @!p1 s0, $0x0;
	v0 =	vbroadcast @!p1 v0, $0x0  }
0x821: {  	vm0 =	vmmov @!p1 $0x1;
	p3 =	por !p2, p1  }
0x822: {  	p2 =	sne.s32 @!p1 s5, s4;
	v1 =	vnsel @!p1 vm0, $0xFFFFFFFF, v1;
	vm0 =	vcmask @!p1 $0x308;
	v0 =	vpsel !p3, $0xFFFFFFFF, v0  }
0x823: {  	p3 =	por !p2, p1;
	v0 =	vsel @!p1 vm0, v1, v0  }
0x824: {  	s1 =	simm.s32 @!p1 $0xB6B8;
	s2 =	simm.s32 @!p1 $0x0;
	s4 =	smul.u32 @!p3 $0x280, s0;
	[tilespmem:$0xCAB8] =	vst @!p1 v0  }
0x825: {  	[spmem:s2] =	stream.linear.scatter @!p1 [tilespmem:s1], [sflag:$0x1], $0xA0, $0x38;
	[tilespmem:$0x1ED98] =	vst v63  }
0x826: {  	s1 =	sshra.s32 @!p3 s4, $0x2  }
0x827: {  	s2 =	simm.s32 @!p3 $0xA0;
	s1 =	sadd.s32 @!p3 $0xB6B8, s1  }
0x828: {  	[spmem:s2] =	stream.linear.scatter @!p3 [tilespmem:s1], [sflag:$0x1], $0xA0, $0x38;
	[tilespmem:$0x1ED98] =	vst v63  }
0x829: {  	s1 =	simm.s32 @!p3 $0x1  }
0x82a: {  	_ =	swait.ge @!p3 [sflag:s1], $0x140  }
0x82b: {  	p1 =	por p2, p1;
	[sflag:s1] =	ssyncset.done @!p3 $0x0  }
0x82c: {  	[sflag:s1] =	ssyncadd.s32 @!p3 $0xFFFFFEC0;
	s1 =	simm.s32 @!p1 $0x1  }
0x82d: {  	_ =	swait.ge @!p1 [sflag:s1], $0xA0  }
0x82e: {  	s29 =	simm.s32 $0xCAB8;
	[sflag:s1] =	ssyncset.done @!p1 $0x0  }
0x82f: {  	s30 =	simm.s32 $0x1400;
	s31 =	simm.s32 $0x1;
	[sflag:s1] =	ssyncadd.s32 @!p1 $0xFFFFFF60  }
0x830: {  	[spmem:s30] =	stream.linear.scatter [tilespmem:s29], [sflag:$0x1], $0x10, $0x38;
	[tilespmem:$0x1ED98] =	vst v63  }
0x831: {  	_ =	swait.ge [sflag:s31], $0x10  }
0x832: {  	[sflag:s31] =	ssyncset.done $0x0  }
0x833: {  	p1 =	seq.s32 s15, $0x0;
	s9 =	rddreg [dreg:$0x2];
	[sflag:s31] =	ssyncadd.s32 $0xFFFFFFF0  }
0x834: {  	s2 =	sshll.u32 @p1 s9, $0xE;
	s8 =	rddreg [dreg:$0x3]  }
0x835: {  	s1 =	sadd.s32 @p1 $0x15C3C, s2;
	s2 =	sshll.u32 @p1 s8, $0x11  }
0x836: {  	_ =	sfence.stream.spmem;
	s1 =	sor.u32 @p1 s2, s1  }
0x837: {  	[sflag:s1] =	ssyncadd.remote.s32 @p1 $0x1;
	s1 =	simm.s32 @p1 $0x4  }
0x838: {  	s4 =	simm.s32 @!p1 $0x3C;
	s2 =	sand.u32 $0xFFFFFFFE, s9;
	_ =	swait.ge @p1 [sflag:s1], $0x2A  }
0x839: {  	s5 =	simm.s32 @!p1 $0x0;
	s2 =	sadd.s32 @!p1 $0x4, s2;
	[sflag:s1] =	ssyncset.done @p1 $0x0  }
0x83a: {  	s7 =	simm.s32 @!p1 $0x140;
	[sflag:s1] =	ssyncadd.s32 @p1 $0xFFFFFFD6;
	s1 =	sshll.u32 @!p1 s2, $0x1A  }
0x83b: {  	s2 =	sshll.u32 @!p1 s2, $0xD;
	s1 =	sor.u32 @!p1 s1, s8;
	_ =	swait.eq @!p1 [sflag:s4], $0x1  }
0x83c: {  	s2 =	sor.u32 @!p1 $0x1C04, s2;
	s4 =	simm.s32 @!p1 $0x1C03;
	s1 =	sor.u32 @!p1 $0x80004000, s1  }
0x83d: {  	[spmem:s7], [sflag:s2] =	dma.general @!p1 [spmem:s5], [sflag:s4], length:$0x28, [dreg:$0x0], stride_count:$0x0, ici_dest:s1, dma_misc:DstOpCode:WRITE  }
0x83e: {  	p2 =	slt.s32 s0, $0x2;
	s5 =	simm.s32 @!p1 $0x280;
	s7 =	simm.s32 @!p1 $0x282  }
0x83f: {  	[spmem:s7], [sflag:s2] =	dma.general @!p1 [spmem:s5], [sflag:s4], length:$0x2, [dreg:$0x0], stride_count:$0x0, ici_dest:s1, dma_misc:DstOpCode:WRITE  }
.Ltmp40:
0x840: {  	s1 =	simm.s32 @!p1 $0x3;
	(pc) =	sbr.rel @p2 .LBB3_42-.Ltmp40, $4  }
0x841: {  	s2 =	sshll.u32 @!p1 s9, $0xE;
	_ =	swait.ge @!p1 [sflag:s1], $0x2A  }
0x842: {  	s4 =	sshll.u32 @!p1 s8, $0x11;
	s2 =	sadd.s32 @!p1 $0x11C3C, s2;
	[sflag:s1] =	ssyncset.done @!p1 $0x0  }
0x843: {  	[sflag:s1] =	ssyncadd.s32 @!p1 $0xFFFFFFD6;
	s1 =	sor.u32 @!p1 s4, s2  }
0x844: {  	s0 =	simm.s32 $0x0;
	[sflag:s1] =	ssyncadd.remote.s32 @!p1 $0xFFFFFFFF  }
0x845: {  	s0 =	simm.s32 $0xB699  }
0x846: {  	v0 =	vld.msk [tilespmem:s0+$0x0], $0x1;
	_ =	sdelay $0x4  }
0x847: {  	(v2sf) =	vpush v0, $0x0;
	_ =	sdelay $0xd  }
0x848: {  	s31 =	sadd.s32 $0xFFFFFFFE, s3  }
0x849: {  	s3 =	simm.s32 $0x0;
	s0 =	sadd.s32 $0xFFFFFFFF, s31;
	s2 =	spop (v2sf)  }
0x84a: {  	s5 =	simm.s32 $0xB758;
	p1 =	sne.s32 s0, $0x0;
	p2 =	sgt.u32 s2, $0x4E17C  }
.Ltmp41:
0x84b: {  	s1 =	simm.s32 $0xB7F8;
	s4 =	sand.u32 @!p2 $0x7FFF8, s2;
	(pc) =	sbr.rel @!p1 .LBB3_41-.Ltmp41, $4  }
0x84c: {  	s7 =	sadd.s32 @!p2 $0x80, s2;
	s3 =	simm.s32 @!p2 $0x280;
	s8 =	sadd.s32 @!p2 s6, s4  }
0x84d: {  	s4 =	sand.u32 @!p2 $0x7, s2;
	s2 =	simm.s32 $0xB69A;
	s7 =	sand.u32 @!p2 $0xFFFF8, s7  }
0x84e: {  	[hbm4b:s8+s4] =	stream.linear.scatter @!p2 [tilespmem:s5], [sflag:$0x5], $0x80, $0x38;
	[tilespmem:$0x1ED98] =	vst v63  }
0x84f: {  	s3 =	sadd.s32 $0x0, s3;
	s5 =	simm.s32 @!p2 $0xB7D8;
	s7 =	sadd.s32 @!p2 s6, s7  }
.LBB3_40:
0x850: {  	[hbm4b:s7+s4] =	stream.linear.scatter @!p2 [tilespmem:s5], [sflag:$0x5], $0x20, $0x38;
	[tilespmem:$0x1ED98] =	vst v63  }
0x851: {  	s0 =	sadd.s32 $0xFFFFFFFF, s0;
	s5 =	smov.u32 s1;
	v0 =	vld.msk [tilespmem:s2+$0x0], $0x1  }
0x852: {  	p1 =	sne.s32 s0, $0x0;
	_ =	sdelay $0x3  }
0x853: {  	(v2sf) =	vpush v0, $0x0;
	_ =	sdelay $0xe  }
0x854: {  	s1 =	sadd.s32 $0xA0, s1;
	s8 =	simm.s32 $0x0;
	s4 =	spop (v2sf)  }
.Ltmp42:
0x855: {  	s2 =	sadd.s32 $0x1, s2;
	p2 =	sgt.u32 s4, $0x4E17C;
	(pc) =	sbr.rel @p1 .LBB3_40-.Ltmp42, $4  }
0x856: {  	s8 =	simm.s32 @!p2 $0x280;
	s7 =	sand.u32 @!p2 $0x7FFF8, s4;
	s9 =	sadd.s32 @!p2 $0x80, s4  }
0x857: {  	s4 =	sand.u32 @!p2 $0x7, s4;
	s7 =	sadd.s32 @!p2 s6, s7;
	s9 =	sand.u32 @!p2 $0xFFFF8, s9  }
0x858: {  	[hbm4b:s7+s4] =	stream.linear.scatter @!p2 [tilespmem:s5], [sflag:$0x5], $0x80, $0x38;
	[tilespmem:$0x1ED98] =	vst v63  }
0x859: {  	s3 =	sadd.s32 s3, s8;
	s5 =	sadd.s32 @!p2 $0x80, s5;
	s7 =	sadd.s32 @!p2 s6, s9  }
.LBB3_41:
0x85a: {  	[hbm4b:s7+s4] =	stream.linear.scatter @!p2 [tilespmem:s5], [sflag:$0x5], $0x20, $0x38;
	[tilespmem:$0x1ED98] =	vst v63  }
0x85b: {  	s0 =	sshrl.u32 s3, $0x2  }
.LBB3_42:
0x85c: {  	s1 =	simm.s32 $0x5  }
0x85d: {  	_ =	swait.ge [sflag:s1], s0  }
0x85e: {  	s31 =	ssub.s32 $0x0, s0;
	[sflag:s1] =	ssyncset.done $0x0  }
0x85f: {  	[sflag:s1] =	ssyncadd.s32 s31  }
0x860: {  	[sflag:s1] =	ssyncpa.u1 $0x1  }
.LBB3_43:
0x861: {  	s0 =	sor.u32 s15, s14  }
0x862: {  	p1 =	sne.s32 s0, $0x0  }
.Ltmp43:
0x863: {  	_ = 	snop;
	(pc) =	sbr.rel @p1 .LBB3_58-.Ltmp43, $3  }
0x864: {  	_ =	sdelay $0x1  }
0x865: {  	[bflag:$0x0] =	sbarrier.arrive $0xFFFF  }
0x866: {  	_ =	sfence  }
0x867: {  	s0 =	simm.s32 $0x7  }
0x868: {  	s1 =	simm.s32 $0x1400;
	s2 =	simm.s32 $0xB698;
	[sflag:s0] =	ssyncpa.u1 $0x0  }
0x869: {  	[tilespmem:s2], [sflag:$0x7] =	stream.linear.gather [spmem:s1], $0x20, $0x38;
	[tilespmem:$0x1ED98] =	vst v63  }
0x86a: {  	s30 =	simm.s32 $0xB6B8;
	s1 =	simm.s32 $0x0  }
0x86b: {  	[tilespmem:s30], [sflag:$0x7] =	stream.linear.gather [spmem:s1], $0x1400, $0x38;
	[tilespmem:$0x1ED98] =	vst v63  }
.Ltmp44:
0x86c: {  	_ = 	snop;
	(pc) =	sbr.rel .LBB3_45-.Ltmp44, $4  }
0x86d: {  	_ =	swait.ge [sflag:s0], $0x1420  }
0x86e: {  	[sflag:s0] =	ssyncset.done $0x0  }
0x86f: {  	s31 =	simm.s32 $0x8;
	[sflag:s0] =	ssyncadd.s32 $0xFFFFEBE0  }
0x870: {  	s2 =	simm.s32 $0x0;
	[sflag:s31] =	ssyncpa.u1 $0x0  }
.LBB3_51:
0x871: {  	p1 =	slt.u32 s0, $0x4E17D  }
0x872: {  	s3 =	sand.u32 @p1 $0x7FFF8, s0;
	s4 =	sand.u32 @p1 $0x7, s0;
	s0 =	sadd.s32 @p1 $0x80, s0  }
0x873: {  	s5 =	simm.s32 @p1 $0xB5E8;
	s3 =	sadd.s32 @p1 s6, s3;
	s0 =	sand.u32 @p1 $0xFFFF8, s0  }
0x874: {  	[tilespmem:s5], [sflag:$0x8] =	stream.linear.gather @p1 [hbm4b:s3+s4], $0x80, $0x38;
	[tilespmem:$0x1ED98] =	vst v63  }
0x875: {  	s0 =	sadd.s32 @p1 s6, s0;
	s3 =	simm.s32 @p1 $0xB668  }
0x876: {  	[tilespmem:s3], [sflag:$0x8] =	stream.linear.gather @p1 [hbm4b:s0+s4], $0x20, $0x38;
	[tilespmem:$0x1ED98] =	vst v63  }
0x877: {  	s0 =	simm.s32 @p1 $0x8  }
0x878: {  	_ =	swait.ge @p1 [sflag:s0], $0xA0  }
0x879: {  	[sflag:s0] =	ssyncset.done @p1 $0x0  }
0x87a: {  	[sflag:s0] =	ssyncadd.s32 @p1 $0xFFFFFF60  }
0x87b: {  	v1 =	vld @p1 [tilespmem:$0xB5E8];
	_ =	sdelay $0x1  }
0x87c: {  	s0 =	smul.u32 @p1 $0x280, s2;
	_ =	sdelay $0x1  }
0x87d: {  	s3 =	sshra.s32 @p1 s0, $0x2  }
0x87e: {  	[tilespmem:s3+$0xB6B8] =	vst.add.f32.msk @p1 $0xffff, v1  }
0x87f: {  	v1 =	vld @p1 [tilespmem:$0xB5F8];
	_ =	sdelay $0x4  }
0x880: {  	[tilespmem:s3+$0xB6C8] =	vst.add.f32.msk @p1 $0xffff, v1  }
0x881: {  	v1 =	vld @p1 [tilespmem:$0xB608];
	_ =	sdelay $0x4  }
0x882: {  	[tilespmem:s3+$0xB6D8] =	vst.add.f32.msk @p1 $0xffff, v1  }
0x883: {  	v1 =	vld @p1 [tilespmem:$0xB618];
	_ =	sdelay $0x4  }
0x884: {  	[tilespmem:s3+$0xB6E8] =	vst.add.f32.msk @p1 $0xffff, v1  }
0x885: {  	v1 =	vld @p1 [tilespmem:$0xB628];
	_ =	sdelay $0x4  }
0x886: {  	[tilespmem:s3+$0xB6F8] =	vst.add.f32.msk @p1 $0xffff, v1  }
0x887: {  	v1 =	vld @p1 [tilespmem:$0xB638];
	_ =	sdelay $0x4  }
0x888: {  	[tilespmem:s3+$0xB708] =	vst.add.f32.msk @p1 $0xffff, v1  }
0x889: {  	v1 =	vld @p1 [tilespmem:$0xB648];
	_ =	sdelay $0x4  }
0x88a: {  	[tilespmem:s3+$0xB718] =	vst.add.f32.msk @p1 $0xffff, v1  }
0x88b: {  	v1 =	vld @p1 [tilespmem:$0xB658];
	_ =	sdelay $0x4  }
0x88c: {  	[tilespmem:s3+$0xB728] =	vst.add.f32.msk @p1 $0xffff, v1  }
0x88d: {  	v1 =	vld @p1 [tilespmem:$0xB668];
	_ =	sdelay $0x4  }
0x88e: {  	[tilespmem:s3+$0xB738] =	vst.add.f32.msk @p1 $0xffff, v1  }
0x88f: {  	v1 =	vld @p1 [tilespmem:$0xB678];
	_ =	sdelay $0x2  }
0x890: {  	s4 =	smul.u32 @!p1 $0x280, s2;
	_ =	sdelay $0x1  }
0x891: {  	s4 =	smov.u32 @p1 s0;
	[tilespmem:s3+$0xB748] =	vst.add.f32.msk @p1 $0xffff, v1  }
0x892: {  	s0 =	sshra.s32 s4, $0x2;
	[tilespmem:s1+$0xB698] =	vst.msk $0x1, v0  }
0x893: {  	v0 =	vld [tilespmem:s0+$0xB6B8];
	_ =	sdelay $0x1  }
0x894: {  	s31 =	smul.u32 $0x280, s1;
	_ =	sdelay $0x1  }
0x895: {  	s3 =	sshra.s32 s31, $0x2  }
0x896: {  	[tilespmem:s3+$0xB6B8] =	vst v0  }
0x897: {  	v0 =	vld [tilespmem:s0+$0xB6C8];
	_ =	sdelay $0x4  }
0x898: {  	[tilespmem:s3+$0xB6C8] =	vst v0  }
0x899: {  	v0 =	vld [tilespmem:s0+$0xB6D8];
	_ =	sdelay $0x4  }
0x89a: {  	[tilespmem:s3+$0xB6D8] =	vst v0  }
0x89b: {  	v0 =	vld [tilespmem:s0+$0xB6E8];
	_ =	sdelay $0x4  }
0x89c: {  	[tilespmem:s3+$0xB6E8] =	vst v0  }
0x89d: {  	v0 =	vld [tilespmem:s0+$0xB6F8];
	_ =	sdelay $0x4  }
0x89e: {  	[tilespmem:s3+$0xB6F8] =	vst v0  }
0x89f: {  	v0 =	vld [tilespmem:s0+$0xB708];
	_ =	sdelay $0x4  }
0x8a0: {  	[tilespmem:s3+$0xB708] =	vst v0  }
0x8a1: {  	v0 =	vld [tilespmem:s0+$0xB718];
	_ =	sdelay $0x4  }
0x8a2: {  	[tilespmem:s3+$0xB718] =	vst v0  }
0x8a3: {  	v0 =	vld [tilespmem:s0+$0xB728];
	_ =	sdelay $0x4  }
0x8a4: {  	[tilespmem:s3+$0xB728] =	vst v0  }
0x8a5: {  	v0 =	vld [tilespmem:s0+$0xB738];
	_ =	sdelay $0x4  }
0x8a6: {  	[tilespmem:s3+$0xB738] =	vst v0  }
0x8a7: {  	v0 =	vld [tilespmem:s0+$0xB748];
	_ =	sdelay $0x4  }
0x8a8: {  	s1 =	sadd.s32 $0x1, s1;
	[tilespmem:s3+$0xB748] =	vst v0  }
.LBB3_52:
0x8a9: {  	s2 =	sadd.s32 $0x1, s2  }
0x8aa: {  	p1 =	sne.s32 s2, $0x20  }
.Ltmp45:
0x8ab: {  	_ = 	snop;
	(pc) =	sbr.rel @!p1 .LBB3_53-.Ltmp45, $1  }
0x8ac: {  	_ =	sdelay $0x3  }
.LBB3_45:
0x8ad: {  	v0 =	vld.msk [tilespmem:s2+$0xB698], $0x1;
	_ =	sdelay $0x4  }
0x8ae: {  	(v2sf) =	vpush v0, $0x0;
	_ =	sdelay $0xe  }
0x8af: {  	s0 =	spop (v2sf)  }
0x8b0: {  	p1 =	seq.s32 s0, $0xFFFFFFFF  }
.Ltmp46:
0x8b1: {  	_ = 	snop;
	(pc) =	sbr.rel @p1 .LBB3_52-.Ltmp46, $1  }
0x8b2: {  	_ =	sdelay $0x3  }
0x8b3: {  	p1 =	slt.s32 s1, $0x1  }
.Ltmp47:
0x8b4: {  	_ = 	snop;
	(pc) =	sbr.rel @p1 .LBB3_51-.Ltmp47, $1  }
0x8b5: {  	_ =	sdelay $0x3  }
0x8b6: {  	s3 =	simm.s32 $0xB698;
	p1 =	por $0x0, $0x0  }
0x8b7: {  	v1 =	vld.msk @!p1 [tilespmem:s3+$0x0], $0x1;
	_ =	sdelay $0x4  }
0x8b8: {  	(v2sf) =	vpush @!p1 v1, $0x0;
	_ =	sdelay $0xd  }
0x8b9: {  	p3 =	sne.s32 s1, $0x1  }
.Ltmp48:
0x8ba: {  	s4 =	spop @!p1 (v2sf);
	(pc) =	sbr.rel @!p3 .LBB3_49-.Ltmp48, $4  }
0x8bb: {  	p2 =	seq.s32 @!p1 s0, s4  }
0x8bc: {  	s4 =	simm.s32 $0x0;
	p2 =	por !p2, p1  }
0x8bd: {  	s7 =	simm.s32 $0xFFFFFFFF;
	s4 =	simm.s32 @p2 $0xFFFFFFFF  }
0x8be: {  	s5 =	simm.s32 $0x1;
	s4 =	smov.u32 @p1 s7  }
.LBB3_48:
0x8bf: {  	s7 =	smov.u32 s4;
	p1 =	sne.s32 s4, $0xFFFFFFFF  }
0x8c0: {  	s3 =	sadd.s32 $0x1, s3;
	s4 =	smov.u32 s5;
	s5 =	sadd.s32 $0x1, s5  }
0x8c1: {  	p2 =	sne.s32 s1, s5;
	v1 =	vld.msk @!p1 [tilespmem:s3+$0x0], $0x1;
	_ =	sdelay $0x4  }
0x8c2: {  	(v2sf) =	vpush @!p1 v1, $0x0;
	_ =	sdelay $0xe  }
.Ltmp49:
0x8c3: {  	s8 =	spop @!p1 (v2sf);
	(pc) =	sbr.rel @p2 .LBB3_48-.Ltmp49, $4  }
0x8c4: {  	p3 =	seq.s32 @!p1 s0, s8  }
0x8c5: {  	p3 =	por !p3, p1  }
0x8c6: {  	s4 =	simm.s32 @p3 $0xFFFFFFFF  }
0x8c7: {  	s4 =	smov.u32 @p1 s7  }
.LBB3_49:
0x8c8: {  	p1 =	seq.s32 s4, $0xFFFFFFFF  }
.Ltmp50:
0x8c9: {  	_ = 	snop;
	(pc) =	sbr.rel @p1 .LBB3_51-.Ltmp50, $1  }
0x8ca: {  	_ =	sdelay $0x3  }
0x8cb: {  	s0 =	smul.u32 $0x280, s2;
	_ =	sdelay $0x1  }
0x8cc: {  	s0 =	sshra.s32 s0, $0x2  }
0x8cd: {  	v0 =	vld [tilespmem:s0+$0xB6B8];
	_ =	sdelay $0x1  }
0x8ce: {  	s3 =	smul.u32 $0x280, s4;
	_ =	sdelay $0x1  }
0x8cf: {  	s3 =	sshra.s32 s3, $0x2  }
0x8d0: {  	[tilespmem:s3+$0xB6B8] =	vst.add.f32.msk $0xffff, v0  }
0x8d1: {  	v0 =	vld [tilespmem:s0+$0xB6C8];
	_ =	sdelay $0x4  }
0x8d2: {  	[tilespmem:s3+$0xB6C8] =	vst.add.f32.msk $0xffff, v0  }
0x8d3: {  	v0 =	vld [tilespmem:s0+$0xB6D8];
	_ =	sdelay $0x4  }
0x8d4: {  	[tilespmem:s3+$0xB6D8] =	vst.add.f32.msk $0xffff, v0  }
0x8d5: {  	v0 =	vld [tilespmem:s0+$0xB6E8];
	_ =	sdelay $0x4  }
0x8d6: {  	[tilespmem:s3+$0xB6E8] =	vst.add.f32.msk $0xffff, v0  }
0x8d7: {  	v0 =	vld [tilespmem:s0+$0xB6F8];
	_ =	sdelay $0x4  }
0x8d8: {  	[tilespmem:s3+$0xB6F8] =	vst.add.f32.msk $0xffff, v0  }
0x8d9: {  	v0 =	vld [tilespmem:s0+$0xB708];
	_ =	sdelay $0x4  }
0x8da: {  	[tilespmem:s3+$0xB708] =	vst.add.f32.msk $0xffff, v0  }
0x8db: {  	v0 =	vld [tilespmem:s0+$0xB718];
	_ =	sdelay $0x4  }
0x8dc: {  	[tilespmem:s3+$0xB718] =	vst.add.f32.msk $0xffff, v0  }
0x8dd: {  	v0 =	vld [tilespmem:s0+$0xB728];
	_ =	sdelay $0x4  }
0x8de: {  	[tilespmem:s3+$0xB728] =	vst.add.f32.msk $0xffff, v0  }
0x8df: {  	v0 =	vld [tilespmem:s0+$0xB738];
	_ =	sdelay $0x4  }
0x8e0: {  	[tilespmem:s3+$0xB738] =	vst.add.f32.msk $0xffff, v0  }
0x8e1: {  	v0 =	vld [tilespmem:s0+$0xB748]  }
.Ltmp51:
0x8e2: {  	_ = 	snop;
	(pc) =	sbr.rel .LBB3_52-.Ltmp51, $2  }
0x8e3: {  	_ =	sdelay $0x2  }
0x8e4: {  	[tilespmem:s3+$0xB748] =	vst.add.f32.msk $0xffff, v0  }
.LBB3_53:
0x8e5: {  	p1 =	slt.s32 s1, $0x1  }
.Ltmp52:
0x8e6: {  	_ = 	snop;
	(pc) =	sbr.rel @p1 .LBB3_57-.Ltmp52, $3  }
0x8e7: {  	_ =	sdelay $0x1  }
0x8e8: {  	s0 =	simm.s32 $0x8  }
0x8e9: {  	s3 =	simm.s32 $0x0;
	[sflag:s0] =	ssyncpa.u1 $0x1  }
0x8ea: {  	s0 =	simm.s32 $0xB698  }
0x8eb: {  	v0 =	vld.msk [tilespmem:s0+$0x0], $0x1;
	_ =	sdelay $0x4  }
0x8ec: {  	(v2sf) =	vpush v0, $0x0;
	_ =	sdelay $0xe  }
0x8ed: {  	s0 =	sadd.s32 $0xFFFFFFFF, s1;
	s2 =	spop (v2sf)  }
0x8ee: {  	s5 =	simm.s32 $0xB6B8;
	p1 =	sne.s32 s0, $0x0;
	p2 =	sgt.u32 s2, $0x4E17C  }
.Ltmp53:
0x8ef: {  	s1 =	simm.s32 $0xB758;
	s4 =	sand.u32 @!p2 $0x7FFF8, s2;
	(pc) =	sbr.rel @!p1 .LBB3_56-.Ltmp53, $4  }
0x8f0: {  	s7 =	sadd.s32 @!p2 $0x80, s2;
	s3 =	simm.s32 @!p2 $0x280;
	s8 =	sadd.s32 @!p2 s6, s4  }
0x8f1: {  	s4 =	sand.u32 @!p2 $0x7, s2;
	s2 =	simm.s32 $0xB699;
	s7 =	sand.u32 @!p2 $0xFFFF8, s7  }
0x8f2: {  	[hbm4b:s8+s4] =	stream.linear.scatter @!p2 [tilespmem:s5], [sflag:$0x7], $0x80, $0x38;
	[tilespmem:$0x1ED98] =	vst v63  }
0x8f3: {  	s3 =	sadd.s32 $0x0, s3;
	s5 =	simm.s32 @!p2 $0xB738;
	s7 =	sadd.s32 @!p2 s6, s7  }
.LBB3_55:
0x8f4: {  	[hbm4b:s7+s4] =	stream.linear.scatter @!p2 [tilespmem:s5], [sflag:$0x7], $0x20, $0x38;
	[tilespmem:$0x1ED98] =	vst v63  }
0x8f5: {  	s0 =	sadd.s32 $0xFFFFFFFF, s0;
	s5 =	smov.u32 s1;
	v0 =	vld.msk [tilespmem:s2+$0x0], $0x1  }
0x8f6: {  	p1 =	sne.s32 s0, $0x0;
	_ =	sdelay $0x3  }
0x8f7: {  	(v2sf) =	vpush v0, $0x0;
	_ =	sdelay $0xe  }
0x8f8: {  	s1 =	sadd.s32 $0xA0, s1;
	s8 =	simm.s32 $0x0;
	s4 =	spop (v2sf)  }
.Ltmp54:
0x8f9: {  	s2 =	sadd.s32 $0x1, s2;
	p2 =	sgt.u32 s4, $0x4E17C;
	(pc) =	sbr.rel @p1 .LBB3_55-.Ltmp54, $4  }
0x8fa: {  	s8 =	simm.s32 @!p2 $0x280;
	s7 =	sand.u32 @!p2 $0x7FFF8, s4;
	s9 =	sadd.s32 @!p2 $0x80, s4  }
0x8fb: {  	s4 =	sand.u32 @!p2 $0x7, s4;
	s7 =	sadd.s32 @!p2 s6, s7;
	s9 =	sand.u32 @!p2 $0xFFFF8, s9  }
0x8fc: {  	[hbm4b:s7+s4] =	stream.linear.scatter @!p2 [tilespmem:s5], [sflag:$0x7], $0x80, $0x38;
	[tilespmem:$0x1ED98] =	vst v63  }
0x8fd: {  	s3 =	sadd.s32 s3, s8;
	s5 =	sadd.s32 @!p2 $0x80, s5;
	s7 =	sadd.s32 @!p2 s6, s9  }
.LBB3_56:
0x8fe: {  	[hbm4b:s7+s4] =	stream.linear.scatter @!p2 [tilespmem:s5], [sflag:$0x7], $0x20, $0x38;
	[tilespmem:$0x1ED98] =	vst v63  }
0x8ff: {  	s3 =	sshrl.u32 s3, $0x2  }
.LBB3_57:
0x900: {  	s0 =	simm.s32 $0x7  }
0x901: {  	_ =	swait.ge [sflag:s0], s3  }
0x902: {  	s1 =	ssub.s32 $0x0, s3;
	[sflag:s0] =	ssyncset.done $0x0  }
0x903: {  	[sflag:s0] =	ssyncadd.s32 s1  }
0x904: {  	[sflag:s0] =	ssyncpa.u1 $0x1  }
.LBB3_58:
0x905: {  	_ =	sfence;
	s0 =	simm.s32 $0x1  }
0x906: {  	[sflag:s0] =	ssyncpa.u1 $0x1  }
0x907: {  	_ =	strace $0x90000056  }
0x908: {  	[bflag:$0x2] =	sbarrier.arrive $0xFFFF  }
0x909: {  	s0 =	rddreg [dreg:$0x4]  }
0x90a: {  	s0 =	sadd.s32 @!p0 $0x100000, s0  }
0x90b: {  	[sflag:s0] =	ssyncadd.tile.s32 @!p0 $0x1;
	_ =	shalt  }
.Lfunc_end3:
_tile_overlayer_lowered:
.L_overlay_start_3:
0x90c: {  	(tag) =	ssettag $0x3  }
0x90d: {  	s0 =	rddreg [dreg:$0x0];
	s2 =	stileid.u32  }
0x90e: {  	s1 =	rddreg [dreg:$0x1];
	p0 =	sne.s32 s2, $0x0  }
0x90f: {  	s3 =	rddreg [dreg:$0x2];
	[bflag:$0x3] =	sbarrier.arrive $0xFFFF;
	s2 =	simm.s32 @!p0 $0x1C01  }
0x910: {  	[timem:s3], [sflag:s2] =	dma.local @!p0 [hbm:s0], s1  }
0x911: {  	s0 =	simm.s32 @!p0 $0x1  }
0x912: {  	_ =	swait.ge @!p0 [sflag:s0], s1  }
0x913: {  	s1 =	ssub.s32 @!p0 $0x0, s1;
	[sflag:s0] =	ssyncset.done @!p0 $0x0  }
0x914: {  	[sflag:s0] =	ssyncadd.s32 @!p0 s1  }
0x915: {  	[bflag:$0x3] =	sbarrier.arrive $0xFFFF  }
0x916: {  	_ =	shalt  }

// kernel: scatter_offload_async_start
scs
__scs_entry_jumppad:
0x0: {  	(pc) =	sbr.rel $0x88, $3  }
0x1: {  	(tag) =	ssettag $0x0;
	lr =	simm.s32 $0x1  }
0x2: {  	[smem:$0x3F95] =	sst lr;
	_ =	strace $0xD0000000  }
0x3: {  	_ = 	snop  }
0x4: {  	_ = 	snop  }
0x5: {  	_ = 	snop  }
0x6: {  	_ = 	snop  }
0x7: {  	_ = 	snop  }
__scs_overlays_trampoline_lowered:
0x8: {  	[smem:$0x3FA4] =	sst s0  }
0x9: {  	[smem:$0x3FA5] =	sst s1  }
0xa: {  	[smem:$0x3FA6] =	sst s2  }
0xb: {  	[smem:$0x3FA7] =	sst s3  }
0xc: {  	[smem:$0x3FA8] =	sst s4  }
0xd: {  	[smem:$0x3FA9] =	sst s5  }
0xe: {  	[smem:$0x3FAA] =	sst s6  }
0xf: {  	[smem:$0x3FAB] =	sst s7  }
0x10: {  	[smem:$0x3FAC] =	sst s8  }
0x11: {  	[smem:$0x3FAD] =	sst s9;
	s0 =	simm.s32 @!p0 $0x0  }
0x12: {  	s1 =	sld [smem:$0x3F93];
	s0 =	simm.s32 @p0 $0x1  }
0x13: {  	[smem:$0x3FAE] =	sst s0;
	s0 =	simm.s32 @!p1 $0x0  }
0x14: {  	s2 =	sld [smem:$0x3F92];
	s0 =	simm.s32 @p1 $0x1  }
0x15: {  	[smem:$0x3FAF] =	sst s0;
	s0 =	simm.s32 @!p2 $0x0  }
0x16: {  	s3 =	sld [smem:$0x3FDB];
	s0 =	simm.s32 @p2 $0x1  }
0x17: {  	s4 =	simm.s32 $0x1BF5;
	[smem:$0x3FB1] =	sst s0  }
0x18: {  	s0 =	sld [smem:$0x3F94];
	_ =	swait.ge [sflag:s4], $0x0  }
0x19: {  	s7 =	sld [smem:$0x3F95]  }
0x1a: {  	s8 =	sadd.s32 $0xFFFFE003, lr  }
0x1b: {  	s9 =	sadd.s32 $0xFFFFFEF7, lr;
	s5 =	simm.s32 $0xFFFFFFFF;
	p2 =	slt.u32 s8, $0xFFFFF086  }
0x1c: {  	p1 =	slt.u32 s9, $0xF7A;
	s5 =	simm.s32 @!p2 $0x0  }
0x1d: {  	s5 =	simm.s32 @p1 $0x1;
	p0 =	seq.s32 s7, s2  }
0x1e: {  	s7 =	smul.u32 @!p0 $0xF7A, s2;
	p2 =	seq.s32 @!p0 s5, $0x0  }
0x1f: {  	s9 =	smul.u32 $0xF7A, s1;
	s8 =	simm.s32 @!p0 $0x1BF5;
	p2 =	por !p2, p0  }
0x20: {  	[sflag:s8] =	ssyncset.s32 @!p0 $0xFFFFF086;
	s6 =	sadd.s32 @!p0 s3, s7;
	s7 =	simm.s32 @!p0 $0x108  }
0x21: {  	s3 =	sadd.s32 s3, s9;
	s6 =	sadd.s32 @!p0 $0x88, s6;
	s7 =	simm.s32 @p2 $0x1082  }
0x22: {  	[simem:s7], [sflag:s8] =	dma.local @!p0 [hbm:s6], $0xF7A  }
0x23: {  	s9 =	sor.u32 $0xD0000000, s2;
	s6 =	simm.s32 $0x108;
	_ =	swait.ge @!p0 [sflag:s8], $0x0  }
0x24: {  	s3 =	sadd.s32 $0x88, s3;
	s6 =	simm.s32 @!p1 $0x1082;
	[sflag:s4] =	ssyncset.s32 $0xFFFFF086  }
0x25: {  	[simem:s6], [sflag:s4] =	dma.local [hbm:s3], $0xF7A  }
0x26: {  	[smem:$0x3F95] =	sst s1;
	(tag) =	ssettag s2;
	_ =	strace s9  }
0x27: {  	s1 =	sld [smem:$0x3FA5]  }
0x28: {  	s2 =	sld [smem:$0x3FA6]  }
0x29: {  	s4 =	sld [smem:$0x3FA8]  }
0x2a: {  	p0 =	seq.s32 s5, $0x0;
	s5 =	sld [smem:$0x3FA9]  }
0x2b: {  	s6 =	sld [smem:$0x3FAA]  }
0x2c: {  	s7 =	sld [smem:$0x3FAB]  }
0x2d: {  	s3 =	simm.s32 $0x108;
	s8 =	sld [smem:$0x3FAC]  }
0x2e: {  	s3 =	simm.s32 @!p0 $0x1082;
	s9 =	sld [smem:$0x3FAD]  }
0x2f: {  	lr =	sadd.s32 s0, s3;
	s0 =	sld [smem:$0x3FA4]  }
0x30: {  	s3 =	sld [smem:$0x3FA7]  }
0x31: {  	[smem:$0x3FB0] =	sst s10  }
0x32: {  	s10 =	sld [smem:$0x3FAE];
	_ =	sdelay $0x3  }
0x33: {  	p0 =	seq.s32 s10, $0x1;
	s10 =	sld [smem:$0x3FB0];
	_ =	sdelay $0x3  }
0x34: {  	[smem:$0x3FB0] =	sst s10  }
0x35: {  	s10 =	sld [smem:$0x3FAF];
	_ =	sdelay $0x3  }
0x36: {  	p1 =	seq.s32 s10, $0x1;
	s10 =	sld [smem:$0x3FB0];
	_ =	sdelay $0x3  }
0x37: {  	[smem:$0x3FB0] =	sst s10  }
0x38: {  	s10 =	sld [smem:$0x3FB1]  }
0x39: {  	_ = 	snop;
	(pc) =	sbr.ind lr, $3  }
0x3a: {  	_ = 	snop  }
0x3b: {  	_ = 	snop  }
0x3c: {  	p2 =	seq.s32 s10, $0x1;
	s10 =	sld [smem:$0x3FB0]  }
0x3d: {  	_ =	shalt  }
0x3e: {  	_ =	shalt  }
0x3f: {  	_ =	shalt  }
0x40: {  	_ =	shalt  }
0x41: {  	_ =	shalt  }
0x42: {  	_ =	shalt  }
0x43: {  	_ =	shalt  }
0x44: {  	_ =	shalt  }
0x45: {  	_ =	shalt  }
0x46: {  	_ =	shalt  }
0x47: {  	_ =	shalt  }
0x48: {  	_ =	shalt  }
0x49: {  	_ =	shalt  }
0x4a: {  	_ =	shalt  }
0x4b: {  	_ =	shalt  }
0x4c: {  	_ =	shalt  }
0x4d: {  	_ =	shalt  }
0x4e: {  	_ =	shalt  }
0x4f: {  	_ =	shalt  }
0x50: {  	_ =	shalt  }
0x51: {  	_ =	shalt  }
0x52: {  	_ =	shalt  }
0x53: {  	_ =	shalt  }
0x54: {  	_ =	shalt  }
0x55: {  	_ =	shalt  }
0x56: {  	_ =	shalt  }
0x57: {  	_ =	shalt  }
0x58: {  	_ =	shalt  }
0x59: {  	_ =	shalt  }
0x5a: {  	_ =	shalt  }
0x5b: {  	_ =	shalt  }
0x5c: {  	_ =	shalt  }
0x5d: {  	_ =	shalt  }
0x5e: {  	_ =	shalt  }
0x5f: {  	_ =	shalt  }
0x60: {  	_ =	shalt  }
0x61: {  	_ =	shalt  }
0x62: {  	_ =	shalt  }
0x63: {  	_ =	shalt  }
0x64: {  	_ =	shalt  }
0x65: {  	_ =	shalt  }
0x66: {  	_ =	shalt  }
0x67: {  	_ =	shalt  }
0x68: {  	_ =	shalt  }
0x69: {  	_ =	shalt  }
0x6a: {  	_ =	shalt  }
0x6b: {  	_ =	shalt  }
0x6c: {  	_ =	shalt  }
0x6d: {  	_ =	shalt  }
0x6e: {  	_ =	shalt  }
0x6f: {  	_ =	shalt  }
0x70: {  	_ =	shalt  }
0x71: {  	_ =	shalt  }
0x72: {  	_ =	shalt  }
0x73: {  	_ =	shalt  }
0x74: {  	_ =	shalt  }
0x75: {  	_ =	shalt  }
0x76: {  	_ =	shalt  }
0x77: {  	_ =	shalt  }
0x78: {  	_ =	shalt  }
0x79: {  	_ =	shalt  }
0x7a: {  	_ =	shalt  }
0x7b: {  	_ =	shalt  }
0x7c: {  	_ =	shalt  }
0x7d: {  	_ =	shalt  }
0x7e: {  	_ =	shalt  }
0x7f: {  	_ =	shalt  }
0x80: {  	_ =	shalt  }
0x81: {  	_ =	shalt  }
0x82: {  	_ =	shalt  }
0x83: {  	_ =	shalt  }
0x84: {  	_ =	shalt  }
0x85: {  	_ =	shalt  }
0x86: {  	_ =	shalt  }
0x87: {  	_ =	shalt  }
.Lfunc_end0:
.L_simem_size_0:
called_computation_lowered:
.L_overlay_start_0:
0x88: {  	s2 =	sld [smem:$0x3FD9]  }
0x89: {  	s3 =	sld [smem:$0x3FFE];
	_ =	sdelay $0x1  }
0x8a: {  	s1 =	srdreg.scid  }
0x8b: {  	s0 =	sand.u32 $0x1, s1  }
0x8c: {  	s15 =	sshll.u32 s0, $0xA;
	s2 =	sadd.s32 s3, s2  }
0x8d: {  	s2 =	sadd.s32 s2, s15  }
0x8e: {  	[smem:$0x3FBC] =	sst s2  }
0x8f: {  	_ = 	snop  }
0x90: {  	(tm) =	ssettm $0x1  }
0x91: {  	s16 =	sld [smem:$0x3FFB];
	_ =	sdelay $0x3  }
0x92: {  	_ =	strace s16  }
0x93: {  	s2 =	sld [smem:$0x3FFC];
	_ =	sdelay $0x3  }
0x94: {  	_ =	strace s2  }
0x95: {  	s2 =	sld [smem:$0x3FFD];
	_ =	sdelay $0x3  }
0x96: {  	_ =	strace s2  }
0x97: {  	_ =	strace $0x8FFFFFFF  }
0x98: {  	s17 =	sld [smem:$0x3FDB];
	_ =	sdelay $0x1  }
0x99: {  	s18 =	simm.s32 $_scs_section_size  }
0x9a: {  	s4 =	simm.s32 $_size__tile_overlayer_lowered;
	s5 =	simm.s32 $_tile_overlayer_lowered  }
0x9b: {  	s6 =	simm.s32 $0x1BFF;
	s19 =	sshll.u32 s5, $0x1;
	s3 =	sadd.s32 s18, s17  }
0x9c: {  	s20 =	simm.s32 $0x0;
	s4 =	sshll.u32 s4, $0x1;
	s5 =	sadd.s32 s19, s3  }
0x9d: {  	[timem:s20], [sflag:s6] =	dma.local [hbm:s5], s4  }
0x9e: {  	_ =	swait.ge [sflag:s6], s4  }
0x9f: {  	s4 =	ssub.s32 $0x0, s4;
	[sflag:s6] =	ssyncset.done $0x0  }
0xa0: {  	[sflag:s6] =	ssyncadd.s32 s4;
	_ =	sdelay $0x1  }
0xa1: {  	s21 =	simm.s32 $0x1B8B  }
0xa2: {  	_ =	swait.ge [sflag:s21], $0x1  }
0xa3: {  	[sflag:s21] =	ssyncset.done $0x0  }
0xa4: {  	s22 =	sld [smem:$0x3FFE];
	[sflag:s21] =	ssyncadd.s32 $0xFFFFFFFF  }
0xa5: {  	s24 =	simm.s32 $0x1B8E;
	s23 =	sld [smem:$0x0]  }
0xa6: {  	s25 =	simm.s32 $execute0_lowered;
	[smem:$0x3FD2] =	sst s24  }
0xa7: {  	s6 =	sshll.u32 s25, $0x1;
	_ =	strace $0x8000004C;
	[dreg:$0x1] =	wrdreg $0xFFFFFFFF  }
0xa8: {  	s7 =	simm.s32 $_size_execute0_lowered;
	s6 =	sadd.s32 s3, s6;
	[dreg:$0x0] =	wrdreg $0x0  }
0xa9: {  	s7 =	sshll.u32 s7, $0x1;
	[dreg:$0x2] =	wrdreg s6  }
0xaa: {  	[dreg:$0x3] =	wrdreg s7  }
0xab: {  	[dreg:$0x4] =	wrdreg $0xC0  }
0xac: {  	s26 =	simm.s32 $execute1_lowered;
	_ =	task [dreg:s20], $0x5FFFF  }
0xad: {  	s6 =	sshll.u32 s26, $0x1;
	[dreg:$0x1] =	wrdreg $0xFFFFFFFF  }
0xae: {  	s3 =	sadd.s32 s3, s6;
	[dreg:$0x0] =	wrdreg $0x60  }
0xaf: {  	[dreg:$0x2] =	wrdreg s3  }
0xb0: {  	[dreg:$0x3] =	wrdreg s22  }
0xb1: {  	[dreg:$0x4] =	wrdreg $0x9  }
0xb2: {  	_ =	task.clear_ibuf [dreg:s20], $0x5FFFF;
	_ =	strace $0x9000004C  }
0xb3: {  	s28 =	simm.s32 $0x9;
	_ =	strace $0x8000004E  }
0xb4: {  	_ =	swait.ge [sflag:s28], $0x1  }
0xb5: {  	[sflag:s28] =	ssyncadd.s32 $0xFFFFFFFF  }
0xb6: {  	_ =	strace $0x9000004E  }
0xb7: {  	s3 =	sld [smem:$0x0]  }
0xb8: {  	s6 =	sand.u32 $0xFFFFFFFE, s1  }
0xb9: {  	p0 =	sne.s32 s1, s6  }
0xba: {  	s6 =	sshll.u32 @p0 s6, $0xE  }
0xbb: {  	s6 =	sadd.s32 @p0 $0x11BF3, s6;
	s7 =	sshll.u32 @p0 s3, $0x11  }
0xbc: {  	s6 =	sor.u32 @p0 s7, s6  }
0xbd: {  	[sflag:s6] =	ssyncadd.remote.s32 @p0 $0x1;
	_ =	sdelay $0x1  }
0xbe: {  	s6 =	simm.s32 @p0 $0x1BF3  }
0xbf: {  	_ =	swait.eq @p0 [sflag:s6], $0x1  }
0xc0: {  	[sflag:s6] =	ssyncadd.s32 @p0 $0xFFFFFFFF  }
0xc1: {  	s7 =	sshll.u32 @!p0 s1, $0xE  }
0xc2: {  	s7 =	sor.u32 @!p0 $0x4000, s7;
	s6 =	simm.s32 @!p0 $0x1BF3  }
0xc3: {  	s3 =	sshll.u32 @!p0 s3, $0x11;
	s7 =	sadd.s32 @!p0 $0x11BF3, s7;
	_ =	swait.eq @!p0 [sflag:s6], $0x1  }
0xc4: {  	s3 =	sor.u32 @!p0 s3, s7;
	[sflag:s6] =	ssyncadd.s32 @!p0 $0xFFFFFFFF  }
0xc5: {  	[sflag:s3] =	ssyncadd.remote.s32 @!p0 $0x1  }
0xc6: {  	_ =	strace $0x8000004F;
	[dreg:$0x1] =	wrdreg $0xFFFFFFFF  }
0xc7: {  	[dreg:$0x0] =	wrdreg $0x2030  }
0xc8: {  	[dreg:$0x2] =	wrdreg s22  }
0xc9: {  	[dreg:$0x3] =	wrdreg s1  }
0xca: {  	[dreg:$0x4] =	wrdreg s23  }
0xcb: {  	[dreg:$0x5] =	wrdreg $0xA  }
0xcc: {  	_ =	task.clear_ibuf [dreg:s20], $0x6FFFF;
	_ =	strace $0x9000004F  }
0xcd: {  	s29 =	simm.s32 $0xA;
	_ =	strace $0x80000051  }
0xce: {  	_ =	swait.ge [sflag:s29], $0x1  }
0xcf: {  	[sflag:s29] =	ssyncadd.s32 $0xFFFFFFFF  }
0xd0: {  	_ =	strace $0x90000051  }
0xd1: {  	_ =	sfence  }
0xd2: {  	s30 =	sld [smem:$0x0];
	_ =	sdelay $0x2  }
0xd3: {  	s31 =	sshll.u32 s1, $0xD;
	s1 =	sshrl.u32 s1, $0x2  }
0xd4: {  	s4 =	sand.u32 $0x4000, s31;
	s1 =	sadd.s32 s1, s30  }
0xd5: {  	s0 =	sor.u32 s4, s0;
	s1 =	sshll.u32 s1, $0x11  }
0xd6: {  	s0 =	sor.u32 s1, s0  }
0xd7: {  	s0 =	sadd.s32 $0x8F2B, s0  }
0xd8: {  	[sflag:s0] =	ssyncadd.remote.s32 $0x1  }
0xd9: {  	_ =	sfence.sel $0xFFFF  }
0xda: {  	[dreg:$0x0] =	wrdreg $0xFFFFFFFF;
	(pc) =	sbr.abs _section_cstart, $3  }
0xdb: {  	[dreg:$0x1] =	wrdreg $0xFFFFFFFF  }
0xdc: {  	_ =	task.clear_ibuf [dreg:s20], $0x2FFFF;
	_ =	strace $0x9FFFFFFF  }
0xdd: {  	(tm) =	ssettm $0x7FFFFFFF  }
tec
execute0_lowered:
.L_overlay_start_1:
0x0: {  	(tag) =	ssettag $0x1  }
0x1: {  	s2 =	rddreg [dreg:$0x0]  }
0x2: {  	s4 =	rddreg [dreg:$0x1];
	s3 =	stileid.u32  }
0x3: {  	[bflag:$0x3] =	sbarrier.arrive $0xFFFF;
	s1 =	simm.s32 $_size_execute1_lowered;
	s29 =	srdreg.scid  }
0x4: {  	s7 =	simm.s32 $0x2;
	s8 =	simm.s32 $0x0;
	p0 =	sne.s32 s3, $0x0  }
0x5: {  	s1 =	sshll.u32 s1, $0x1;
	s5 =	simm.s32 @!p0 $0x1C3F;
	s6 =	simm.s32 @!p0 $0x4060  }
0x6: {  	[timem:s6], [sflag:s5] =	dma.local @!p0 [hbm:s2], s1  }
0x7: {  	s12 =	simm.s32 $0x0;
	s10 =	simm.s32 $0x0;
	s2 =	sshll.u32 s29, $0x6  }
.Ltmp0:
0x8: {  	s3 =	sshll.u32 s3, $0x7;
	s30 =	sand.u32 $0x40, s2;
	(pc) =	sbr.rel .LBB2_1-.Ltmp0, $4  }
0x9: {  	s11 =	simm.s32 $0x0;
	s5 =	simm.s32 $0x1;
	s3 =	sor.u32 s3, s30  }
0xa: {  	_ =	strace $0x8000004D;
	s2 =	sadd.s32 $0x5000, s4;
	s31 =	ssub.s32 $0x2700, s3  }
0xb: {  	s4 =	sadd.s32 $0x53200, s4;
	[sflag:s5] =	ssyncpa.u1 $0x0;
	s6 =	sshrl.u32 s31, $0xB  }
0xc: {  	[sflag:s7] =	ssyncpa.u1 $0x0;
	s9 =	smov.u32 s3;
	s7 =	sadd.s32 $0x2, s6  }
.LBB2_4:
0xd: {  	_ = 	snop  }
.LBB2_7:
0xe: {  	_ =	sdelay $0x3  }
0xf: {  	[tilespmem:v0+s24+$0x0 ss:$0x1] =	vst.idx.msk @p1 $0xffff, v2  }
0x10: {  	s0 =	sor.u32 s29, s28;
	v2 =	vld.idx.msk @p1 [tilespmem:v1+s16+$0x0 ss:$0x1], $0xffff;
	[tilespmem:v0+s22+$0x0 ss:$0x1] =	vst.idx.msk @p1 $0xffff, v3  }
0x11: {  	s18 =	sand.u32 $0x80, s18;
	v3 =	vld.idx.msk @p1 [tilespmem:v1+s17+$0x0 ss:$0x1], $0xffff;
	[tilespmem:v0+s20+$0x0 ss:$0x1] =	vst.idx.msk @p1 $0xffff, v4;
	s24 =	sand.u32 $0x3B00, s0  }
0x12: {  	v4 =	vld.idx.msk @p1 [tilespmem:v1+s15+$0x0 ss:$0x1], $0xffff;
	[tilespmem:v0+s21+$0x0 ss:$0x1] =	vst.idx.msk @p1 $0xffff, v5;
	s0 =	sand.u32 $0x3B80, s0;
	s18 =	sor.u32 s18, s24  }
0x13: {  	[tilespmem:v0+s19+$0x0 ss:$0x1] =	vst.idx.msk @p1 $0xffff, v6;
	s0 =	sor.u32 $0x410, s0;
	v54 =	vld.idx.msk [tilespmem:v1+s18+$0x0 ss:$0x1], $0xffff  }
0x14: {  	[tilespmem:v0+s23+$0x0 ss:$0x1] =	vst.idx.msk @p1 $0xffff, v7;
	s25 =	sor.u32 $0x400, s18;
	v63 =	vld.idx.msk [tilespmem:v1+s0+$0x0 ss:$0x1], $0xffff  }
0x15: {  	s26 =	sor.u32 $0x10, s18;
	v55 =	vld.idx.msk [tilespmem:v1+s25+$0x0 ss:$0x1], $0xffff;
	[tilespmem:v0+s16+$0x0 ss:$0x1] =	vst.idx.msk @p1 $0xffff, v2  }
0x16: {  	s28 =	sor.u32 $0x20, s18;
	v56 =	vld.idx.msk [tilespmem:v1+s26+$0x0 ss:$0x1], $0xffff;
	[tilespmem:v0+s17+$0x0 ss:$0x1] =	vst.idx.msk @p1 $0xffff, v3  }
0x17: {  	s29 =	sor.u32 $0x30, s18;
	v57 =	vld.idx.msk [tilespmem:v1+s28+$0x0 ss:$0x1], $0xffff;
	[tilespmem:v0+s15+$0x0 ss:$0x1] =	vst.idx.msk @p1 $0xffff, v4  }
0x18: {  	s30 =	sor.u32 $0x40, s18;
	v58 =	vld.idx.msk [tilespmem:v1+s29+$0x0 ss:$0x1], $0xffff;
	[tilespmem:v0+s18+$0x0 ss:$0x1] =	vst.idx.msk $0xffff, v54  }
0x19: {  	s31 =	sor.u32 $0x50, s18;
	v59 =	vld.idx.msk [tilespmem:v1+s30+$0x0 ss:$0x1], $0xffff;
	[tilespmem:v0+s0+$0x0 ss:$0x1] =	vst.idx.msk $0xffff, v63  }
0x1a: {  	s22 =	sor.u32 $0x60, s18;
	v60 =	vld.idx.msk [tilespmem:v1+s31+$0x0 ss:$0x1], $0xffff;
	[tilespmem:v0+s25+$0x0 ss:$0x1] =	vst.idx.msk $0xffff, v55  }
0x1b: {  	v61 =	vld.idx.msk [tilespmem:v1+s22+$0x0 ss:$0x1], $0xffff;
	s18 =	sor.u32 $0x70, s18;
	[tilespmem:v0+s26+$0x0 ss:$0x1] =	vst.idx.msk $0xffff, v56  }
0x1c: {  	v62 =	vld.idx.msk [tilespmem:v1+s18+$0x0 ss:$0x1], $0xffff;
	[tilespmem:v0+s28+$0x0 ss:$0x1] =	vst.idx.msk $0xffff, v57  }
0x1d: {  	[tilespmem:v0+s29+$0x0 ss:$0x1] =	vst.idx.msk $0xffff, v58  }
0x1e: {  	[tilespmem:v0+s30+$0x0 ss:$0x1] =	vst.idx.msk $0xffff, v59  }
0x1f: {  	[tilespmem:v0+s31+$0x0 ss:$0x1] =	vst.idx.msk $0xffff, v60  }
0x20: {  	[tilespmem:v0+s22+$0x0 ss:$0x1] =	vst.idx.msk $0xffff, v61  }
0x21: {  	[tilespmem:v0+s18+$0x0 ss:$0x1] =	vst.idx.msk $0xffff, v62  }
.LBB2_8:
0x22: {  	s0 =	sshll.u32 s10, $0x8;
	s15 =	sshll.u32 s10, $0x7  }
0x23: {  	s0 =	sand.u32 $0xFFFFF800, s0;
	s15 =	sand.u32 $0x300, s15  }
0x24: {  	s0 =	sor.u32 s15, s0  }
0x25: {  	s0 =	sshrl.u32 s0, $0x8  }
0x26: {  	s30 =	smulhi.u32 $0x1A36E3, s0;
	_ =	sdelay $0x1  }
0x27: {  	s15 =	sshrl.u32 s30, $0x2  }
0x28: {  	s15 =	smul.u32 $0x2710, s15  }
0x29: {  	s16 =	sshll.u32 s10, $0x4  }
0x2a: {  	s31 =	sand.u32 $0x10, s16;
	s0 =	ssub.s32 s0, s15  }
0x2b: {  	s15 =	sadd.s32 s4, s31;
	s0 =	sshll.u32 s0, $0x5  }
0x2c: {  	s0 =	sadd.s32 s0, s15  }
0x2d: {  	[hbm4b:s0+s8] =	stream.linear.scatter [tilespmem:s14], [sflag:$0x2], s13, $0x38;
	[tilespmem:$0x10000] =	vst v63  }
.LBB2_9:
0x2e: {  	p1 =	slt.u32 s11, $0x2  }
0x2f: {  	p2 =	sgt.s32 @!p1 s12, $0x26D0  }
0x30: {  	s0 =	smov.u32 s12;
	s13 =	sshra.s32 @!p1 s12, $0x1F;
	p2 =	por !p2, p1  }
0x31: {  	s12 =	sand.u32 @!p1 s13, s12;
	s0 =	simm.s32 @p2 $0x26D0  }
0x32: {  	s0 =	ssub.s32 @!p1 s0, s12  }
0x33: {  	s0 =	sadd.s32 @!p1 $0xFFFFD930, s0  }
0x34: {  	s12 =	sshll.u32 @!p1 s0, $0xA  }
0x35: {  	p2 =	sgt.s32 @!p1 s0, $0x3F;
	s0 =	ssub.s32 @!p1 $0x10000, s12  }
0x36: {  	s14 =	sadd.s32 $0x800, s9;
	p2 =	por !p2, p1;
	s0 =	sshrl.u32 @!p1 s0, $0x2  }
0x37: {  	s0 =	simm.s32 @!p2 $0x0;
	p2 =	sgt.s32 s14, $0x270F  }
0x38: {  	s14 =	smov.u32 @p2 s3;
	p2 =	sne.s32 s11, s7  }
.Ltmp1:
0x39: {  	_ = 	snop;
	(pc) =	sbr.rel @!p2 .LBB2_10-.Ltmp1, $4  }
0x3a: {  	s13 =	simm.s32 @!p1 $0x2  }
0x3b: {  	s12 =	smov.u32 s10;
	_ =	swait.ge @!p1 [sflag:s13], s0  }
0x3c: {  	s10 =	smov.u32 s9;
	s0 =	ssub.s32 @!p1 $0x0, s0;
	[sflag:s13] =	ssyncset.done @!p1 $0x0  }
0x3d: {  	s11 =	sadd.s32 $0x1, s11;
	s9 =	smov.u32 s14;
	[sflag:s13] =	ssyncadd.s32 @!p1 s0  }
.LBB2_1:
0x3e: {  	p1 =	sgt.u32 s11, s6  }
0x3f: {  	s13 =	sshll.u32 @!p1 s9, $0x8;
	s14 =	sshll.u32 @!p1 s9, $0x7  }
0x40: {  	s13 =	sand.u32 @!p1 $0xFFFFF800, s13;
	s14 =	sand.u32 @!p1 $0x300, s14  }
0x41: {  	s13 =	sor.u32 @!p1 s14, s13  }
0x42: {  	s15 =	smov.u32 s9;
	p2 =	sgt.s32 @!p1 s9, $0x26D0;
	s13 =	sshrl.u32 @!p1 s13, $0x8  }
0x43: {  	s16 =	sshra.s32 @!p1 s9, $0x1F;
	p2 =	por !p2, p1;
	s14 =	smulhi.u32 @!p1 $0x1A36E3, s13  }
0x44: {  	s16 =	sand.u32 @!p1 s16, s9;
	s15 =	simm.s32 @p2 $0x26D0  }
0x45: {  	s15 =	ssub.s32 @!p1 s15, s16;
	s16 =	sxor.u32 @!p1 $0xFFFFFFFF, s11;
	s14 =	sshrl.u32 @!p1 s14, $0x2  }
0x46: {  	s15 =	sadd.s32 @!p1 $0xFFFFD930, s15;
	s16 =	sshll.u32 @!p1 s16, $0xE;
	s14 =	smul.u32 @!p1 $0x2710, s14  }
0x47: {  	p2 =	sgt.s32 @!p1 s15, $0x3F;
	s16 =	sand.u32 @!p1 $0x4000, s16  }
0x48: {  	s13 =	ssub.s32 @!p1 s13, s14;
	s14 =	sshll.u32 @!p1 s15, $0xA;
	s15 =	sshll.u32 @!p1 s9, $0x4  }
0x49: {  	p2 =	por !p2, p1;
	s14 =	ssub.s32 @!p1 $0x10000, s14;
	s15 =	sand.u32 @!p1 $0x10, s15  }
0x4a: {  	s13 =	sshll.u32 @!p1 s13, $0x5;
	s14 =	sshrl.u32 @!p1 s14, $0x2;
	s15 =	sadd.s32 @!p1 s2, s15  }
0x4b: {  	s14 =	simm.s32 @!p2 $0x0;
	s13 =	sadd.s32 @!p1 s13, s15;
	s15 =	simm.s32 @!p1 $0x0  }
0x4c: {  	[tilespmem:s16], [sflag:$0x1] =	stream.linear.gather @!p1 [hbm4b:s13+s15], s14, $0x38;
	[tilespmem:$0x10000] =	vst v63  }
0x4d: {  	p1 =	seq.s32 s11, $0x0  }
0x4e: {  	p2 =	sge.u32 @!p1 s11, s7  }
0x4f: {  	p1 =	por p1, p2  }
.Ltmp2:
0x50: {  	_ = 	snop;
	(pc) =	sbr.rel @p1 .LBB2_9-.Ltmp2, $1  }
0x51: {  	_ =	sdelay $0x3  }
0x52: {  	p1 =	sgt.s32 s10, $0x26D0;
	s13 =	smov.u32 s10;
	s14 =	sshra.s32 s10, $0x1F  }
0x53: {  	s13 =	simm.s32 @!p1 $0x26D0;
	s14 =	sand.u32 s14, s10  }
0x54: {  	s13 =	ssub.s32 s13, s14  }
0x55: {  	s13 =	sadd.s32 $0xFFFFD930, s13  }
0x56: {  	s31 =	sshll.u32 s13, $0xA  }
0x57: {  	s14 =	ssub.s32 $0x10000, s31  }
0x58: {  	p1 =	sgt.s32 s13, $0x3F;
	s13 =	sshrl.u32 s14, $0x2;
	s14 =	sadd.s32 $0x40, s10  }
0x59: {  	s13 =	simm.s32 @p1 $0x0;
	p1 =	slt.s32 s14, $0x2710  }
0x5a: {  	s14 =	simm.s32 @!p1 $0x2710  }
0x5b: {  	s15 =	ssub.s32 s14, s10  }
0x5c: {  	p1 =	slt.s32 s15, $0x1  }
.Ltmp3:
0x5d: {  	_ = 	snop;
	(pc) =	sbr.rel @p1 .LBB2_8-.Ltmp3, $4  }
0x5e: {  	_ = 	snop  }
0x5f: {  	s16 =	sshll.u32 s11, $0xE;
	_ =	swait.ge [sflag:s5], s13  }
0x60: {  	s16 =	sand.u32 $0x4000, s16;
	s17 =	ssub.s32 $0x0, s13;
	[sflag:s5] =	ssyncset.done $0x0  }
0x61: {  	s14 =	sor.u32 $0x8000, s16;
	[sflag:s5] =	ssyncadd.s32 s17  }
0x62: {  	p2 =	sne.s32 s15, $0x1  }
.Ltmp4:
0x63: {  	v1 =	vmov s16;
	v0 =	vmov s14;
	(pc) =	sbr.rel @!p2 .LBB2_4-.Ltmp4, $3  }
0x64: {  	_ =	sdelay $0x1  }
0x65: {  	s18 =	simm.s32 $0x0;
	s26 =	sadd.s32 $0xFFFFFFFF, s15  }
0x66: {  	p1 =	por $0x0, $0x0;
	s28 =	sand.u32 $0xFFFFF800, s18;
	s29 =	sand.u32 $0x380, s18  }
0x67: {  	_ = 	snop  }
0x68: {  	s15 =	sor.u32 s29, s28  }
0x69: {  	s16 =	sand.u32 $0x80, s18;
	s17 =	sand.u32 $0x3B00, s15  }
0x6a: {  	s30 =	sor.u32 s16, s17  }
0x6b: {  	v7 =	vld.idx.msk [tilespmem:v1+s30+$0x0 ss:$0x1], $0xffff;
	s24 =	sor.u32 $0x400, s30  }
0x6c: {  	p2 =	sne.s32 s26, $0x1;
	s22 =	sor.u32 $0x10, s30;
	v2 =	vld.idx.msk [tilespmem:v1+s24+$0x0 ss:$0x1], $0xffff  }
.Ltmp5:
0x6d: {  	s25 =	simm.s32 $0x100;
	s20 =	sor.u32 $0x20, s30;
	v3 =	vld.idx.msk [tilespmem:v1+s22+$0x0 ss:$0x1], $0xffff;
	(pc) =	sbr.rel @!p2 .LBB2_7-.Ltmp5, $4  }
0x6e: {  	s18 =	simm.s32 $0x80;
	s26 =	sadd.s32 $0xFFFFFFFF, s26;
	s21 =	sor.u32 $0x30, s30;
	v4 =	vld.idx.msk [tilespmem:v1+s20+$0x0 ss:$0x1], $0xffff  }
0x6f: {  	p1 =	por $0x1, $0x1;
	s15 =	sand.u32 $0x3B80, s15;
	s19 =	sor.u32 $0x40, s30;
	v5 =	vld.idx.msk [tilespmem:v1+s21+$0x0 ss:$0x1], $0xffff  }
0x70: {  	s28 =	sand.u32 $0xFFFFF800, s25;
	s29 =	sand.u32 $0x380, s18;
	s23 =	sor.u32 $0x50, s30;
	v6 =	vld.idx.msk [tilespmem:v1+s19+$0x0 ss:$0x1], $0xffff  }
0x71: {  	s15 =	sor.u32 $0x410, s15;
	s16 =	sor.u32 $0x60, s30;
	s17 =	sor.u32 $0x70, s30;
	[tilespmem:v0+s30+$0x0 ss:$0x1] =	vst.idx.msk $0xffff, v7;
	v7 =	vld.idx.msk [tilespmem:v1+s23+$0x0 ss:$0x1], $0xffff  }
.LBB2_6:
0x72: {  	p2 =	sne.s32 s26, $0x1;
	s28 =	sor.u32 s29, s28;
	v8 =	vld.idx.msk [tilespmem:v1+s16+$0x0 ss:$0x1], $0xffff;
	[tilespmem:v0+s24+$0x0 ss:$0x1] =	vst.idx.msk $0xffff, v2  }
0x73: {  	s24 =	sand.u32 $0x80, s18;
	s29 =	sand.u32 $0x3B00, s28;
	s28 =	sand.u32 $0x3B80, s28;
	[tilespmem:v0+s22+$0x0 ss:$0x1] =	vst.idx.msk $0xffff, v3;
	v9 =	vld.idx.msk [tilespmem:v1+s17+$0x0 ss:$0x1], $0xffff  }
0x74: {  	s30 =	sor.u32 s24, s29;
	s28 =	sor.u32 $0x410, s28;
	[tilespmem:v0+s20+$0x0 ss:$0x1] =	vst.idx.msk $0xffff, v4;
	v10 =	vld.idx.msk [tilespmem:v1+s15+$0x0 ss:$0x1], $0xffff  }
0x75: {  	v11 =	vld.idx.msk [tilespmem:v1+s30+$0x0 ss:$0x1], $0xffff;
	s22 =	sor.u32 $0x10, s30;
	s20 =	sor.u32 $0x20, s30;
	s24 =	sor.u32 $0x400, s30;
	[tilespmem:v0+s21+$0x0 ss:$0x1] =	vst.idx.msk $0xffff, v5  }
0x76: {  	s21 =	sor.u32 $0x30, s30;
	s29 =	sor.u32 $0x50, s30;
	v2 =	vld.idx.msk [tilespmem:v1+s24+$0x0 ss:$0x1], $0xffff;
	[tilespmem:v0+s19+$0x0 ss:$0x1] =	vst.idx.msk $0xffff, v6;
	s19 =	sor.u32 $0x40, s30  }
.Ltmp6:
0x77: {  	s31 =	sor.u32 $0x60, s30;
	s0 =	sor.u32 $0x70, s30;
	v3 =	vld.idx.msk [tilespmem:v1+s22+$0x0 ss:$0x1], $0xffff;
	[tilespmem:v0+s23+$0x0 ss:$0x1] =	vst.idx.msk $0xffff, v7;
	(pc) =	sbr.rel @p2 .LBB2_6-.Ltmp6, $4  }
0x78: {  	s23 =	smov.u32 s29;
	v4 =	vld.idx.msk [tilespmem:v1+s20+$0x0 ss:$0x1], $0xffff;
	[tilespmem:v0+s16+$0x0 ss:$0x1] =	vst.idx.msk $0xffff, v8;
	s16 =	smov.u32 s31  }
0x79: {  	v5 =	vld.idx.msk [tilespmem:v1+s21+$0x0 ss:$0x1], $0xffff;
	[tilespmem:v0+s17+$0x0 ss:$0x1] =	vst.idx.msk $0xffff, v9;
	s17 =	smov.u32 s0  }
0x7a: {  	s18 =	sadd.s32 $0x80, s18;
	s25 =	sadd.s32 $0x100, s25;
	v6 =	vld.idx.msk [tilespmem:v1+s19+$0x0 ss:$0x1], $0xffff;
	[tilespmem:v0+s15+$0x0 ss:$0x1] =	vst.idx.msk $0xffff, v10;
	s15 =	smov.u32 s28  }
0x7b: {  	s26 =	sadd.s32 $0xFFFFFFFF, s26;
	s29 =	sand.u32 $0x380, s18;
	s28 =	sand.u32 $0xFFFFF800, s25;
	[tilespmem:v0+s30+$0x0 ss:$0x1] =	vst.idx.msk $0xffff, v11;
	v7 =	vld.idx.msk [tilespmem:v1+s23+$0x0 ss:$0x1], $0xffff  }
.Ltmp7:
0x7c: {  	_ = 	snop;
	(pc) =	sbr.rel .LBB2_7-.Ltmp7, $1  }
0x7d: {  	_ =	sdelay $0x3  }
.LBB2_10:
0x7e: {  	_ =	sfence.sel $0x180000  }
0x7f: {  	s0 =	simm.s32 $0x1;
	[bflag:$0x0] =	sbarrier.arrive $0xFFFF  }
0x80: {  	s31 =	simm.s32 $0x2;
	[sflag:s0] =	ssyncpa.u1 $0x1  }
0x81: {  	[sflag:s31] =	ssyncpa.u1 $0x1  }
0x82: {  	_ =	strace $0x9000004D  }
0x83: {  	[bflag:$0x2] =	sbarrier.arrive $0xFFFF  }
0x84: {  	s0 =	rddreg [dreg:$0x2]  }
0x85: {  	s0 =	sadd.s32 @!p0 $0x100000, s0  }
0x86: {  	[sflag:s0] =	ssyncadd.tile.s32 @!p0 $0x1;
	s0 =	simm.s32 @!p0 $0x3F  }
0x87: {  	_ =	swait.ge @!p0 [sflag:s0], s1  }
0x88: {  	s1 =	ssub.s32 @!p0 $0x0, s1;
	[sflag:s0] =	ssyncset.done @!p0 $0x0  }
0x89: {  	[sflag:s0] =	ssyncadd.s32 @!p0 s1  }
0x8a: {  	[bflag:$0x3] =	sbarrier.arrive $0xFFFF  }
0x8b: {  	_ =	shalt  }
.Lfunc_end2:
execute1_lowered:
.L_overlay_start_2:
0x8c: {  	(tag) =	ssettag $0x2  }
0x8d: {  	s4 =	rddreg [dreg:$0x0]  }
0x8e: {  	s2 =	rddreg [dreg:$0x1];
	_ =	strace $0x80000050;
	s0 =	simm.s32 $0x1  }
0x8f: {  	v0 =	vimm.s32 $0x0;
	[sflag:s0] =	ssyncpa.u1 $0x0  }
0x90: {  	[tilespmem:$0x148] =	vst v0  }
0x91: {  	[tilespmem:$0x158] =	vst v0  }
0x92: {  	[tilespmem:$0x168] =	vst v0  }
0x93: {  	[tilespmem:$0x178] =	vst v0  }
0x94: {  	[tilespmem:$0x188] =	vst v0  }
0x95: {  	[tilespmem:$0x198] =	vst v0  }
0x96: {  	[tilespmem:$0x1A8] =	vst v0  }
0x97: {  	[tilespmem:$0x1B8] =	vst v0  }
0x98: {  	[tilespmem:$0x1C8] =	vst v0  }
0x99: {  	[tilespmem:$0x1D8] =	vst v0  }
0x9a: {  	[tilespmem:$0x1E8] =	vst v0  }
0x9b: {  	[tilespmem:$0x1F8] =	vst v0  }
0x9c: {  	[tilespmem:$0x208] =	vst v0  }
0x9d: {  	[tilespmem:$0x218] =	vst v0  }
0x9e: {  	[tilespmem:$0x228] =	vst v0  }
0x9f: {  	[tilespmem:$0x238] =	vst v0  }
0xa0: {  	[tilespmem:$0x248] =	vst v0  }
0xa1: {  	[tilespmem:$0x258] =	vst v0  }
0xa2: {  	[tilespmem:$0x268] =	vst v0  }
0xa3: {  	[tilespmem:$0x278] =	vst v0  }
0xa4: {  	[tilespmem:$0x288] =	vst v0  }
0xa5: {  	[tilespmem:$0x298] =	vst v0  }
0xa6: {  	[tilespmem:$0x2A8] =	vst v0  }
0xa7: {  	[tilespmem:$0x2B8] =	vst v0  }
0xa8: {  	[tilespmem:$0x2C8] =	vst v0  }
0xa9: {  	[tilespmem:$0x2D8] =	vst v0  }
0xaa: {  	[tilespmem:$0x2E8] =	vst v0  }
0xab: {  	[tilespmem:$0x2F8] =	vst v0  }
0xac: {  	[tilespmem:$0x308] =	vst v0  }
0xad: {  	[tilespmem:$0x318] =	vst v0  }
0xae: {  	[tilespmem:$0x328] =	vst v0  }
0xaf: {  	[tilespmem:$0x338] =	vst v0  }
0xb0: {  	[tilespmem:$0x348] =	vst v0  }
0xb1: {  	[tilespmem:$0x358] =	vst v0  }
0xb2: {  	[tilespmem:$0x368] =	vst v0  }
0xb3: {  	[tilespmem:$0x378] =	vst v0  }
0xb4: {  	[tilespmem:$0x388] =	vst v0  }
0xb5: {  	[tilespmem:$0x398] =	vst v0  }
0xb6: {  	[tilespmem:$0x3A8] =	vst v0  }
0xb7: {  	[tilespmem:$0x3B8] =	vst v0  }
0xb8: {  	[tilespmem:$0x3C8] =	vst v0  }
0xb9: {  	[tilespmem:$0x3D8] =	vst v0  }
0xba: {  	[tilespmem:$0x3E8] =	vst v0  }
0xbb: {  	[tilespmem:$0x3F8] =	vst v0  }
0xbc: {  	[tilespmem:$0x408] =	vst v0  }
0xbd: {  	[tilespmem:$0x418] =	vst v0  }
0xbe: {  	[tilespmem:$0x428] =	vst v0  }
0xbf: {  	[tilespmem:$0x438] =	vst v0  }
0xc0: {  	[tilespmem:$0x448] =	vst v0  }
0xc1: {  	[tilespmem:$0x458] =	vst v0  }
0xc2: {  	[tilespmem:$0x468] =	vst v0  }
0xc3: {  	[tilespmem:$0x478] =	vst v0  }
0xc4: {  	[tilespmem:$0x488] =	vst v0  }
0xc5: {  	[tilespmem:$0x498] =	vst v0  }
0xc6: {  	[tilespmem:$0x4A8] =	vst v0  }
0xc7: {  	[tilespmem:$0x4B8] =	vst v0  }
0xc8: {  	[tilespmem:$0x4C8] =	vst v0  }
0xc9: {  	[tilespmem:$0x4D8] =	vst v0  }
0xca: {  	[tilespmem:$0x4E8] =	vst v0  }
0xcb: {  	[tilespmem:$0x4F8] =	vst v0  }
0xcc: {  	[tilespmem:$0x508] =	vst v0  }
0xcd: {  	[tilespmem:$0x518] =	vst v0  }
0xce: {  	[tilespmem:$0x528] =	vst v0  }
0xcf: {  	[tilespmem:$0x538] =	vst v0  }
0xd0: {  	[tilespmem:$0x548] =	vst v0  }
0xd1: {  	[tilespmem:$0x558] =	vst v0  }
0xd2: {  	[tilespmem:$0x568] =	vst v0  }
0xd3: {  	[tilespmem:$0x578] =	vst v0  }
0xd4: {  	[tilespmem:$0x588] =	vst v0  }
0xd5: {  	[tilespmem:$0x598] =	vst v0  }
0xd6: {  	[tilespmem:$0x5A8] =	vst v0  }
0xd7: {  	[tilespmem:$0x5B8] =	vst v0  }
0xd8: {  	[tilespmem:$0x5C8] =	vst v0  }
0xd9: {  	[tilespmem:$0x5D8] =	vst v0  }
0xda: {  	[tilespmem:$0x5E8] =	vst v0  }
0xdb: {  	[tilespmem:$0x5F8] =	vst v0  }
0xdc: {  	[tilespmem:$0x608] =	vst v0  }
0xdd: {  	[tilespmem:$0x618] =	vst v0  }
0xde: {  	[tilespmem:$0x628] =	vst v0  }
0xdf: {  	[tilespmem:$0x638] =	vst v0  }
0xe0: {  	[tilespmem:$0x648] =	vst v0  }
0xe1: {  	[tilespmem:$0x658] =	vst v0  }
0xe2: {  	[tilespmem:$0x668] =	vst v0  }
0xe3: {  	[tilespmem:$0x678] =	vst v0  }
0xe4: {  	[tilespmem:$0x688] =	vst v0  }
0xe5: {  	[tilespmem:$0x698] =	vst v0  }
0xe6: {  	[tilespmem:$0x6A8] =	vst v0  }
0xe7: {  	[tilespmem:$0x6B8] =	vst v0  }
0xe8: {  	[tilespmem:$0x6C8] =	vst v0  }
0xe9: {  	[tilespmem:$0x6D8] =	vst v0  }
0xea: {  	[tilespmem:$0x6E8] =	vst v0  }
0xeb: {  	[tilespmem:$0x6F8] =	vst v0  }
0xec: {  	[tilespmem:$0x708] =	vst v0  }
0xed: {  	[tilespmem:$0x718] =	vst v0  }
0xee: {  	[tilespmem:$0x728] =	vst v0  }
0xef: {  	[tilespmem:$0x738] =	vst v0  }
0xf0: {  	[tilespmem:$0x748] =	vst v0  }
0xf1: {  	[tilespmem:$0x758] =	vst v0  }
0xf2: {  	[tilespmem:$0x768] =	vst v0  }
0xf3: {  	[tilespmem:$0x778] =	vst v0  }
0xf4: {  	[tilespmem:$0x788] =	vst v0  }
0xf5: {  	[tilespmem:$0x798] =	vst v0  }
0xf6: {  	[tilespmem:$0x7A8] =	vst v0  }
0xf7: {  	[tilespmem:$0x7B8] =	vst v0  }
0xf8: {  	[tilespmem:$0x7C8] =	vst v0  }
0xf9: {  	[tilespmem:$0x7D8] =	vst v0  }
0xfa: {  	[tilespmem:$0x7E8] =	vst v0  }
0xfb: {  	[tilespmem:$0x7F8] =	vst v0  }
0xfc: {  	[tilespmem:$0x808] =	vst v0  }
0xfd: {  	[tilespmem:$0x818] =	vst v0  }
0xfe: {  	[tilespmem:$0x828] =	vst v0  }
0xff: {  	[tilespmem:$0x838] =	vst v0  }
0x100: {  	[tilespmem:$0x848] =	vst v0  }
0x101: {  	[tilespmem:$0x858] =	vst v0  }
0x102: {  	[tilespmem:$0x868] =	vst v0  }
0x103: {  	[tilespmem:$0x878] =	vst v0  }
0x104: {  	[tilespmem:$0x888] =	vst v0  }
0x105: {  	[tilespmem:$0x898] =	vst v0  }
0x106: {  	[tilespmem:$0x8A8] =	vst v0  }
0x107: {  	[tilespmem:$0x8B8] =	vst v0  }
0x108: {  	[tilespmem:$0x8C8] =	vst v0  }
0x109: {  	[tilespmem:$0x8D8] =	vst v0  }
0x10a: {  	[tilespmem:$0x8E8] =	vst v0  }
0x10b: {  	[tilespmem:$0x8F8] =	vst v0  }
0x10c: {  	[tilespmem:$0x908] =	vst v0  }
0x10d: {  	[tilespmem:$0x918] =	vst v0  }
0x10e: {  	[tilespmem:$0x928] =	vst v0  }
0x10f: {  	[tilespmem:$0x938] =	vst v0  }
0x110: {  	[tilespmem:$0x948] =	vst v0  }
0x111: {  	[tilespmem:$0x958] =	vst v0  }
0x112: {  	[tilespmem:$0x968] =	vst v0  }
0x113: {  	[tilespmem:$0x978] =	vst v0  }
0x114: {  	[tilespmem:$0x988] =	vst v0  }
0x115: {  	[tilespmem:$0x998] =	vst v0  }
0x116: {  	[tilespmem:$0x9A8] =	vst v0  }
0x117: {  	[tilespmem:$0x9B8] =	vst v0  }
0x118: {  	[tilespmem:$0x9C8] =	vst v0  }
0x119: {  	[tilespmem:$0x9D8] =	vst v0  }
0x11a: {  	[tilespmem:$0x9E8] =	vst v0  }
0x11b: {  	[tilespmem:$0x9F8] =	vst v0  }
0x11c: {  	[tilespmem:$0xA08] =	vst v0  }
0x11d: {  	[tilespmem:$0xA18] =	vst v0  }
0x11e: {  	[tilespmem:$0xA28] =	vst v0  }
0x11f: {  	[tilespmem:$0xA38] =	vst v0  }
0x120: {  	[tilespmem:$0xA48] =	vst v0  }
0x121: {  	[tilespmem:$0xA58] =	vst v0  }
0x122: {  	[tilespmem:$0xA68] =	vst v0  }
0x123: {  	[tilespmem:$0xA78] =	vst v0  }
0x124: {  	[tilespmem:$0xA88] =	vst v0  }
0x125: {  	[tilespmem:$0xA98] =	vst v0  }
0x126: {  	[tilespmem:$0xAA8] =	vst v0  }
0x127: {  	[tilespmem:$0xAB8] =	vst v0  }
0x128: {  	[tilespmem:$0xAC8] =	vst v0  }
0x129: {  	[tilespmem:$0xAD8] =	vst v0  }
0x12a: {  	[tilespmem:$0xAE8] =	vst v0  }
0x12b: {  	[tilespmem:$0xAF8] =	vst v0  }
0x12c: {  	[tilespmem:$0xB08] =	vst v0  }
0x12d: {  	[tilespmem:$0xB18] =	vst v0  }
0x12e: {  	[tilespmem:$0xB28] =	vst v0  }
0x12f: {  	[tilespmem:$0xB38] =	vst v0  }
0x130: {  	[tilespmem:$0xB48] =	vst v0  }
0x131: {  	[tilespmem:$0xB58] =	vst v0  }
0x132: {  	[tilespmem:$0xB68] =	vst v0  }
0x133: {  	[tilespmem:$0xB78] =	vst v0  }
0x134: {  	[tilespmem:$0xB88] =	vst v0  }
0x135: {  	[tilespmem:$0xB98] =	vst v0  }
0x136: {  	[tilespmem:$0xBA8] =	vst v0  }
0x137: {  	[tilespmem:$0xBB8] =	vst v0  }
0x138: {  	[tilespmem:$0xBC8] =	vst v0  }
0x139: {  	[tilespmem:$0xBD8] =	vst v0  }
0x13a: {  	[tilespmem:$0xBE8] =	vst v0  }
0x13b: {  	[tilespmem:$0xBF8] =	vst v0  }
0x13c: {  	[tilespmem:$0xC08] =	vst v0  }
0x13d: {  	[tilespmem:$0xC18] =	vst v0  }
0x13e: {  	[tilespmem:$0xC28] =	vst v0  }
0x13f: {  	[tilespmem:$0xC38] =	vst v0  }
0x140: {  	[tilespmem:$0xC48] =	vst v0  }
0x141: {  	[tilespmem:$0xC58] =	vst v0  }
0x142: {  	[tilespmem:$0xC68] =	vst v0  }
0x143: {  	[tilespmem:$0xC78] =	vst v0  }
0x144: {  	[tilespmem:$0xC88] =	vst v0  }
0x145: {  	[tilespmem:$0xC98] =	vst v0  }
0x146: {  	[tilespmem:$0xCA8] =	vst v0  }
0x147: {  	[tilespmem:$0xCB8] =	vst v0  }
0x148: {  	[tilespmem:$0xCC8] =	vst v0  }
0x149: {  	[tilespmem:$0xCD8] =	vst v0  }
0x14a: {  	[tilespmem:$0xCE8] =	vst v0  }
0x14b: {  	[tilespmem:$0xCF8] =	vst v0  }
0x14c: {  	[tilespmem:$0xD08] =	vst v0  }
0x14d: {  	[tilespmem:$0xD18] =	vst v0  }
0x14e: {  	[tilespmem:$0xD28] =	vst v0  }
0x14f: {  	[tilespmem:$0xD38] =	vst v0  }
0x150: {  	[tilespmem:$0xD48] =	vst v0  }
0x151: {  	[tilespmem:$0xD58] =	vst v0  }
0x152: {  	[tilespmem:$0xD68] =	vst v0  }
0x153: {  	[tilespmem:$0xD78] =	vst v0  }
0x154: {  	[tilespmem:$0xD88] =	vst v0  }
0x155: {  	[tilespmem:$0xD98] =	vst v0  }
0x156: {  	[tilespmem:$0xDA8] =	vst v0  }
0x157: {  	[tilespmem:$0xDB8] =	vst v0  }
0x158: {  	[tilespmem:$0xDC8] =	vst v0  }
0x159: {  	[tilespmem:$0xDD8] =	vst v0  }
0x15a: {  	[tilespmem:$0xDE8] =	vst v0  }
0x15b: {  	[tilespmem:$0xDF8] =	vst v0  }
0x15c: {  	[tilespmem:$0xE08] =	vst v0  }
0x15d: {  	[tilespmem:$0xE18] =	vst v0  }
0x15e: {  	[tilespmem:$0xE28] =	vst v0  }
0x15f: {  	[tilespmem:$0xE38] =	vst v0  }
0x160: {  	[tilespmem:$0xE48] =	vst v0  }
0x161: {  	[tilespmem:$0xE58] =	vst v0  }
0x162: {  	[tilespmem:$0xE68] =	vst v0  }
0x163: {  	[tilespmem:$0xE78] =	vst v0  }
0x164: {  	[tilespmem:$0xE88] =	vst v0  }
0x165: {  	[tilespmem:$0xE98] =	vst v0  }
0x166: {  	[tilespmem:$0xEA8] =	vst v0  }
0x167: {  	[tilespmem:$0xEB8] =	vst v0  }
0x168: {  	[tilespmem:$0xEC8] =	vst v0  }
0x169: {  	[tilespmem:$0xED8] =	vst v0  }
0x16a: {  	[tilespmem:$0xEE8] =	vst v0  }
0x16b: {  	[tilespmem:$0xEF8] =	vst v0  }
0x16c: {  	[tilespmem:$0xF08] =	vst v0  }
0x16d: {  	[tilespmem:$0xF18] =	vst v0  }
0x16e: {  	[tilespmem:$0xF28] =	vst v0  }
0x16f: {  	[tilespmem:$0xF38] =	vst v0  }
0x170: {  	[tilespmem:$0xF48] =	vst v0  }
0x171: {  	[tilespmem:$0xF58] =	vst v0  }
0x172: {  	[tilespmem:$0xF68] =	vst v0  }
0x173: {  	[tilespmem:$0xF78] =	vst v0  }
0x174: {  	[tilespmem:$0xF88] =	vst v0  }
0x175: {  	[tilespmem:$0xF98] =	vst v0  }
0x176: {  	[tilespmem:$0xFA8] =	vst v0  }
0x177: {  	[tilespmem:$0xFB8] =	vst v0  }
0x178: {  	[tilespmem:$0xFC8] =	vst v0  }
0x179: {  	[tilespmem:$0xFD8] =	vst v0  }
0x17a: {  	[tilespmem:$0xFE8] =	vst v0  }
0x17b: {  	[tilespmem:$0xFF8] =	vst v0  }
0x17c: {  	[tilespmem:$0x1008] =	vst v0  }
0x17d: {  	[tilespmem:$0x1018] =	vst v0  }
0x17e: {  	[tilespmem:$0x1028] =	vst v0  }
0x17f: {  	[tilespmem:$0x1038] =	vst v0  }
0x180: {  	[tilespmem:$0x1048] =	vst v0  }
0x181: {  	[tilespmem:$0x1058] =	vst v0  }
0x182: {  	[tilespmem:$0x1068] =	vst v0  }
0x183: {  	[tilespmem:$0x1078] =	vst v0  }
0x184: {  	[tilespmem:$0x1088] =	vst v0  }
0x185: {  	[tilespmem:$0x1098] =	vst v0  }
0x186: {  	[tilespmem:$0x10A8] =	vst v0  }
0x187: {  	[tilespmem:$0x10B8] =	vst v0  }
0x188: {  	[tilespmem:$0x10C8] =	vst v0  }
0x189: {  	[tilespmem:$0x10D8] =	vst v0  }
0x18a: {  	[tilespmem:$0x10E8] =	vst v0  }
0x18b: {  	[tilespmem:$0x10F8] =	vst v0  }
0x18c: {  	[tilespmem:$0x1108] =	vst v0  }
0x18d: {  	[tilespmem:$0x1118] =	vst v0  }
0x18e: {  	[tilespmem:$0x1128] =	vst v0  }
0x18f: {  	[tilespmem:$0x1DA8] =	vst v0  }
0x190: {  	[tilespmem:$0x1138] =	vst v0  }
0x191: {  	[tilespmem:$0x1148] =	vst v0  }
0x192: {  	[tilespmem:$0x1158] =	vst v0  }
0x193: {  	[tilespmem:$0x1168] =	vst v0  }
0x194: {  	[tilespmem:$0x1178] =	vst v0  }
0x195: {  	[tilespmem:$0x1188] =	vst v0  }
0x196: {  	[tilespmem:$0x1198] =	vst v0  }
0x197: {  	[tilespmem:$0x11A8] =	vst v0  }
0x198: {  	[tilespmem:$0x11B8] =	vst v0  }
0x199: {  	[tilespmem:$0x11C8] =	vst v0  }
0x19a: {  	[tilespmem:$0x11D8] =	vst v0  }
0x19b: {  	[tilespmem:$0x11E8] =	vst v0  }
0x19c: {  	[tilespmem:$0x11F8] =	vst v0  }
0x19d: {  	[tilespmem:$0x1208] =	vst v0  }
0x19e: {  	[tilespmem:$0x1218] =	vst v0  }
0x19f: {  	[tilespmem:$0x1228] =	vst v0  }
0x1a0: {  	[tilespmem:$0x1238] =	vst v0  }
0x1a1: {  	[tilespmem:$0x1248] =	vst v0  }
0x1a2: {  	[tilespmem:$0x1258] =	vst v0  }
0x1a3: {  	[tilespmem:$0x1268] =	vst v0  }
0x1a4: {  	[tilespmem:$0x1278] =	vst v0  }
0x1a5: {  	[tilespmem:$0x1288] =	vst v0  }
0x1a6: {  	[tilespmem:$0x1298] =	vst v0  }
0x1a7: {  	[tilespmem:$0x12A8] =	vst v0  }
0x1a8: {  	[tilespmem:$0x12B8] =	vst v0  }
0x1a9: {  	[tilespmem:$0x12C8] =	vst v0  }
0x1aa: {  	[tilespmem:$0x12D8] =	vst v0  }
0x1ab: {  	[tilespmem:$0x12E8] =	vst v0  }
0x1ac: {  	[tilespmem:$0x12F8] =	vst v0  }
0x1ad: {  	[tilespmem:$0x1308] =	vst v0  }
0x1ae: {  	[tilespmem:$0x1318] =	vst v0  }
0x1af: {  	[tilespmem:$0x1328] =	vst v0  }
0x1b0: {  	[tilespmem:$0x1338] =	vst v0  }
0x1b1: {  	[tilespmem:$0x1348] =	vst v0  }
0x1b2: {  	[tilespmem:$0x1358] =	vst v0  }
0x1b3: {  	[tilespmem:$0x1368] =	vst v0  }
0x1b4: {  	[tilespmem:$0x1378] =	vst v0  }
0x1b5: {  	[tilespmem:$0x1388] =	vst v0  }
0x1b6: {  	[tilespmem:$0x1398] =	vst v0  }
0x1b7: {  	[tilespmem:$0x13A8] =	vst v0  }
0x1b8: {  	[tilespmem:$0x13B8] =	vst v0  }
0x1b9: {  	[tilespmem:$0x13C8] =	vst v0  }
0x1ba: {  	[tilespmem:$0x13D8] =	vst v0  }
0x1bb: {  	[tilespmem:$0x13E8] =	vst v0  }
0x1bc: {  	[tilespmem:$0x13F8] =	vst v0  }
0x1bd: {  	[tilespmem:$0x1408] =	vst v0  }
0x1be: {  	[tilespmem:$0x1418] =	vst v0  }
0x1bf: {  	[tilespmem:$0x1428] =	vst v0  }
0x1c0: {  	[tilespmem:$0x1438] =	vst v0  }
0x1c1: {  	[tilespmem:$0x1448] =	vst v0  }
0x1c2: {  	[tilespmem:$0x1458] =	vst v0  }
0x1c3: {  	[tilespmem:$0x1468] =	vst v0  }
0x1c4: {  	[tilespmem:$0x1478] =	vst v0  }
0x1c5: {  	[tilespmem:$0x1488] =	vst v0  }
0x1c6: {  	[tilespmem:$0x1498] =	vst v0  }
0x1c7: {  	[tilespmem:$0x14A8] =	vst v0  }
0x1c8: {  	[tilespmem:$0x14B8] =	vst v0  }
0x1c9: {  	[tilespmem:$0x14C8] =	vst v0  }
0x1ca: {  	[tilespmem:$0x14D8] =	vst v0  }
0x1cb: {  	[tilespmem:$0x14E8] =	vst v0  }
0x1cc: {  	[tilespmem:$0x14F8] =	vst v0  }
0x1cd: {  	[tilespmem:$0x1508] =	vst v0  }
0x1ce: {  	[tilespmem:$0x1518] =	vst v0  }
0x1cf: {  	[tilespmem:$0x1528] =	vst v0  }
0x1d0: {  	[tilespmem:$0x1538] =	vst v0  }
0x1d1: {  	[tilespmem:$0x1548] =	vst v0  }
0x1d2: {  	[tilespmem:$0x1558] =	vst v0  }
0x1d3: {  	[tilespmem:$0x1568] =	vst v0  }
0x1d4: {  	[tilespmem:$0x1578] =	vst v0  }
0x1d5: {  	[tilespmem:$0x1588] =	vst v0  }
0x1d6: {  	[tilespmem:$0x1598] =	vst v0  }
0x1d7: {  	[tilespmem:$0x15A8] =	vst v0  }
0x1d8: {  	[tilespmem:$0x15B8] =	vst v0  }
0x1d9: {  	[tilespmem:$0x15C8] =	vst v0  }
0x1da: {  	[tilespmem:$0x15D8] =	vst v0  }
0x1db: {  	[tilespmem:$0x15E8] =	vst v0  }
0x1dc: {  	[tilespmem:$0x15F8] =	vst v0  }
0x1dd: {  	[tilespmem:$0x1608] =	vst v0  }
0x1de: {  	[tilespmem:$0x1618] =	vst v0  }
0x1df: {  	[tilespmem:$0x1628] =	vst v0  }
0x1e0: {  	[tilespmem:$0x1638] =	vst v0  }
0x1e1: {  	[tilespmem:$0x1648] =	vst v0  }
0x1e2: {  	[tilespmem:$0x1658] =	vst v0  }
0x1e3: {  	[tilespmem:$0x1668] =	vst v0  }
0x1e4: {  	[tilespmem:$0x1678] =	vst v0  }
0x1e5: {  	[tilespmem:$0x1688] =	vst v0  }
0x1e6: {  	[tilespmem:$0x1698] =	vst v0  }
0x1e7: {  	[tilespmem:$0x16A8] =	vst v0  }
0x1e8: {  	[tilespmem:$0x16B8] =	vst v0  }
0x1e9: {  	[tilespmem:$0x16C8] =	vst v0  }
0x1ea: {  	[tilespmem:$0x16D8] =	vst v0  }
0x1eb: {  	[tilespmem:$0x16E8] =	vst v0  }
0x1ec: {  	[tilespmem:$0x16F8] =	vst v0  }
0x1ed: {  	[tilespmem:$0x1708] =	vst v0  }
0x1ee: {  	[tilespmem:$0x1718] =	vst v0  }
0x1ef: {  	[tilespmem:$0x1728] =	vst v0  }
0x1f0: {  	[tilespmem:$0x1738] =	vst v0  }
0x1f1: {  	[tilespmem:$0x1748] =	vst v0  }
0x1f2: {  	[tilespmem:$0x1758] =	vst v0  }
0x1f3: {  	[tilespmem:$0x1768] =	vst v0  }
0x1f4: {  	[tilespmem:$0x1778] =	vst v0  }
0x1f5: {  	[tilespmem:$0x1788] =	vst v0  }
0x1f6: {  	[tilespmem:$0x1798] =	vst v0  }
0x1f7: {  	[tilespmem:$0x17A8] =	vst v0  }
0x1f8: {  	[tilespmem:$0x17B8] =	vst v0  }
0x1f9: {  	[tilespmem:$0x17C8] =	vst v0  }
0x1fa: {  	[tilespmem:$0x17D8] =	vst v0  }
0x1fb: {  	[tilespmem:$0x17E8] =	vst v0  }
0x1fc: {  	[tilespmem:$0x17F8] =	vst v0  }
0x1fd: {  	[tilespmem:$0x1808] =	vst v0  }
0x1fe: {  	[tilespmem:$0x1818] =	vst v0  }
0x1ff: {  	[tilespmem:$0x1828] =	vst v0  }
0x200: {  	[tilespmem:$0x1838] =	vst v0  }
0x201: {  	[tilespmem:$0x1848] =	vst v0  }
0x202: {  	[tilespmem:$0x1858] =	vst v0  }
0x203: {  	[tilespmem:$0x1868] =	vst v0  }
0x204: {  	[tilespmem:$0x1878] =	vst v0  }
0x205: {  	[tilespmem:$0x1888] =	vst v0  }
0x206: {  	[tilespmem:$0x1898] =	vst v0  }
0x207: {  	[tilespmem:$0x18A8] =	vst v0  }
0x208: {  	[tilespmem:$0x18B8] =	vst v0  }
0x209: {  	[tilespmem:$0x18C8] =	vst v0  }
0x20a: {  	[tilespmem:$0x18D8] =	vst v0  }
0x20b: {  	[tilespmem:$0x18E8] =	vst v0  }
0x20c: {  	[tilespmem:$0x18F8] =	vst v0  }
0x20d: {  	[tilespmem:$0x1908] =	vst v0  }
0x20e: {  	[tilespmem:$0x1918] =	vst v0  }
0x20f: {  	[tilespmem:$0x1928] =	vst v0  }
0x210: {  	[tilespmem:$0x1938] =	vst v0  }
0x211: {  	[tilespmem:$0x1948] =	vst v0  }
0x212: {  	[tilespmem:$0x1958] =	vst v0  }
0x213: {  	[tilespmem:$0x1968] =	vst v0  }
0x214: {  	[tilespmem:$0x1978] =	vst v0  }
0x215: {  	[tilespmem:$0x1988] =	vst v0  }
0x216: {  	[tilespmem:$0x1998] =	vst v0  }
0x217: {  	[tilespmem:$0x19A8] =	vst v0  }
0x218: {  	[tilespmem:$0x19B8] =	vst v0  }
0x219: {  	[tilespmem:$0x19C8] =	vst v0  }
0x21a: {  	[tilespmem:$0x19D8] =	vst v0  }
0x21b: {  	[tilespmem:$0x19E8] =	vst v0  }
0x21c: {  	[tilespmem:$0x19F8] =	vst v0  }
0x21d: {  	[tilespmem:$0x1A08] =	vst v0  }
0x21e: {  	[tilespmem:$0x1A18] =	vst v0  }
0x21f: {  	[tilespmem:$0x1A28] =	vst v0  }
0x220: {  	[tilespmem:$0x1A38] =	vst v0  }
0x221: {  	[tilespmem:$0x1A48] =	vst v0  }
0x222: {  	[tilespmem:$0x1A58] =	vst v0  }
0x223: {  	[tilespmem:$0x1A68] =	vst v0  }
0x224: {  	[tilespmem:$0x1A78] =	vst v0  }
0x225: {  	[tilespmem:$0x1A88] =	vst v0  }
0x226: {  	[tilespmem:$0x1A98] =	vst v0  }
0x227: {  	[tilespmem:$0x1AA8] =	vst v0  }
0x228: {  	[tilespmem:$0x1AB8] =	vst v0  }
0x229: {  	[tilespmem:$0x1AC8] =	vst v0  }
0x22a: {  	[tilespmem:$0x1AD8] =	vst v0  }
0x22b: {  	[tilespmem:$0x1AE8] =	vst v0  }
0x22c: {  	[tilespmem:$0x1AF8] =	vst v0  }
0x22d: {  	[tilespmem:$0x1B08] =	vst v0  }
0x22e: {  	[tilespmem:$0x1B18] =	vst v0  }
0x22f: {  	[tilespmem:$0x1B28] =	vst v0  }
0x230: {  	[tilespmem:$0x1B38] =	vst v0  }
0x231: {  	[tilespmem:$0x1B48] =	vst v0  }
0x232: {  	[tilespmem:$0x1B58] =	vst v0  }
0x233: {  	[tilespmem:$0x1B68] =	vst v0  }
0x234: {  	[tilespmem:$0x1B78] =	vst v0  }
0x235: {  	[tilespmem:$0x1B88] =	vst v0  }
0x236: {  	[tilespmem:$0x1B98] =	vst v0  }
0x237: {  	[tilespmem:$0x1BA8] =	vst v0  }
0x238: {  	[tilespmem:$0x1BB8] =	vst v0  }
0x239: {  	[tilespmem:$0x1BC8] =	vst v0  }
0x23a: {  	[tilespmem:$0x1BD8] =	vst v0  }
0x23b: {  	[tilespmem:$0x1BE8] =	vst v0  }
0x23c: {  	[tilespmem:$0x1BF8] =	vst v0  }
0x23d: {  	[tilespmem:$0x1C08] =	vst v0  }
0x23e: {  	[tilespmem:$0x1C18] =	vst v0  }
0x23f: {  	[tilespmem:$0x1C28] =	vst v0  }
0x240: {  	[tilespmem:$0x1C38] =	vst v0  }
0x241: {  	[tilespmem:$0x1C48] =	vst v0  }
0x242: {  	[tilespmem:$0x1C58] =	vst v0  }
0x243: {  	[tilespmem:$0x1C68] =	vst v0  }
0x244: {  	[tilespmem:$0x1C78] =	vst v0  }
0x245: {  	[tilespmem:$0x1C88] =	vst v0  }
0x246: {  	[tilespmem:$0x1C98] =	vst v0  }
0x247: {  	[tilespmem:$0x1CA8] =	vst v0  }
0x248: {  	[tilespmem:$0x1CB8] =	vst v0  }
0x249: {  	[tilespmem:$0x1CC8] =	vst v0  }
0x24a: {  	[tilespmem:$0x1CD8] =	vst v0  }
0x24b: {  	[tilespmem:$0x1CE8] =	vst v0  }
0x24c: {  	[tilespmem:$0x1CF8] =	vst v0  }
0x24d: {  	[tilespmem:$0x1D08] =	vst v0  }
0x24e: {  	[tilespmem:$0x1D18] =	vst v0  }
0x24f: {  	[tilespmem:$0x1D28] =	vst v0  }
0x250: {  	[tilespmem:$0x1D38] =	vst v0  }
0x251: {  	[tilespmem:$0x1D48] =	vst v0  }
0x252: {  	[tilespmem:$0x1D58] =	vst v0  }
0x253: {  	[tilespmem:$0x1D68] =	vst v0  }
0x254: {  	[tilespmem:$0x1D78] =	vst v0  }
0x255: {  	[tilespmem:$0x1D88] =	vst v0  }
0x256: {  	[tilespmem:$0x1D98] =	vst v0  }
0x257: {  	[tilespmem:$0x1DB8] =	vst v0  }
0x258: {  	[tilespmem:$0x1DC8] =	vst v0  }
0x259: {  	[tilespmem:$0x1DD8] =	vst v0  }
0x25a: {  	[tilespmem:$0x1DE8] =	vst v0  }
0x25b: {  	[tilespmem:$0x1DF8] =	vst v0  }
0x25c: {  	[tilespmem:$0x1E08] =	vst v0  }
0x25d: {  	[tilespmem:$0x1E18] =	vst v0  }
0x25e: {  	[tilespmem:$0x1E28] =	vst v0  }
0x25f: {  	[tilespmem:$0x1E38] =	vst v0  }
0x260: {  	[tilespmem:$0x1E48] =	vst v0  }
0x261: {  	[tilespmem:$0x1E58] =	vst v0  }
0x262: {  	[tilespmem:$0x1E68] =	vst v0  }
0x263: {  	[tilespmem:$0x1E78] =	vst v0  }
0x264: {  	[tilespmem:$0x1E88] =	vst v0  }
0x265: {  	[tilespmem:$0x1E98] =	vst v0  }
0x266: {  	[tilespmem:$0x1EA8] =	vst v0  }
0x267: {  	[tilespmem:$0x1EB8] =	vst v0  }
0x268: {  	[tilespmem:$0x1EC8] =	vst v0  }
0x269: {  	[tilespmem:$0x1ED8] =	vst v0  }
0x26a: {  	[tilespmem:$0x1EE8] =	vst v0  }
0x26b: {  	[tilespmem:$0x1EF8] =	vst v0  }
0x26c: {  	[tilespmem:$0x1F08] =	vst v0  }
0x26d: {  	[tilespmem:$0x1F18] =	vst v0  }
0x26e: {  	[tilespmem:$0x1F28] =	vst v0  }
0x26f: {  	[tilespmem:$0x1F38] =	vst v0  }
0x270: {  	[tilespmem:$0x1F48] =	vst v0  }
0x271: {  	[tilespmem:$0x1F58] =	vst v0  }
0x272: {  	[tilespmem:$0x1F68] =	vst v0  }
0x273: {  	[tilespmem:$0x1F78] =	vst v0  }
0x274: {  	[tilespmem:$0x1F88] =	vst v0  }
0x275: {  	[tilespmem:$0x1F98] =	vst v0  }
0x276: {  	[tilespmem:$0x1FA8] =	vst v0  }
0x277: {  	[tilespmem:$0x1FB8] =	vst v0  }
0x278: {  	[tilespmem:$0x1FC8] =	vst v0  }
0x279: {  	[tilespmem:$0x1FD8] =	vst v0  }
0x27a: {  	[tilespmem:$0x1FE8] =	vst v0  }
0x27b: {  	[tilespmem:$0x1FF8] =	vst v0  }
0x27c: {  	[tilespmem:$0x2008] =	vst v0  }
0x27d: {  	[tilespmem:$0x2018] =	vst v0  }
0x27e: {  	[tilespmem:$0x2028] =	vst v0  }
0x27f: {  	[tilespmem:$0x2038] =	vst v0  }
0x280: {  	[tilespmem:$0x2048] =	vst v0  }
0x281: {  	[tilespmem:$0x2058] =	vst v0  }
0x282: {  	[tilespmem:$0x2068] =	vst v0  }
0x283: {  	[tilespmem:$0x2078] =	vst v0  }
0x284: {  	[tilespmem:$0x2088] =	vst v0  }
0x285: {  	[tilespmem:$0x2098] =	vst v0  }
0x286: {  	[tilespmem:$0x20A8] =	vst v0  }
0x287: {  	[tilespmem:$0x20B8] =	vst v0  }
0x288: {  	[tilespmem:$0x20C8] =	vst v0  }
0x289: {  	[tilespmem:$0x20D8] =	vst v0  }
0x28a: {  	[tilespmem:$0x20E8] =	vst v0  }
0x28b: {  	[tilespmem:$0x20F8] =	vst v0  }
0x28c: {  	[tilespmem:$0x2108] =	vst v0  }
0x28d: {  	[tilespmem:$0x2118] =	vst v0  }
0x28e: {  	[tilespmem:$0x2128] =	vst v0  }
0x28f: {  	[tilespmem:$0x2138] =	vst v0  }
0x290: {  	[tilespmem:$0x2148] =	vst v0  }
0x291: {  	[tilespmem:$0x2158] =	vst v0  }
0x292: {  	[tilespmem:$0x2168] =	vst v0  }
0x293: {  	[tilespmem:$0x2178] =	vst v0  }
0x294: {  	[tilespmem:$0x2188] =	vst v0  }
0x295: {  	[tilespmem:$0x2198] =	vst v0  }
0x296: {  	[tilespmem:$0x21A8] =	vst v0  }
0x297: {  	[tilespmem:$0x21B8] =	vst v0  }
0x298: {  	[tilespmem:$0x21C8] =	vst v0  }
0x299: {  	[tilespmem:$0x21D8] =	vst v0  }
0x29a: {  	[tilespmem:$0x21E8] =	vst v0  }
0x29b: {  	[tilespmem:$0x21F8] =	vst v0  }
0x29c: {  	[tilespmem:$0x2208] =	vst v0  }
0x29d: {  	[tilespmem:$0x2218] =	vst v0  }
0x29e: {  	[tilespmem:$0x2228] =	vst v0  }
0x29f: {  	[tilespmem:$0x2238] =	vst v0  }
0x2a0: {  	[tilespmem:$0x2248] =	vst v0  }
0x2a1: {  	[tilespmem:$0x2258] =	vst v0  }
0x2a2: {  	[tilespmem:$0x2268] =	vst v0  }
0x2a3: {  	[tilespmem:$0x2278] =	vst v0  }
0x2a4: {  	[tilespmem:$0x2288] =	vst v0  }
0x2a5: {  	[tilespmem:$0x2298] =	vst v0  }
0x2a6: {  	[tilespmem:$0x22A8] =	vst v0  }
0x2a7: {  	[tilespmem:$0x22B8] =	vst v0  }
0x2a8: {  	[tilespmem:$0x22C8] =	vst v0  }
0x2a9: {  	[tilespmem:$0x22D8] =	vst v0  }
0x2aa: {  	[tilespmem:$0x22E8] =	vst v0  }
0x2ab: {  	[tilespmem:$0x22F8] =	vst v0  }
0x2ac: {  	[tilespmem:$0x2308] =	vst v0  }
0x2ad: {  	[tilespmem:$0x2318] =	vst v0  }
0x2ae: {  	[tilespmem:$0x2328] =	vst v0  }
0x2af: {  	[tilespmem:$0x2338] =	vst v0  }
0x2b0: {  	[tilespmem:$0x2348] =	vst v0  }
0x2b1: {  	[tilespmem:$0x2358] =	vst v0  }
0x2b2: {  	[tilespmem:$0x2368] =	vst v0  }
0x2b3: {  	[tilespmem:$0x2378] =	vst v0  }
0x2b4: {  	[tilespmem:$0x2388] =	vst v0  }
0x2b5: {  	[tilespmem:$0x2398] =	vst v0  }
0x2b6: {  	[tilespmem:$0x23A8] =	vst v0  }
0x2b7: {  	[tilespmem:$0x23B8] =	vst v0  }
0x2b8: {  	[tilespmem:$0x23C8] =	vst v0  }
0x2b9: {  	[tilespmem:$0x23D8] =	vst v0  }
0x2ba: {  	[tilespmem:$0x23E8] =	vst v0  }
0x2bb: {  	[tilespmem:$0x23F8] =	vst v0  }
0x2bc: {  	[tilespmem:$0x2408] =	vst v0  }
0x2bd: {  	[tilespmem:$0x2418] =	vst v0  }
0x2be: {  	[tilespmem:$0x2428] =	vst v0  }
0x2bf: {  	[tilespmem:$0x2438] =	vst v0  }
0x2c0: {  	[tilespmem:$0x2448] =	vst v0  }
0x2c1: {  	[tilespmem:$0x2458] =	vst v0  }
0x2c2: {  	[tilespmem:$0x2468] =	vst v0  }
0x2c3: {  	[tilespmem:$0x2478] =	vst v0  }
0x2c4: {  	[tilespmem:$0x2488] =	vst v0  }
0x2c5: {  	[tilespmem:$0x2498] =	vst v0  }
0x2c6: {  	[tilespmem:$0x24A8] =	vst v0  }
0x2c7: {  	[tilespmem:$0x24B8] =	vst v0  }
0x2c8: {  	[tilespmem:$0x24C8] =	vst v0  }
0x2c9: {  	[tilespmem:$0x24D8] =	vst v0  }
0x2ca: {  	[tilespmem:$0x24E8] =	vst v0  }
0x2cb: {  	[tilespmem:$0x24F8] =	vst v0  }
0x2cc: {  	[tilespmem:$0x2508] =	vst v0  }
0x2cd: {  	[tilespmem:$0x2518] =	vst v0  }
0x2ce: {  	[tilespmem:$0x2528] =	vst v0  }
0x2cf: {  	[tilespmem:$0x2538] =	vst v0  }
0x2d0: {  	[tilespmem:$0x2548] =	vst v0  }
0x2d1: {  	[tilespmem:$0x2558] =	vst v0  }
0x2d2: {  	[tilespmem:$0x2568] =	vst v0  }
0x2d3: {  	[tilespmem:$0x2578] =	vst v0  }
0x2d4: {  	[tilespmem:$0x2588] =	vst v0  }
0x2d5: {  	[tilespmem:$0x2598] =	vst v0  }
0x2d6: {  	[tilespmem:$0x25A8] =	vst v0  }
0x2d7: {  	[tilespmem:$0x25B8] =	vst v0  }
0x2d8: {  	[tilespmem:$0x25C8] =	vst v0  }
0x2d9: {  	[tilespmem:$0x25D8] =	vst v0  }
0x2da: {  	[tilespmem:$0x25E8] =	vst v0  }
0x2db: {  	[tilespmem:$0x25F8] =	vst v0  }
0x2dc: {  	[tilespmem:$0x2608] =	vst v0  }
0x2dd: {  	[tilespmem:$0x2618] =	vst v0  }
0x2de: {  	[tilespmem:$0x2628] =	vst v0  }
0x2df: {  	[tilespmem:$0x2638] =	vst v0  }
0x2e0: {  	[tilespmem:$0x2648] =	vst v0  }
0x2e1: {  	[tilespmem:$0x2658] =	vst v0  }
0x2e2: {  	[tilespmem:$0x2668] =	vst v0  }
0x2e3: {  	[tilespmem:$0x2678] =	vst v0  }
0x2e4: {  	[tilespmem:$0x2688] =	vst v0  }
0x2e5: {  	[tilespmem:$0x2698] =	vst v0  }
0x2e6: {  	[tilespmem:$0x26A8] =	vst v0  }
0x2e7: {  	[tilespmem:$0x26B8] =	vst v0  }
0x2e8: {  	[tilespmem:$0x26C8] =	vst v0  }
0x2e9: {  	[tilespmem:$0x26D8] =	vst v0  }
0x2ea: {  	[tilespmem:$0x26E8] =	vst v0  }
0x2eb: {  	[tilespmem:$0x26F8] =	vst v0  }
0x2ec: {  	[tilespmem:$0x2708] =	vst v0  }
0x2ed: {  	[tilespmem:$0x2718] =	vst v0  }
0x2ee: {  	[tilespmem:$0x2728] =	vst v0  }
0x2ef: {  	[tilespmem:$0x2738] =	vst v0  }
0x2f0: {  	[tilespmem:$0x2748] =	vst v0  }
0x2f1: {  	[tilespmem:$0x2758] =	vst v0  }
0x2f2: {  	[tilespmem:$0x2768] =	vst v0  }
0x2f3: {  	[tilespmem:$0x2778] =	vst v0  }
0x2f4: {  	[tilespmem:$0x2788] =	vst v0  }
0x2f5: {  	[tilespmem:$0x2798] =	vst v0  }
0x2f6: {  	[tilespmem:$0x27A8] =	vst v0  }
0x2f7: {  	[tilespmem:$0x27B8] =	vst v0  }
0x2f8: {  	[tilespmem:$0x27C8] =	vst v0  }
0x2f9: {  	[tilespmem:$0x27D8] =	vst v0  }
0x2fa: {  	[tilespmem:$0x27E8] =	vst v0  }
0x2fb: {  	[tilespmem:$0x27F8] =	vst v0  }
0x2fc: {  	[tilespmem:$0x2808] =	vst v0  }
0x2fd: {  	[tilespmem:$0x2818] =	vst v0  }
0x2fe: {  	[tilespmem:$0x2828] =	vst v0  }
0x2ff: {  	[tilespmem:$0x2838] =	vst v0  }
0x300: {  	[tilespmem:$0x2848] =	vst v0  }
0x301: {  	[tilespmem:$0x2858] =	vst v0  }
0x302: {  	[tilespmem:$0x2868] =	vst v0  }
0x303: {  	[tilespmem:$0x2878] =	vst v0  }
0x304: {  	[tilespmem:$0x2888] =	vst v0  }
0x305: {  	[tilespmem:$0x2898] =	vst v0  }
0x306: {  	[tilespmem:$0x28A8] =	vst v0  }
0x307: {  	[tilespmem:$0x28B8] =	vst v0  }
0x308: {  	[tilespmem:$0x28C8] =	vst v0  }
0x309: {  	[tilespmem:$0x28D8] =	vst v0  }
0x30a: {  	[tilespmem:$0x28E8] =	vst v0  }
0x30b: {  	[tilespmem:$0x28F8] =	vst v0  }
0x30c: {  	[tilespmem:$0x2908] =	vst v0  }
0x30d: {  	[tilespmem:$0x2918] =	vst v0  }
0x30e: {  	[tilespmem:$0x2928] =	vst v0  }
0x30f: {  	[tilespmem:$0x2938] =	vst v0  }
0x310: {  	[tilespmem:$0x2948] =	vst v0  }
0x311: {  	[tilespmem:$0x2958] =	vst v0  }
0x312: {  	[tilespmem:$0x2968] =	vst v0  }
0x313: {  	[tilespmem:$0x2978] =	vst v0  }
0x314: {  	[tilespmem:$0x2988] =	vst v0  }
0x315: {  	[tilespmem:$0x2998] =	vst v0  }
0x316: {  	[tilespmem:$0x29A8] =	vst v0  }
0x317: {  	[tilespmem:$0x29B8] =	vst v0  }
0x318: {  	[tilespmem:$0x29C8] =	vst v0  }
0x319: {  	[tilespmem:$0x29D8] =	vst v0  }
0x31a: {  	[tilespmem:$0x29E8] =	vst v0  }
0x31b: {  	[tilespmem:$0x29F8] =	vst v0  }
0x31c: {  	[tilespmem:$0x2A08] =	vst v0  }
0x31d: {  	[tilespmem:$0x2A18] =	vst v0  }
0x31e: {  	[tilespmem:$0x2A28] =	vst v0  }
0x31f: {  	[tilespmem:$0x2A38] =	vst v0  }
0x320: {  	[tilespmem:$0x2A48] =	vst v0  }
0x321: {  	[tilespmem:$0x2A58] =	vst v0  }
0x322: {  	[tilespmem:$0x2A68] =	vst v0  }
0x323: {  	[tilespmem:$0x2A78] =	vst v0  }
0x324: {  	[tilespmem:$0x2A88] =	vst v0  }
0x325: {  	[tilespmem:$0x2A98] =	vst v0  }
0x326: {  	[tilespmem:$0x2AA8] =	vst v0  }
0x327: {  	[tilespmem:$0x2AB8] =	vst v0  }
0x328: {  	[tilespmem:$0x2AC8] =	vst v0  }
0x329: {  	[tilespmem:$0x2AD8] =	vst v0  }
0x32a: {  	[tilespmem:$0x2AE8] =	vst v0  }
0x32b: {  	[tilespmem:$0x2AF8] =	vst v0  }
0x32c: {  	[tilespmem:$0x2B08] =	vst v0  }
0x32d: {  	[tilespmem:$0x2B18] =	vst v0  }
0x32e: {  	[tilespmem:$0x2B28] =	vst v0  }
0x32f: {  	[tilespmem:$0x2B38] =	vst v0  }
0x330: {  	[tilespmem:$0x2B48] =	vst v0  }
0x331: {  	[tilespmem:$0x2B58] =	vst v0  }
0x332: {  	[tilespmem:$0x2B68] =	vst v0  }
0x333: {  	[tilespmem:$0x2B78] =	vst v0  }
0x334: {  	[tilespmem:$0x2B88] =	vst v0  }
0x335: {  	[tilespmem:$0x2B98] =	vst v0  }
0x336: {  	[tilespmem:$0x2BA8] =	vst v0  }
0x337: {  	[tilespmem:$0x2BB8] =	vst v0  }
0x338: {  	[tilespmem:$0x2BC8] =	vst v0  }
0x339: {  	[tilespmem:$0x2BD8] =	vst v0  }
0x33a: {  	[tilespmem:$0x2BE8] =	vst v0  }
0x33b: {  	[tilespmem:$0x2BF8] =	vst v0  }
0x33c: {  	[tilespmem:$0x2C08] =	vst v0  }
0x33d: {  	[tilespmem:$0x2C18] =	vst v0  }
0x33e: {  	[tilespmem:$0x2C28] =	vst v0  }
0x33f: {  	[tilespmem:$0x2C38] =	vst v0  }
0x340: {  	[tilespmem:$0x2C48] =	vst v0  }
0x341: {  	[tilespmem:$0x2C58] =	vst v0  }
0x342: {  	[tilespmem:$0x2C68] =	vst v0  }
0x343: {  	[tilespmem:$0x2C78] =	vst v0  }
0x344: {  	[tilespmem:$0x2C88] =	vst v0  }
0x345: {  	[tilespmem:$0x2C98] =	vst v0  }
0x346: {  	[tilespmem:$0x2CA8] =	vst v0  }
0x347: {  	[tilespmem:$0x2CB8] =	vst v0  }
0x348: {  	[tilespmem:$0x2CC8] =	vst v0  }
0x349: {  	[tilespmem:$0x2CD8] =	vst v0  }
0x34a: {  	[tilespmem:$0x2CE8] =	vst v0  }
0x34b: {  	[tilespmem:$0x2CF8] =	vst v0  }
0x34c: {  	[tilespmem:$0x2D08] =	vst v0  }
0x34d: {  	[tilespmem:$0x2D18] =	vst v0  }
0x34e: {  	[tilespmem:$0x2D28] =	vst v0  }
0x34f: {  	[tilespmem:$0x2D38] =	vst v0  }
0x350: {  	[tilespmem:$0x2D48] =	vst v0  }
0x351: {  	[tilespmem:$0x2D58] =	vst v0  }
0x352: {  	[tilespmem:$0x2D68] =	vst v0  }
0x353: {  	[tilespmem:$0x2D78] =	vst v0  }
0x354: {  	[tilespmem:$0x2D88] =	vst v0  }
0x355: {  	[tilespmem:$0x2D98] =	vst v0  }
0x356: {  	[tilespmem:$0x2DA8] =	vst v0  }
0x357: {  	[tilespmem:$0x3CD8] =	vst v0  }
0x358: {  	[tilespmem:$0x3CE8] =	vst v0  }
0x359: {  	[tilespmem:$0x2DB8] =	vst v0  }
0x35a: {  	[tilespmem:$0x2DC8] =	vst v0  }
0x35b: {  	[tilespmem:$0x2DD8] =	vst v0  }
0x35c: {  	[tilespmem:$0x2DE8] =	vst v0  }
0x35d: {  	[tilespmem:$0x2DF8] =	vst v0  }
0x35e: {  	[tilespmem:$0x2E08] =	vst v0  }
0x35f: {  	[tilespmem:$0x2E18] =	vst v0  }
0x360: {  	[tilespmem:$0x2E28] =	vst v0  }
0x361: {  	[tilespmem:$0x2E38] =	vst v0  }
0x362: {  	[tilespmem:$0x2E48] =	vst v0  }
0x363: {  	[tilespmem:$0x2E58] =	vst v0  }
0x364: {  	[tilespmem:$0x2E68] =	vst v0  }
0x365: {  	[tilespmem:$0x2E78] =	vst v0  }
0x366: {  	[tilespmem:$0x2E88] =	vst v0  }
0x367: {  	[tilespmem:$0x2E98] =	vst v0  }
0x368: {  	[tilespmem:$0x2EA8] =	vst v0  }
0x369: {  	[tilespmem:$0x2EB8] =	vst v0  }
0x36a: {  	[tilespmem:$0x2EC8] =	vst v0  }
0x36b: {  	[tilespmem:$0x2ED8] =	vst v0  }
0x36c: {  	[tilespmem:$0x2EE8] =	vst v0  }
0x36d: {  	[tilespmem:$0x2EF8] =	vst v0  }
0x36e: {  	[tilespmem:$0x2F08] =	vst v0  }
0x36f: {  	[tilespmem:$0x2F18] =	vst v0  }
0x370: {  	[tilespmem:$0x2F28] =	vst v0  }
0x371: {  	[tilespmem:$0x2F38] =	vst v0  }
0x372: {  	[tilespmem:$0x2F48] =	vst v0  }
0x373: {  	[tilespmem:$0x2F58] =	vst v0  }
0x374: {  	[tilespmem:$0x2F68] =	vst v0  }
0x375: {  	[tilespmem:$0x2F78] =	vst v0  }
0x376: {  	[tilespmem:$0x2F88] =	vst v0  }
0x377: {  	[tilespmem:$0x2F98] =	vst v0  }
0x378: {  	[tilespmem:$0x2FA8] =	vst v0  }
0x379: {  	[tilespmem:$0x2FB8] =	vst v0  }
0x37a: {  	[tilespmem:$0x2FC8] =	vst v0  }
0x37b: {  	[tilespmem:$0x2FD8] =	vst v0  }
0x37c: {  	[tilespmem:$0x2FE8] =	vst v0  }
0x37d: {  	[tilespmem:$0x2FF8] =	vst v0  }
0x37e: {  	[tilespmem:$0x3008] =	vst v0  }
0x37f: {  	[tilespmem:$0x3018] =	vst v0  }
0x380: {  	[tilespmem:$0x3028] =	vst v0  }
0x381: {  	[tilespmem:$0x3038] =	vst v0  }
0x382: {  	[tilespmem:$0x3048] =	vst v0  }
0x383: {  	[tilespmem:$0x3058] =	vst v0  }
0x384: {  	[tilespmem:$0x3068] =	vst v0  }
0x385: {  	[tilespmem:$0x3078] =	vst v0  }
0x386: {  	[tilespmem:$0x3088] =	vst v0  }
0x387: {  	[tilespmem:$0x3098] =	vst v0  }
0x388: {  	[tilespmem:$0x30A8] =	vst v0  }
0x389: {  	[tilespmem:$0x30B8] =	vst v0  }
0x38a: {  	[tilespmem:$0x30C8] =	vst v0  }
0x38b: {  	[tilespmem:$0x30D8] =	vst v0  }
0x38c: {  	[tilespmem:$0x30E8] =	vst v0  }
0x38d: {  	[tilespmem:$0x30F8] =	vst v0  }
0x38e: {  	[tilespmem:$0x3108] =	vst v0  }
0x38f: {  	[tilespmem:$0x3118] =	vst v0  }
0x390: {  	[tilespmem:$0x3128] =	vst v0  }
0x391: {  	[tilespmem:$0x3138] =	vst v0  }
0x392: {  	[tilespmem:$0x3148] =	vst v0  }
0x393: {  	[tilespmem:$0x3158] =	vst v0  }
0x394: {  	[tilespmem:$0x3168] =	vst v0  }
0x395: {  	[tilespmem:$0x3178] =	vst v0  }
0x396: {  	[tilespmem:$0x3188] =	vst v0  }
0x397: {  	[tilespmem:$0x3198] =	vst v0  }
0x398: {  	[tilespmem:$0x31A8] =	vst v0  }
0x399: {  	[tilespmem:$0x31B8] =	vst v0  }
0x39a: {  	[tilespmem:$0x31C8] =	vst v0  }
0x39b: {  	[tilespmem:$0x31D8] =	vst v0  }
0x39c: {  	[tilespmem:$0x31E8] =	vst v0  }
0x39d: {  	[tilespmem:$0x31F8] =	vst v0  }
0x39e: {  	[tilespmem:$0x3208] =	vst v0  }
0x39f: {  	[tilespmem:$0x3218] =	vst v0  }
0x3a0: {  	[tilespmem:$0x3228] =	vst v0  }
0x3a1: {  	[tilespmem:$0x3238] =	vst v0  }
0x3a2: {  	[tilespmem:$0x3248] =	vst v0  }
0x3a3: {  	[tilespmem:$0x3258] =	vst v0  }
0x3a4: {  	[tilespmem:$0x3268] =	vst v0  }
0x3a5: {  	[tilespmem:$0x3278] =	vst v0  }
0x3a6: {  	[tilespmem:$0x3288] =	vst v0  }
0x3a7: {  	[tilespmem:$0x3298] =	vst v0  }
0x3a8: {  	[tilespmem:$0x32A8] =	vst v0  }
0x3a9: {  	[tilespmem:$0x32B8] =	vst v0  }
0x3aa: {  	[tilespmem:$0x32C8] =	vst v0  }
0x3ab: {  	[tilespmem:$0x32D8] =	vst v0  }
0x3ac: {  	[tilespmem:$0x32E8] =	vst v0  }
0x3ad: {  	[tilespmem:$0x32F8] =	vst v0  }
0x3ae: {  	[tilespmem:$0x3308] =	vst v0  }
0x3af: {  	[tilespmem:$0x3318] =	vst v0  }
0x3b0: {  	[tilespmem:$0x3328] =	vst v0  }
0x3b1: {  	[tilespmem:$0x3338] =	vst v0  }
0x3b2: {  	[tilespmem:$0x3348] =	vst v0  }
0x3b3: {  	[tilespmem:$0x3358] =	vst v0  }
0x3b4: {  	[tilespmem:$0x3368] =	vst v0  }
0x3b5: {  	[tilespmem:$0x3378] =	vst v0  }
0x3b6: {  	[tilespmem:$0x3388] =	vst v0  }
0x3b7: {  	[tilespmem:$0x3398] =	vst v0  }
0x3b8: {  	[tilespmem:$0x33A8] =	vst v0  }
0x3b9: {  	[tilespmem:$0x33B8] =	vst v0  }
0x3ba: {  	[tilespmem:$0x33C8] =	vst v0  }
0x3bb: {  	[tilespmem:$0x33D8] =	vst v0  }
0x3bc: {  	[tilespmem:$0x33E8] =	vst v0  }
0x3bd: {  	[tilespmem:$0x33F8] =	vst v0  }
0x3be: {  	[tilespmem:$0x3408] =	vst v0  }
0x3bf: {  	[tilespmem:$0x3418] =	vst v0  }
0x3c0: {  	[tilespmem:$0x3428] =	vst v0  }
0x3c1: {  	[tilespmem:$0x3438] =	vst v0  }
0x3c2: {  	[tilespmem:$0x3448] =	vst v0  }
0x3c3: {  	[tilespmem:$0x3458] =	vst v0  }
0x3c4: {  	[tilespmem:$0x3468] =	vst v0  }
0x3c5: {  	[tilespmem:$0x3478] =	vst v0  }
0x3c6: {  	[tilespmem:$0x3488] =	vst v0  }
0x3c7: {  	[tilespmem:$0x3498] =	vst v0  }
0x3c8: {  	[tilespmem:$0x34A8] =	vst v0  }
0x3c9: {  	[tilespmem:$0x34B8] =	vst v0  }
0x3ca: {  	[tilespmem:$0x34C8] =	vst v0  }
0x3cb: {  	[tilespmem:$0x34D8] =	vst v0  }
0x3cc: {  	[tilespmem:$0x34E8] =	vst v0  }
0x3cd: {  	[tilespmem:$0x34F8] =	vst v0  }
0x3ce: {  	[tilespmem:$0x3508] =	vst v0  }
0x3cf: {  	[tilespmem:$0x3518] =	vst v0  }
0x3d0: {  	[tilespmem:$0x3528] =	vst v0  }
0x3d1: {  	[tilespmem:$0x3538] =	vst v0  }
0x3d2: {  	[tilespmem:$0x3548] =	vst v0  }
0x3d3: {  	[tilespmem:$0x3558] =	vst v0  }
0x3d4: {  	[tilespmem:$0x3568] =	vst v0  }
0x3d5: {  	[tilespmem:$0x3578] =	vst v0  }
0x3d6: {  	[tilespmem:$0x3588] =	vst v0  }
0x3d7: {  	[tilespmem:$0x3598] =	vst v0  }
0x3d8: {  	[tilespmem:$0x35A8] =	vst v0  }
0x3d9: {  	[tilespmem:$0x35B8] =	vst v0  }
0x3da: {  	[tilespmem:$0x35C8] =	vst v0  }
0x3db: {  	[tilespmem:$0x35D8] =	vst v0  }
0x3dc: {  	[tilespmem:$0x35E8] =	vst v0  }
0x3dd: {  	[tilespmem:$0x35F8] =	vst v0  }
0x3de: {  	[tilespmem:$0x3608] =	vst v0  }
0x3df: {  	[tilespmem:$0x3618] =	vst v0  }
0x3e0: {  	[tilespmem:$0x3628] =	vst v0  }
0x3e1: {  	[tilespmem:$0x3638] =	vst v0  }
0x3e2: {  	[tilespmem:$0x3648] =	vst v0  }
0x3e3: {  	[tilespmem:$0x3658] =	vst v0  }
0x3e4: {  	[tilespmem:$0x3668] =	vst v0  }
0x3e5: {  	[tilespmem:$0x3678] =	vst v0  }
0x3e6: {  	[tilespmem:$0x3688] =	vst v0  }
0x3e7: {  	[tilespmem:$0x3698] =	vst v0  }
0x3e8: {  	[tilespmem:$0x36A8] =	vst v0  }
0x3e9: {  	[tilespmem:$0x36B8] =	vst v0  }
0x3ea: {  	[tilespmem:$0x36C8] =	vst v0  }
0x3eb: {  	[tilespmem:$0x36D8] =	vst v0  }
0x3ec: {  	[tilespmem:$0x36E8] =	vst v0  }
0x3ed: {  	[tilespmem:$0x36F8] =	vst v0  }
0x3ee: {  	[tilespmem:$0x3708] =	vst v0  }
0x3ef: {  	[tilespmem:$0x3718] =	vst v0  }
0x3f0: {  	[tilespmem:$0x3728] =	vst v0  }
0x3f1: {  	[tilespmem:$0x3738] =	vst v0  }
0x3f2: {  	[tilespmem:$0x3748] =	vst v0  }
0x3f3: {  	[tilespmem:$0x3758] =	vst v0  }
0x3f4: {  	[tilespmem:$0x3768] =	vst v0  }
0x3f5: {  	[tilespmem:$0x3778] =	vst v0  }
0x3f6: {  	[tilespmem:$0x3788] =	vst v0  }
0x3f7: {  	[tilespmem:$0x3798] =	vst v0  }
0x3f8: {  	[tilespmem:$0x37A8] =	vst v0  }
0x3f9: {  	[tilespmem:$0x37B8] =	vst v0  }
0x3fa: {  	[tilespmem:$0x37C8] =	vst v0  }
0x3fb: {  	[tilespmem:$0x37D8] =	vst v0  }
0x3fc: {  	[tilespmem:$0x37E8] =	vst v0  }
0x3fd: {  	[tilespmem:$0x37F8] =	vst v0  }
0x3fe: {  	[tilespmem:$0x3808] =	vst v0  }
0x3ff: {  	[tilespmem:$0x3818] =	vst v0  }
0x400: {  	[tilespmem:$0x3828] =	vst v0  }
0x401: {  	[tilespmem:$0x3838] =	vst v0  }
0x402: {  	[tilespmem:$0x3848] =	vst v0  }
0x403: {  	[tilespmem:$0x3858] =	vst v0  }
0x404: {  	[tilespmem:$0x3868] =	vst v0  }
0x405: {  	[tilespmem:$0x3878] =	vst v0  }
0x406: {  	[tilespmem:$0x3888] =	vst v0  }
0x407: {  	[tilespmem:$0x3898] =	vst v0  }
0x408: {  	[tilespmem:$0x38A8] =	vst v0  }
0x409: {  	[tilespmem:$0x38B8] =	vst v0  }
0x40a: {  	[tilespmem:$0x38C8] =	vst v0  }
0x40b: {  	[tilespmem:$0x38D8] =	vst v0  }
0x40c: {  	[tilespmem:$0x38E8] =	vst v0  }
0x40d: {  	[tilespmem:$0x38F8] =	vst v0  }
0x40e: {  	[tilespmem:$0x3908] =	vst v0  }
0x40f: {  	[tilespmem:$0x3918] =	vst v0  }
0x410: {  	[tilespmem:$0x3928] =	vst v0  }
0x411: {  	[tilespmem:$0x3938] =	vst v0  }
0x412: {  	[tilespmem:$0x3948] =	vst v0  }
0x413: {  	[tilespmem:$0x3958] =	vst v0  }
0x414: {  	[tilespmem:$0x3968] =	vst v0  }
0x415: {  	[tilespmem:$0x3978] =	vst v0  }
0x416: {  	[tilespmem:$0x3988] =	vst v0  }
0x417: {  	[tilespmem:$0x3998] =	vst v0  }
0x418: {  	[tilespmem:$0x39A8] =	vst v0  }
0x419: {  	[tilespmem:$0x39B8] =	vst v0  }
0x41a: {  	[tilespmem:$0x39C8] =	vst v0  }
0x41b: {  	[tilespmem:$0x39D8] =	vst v0  }
0x41c: {  	[tilespmem:$0x39E8] =	vst v0  }
0x41d: {  	[tilespmem:$0x39F8] =	vst v0  }
0x41e: {  	[tilespmem:$0x3A08] =	vst v0  }
0x41f: {  	[tilespmem:$0x3A18] =	vst v0  }
0x420: {  	[tilespmem:$0x3A28] =	vst v0  }
0x421: {  	[tilespmem:$0x3A38] =	vst v0  }
0x422: {  	[tilespmem:$0x3A48] =	vst v0  }
0x423: {  	[tilespmem:$0x3A58] =	vst v0  }
0x424: {  	[tilespmem:$0x3A68] =	vst v0  }
0x425: {  	[tilespmem:$0x3A78] =	vst v0  }
0x426: {  	[tilespmem:$0x3A88] =	vst v0  }
0x427: {  	[tilespmem:$0x3A98] =	vst v0  }
0x428: {  	[tilespmem:$0x3AA8] =	vst v0  }
0x429: {  	[tilespmem:$0x3AB8] =	vst v0  }
0x42a: {  	[tilespmem:$0x3AC8] =	vst v0  }
0x42b: {  	[tilespmem:$0x3AD8] =	vst v0  }
0x42c: {  	[tilespmem:$0x3AE8] =	vst v0  }
0x42d: {  	[tilespmem:$0x3AF8] =	vst v0  }
0x42e: {  	[tilespmem:$0x3B08] =	vst v0  }
0x42f: {  	[tilespmem:$0x3B18] =	vst v0  }
0x430: {  	[tilespmem:$0x3B28] =	vst v0  }
0x431: {  	[tilespmem:$0x3B38] =	vst v0  }
0x432: {  	[tilespmem:$0x3B48] =	vst v0  }
0x433: {  	[tilespmem:$0x3B58] =	vst v0  }
0x434: {  	[tilespmem:$0x3B68] =	vst v0  }
0x435: {  	[tilespmem:$0x3B78] =	vst v0  }
0x436: {  	[tilespmem:$0x3B88] =	vst v0  }
0x437: {  	[tilespmem:$0x3B98] =	vst v0  }
0x438: {  	[tilespmem:$0x3BA8] =	vst v0  }
0x439: {  	[tilespmem:$0x3BB8] =	vst v0  }
0x43a: {  	[tilespmem:$0x3BC8] =	vst v0  }
0x43b: {  	[tilespmem:$0x3BD8] =	vst v0  }
0x43c: {  	[tilespmem:$0x3BE8] =	vst v0  }
0x43d: {  	[tilespmem:$0x3BF8] =	vst v0  }
0x43e: {  	[tilespmem:$0x3C08] =	vst v0  }
0x43f: {  	[tilespmem:$0x3C18] =	vst v0  }
0x440: {  	[tilespmem:$0x3C28] =	vst v0  }
0x441: {  	[tilespmem:$0x3C38] =	vst v0  }
0x442: {  	[tilespmem:$0x3C48] =	vst v0  }
0x443: {  	[tilespmem:$0x3C58] =	vst v0  }
0x444: {  	[tilespmem:$0x3C68] =	vst v0  }
0x445: {  	[tilespmem:$0x3C78] =	vst v0  }
0x446: {  	[tilespmem:$0x3C88] =	vst v0  }
0x447: {  	[tilespmem:$0x3C98] =	vst v0  }
0x448: {  	[tilespmem:$0x3CA8] =	vst v0  }
0x449: {  	[tilespmem:$0x3CB8] =	vst v0  }
0x44a: {  	[tilespmem:$0x3CC8] =	vst v0  }
0x44b: {  	[tilespmem:$0x3CF8] =	vst v0  }
0x44c: {  	[tilespmem:$0x3D08] =	vst v0  }
0x44d: {  	[tilespmem:$0x3D18] =	vst v0  }
0x44e: {  	[tilespmem:$0x3D28] =	vst v0  }
0x44f: {  	[tilespmem:$0x3D38] =	vst v0  }
0x450: {  	[tilespmem:$0x3D48] =	vst v0  }
0x451: {  	[tilespmem:$0x3D58] =	vst v0  }
0x452: {  	[tilespmem:$0x3D68] =	vst v0  }
0x453: {  	[tilespmem:$0x3D78] =	vst v0  }
0x454: {  	[tilespmem:$0x3D88] =	vst v0  }
0x455: {  	[tilespmem:$0x3D98] =	vst v0  }
0x456: {  	[tilespmem:$0x3DA8] =	vst v0  }
0x457: {  	[tilespmem:$0x3DB8] =	vst v0  }
0x458: {  	[tilespmem:$0x3DC8] =	vst v0  }
0x459: {  	[tilespmem:$0x3DD8] =	vst v0  }
0x45a: {  	[tilespmem:$0x3DE8] =	vst v0  }
0x45b: {  	[tilespmem:$0x3DF8] =	vst v0  }
0x45c: {  	[tilespmem:$0x3E08] =	vst v0  }
0x45d: {  	[tilespmem:$0x3E18] =	vst v0  }
0x45e: {  	[tilespmem:$0x3E28] =	vst v0  }
0x45f: {  	[tilespmem:$0x3E38] =	vst v0  }
0x460: {  	[tilespmem:$0x3E48] =	vst v0  }
0x461: {  	[tilespmem:$0x3E58] =	vst v0  }
0x462: {  	[tilespmem:$0x3E68] =	vst v0  }
0x463: {  	[tilespmem:$0x3E78] =	vst v0  }
0x464: {  	[tilespmem:$0x3E88] =	vst v0  }
0x465: {  	[tilespmem:$0x3E98] =	vst v0  }
0x466: {  	[tilespmem:$0x3EA8] =	vst v0  }
0x467: {  	[tilespmem:$0x3EB8] =	vst v0  }
0x468: {  	[tilespmem:$0x3EC8] =	vst v0  }
0x469: {  	[tilespmem:$0x3ED8] =	vst v0  }
0x46a: {  	[tilespmem:$0x3EE8] =	vst v0  }
0x46b: {  	[tilespmem:$0x3EF8] =	vst v0  }
0x46c: {  	[tilespmem:$0x3F08] =	vst v0  }
0x46d: {  	[tilespmem:$0x3F18] =	vst v0  }
0x46e: {  	[tilespmem:$0x3F28] =	vst v0  }
0x46f: {  	[tilespmem:$0x3F38] =	vst v0  }
0x470: {  	[tilespmem:$0x3F48] =	vst v0  }
0x471: {  	[tilespmem:$0x3F58] =	vst v0  }
0x472: {  	[tilespmem:$0x3F68] =	vst v0  }
0x473: {  	[tilespmem:$0x3F78] =	vst v0  }
0x474: {  	[tilespmem:$0x3F88] =	vst v0  }
0x475: {  	[tilespmem:$0x3F98] =	vst v0  }
0x476: {  	[tilespmem:$0x3FA8] =	vst v0  }
0x477: {  	[tilespmem:$0x3FB8] =	vst v0  }
0x478: {  	[tilespmem:$0x3FC8] =	vst v0  }
0x479: {  	[tilespmem:$0x3FD8] =	vst v0  }
0x47a: {  	[tilespmem:$0x3FE8] =	vst v0  }
0x47b: {  	[tilespmem:$0x3FF8] =	vst v0  }
0x47c: {  	[tilespmem:$0x4008] =	vst v0  }
0x47d: {  	[tilespmem:$0x4018] =	vst v0  }
0x47e: {  	[tilespmem:$0x4028] =	vst v0  }
0x47f: {  	[tilespmem:$0x4038] =	vst v0  }
0x480: {  	[tilespmem:$0x4048] =	vst v0  }
0x481: {  	[tilespmem:$0x4058] =	vst v0  }
0x482: {  	[tilespmem:$0x4068] =	vst v0  }
0x483: {  	[tilespmem:$0x4078] =	vst v0  }
0x484: {  	[tilespmem:$0x4088] =	vst v0  }
0x485: {  	[tilespmem:$0x4098] =	vst v0  }
0x486: {  	[tilespmem:$0x40A8] =	vst v0  }
0x487: {  	[tilespmem:$0x40B8] =	vst v0  }
0x488: {  	[tilespmem:$0x40C8] =	vst v0  }
0x489: {  	[tilespmem:$0x40D8] =	vst v0  }
0x48a: {  	[tilespmem:$0x40E8] =	vst v0  }
0x48b: {  	[tilespmem:$0x40F8] =	vst v0  }
0x48c: {  	[tilespmem:$0x4108] =	vst v0  }
0x48d: {  	[tilespmem:$0x4118] =	vst v0  }
0x48e: {  	[tilespmem:$0x4128] =	vst v0  }
0x48f: {  	[tilespmem:$0x4138] =	vst v0  }
0x490: {  	[tilespmem:$0x4148] =	vst v0  }
0x491: {  	[tilespmem:$0x4158] =	vst v0  }
0x492: {  	[tilespmem:$0x4168] =	vst v0  }
0x493: {  	[tilespmem:$0x4178] =	vst v0  }
0x494: {  	[tilespmem:$0x4188] =	vst v0  }
0x495: {  	[tilespmem:$0x4198] =	vst v0  }
0x496: {  	[tilespmem:$0x41A8] =	vst v0  }
0x497: {  	[tilespmem:$0x41B8] =	vst v0  }
0x498: {  	[tilespmem:$0x41C8] =	vst v0  }
0x499: {  	[tilespmem:$0x41D8] =	vst v0  }
0x49a: {  	[tilespmem:$0x41E8] =	vst v0  }
0x49b: {  	[tilespmem:$0x41F8] =	vst v0  }
0x49c: {  	[tilespmem:$0x4208] =	vst v0  }
0x49d: {  	[tilespmem:$0x4218] =	vst v0  }
0x49e: {  	[tilespmem:$0x4228] =	vst v0  }
0x49f: {  	[tilespmem:$0x4238] =	vst v0  }
0x4a0: {  	[tilespmem:$0x4248] =	vst v0  }
0x4a1: {  	[tilespmem:$0x4258] =	vst v0  }
0x4a2: {  	[tilespmem:$0x4268] =	vst v0  }
0x4a3: {  	[tilespmem:$0x4278] =	vst v0  }
0x4a4: {  	[tilespmem:$0x4288] =	vst v0  }
0x4a5: {  	[tilespmem:$0x4298] =	vst v0  }
0x4a6: {  	[tilespmem:$0x42A8] =	vst v0  }
0x4a7: {  	[tilespmem:$0x42B8] =	vst v0  }
0x4a8: {  	[tilespmem:$0x42C8] =	vst v0  }
0x4a9: {  	[tilespmem:$0x42D8] =	vst v0  }
0x4aa: {  	[tilespmem:$0x42E8] =	vst v0  }
0x4ab: {  	[tilespmem:$0x42F8] =	vst v0  }
0x4ac: {  	[tilespmem:$0x4308] =	vst v0  }
0x4ad: {  	[tilespmem:$0x4318] =	vst v0  }
0x4ae: {  	[tilespmem:$0x4328] =	vst v0  }
0x4af: {  	[tilespmem:$0x4338] =	vst v0  }
0x4b0: {  	[tilespmem:$0x4348] =	vst v0  }
0x4b1: {  	[tilespmem:$0x4358] =	vst v0  }
0x4b2: {  	[tilespmem:$0x4368] =	vst v0  }
0x4b3: {  	[tilespmem:$0x4378] =	vst v0  }
0x4b4: {  	[tilespmem:$0x4388] =	vst v0  }
0x4b5: {  	[tilespmem:$0x4398] =	vst v0  }
0x4b6: {  	[tilespmem:$0x43A8] =	vst v0  }
0x4b7: {  	[tilespmem:$0x43B8] =	vst v0  }
0x4b8: {  	[tilespmem:$0x43C8] =	vst v0  }
0x4b9: {  	[tilespmem:$0x43D8] =	vst v0  }
0x4ba: {  	[tilespmem:$0x43E8] =	vst v0  }
0x4bb: {  	[tilespmem:$0x43F8] =	vst v0  }
0x4bc: {  	[tilespmem:$0x4408] =	vst v0  }
0x4bd: {  	[tilespmem:$0x4418] =	vst v0  }
0x4be: {  	[tilespmem:$0x4428] =	vst v0  }
0x4bf: {  	[tilespmem:$0x4438] =	vst v0  }
0x4c0: {  	[tilespmem:$0x4448] =	vst v0  }
0x4c1: {  	[tilespmem:$0x4458] =	vst v0  }
0x4c2: {  	[tilespmem:$0x4468] =	vst v0  }
0x4c3: {  	[tilespmem:$0x4478] =	vst v0  }
0x4c4: {  	[tilespmem:$0x4488] =	vst v0  }
0x4c5: {  	[tilespmem:$0x4498] =	vst v0  }
0x4c6: {  	[tilespmem:$0x44A8] =	vst v0  }
0x4c7: {  	[tilespmem:$0x44B8] =	vst v0  }
0x4c8: {  	[tilespmem:$0x44C8] =	vst v0  }
0x4c9: {  	[tilespmem:$0x44D8] =	vst v0  }
0x4ca: {  	[tilespmem:$0x44E8] =	vst v0  }
0x4cb: {  	[tilespmem:$0x44F8] =	vst v0  }
0x4cc: {  	[tilespmem:$0x4508] =	vst v0  }
0x4cd: {  	[tilespmem:$0x4518] =	vst v0  }
0x4ce: {  	[tilespmem:$0x4528] =	vst v0  }
0x4cf: {  	[tilespmem:$0x4538] =	vst v0  }
0x4d0: {  	[tilespmem:$0x4548] =	vst v0  }
0x4d1: {  	[tilespmem:$0x4558] =	vst v0  }
0x4d2: {  	[tilespmem:$0x4568] =	vst v0  }
0x4d3: {  	[tilespmem:$0x4578] =	vst v0  }
0x4d4: {  	[tilespmem:$0x4588] =	vst v0  }
0x4d5: {  	[tilespmem:$0x4598] =	vst v0  }
0x4d6: {  	[tilespmem:$0x45A8] =	vst v0  }
0x4d7: {  	[tilespmem:$0x45B8] =	vst v0  }
0x4d8: {  	[tilespmem:$0x45C8] =	vst v0  }
0x4d9: {  	[tilespmem:$0x45D8] =	vst v0  }
0x4da: {  	[tilespmem:$0x45E8] =	vst v0  }
0x4db: {  	[tilespmem:$0x45F8] =	vst v0  }
0x4dc: {  	[tilespmem:$0x4608] =	vst v0  }
0x4dd: {  	[tilespmem:$0x4618] =	vst v0  }
0x4de: {  	[tilespmem:$0x4628] =	vst v0  }
0x4df: {  	[tilespmem:$0x4638] =	vst v0  }
0x4e0: {  	[tilespmem:$0x4648] =	vst v0  }
0x4e1: {  	[tilespmem:$0x4658] =	vst v0  }
0x4e2: {  	[tilespmem:$0x4668] =	vst v0  }
0x4e3: {  	[tilespmem:$0x4678] =	vst v0  }
0x4e4: {  	[tilespmem:$0x4688] =	vst v0  }
0x4e5: {  	[tilespmem:$0x4698] =	vst v0  }
0x4e6: {  	[tilespmem:$0x46A8] =	vst v0  }
0x4e7: {  	[tilespmem:$0x46B8] =	vst v0  }
0x4e8: {  	[tilespmem:$0x46C8] =	vst v0  }
0x4e9: {  	[tilespmem:$0x46D8] =	vst v0  }
0x4ea: {  	[tilespmem:$0x46E8] =	vst v0  }
0x4eb: {  	[tilespmem:$0x46F8] =	vst v0  }
0x4ec: {  	[tilespmem:$0x4708] =	vst v0  }
0x4ed: {  	[tilespmem:$0x4718] =	vst v0  }
0x4ee: {  	[tilespmem:$0x4728] =	vst v0  }
0x4ef: {  	[tilespmem:$0x4738] =	vst v0  }
0x4f0: {  	[tilespmem:$0x4748] =	vst v0  }
0x4f1: {  	[tilespmem:$0x4758] =	vst v0  }
0x4f2: {  	[tilespmem:$0x4768] =	vst v0  }
0x4f3: {  	[tilespmem:$0x4778] =	vst v0  }
0x4f4: {  	[tilespmem:$0x4788] =	vst v0  }
0x4f5: {  	[tilespmem:$0x4798] =	vst v0  }
0x4f6: {  	[tilespmem:$0x47A8] =	vst v0  }
0x4f7: {  	[tilespmem:$0x47B8] =	vst v0  }
0x4f8: {  	[tilespmem:$0x47C8] =	vst v0  }
0x4f9: {  	[tilespmem:$0x47D8] =	vst v0  }
0x4fa: {  	[tilespmem:$0x47E8] =	vst v0  }
0x4fb: {  	[tilespmem:$0x47F8] =	vst v0  }
0x4fc: {  	[tilespmem:$0x4808] =	vst v0  }
0x4fd: {  	[tilespmem:$0x4818] =	vst v0  }
0x4fe: {  	[tilespmem:$0x4828] =	vst v0  }
0x4ff: {  	[tilespmem:$0x4838] =	vst v0  }
0x500: {  	[tilespmem:$0x4848] =	vst v0  }
0x501: {  	[tilespmem:$0x4858] =	vst v0  }
0x502: {  	[tilespmem:$0x4868] =	vst v0  }
0x503: {  	[tilespmem:$0x4878] =	vst v0  }
0x504: {  	[tilespmem:$0x4888] =	vst v0  }
0x505: {  	[tilespmem:$0x4898] =	vst v0  }
0x506: {  	[tilespmem:$0x48A8] =	vst v0  }
0x507: {  	[tilespmem:$0x48B8] =	vst v0  }
0x508: {  	[tilespmem:$0x48C8] =	vst v0  }
0x509: {  	[tilespmem:$0x48D8] =	vst v0  }
0x50a: {  	[tilespmem:$0x48E8] =	vst v0  }
0x50b: {  	[tilespmem:$0x48F8] =	vst v0  }
0x50c: {  	[tilespmem:$0x4908] =	vst v0  }
0x50d: {  	[tilespmem:$0x4918] =	vst v0  }
0x50e: {  	[tilespmem:$0x4928] =	vst v0  }
0x50f: {  	[tilespmem:$0x4938] =	vst v0  }
0x510: {  	[tilespmem:$0x4948] =	vst v0  }
0x511: {  	[tilespmem:$0x4958] =	vst v0  }
0x512: {  	[tilespmem:$0x4968] =	vst v0  }
0x513: {  	[tilespmem:$0x4978] =	vst v0  }
0x514: {  	[tilespmem:$0x4988] =	vst v0  }
0x515: {  	[tilespmem:$0x4998] =	vst v0  }
0x516: {  	[tilespmem:$0x49A8] =	vst v0  }
0x517: {  	[tilespmem:$0x49B8] =	vst v0  }
0x518: {  	[tilespmem:$0x49C8] =	vst v0  }
0x519: {  	[tilespmem:$0x49D8] =	vst v0  }
0x51a: {  	[tilespmem:$0x49E8] =	vst v0  }
0x51b: {  	[tilespmem:$0x49F8] =	vst v0  }
0x51c: {  	[tilespmem:$0x4A08] =	vst v0  }
0x51d: {  	[tilespmem:$0x4A18] =	vst v0  }
0x51e: {  	[tilespmem:$0x4A28] =	vst v0  }
0x51f: {  	[tilespmem:$0x4A38] =	vst v0  }
0x520: {  	[tilespmem:$0x4A48] =	vst v0  }
0x521: {  	[tilespmem:$0x4A58] =	vst v0  }
0x522: {  	[tilespmem:$0x4A68] =	vst v0  }
0x523: {  	[tilespmem:$0x4A78] =	vst v0  }
0x524: {  	[tilespmem:$0x4A88] =	vst v0  }
0x525: {  	[tilespmem:$0x4A98] =	vst v0  }
0x526: {  	[tilespmem:$0x4AA8] =	vst v0  }
0x527: {  	[tilespmem:$0x4AB8] =	vst v0  }
0x528: {  	[tilespmem:$0x4AC8] =	vst v0  }
0x529: {  	[tilespmem:$0x4AD8] =	vst v0  }
0x52a: {  	[tilespmem:$0x4AE8] =	vst v0  }
0x52b: {  	[tilespmem:$0x4AF8] =	vst v0  }
0x52c: {  	[tilespmem:$0x4B08] =	vst v0  }
0x52d: {  	[tilespmem:$0x4B18] =	vst v0  }
0x52e: {  	[tilespmem:$0x4B28] =	vst v0  }
0x52f: {  	[tilespmem:$0x4B38] =	vst v0  }
0x530: {  	[tilespmem:$0x4B48] =	vst v0  }
0x531: {  	[tilespmem:$0x4B58] =	vst v0  }
0x532: {  	[tilespmem:$0x4B68] =	vst v0  }
0x533: {  	[tilespmem:$0x4B78] =	vst v0  }
0x534: {  	[tilespmem:$0x4B88] =	vst v0  }
0x535: {  	[tilespmem:$0x4B98] =	vst v0  }
0x536: {  	[tilespmem:$0x4BA8] =	vst v0  }
0x537: {  	[tilespmem:$0x4BB8] =	vst v0  }
0x538: {  	[tilespmem:$0x4BC8] =	vst v0  }
0x539: {  	[tilespmem:$0x4BD8] =	vst v0  }
0x53a: {  	[tilespmem:$0x4BE8] =	vst v0  }
0x53b: {  	[tilespmem:$0x4BF8] =	vst v0  }
0x53c: {  	[tilespmem:$0x4C08] =	vst v0  }
0x53d: {  	[tilespmem:$0x4C18] =	vst v0  }
0x53e: {  	[tilespmem:$0x4C28] =	vst v0  }
0x53f: {  	[tilespmem:$0x4C38] =	vst v0  }
0x540: {  	[tilespmem:$0x4C48] =	vst v0  }
0x541: {  	[tilespmem:$0x4C58] =	vst v0  }
0x542: {  	[tilespmem:$0x4C68] =	vst v0  }
0x543: {  	[tilespmem:$0x4C78] =	vst v0  }
0x544: {  	[tilespmem:$0x4C88] =	vst v0  }
0x545: {  	[tilespmem:$0x4C98] =	vst v0  }
0x546: {  	[tilespmem:$0x4CA8] =	vst v0  }
0x547: {  	[tilespmem:$0x4CB8] =	vst v0  }
0x548: {  	[tilespmem:$0x4CC8] =	vst v0  }
0x549: {  	[tilespmem:$0x4CD8] =	vst v0  }
0x54a: {  	[tilespmem:$0x4CE8] =	vst v0  }
0x54b: {  	[tilespmem:$0x4D98] =	vst v0  }
0x54c: {  	[tilespmem:$0x5BD8] =	vst v0  }
0x54d: {  	[tilespmem:$0x5BC8] =	vst v0  }
0x54e: {  	[tilespmem:$0x4D38] =	vst v0  }
0x54f: {  	[tilespmem:$0x5BB8] =	vst v0  }
0x550: {  	[tilespmem:$0x5BA8] =	vst v0  }
0x551: {  	[tilespmem:$0x5B98] =	vst v0  }
0x552: {  	[tilespmem:$0x5B88] =	vst v0  }
0x553: {  	[tilespmem:$0x5B78] =	vst v0  }
0x554: {  	[tilespmem:$0x5B68] =	vst v0  }
0x555: {  	[tilespmem:$0x5B58] =	vst v0  }
0x556: {  	[tilespmem:$0x5B48] =	vst v0  }
0x557: {  	[tilespmem:$0x5B38] =	vst v0  }
0x558: {  	[tilespmem:$0x5B28] =	vst v0  }
0x559: {  	[tilespmem:$0x5B18] =	vst v0  }
0x55a: {  	[tilespmem:$0x5B08] =	vst v0  }
0x55b: {  	[tilespmem:$0x5AF8] =	vst v0  }
0x55c: {  	[tilespmem:$0x5AE8] =	vst v0  }
0x55d: {  	[tilespmem:$0x5AD8] =	vst v0  }
0x55e: {  	[tilespmem:$0x5AC8] =	vst v0  }
0x55f: {  	[tilespmem:$0x5AB8] =	vst v0  }
0x560: {  	[tilespmem:$0x5AA8] =	vst v0  }
0x561: {  	[tilespmem:$0x5A98] =	vst v0  }
0x562: {  	[tilespmem:$0x5A88] =	vst v0  }
0x563: {  	[tilespmem:$0x5A78] =	vst v0  }
0x564: {  	[tilespmem:$0x5A68] =	vst v0  }
0x565: {  	[tilespmem:$0x5A58] =	vst v0  }
0x566: {  	[tilespmem:$0x5A48] =	vst v0  }
0x567: {  	[tilespmem:$0x5A38] =	vst v0  }
0x568: {  	[tilespmem:$0x5A28] =	vst v0  }
0x569: {  	[tilespmem:$0x5A18] =	vst v0  }
0x56a: {  	[tilespmem:$0x5A08] =	vst v0  }
0x56b: {  	[tilespmem:$0x59F8] =	vst v0  }
0x56c: {  	[tilespmem:$0x59E8] =	vst v0  }
0x56d: {  	[tilespmem:$0x59D8] =	vst v0  }
0x56e: {  	[tilespmem:$0x59C8] =	vst v0  }
0x56f: {  	[tilespmem:$0x59B8] =	vst v0  }
0x570: {  	[tilespmem:$0x59A8] =	vst v0  }
0x571: {  	[tilespmem:$0x5998] =	vst v0  }
0x572: {  	[tilespmem:$0x5988] =	vst v0  }
0x573: {  	[tilespmem:$0x5978] =	vst v0  }
0x574: {  	[tilespmem:$0x5968] =	vst v0  }
0x575: {  	[tilespmem:$0x5958] =	vst v0  }
0x576: {  	[tilespmem:$0x5948] =	vst v0  }
0x577: {  	[tilespmem:$0x5938] =	vst v0  }
0x578: {  	[tilespmem:$0x5928] =	vst v0  }
0x579: {  	[tilespmem:$0x5918] =	vst v0  }
0x57a: {  	[tilespmem:$0x5908] =	vst v0  }
0x57b: {  	[tilespmem:$0x58F8] =	vst v0  }
0x57c: {  	[tilespmem:$0x58E8] =	vst v0  }
0x57d: {  	[tilespmem:$0x58D8] =	vst v0  }
0x57e: {  	[tilespmem:$0x58C8] =	vst v0  }
0x57f: {  	[tilespmem:$0x58B8] =	vst v0  }
0x580: {  	[tilespmem:$0x58A8] =	vst v0  }
0x581: {  	[tilespmem:$0x5898] =	vst v0  }
0x582: {  	[tilespmem:$0x5888] =	vst v0  }
0x583: {  	[tilespmem:$0x5878] =	vst v0  }
0x584: {  	[tilespmem:$0x5868] =	vst v0  }
0x585: {  	[tilespmem:$0x5858] =	vst v0  }
0x586: {  	[tilespmem:$0x5848] =	vst v0  }
0x587: {  	[tilespmem:$0x5838] =	vst v0  }
0x588: {  	[tilespmem:$0x5828] =	vst v0  }
0x589: {  	[tilespmem:$0x5818] =	vst v0  }
0x58a: {  	[tilespmem:$0x5808] =	vst v0  }
0x58b: {  	[tilespmem:$0x57F8] =	vst v0  }
0x58c: {  	[tilespmem:$0x57E8] =	vst v0  }
0x58d: {  	[tilespmem:$0x57D8] =	vst v0  }
0x58e: {  	[tilespmem:$0x57C8] =	vst v0  }
0x58f: {  	[tilespmem:$0x57B8] =	vst v0  }
0x590: {  	[tilespmem:$0x57A8] =	vst v0  }
0x591: {  	[tilespmem:$0x5798] =	vst v0  }
0x592: {  	[tilespmem:$0x5788] =	vst v0  }
0x593: {  	[tilespmem:$0x5778] =	vst v0  }
0x594: {  	[tilespmem:$0x5768] =	vst v0  }
0x595: {  	[tilespmem:$0x5758] =	vst v0  }
0x596: {  	[tilespmem:$0x5748] =	vst v0  }
0x597: {  	[tilespmem:$0x5738] =	vst v0  }
0x598: {  	[tilespmem:$0x5728] =	vst v0  }
0x599: {  	[tilespmem:$0x5718] =	vst v0  }
0x59a: {  	[tilespmem:$0x5708] =	vst v0  }
0x59b: {  	[tilespmem:$0x56F8] =	vst v0  }
0x59c: {  	[tilespmem:$0x56E8] =	vst v0  }
0x59d: {  	[tilespmem:$0x56D8] =	vst v0  }
0x59e: {  	[tilespmem:$0x56C8] =	vst v0  }
0x59f: {  	[tilespmem:$0x56B8] =	vst v0  }
0x5a0: {  	[tilespmem:$0x56A8] =	vst v0  }
0x5a1: {  	[tilespmem:$0x5698] =	vst v0  }
0x5a2: {  	[tilespmem:$0x5688] =	vst v0  }
0x5a3: {  	[tilespmem:$0x5678] =	vst v0  }
0x5a4: {  	[tilespmem:$0x5668] =	vst v0  }
0x5a5: {  	[tilespmem:$0x5658] =	vst v0  }
0x5a6: {  	[tilespmem:$0x5648] =	vst v0  }
0x5a7: {  	[tilespmem:$0x5638] =	vst v0  }
0x5a8: {  	[tilespmem:$0x5628] =	vst v0  }
0x5a9: {  	[tilespmem:$0x5618] =	vst v0  }
0x5aa: {  	[tilespmem:$0x5608] =	vst v0  }
0x5ab: {  	[tilespmem:$0x55F8] =	vst v0  }
0x5ac: {  	[tilespmem:$0x55E8] =	vst v0  }
0x5ad: {  	[tilespmem:$0x55D8] =	vst v0  }
0x5ae: {  	[tilespmem:$0x55C8] =	vst v0  }
0x5af: {  	[tilespmem:$0x55B8] =	vst v0  }
0x5b0: {  	[tilespmem:$0x55A8] =	vst v0  }
0x5b1: {  	[tilespmem:$0x5598] =	vst v0  }
0x5b2: {  	[tilespmem:$0x5588] =	vst v0  }
0x5b3: {  	[tilespmem:$0x5578] =	vst v0  }
0x5b4: {  	[tilespmem:$0x5568] =	vst v0  }
0x5b5: {  	[tilespmem:$0x5558] =	vst v0  }
0x5b6: {  	[tilespmem:$0x5548] =	vst v0  }
0x5b7: {  	[tilespmem:$0x5538] =	vst v0  }
0x5b8: {  	[tilespmem:$0x5528] =	vst v0  }
0x5b9: {  	[tilespmem:$0x5518] =	vst v0  }
0x5ba: {  	[tilespmem:$0x5508] =	vst v0  }
0x5bb: {  	[tilespmem:$0x54F8] =	vst v0  }
0x5bc: {  	[tilespmem:$0x54E8] =	vst v0  }
0x5bd: {  	[tilespmem:$0x54D8] =	vst v0  }
0x5be: {  	[tilespmem:$0x54C8] =	vst v0  }
0x5bf: {  	[tilespmem:$0x54B8] =	vst v0  }
0x5c0: {  	[tilespmem:$0x54A8] =	vst v0  }
0x5c1: {  	[tilespmem:$0x5498] =	vst v0  }
0x5c2: {  	[tilespmem:$0x5488] =	vst v0  }
0x5c3: {  	[tilespmem:$0x5478] =	vst v0  }
0x5c4: {  	[tilespmem:$0x5468] =	vst v0  }
0x5c5: {  	[tilespmem:$0x5458] =	vst v0  }
0x5c6: {  	[tilespmem:$0x5448] =	vst v0  }
0x5c7: {  	[tilespmem:$0x5438] =	vst v0  }
0x5c8: {  	[tilespmem:$0x5428] =	vst v0  }
0x5c9: {  	[tilespmem:$0x5418] =	vst v0  }
0x5ca: {  	[tilespmem:$0x5408] =	vst v0  }
0x5cb: {  	[tilespmem:$0x53F8] =	vst v0  }
0x5cc: {  	[tilespmem:$0x53E8] =	vst v0  }
0x5cd: {  	[tilespmem:$0x53D8] =	vst v0  }
0x5ce: {  	[tilespmem:$0x53C8] =	vst v0  }
0x5cf: {  	[tilespmem:$0x53B8] =	vst v0  }
0x5d0: {  	[tilespmem:$0x53A8] =	vst v0  }
0x5d1: {  	[tilespmem:$0x5398] =	vst v0  }
0x5d2: {  	[tilespmem:$0x5388] =	vst v0  }
0x5d3: {  	[tilespmem:$0x5378] =	vst v0  }
0x5d4: {  	[tilespmem:$0x5368] =	vst v0  }
0x5d5: {  	[tilespmem:$0x5358] =	vst v0  }
0x5d6: {  	[tilespmem:$0x5348] =	vst v0  }
0x5d7: {  	[tilespmem:$0x5338] =	vst v0  }
0x5d8: {  	[tilespmem:$0x5328] =	vst v0  }
0x5d9: {  	[tilespmem:$0x5318] =	vst v0  }
0x5da: {  	[tilespmem:$0x5308] =	vst v0  }
0x5db: {  	[tilespmem:$0x52F8] =	vst v0  }
0x5dc: {  	[tilespmem:$0x52E8] =	vst v0  }
0x5dd: {  	[tilespmem:$0x52D8] =	vst v0  }
0x5de: {  	[tilespmem:$0x52C8] =	vst v0  }
0x5df: {  	[tilespmem:$0x52B8] =	vst v0  }
0x5e0: {  	[tilespmem:$0x52A8] =	vst v0  }
0x5e1: {  	[tilespmem:$0x5298] =	vst v0  }
0x5e2: {  	[tilespmem:$0x5288] =	vst v0  }
0x5e3: {  	[tilespmem:$0x5278] =	vst v0  }
0x5e4: {  	[tilespmem:$0x5268] =	vst v0  }
0x5e5: {  	[tilespmem:$0x5258] =	vst v0  }
0x5e6: {  	[tilespmem:$0x5248] =	vst v0  }
0x5e7: {  	[tilespmem:$0x5238] =	vst v0  }
0x5e8: {  	[tilespmem:$0x5228] =	vst v0  }
0x5e9: {  	[tilespmem:$0x5218] =	vst v0  }
0x5ea: {  	[tilespmem:$0x5208] =	vst v0  }
0x5eb: {  	[tilespmem:$0x51F8] =	vst v0  }
0x5ec: {  	[tilespmem:$0x51E8] =	vst v0  }
0x5ed: {  	[tilespmem:$0x51D8] =	vst v0  }
0x5ee: {  	[tilespmem:$0x51C8] =	vst v0  }
0x5ef: {  	[tilespmem:$0x51B8] =	vst v0  }
0x5f0: {  	[tilespmem:$0x51A8] =	vst v0  }
0x5f1: {  	[tilespmem:$0x5198] =	vst v0  }
0x5f2: {  	[tilespmem:$0x5188] =	vst v0  }
0x5f3: {  	[tilespmem:$0x5178] =	vst v0  }
0x5f4: {  	[tilespmem:$0x5168] =	vst v0  }
0x5f5: {  	[tilespmem:$0x5158] =	vst v0  }
0x5f6: {  	[tilespmem:$0x5148] =	vst v0  }
0x5f7: {  	[tilespmem:$0x5138] =	vst v0  }
0x5f8: {  	[tilespmem:$0x5128] =	vst v0  }
0x5f9: {  	[tilespmem:$0x5118] =	vst v0  }
0x5fa: {  	[tilespmem:$0x5108] =	vst v0  }
0x5fb: {  	[tilespmem:$0x50F8] =	vst v0  }
0x5fc: {  	[tilespmem:$0x50E8] =	vst v0  }
0x5fd: {  	[tilespmem:$0x50D8] =	vst v0  }
0x5fe: {  	[tilespmem:$0x50C8] =	vst v0  }
0x5ff: {  	[tilespmem:$0x50B8] =	vst v0  }
0x600: {  	[tilespmem:$0x50A8] =	vst v0  }
0x601: {  	[tilespmem:$0x5098] =	vst v0  }
0x602: {  	[tilespmem:$0x5088] =	vst v0  }
0x603: {  	[tilespmem:$0x5078] =	vst v0  }
0x604: {  	[tilespmem:$0x5068] =	vst v0  }
0x605: {  	[tilespmem:$0x5058] =	vst v0  }
0x606: {  	[tilespmem:$0x5048] =	vst v0  }
0x607: {  	[tilespmem:$0x5038] =	vst v0  }
0x608: {  	[tilespmem:$0x5028] =	vst v0  }
0x609: {  	[tilespmem:$0x5018] =	vst v0  }
0x60a: {  	[tilespmem:$0x5008] =	vst v0  }
0x60b: {  	[tilespmem:$0x4FF8] =	vst v0  }
0x60c: {  	[tilespmem:$0x4FE8] =	vst v0  }
0x60d: {  	[tilespmem:$0x4FD8] =	vst v0  }
0x60e: {  	[tilespmem:$0x4FC8] =	vst v0  }
0x60f: {  	[tilespmem:$0x4FB8] =	vst v0  }
0x610: {  	[tilespmem:$0x4FA8] =	vst v0  }
0x611: {  	[tilespmem:$0x4F98] =	vst v0  }
0x612: {  	[tilespmem:$0x4F88] =	vst v0  }
0x613: {  	[tilespmem:$0x4F78] =	vst v0  }
0x614: {  	[tilespmem:$0x4F68] =	vst v0  }
0x615: {  	[tilespmem:$0x4F58] =	vst v0  }
0x616: {  	[tilespmem:$0x4F48] =	vst v0  }
0x617: {  	[tilespmem:$0x4F38] =	vst v0  }
0x618: {  	[tilespmem:$0x4F28] =	vst v0  }
0x619: {  	[tilespmem:$0x4F18] =	vst v0  }
0x61a: {  	[tilespmem:$0x4F08] =	vst v0  }
0x61b: {  	[tilespmem:$0x4EF8] =	vst v0  }
0x61c: {  	[tilespmem:$0x4EE8] =	vst v0  }
0x61d: {  	[tilespmem:$0x4ED8] =	vst v0  }
0x61e: {  	[tilespmem:$0x4EC8] =	vst v0  }
0x61f: {  	[tilespmem:$0x4EB8] =	vst v0  }
0x620: {  	[tilespmem:$0x4EA8] =	vst v0  }
0x621: {  	[tilespmem:$0x4E98] =	vst v0  }
0x622: {  	[tilespmem:$0x4E88] =	vst v0  }
0x623: {  	[tilespmem:$0x4E78] =	vst v0  }
0x624: {  	[tilespmem:$0x4E68] =	vst v0  }
0x625: {  	[tilespmem:$0x4E58] =	vst v0  }
0x626: {  	[tilespmem:$0x4E48] =	vst v0  }
0x627: {  	[tilespmem:$0x4E38] =	vst v0  }
0x628: {  	[tilespmem:$0x4E28] =	vst v0  }
0x629: {  	[tilespmem:$0x4E18] =	vst v0  }
0x62a: {  	[tilespmem:$0x4E08] =	vst v0  }
0x62b: {  	s3 =	stileid.u32;
	[tilespmem:$0x4DF8] =	vst v0  }
0x62c: {  	s24 =	smul.u32 $0x22, s3;
	[tilespmem:$0x4DE8] =	vst v0  }
0x62d: {  	s1 =	smin.u32 s3, $0xC;
	[tilespmem:$0x4DD8] =	vst v0  }
0x62e: {  	[tilespmem:$0x4DC8] =	vst v0;
	s0 =	sadd.s32 s1, s24  }
0x62f: {  	p0 =	slt.u32 s3, $0xC;
	[tilespmem:$0x4DB8] =	vst v0;
	s1 =	simm.s32 $0x13B0;
	s8 =	smul.u32 $0x90, s0  }
0x630: {  	s1 =	simm.s32 @!p0 $0x1320;
	[tilespmem:$0x4DA8] =	vst v0  }
0x631: {  	[tilespmem:$0x4D78] =	vst v0;
	s0 =	sadd.s32 s1, s8  }
0x632: {  	s6 =	simm.s32 $0x2;
	s26 =	simm.s32 $0x9;
	[tilespmem:$0x4D88] =	vst v0;
	s9 =	smin.u32 s0, $0x13880  }
0x633: {  	s28 =	simm.s32 $0xA;
	s10 =	simm.s32 $0xB;
	[tilespmem:$0x4D68] =	vst v0;
	s0 =	ssub.s32 s9, s8  }
0x634: {  	p1 =	por $0x0, $0x0;
	s18 =	simm.s32 $0x80;
	[tilespmem:$0x4D08] =	vst v0;
	p0 =	sgt.s32 s0, $0x0  }
0x635: {  	s19 =	simm.s32 $0x400;
	s20 =	simm.s32 $0xC;
	[tilespmem:$0x4D58] =	vst v0;
	s0 =	simm.s32 @!p0 $0x0  }
0x636: {  	s21 =	simm.s32 $0x0;
	s23 =	simm.s32 $0x0;
	s25 =	smulhi.u32 $0x38E38E39, s0;
	[tilespmem:$0x4D48] =	vst v0  }
0x637: {  	s5 =	sadd.s32 $0x53200, s4;
	s7 =	sand.u32 $0x1, s2;
	s31 =	smul.u32 $0x500, s3;
	[tilespmem:$0x4D28] =	vst v0  }
0x638: {  	s11 =	sadd.s32 $0x9D3200, s4;
	s30 =	smul.u32 $0x2710, s7;
	s1 =	sshrl.u32 s25, $0x5;
	[tilespmem:$0x4D18] =	vst v0  }
0x639: {  	[tilespmem:$0x4CF8] =	vst v0;
	[sflag:s6] =	ssyncpa.u1 $0x0;
	v0 =	vimm.s32 $0xFFFFFFFF;
	[dreg:$0x4] =	wrdreg s7;
	s29 =	smul.u32 $0x90, s1  }
.Ltmp8:
0x63a: {  	[tilespmem:$0xB688] =	vst v0;
	[sflag:s26] =	ssyncpa.u1 $0x0;
	s16 =	sshrl.u32 s31, $0x2;
	(pc) =	sbr.rel .LBB3_1-.Ltmp8, $4  }
0x63b: {  	s24 =	simm.s32 $0x0;
	p0 =	sne.s32 s0, s29;
	s0 =	simm.s32 $0x1  }
0x63c: {  	[sflag:s28] =	ssyncpa.u1 $0x0;
	s4 =	sadd.s32 s30, s4;
	s0 =	simm.s32 @!p0 $0x0  }
0x63d: {  	[sflag:s10] =	ssyncpa.u1 $0x0;
	s15 =	sadd.s32 $0x9CE200, s4;
	s14 =	sadd.s32 s0, s1  }
0x63e: {  	v0 =	vlaneseq.u32;
	s22 =	smov.u32 s8;
	p0 =	por $0x1, $0x1;
	s17 =	sadd.s32 $0x1, s14  }
.LBB3_22:
0x63f: {  	s1 =	sshrl.u32 s1, $0x2  }
.LBB3_24:
0x640: {  	_ =	swait.ge [sflag:s20], s1  }
0x641: {  	s31 =	ssub.s32 $0x0, s1;
	v1 =	vmov s26;
	vm0 =	veq.s32 v0, $0x0;
	[sflag:s20] =	ssyncset.done $0x0  }
0x642: {  	vm15 =	veq.s32 v0, $0x2;
	v1 =	vsel vm0, s0, v1;
	[sflag:s20] =	ssyncadd.s32 s31  }
0x643: {  	v1 =	vsel vm15, s24, v1;
	[sflag:s20] =	ssyncpa.u1 $0x1  }
0x644: {  	[tilespmem:$0xB688] =	vst v1  }
.LBB3_25:
0x645: {  	s0 =	sadd.s32 $0x90, s22  }
0x646: {  	s1 =	smov.u32 s8;
	p2 =	slt.s32 s0, s9  }
0x647: {  	s1 =	smov.u32 @p2 s0;
	p2 =	sne.s32 s23, s17  }
.Ltmp9:
0x648: {  	_ = 	snop;
	(pc) =	sbr.rel @!p2 .LBB3_26-.Ltmp9, $4  }
0x649: {  	_ = 	snop  }
0x64a: {  	s24 =	smov.u32 s21  }
0x64b: {  	s31 =	sadd.s32 $0x1, s23;
	s21 =	smov.u32 s22;
	p0 =	por !p0, !p0  }
0x64c: {  	p1 =	por !p1, !p1;
	s23 =	smov.u32 s31;
	s22 =	smov.u32 s1  }
.LBB3_1:
0x64d: {  	p2 =	sge.u32 s23, s14  }
0x64e: {  	s0 =	smulhi.u32 @!p2 $0xAAAAAAAB, s23  }
0x64f: {  	s1 =	smov.u32 s22;
	p3 =	sgt.s32 @!p2 s22, $0x137F0  }
0x650: {  	s2 =	sshra.s32 @!p2 s22, $0x1F;
	p3 =	por !p3, p2;
	s0 =	sshrl.u32 @!p2 s0, $0x1  }
0x651: {  	s2 =	sand.u32 @!p2 s2, s22;
	s1 =	simm.s32 @p3 $0x137F0;
	s0 =	smul.u32 @!p2 $0x3, s0  }
0x652: {  	s1 =	ssub.s32 @!p2 s1, s2  }
0x653: {  	s1 =	sadd.s32 @!p2 $0xFFFEC810, s1;
	s0 =	ssub.s32 @!p2 s23, s0  }
0x654: {  	s2 =	sshll.u32 @!p2 s1, $0x2;
	p3 =	sgt.s32 @!p2 s1, $0x8F;
	s0 =	smul.u32 @!p2 $0x240, s0  }
0x655: {  	s6 =	sand.u32 @!p2 $0x7, s22;
	s1 =	ssub.s32 @!p2 $0x240, s2;
	p3 =	por !p3, p2  }
0x656: {  	s2 =	sshrl.u32 @!p2 s22, $0x3;
	s1 =	sshrl.u32 @!p2 s1, $0x2;
	s0 =	sshrl.u32 @!p2 s0, $0x2  }
0x657: {  	s2 =	sadd.s32 @!p2 s2, s15;
	s1 =	simm.s32 @!p3 $0x0;
	s0 =	sadd.s32 @!p2 $0xCAC8, s0  }
0x658: {  	[tilespmem:s0], [sflag:$0xA] =	stream.linear.gather @!p2 [hbm4b:s2+s6], s1, $0x38;
	[tilespmem:$0x1ED98] =	vst v63  }
0x659: {  	s1 =	sadd.s32 $0xFFFFFFFF, s23  }
0x65a: {  	p2 =	sge.u32 s1, s14  }
0x65b: {  	p3 =	sgt.s32 @!p2 s21, $0x137F0  }
0x65c: {  	s0 =	smov.u32 s21;
	s2 =	sshra.s32 @!p2 s21, $0x1F;
	p3 =	por !p3, p2  }
0x65d: {  	s2 =	sand.u32 @!p2 s2, s21;
	s0 =	simm.s32 @p3 $0x137F0  }
0x65e: {  	s0 =	ssub.s32 @!p2 s0, s2  }
0x65f: {  	s0 =	sadd.s32 @!p2 $0xFFFEC810, s0  }
0x660: {  	s2 =	sshll.u32 @!p2 s0, $0x2  }
0x661: {  	p3 =	sgt.s32 @!p2 s0, $0x8F;
	s0 =	ssub.s32 @!p2 $0x240, s2  }
0x662: {  	p3 =	por !p3, p2;
	s0 =	sshrl.u32 @!p2 s0, $0x2  }
0x663: {  	s6 =	simm.s32 @!p2 $0xA;
	s2 =	sand.u32 @!p2 $0x1, s1;
	s0 =	simm.s32 @!p3 $0x0  }
0x664: {  	s2 =	smul.u32 @!p2 $0x240, s2;
	_ =	swait.ge @!p2 [sflag:s6], s0  }
0x665: {  	s7 =	ssub.s32 @!p2 $0x0, s0;
	[sflag:s6] =	ssyncset.done @!p2 $0x0  }
0x666: {  	s2 =	sshrl.u32 @!p2 s2, $0x2;
	[sflag:s6] =	ssyncadd.s32 @!p2 s7;
	s6 =	sshrl.u32 @!p2 s21, $0x3  }
0x667: {  	s2 =	sadd.s32 @!p2 $0xCC78, s2;
	s7 =	sand.u32 @!p2 $0x7, s21;
	s6 =	sadd.s32 @!p2 s6, s4  }
0x668: {  	[tilespmem:s2], [sflag:$0xB] =	stream.linear.gather @!p2 [hbm4b:s6+s7], s0, $0x38;
	[tilespmem:$0x1ED98] =	vst v63  }
0x669: {  	s0 =	ssub.s32 @!p2 $0x13880, s21  }
0x66a: {  	p3 =	slt.s32 @!p2 s0, $0x1  }
0x66b: {  	p3 =	por p2, p3  }
.Ltmp10:
0x66c: {  	_ = 	snop;
	(pc) =	sbr.rel @p3 .LBB3_7-.Ltmp10, $1  }
0x66d: {  	_ =	sdelay $0x3  }
0x66e: {  	s2 =	smulhi.u32 $0xAAAAAAAB, s1;
	_ =	sdelay $0x1  }
0x66f: {  	s2 =	sshrl.u32 s2, $0x1  }
0x670: {  	s2 =	smul.u32 $0x3, s2;
	_ =	sdelay $0x1  }
0x671: {  	s29 =	ssub.s32 s1, s2  }
0x672: {  	s6 =	simm.s32 $0x1;
	s1 =	smul.u32 $0x240, s29  }
.Ltmp11:
0x673: {  	s6 =	simm.s32 @!p0 $0x0;
	(pc) =	sbr.rel .LBB3_4-.Ltmp11, $4  }
0x674: {  	s30 =	smul.u32 $0x24000, s6  }
0x675: {  	p3 =	slt.s32 @!p2 s0, $0x90;
	s1 =	sshrl.u32 s1, $0x2  }
0x676: {  	p2 =	por !p3, p2;
	s2 =	sshrl.u32 s30, $0x2;
	s31 =	sadd.s32 $0xCAC8, s1  }
0x677: {  	s0 =	simm.s32 @p2 $0x90;
	s1 =	sadd.s32 $0xCD98, s2;
	s2 =	simm.s32 $0x0;
	v1 =	vmov s31  }
.LBB3_3:
0x678: {  	p2 =	sge.s32 s2, s0  }
.Ltmp12:
0x679: {  	_ = 	snop;
	(pc) =	sbr.rel @p2 .LBB3_7-.Ltmp12, $2  }
0x67a: {  	_ =	sdelay $0x2  }
0x67b: {  	s1 =	sadd.s32 $0x1000, s1  }
.LBB3_4:
0x67c: {  	p2 =	sle.s32 s0, s2  }
.Ltmp13:
0x67d: {  	_ = 	snop;
	(pc) =	sbr.rel @p2 .LBB3_3-.Ltmp13, $2  }
0x67e: {  	_ =	sdelay $0x2  }
0x67f: {  	s7 =	smov.u32 s2;
	s2 =	sadd.s32 $0x10, s2  }
0x680: {  	s6 =	ssub.s32 s0, s7  }
0x681: {  	p2 =	slt.s32 s6, $0x10  }
0x682: {  	s6 =	simm.s32 @!p2 $0x10  }
0x683: {  	v2 =	vmov s6  }
0x684: {  	vm0 =	vgt.s32 v2, v0;
	_ =	sdelay $0x5  }
0x685: {  	v2 =	vld.idx.msk [tilespmem:v1+s7+$0x0 ss:$0x1], vm0;
	_ =	sdelay $0x2  }
0x686: {  	p2 =	slt.s32 s2, s0;
	s6 =	smov.u32 s0  }
0x687: {  	s10 =	smov.u32 s1;
	s25 =	simm.s32 $0x0;
	s6 =	smov.u32 @p2 s2  }
.LBB3_6:
0x688: {  	(v2sf) =	vpush v2, s25;
	_ =	sdelay $0xe  }
0x689: {  	s25 =	sadd.s32 $0x1, s25;
	s12 =	spop (v2sf)  }
0x68a: {  	s31 =	sadd.s32 s25, s7;
	s26 =	sshll.u32 s12, $0x8;
	s12 =	sshll.u32 s12, $0x7  }
0x68b: {  	p2 =	slt.s32 s31, s6;
	s26 =	sand.u32 $0xFFFFF800, s26;
	s12 =	sand.u32 $0x380, s12  }
.Ltmp14:
0x68c: {  	s12 =	sor.u32 s12, s26;
	(pc) =	sbr.rel @p2 .LBB3_6-.Ltmp14, $4  }
0x68d: {  	s12 =	sshrl.u32 s12, $0x3  }
0x68e: {  	s12 =	sadd.s32 s11, s12  }
0x68f: {  	[tilespmem:s10], [sflag:$0x9] =	stream.strided.gather [hbm4b:s12+s18], $0x100, s19, s18, $0x38;
	[tilespmem:$0x1ED98] =	vst v63  }
0x690: {  	s10 =	sadd.s32 $0x100, s10  }
.Ltmp15:
0x691: {  	_ = 	snop;
	(pc) =	sbr.rel .LBB3_3-.Ltmp15, $1  }
0x692: {  	_ =	sdelay $0x3  }
.LBB3_7:
0x693: {  	p2 =	slt.u32 s23, $0x2  }
.Ltmp16:
0x694: {  	_ = 	snop;
	(pc) =	sbr.rel @p2 .LBB3_25-.Ltmp16, $1  }
0x695: {  	_ =	sdelay $0x3  }
0x696: {  	p2 =	sgt.s32 s24, $0x137F0  }
0x697: {  	s0 =	smov.u32 s24;
	s1 =	sshra.s32 s24, $0x1F;
	s2 =	ssub.s32 $0x13880, s24  }
0x698: {  	s0 =	simm.s32 @!p2 $0x137F0;
	s1 =	sand.u32 s1, s24;
	p2 =	slt.s32 s2, $0x90  }
0x699: {  	s0 =	ssub.s32 s0, s1;
	s2 =	simm.s32 @!p2 $0x90  }
0x69a: {  	s0 =	sadd.s32 $0xFFFEC810, s0;
	s13 =	sshll.u32 s2, $0x8  }
0x69b: {  	s29 =	simm.s32 $0x9;
	s25 =	sshll.u32 s0, $0x2;
	s1 =	sand.u32 $0x3FFFFF00, s13  }
0x69c: {  	p2 =	sgt.s32 s0, $0x8F;
	s26 =	ssub.s32 $0x240, s25;
	_ =	swait.ge [sflag:s29], s1  }
0x69d: {  	s1 =	ssub.s32 $0x0, s1;
	[sflag:s29] =	ssyncset.done $0x0;
	s0 =	sshrl.u32 s26, $0x2  }
0x69e: {  	s30 =	simm.s32 $0xB;
	[sflag:s29] =	ssyncadd.s32 s1;
	s0 =	simm.s32 @p2 $0x0  }
0x69f: {  	_ =	swait.ge [sflag:s30], s0  }
0x6a0: {  	s0 =	ssub.s32 $0x0, s0;
	[sflag:s30] =	ssyncset.done $0x0  }
0x6a1: {  	[sflag:s30] =	ssyncadd.s32 s0  }
0x6a2: {  	v1 =	vld [tilespmem:$0xB688];
	_ =	sdelay $0x4  }
0x6a3: {  	(v2sf) =	vpush v1, $0x0  }
0x6a4: {  	(v2sf) =	vpush v1, $0x1  }
0x6a5: {  	(v2sf) =	vpush v1, $0x2;
	_ =	sdelay $0x3  }
0x6a6: {  	s0 =	sadd.s32 $0x90, s24  }
0x6a7: {  	s6 =	ssub.s32 $0x27100, s24;
	p2 =	slt.s32 s9, s0  }
0x6a8: {  	s0 =	smov.u32 @p2 s9;
	p2 =	sgt.s32 s6, $0x0  }
0x6a9: {  	s0 =	ssub.s32 s0, s24;
	s6 =	simm.s32 @!p2 $0x0  }
0x6aa: {  	p2 =	slt.s32 s6, s0  }
0x6ab: {  	s0 =	smov.u32 @p2 s6  }
0x6ac: {  	s1 =	simm.s32 $0x1;
	p2 =	slt.s32 s0, $0x1  }
.Ltmp17:
0x6ad: {  	s1 =	simm.s32 @!p1 $0x0;
	(pc) =	sbr.rel @p2 .LBB3_12-.Ltmp17, $4  }
0x6ae: {  	s7 =	smul.u32 $0x240, s1  }
0x6af: {  	s2 =	spop (v2sf)  }
0x6b0: {  	s31 =	sshrl.u32 s7, $0x2;
	s28 =	spop (v2sf)  }
0x6b1: {  	s25 =	sadd.s32 $0xCC78, s31;
	s24 =	spop (v2sf)  }
0x6b2: {  	s6 =	smin.u32 s0, $0x10  }
0x6b3: {  	v1 =	vmov s6  }
0x6b4: {  	vm1 =	vgt.u32 v1, v0  }
0x6b5: {  	p3 =	sgt.s32 s0, $0x10  }
.Ltmp18:
0x6b6: {  	_ = 	snop;
	(pc) =	sbr.rel @!p3 .LBB3_11-.Ltmp18, $2  }
0x6b7: {  	_ =	sdelay $0x2  }
0x6b8: {  	s26 =	simm.s32 $0x10;
	s29 =	sadd.s32 $0xFFFFFFF0, s0;
	s7 =	smov.u32 s25;
	vm0 =	vmmov vm1;
	v1 =	vld.msk [tilespmem:s25+$0x0 ss:$0x1], vm1  }
.LBB3_10:
0x6b9: {  	s6 =	smin.u32 s29, $0x10;
	s26 =	sadd.s32 $0x10, s26  }
0x6ba: {  	v2 =	vmov s6;
	p3 =	slt.s32 s26, s0  }
0x6bb: {  	vm1 =	vgt.u32 v2, v0;
	_ =	sdelay $0x1  }
0x6bc: {  	v2 =	vshll.u32 v1, $0x5;
	v1 =	vshll.u32 v1, $0x4  }
.Ltmp19:
0x6bd: {  	v2 =	vand.u32 $0xFFFFFF00, v2;
	v1 =	vand.u32 $0x70, v1;
	(pc) =	sbr.rel @p3 .LBB3_10-.Ltmp19, $4  }
0x6be: {  	v1 =	vor.u32 v1, v2  }
0x6bf: {  	[tilespmem:s7+$0x0] =	vst.msk vm0, v1;
	s7 =	sadd.s32 $0x10, s7;
	vm0 =	vmmov vm1  }
0x6c0: {  	v1 =	vld.msk [tilespmem:s7+$0x0 ss:$0x1], vm1  }
0x6c1: {  	s29 =	sadd.s32 $0xFFFFFFF0, s29  }
.LBB3_11:
0x6c2: {  	_ =	sdelay $0x3  }
0x6c3: {  	v2 =	vshll.u32 v1, $0x5;
	v1 =	vshll.u32 v1, $0x4  }
0x6c4: {  	v2 =	vand.u32 $0xFFFFFF00, v2;
	v1 =	vand.u32 $0x70, v1  }
0x6c5: {  	v1 =	vor.u32 v1, v2  }
0x6c6: {  	[tilespmem:s7+$0x0] =	vst.msk vm0, v1  }
.LBB3_12:
0x6c7: {  	s6 =	sand.u32 $0x1, s23  }
0x6c8: {  	s6 =	smul.u32 $0x90, s6  }
0x6c9: {  	p3 =	sne.s32 s28, $0xFFFFFFFF  }
0x6ca: {  	v1 =	vld.msk @!p3 [tilespmem:s6+$0xCC78], $0x1;
	_ =	sdelay $0x4  }
0x6cb: {  	(v2sf) =	vpush @!p3 v1, $0x0;
	_ =	sdelay $0xc  }
.Ltmp20:
0x6cc: {  	_ = 	snop;
	(pc) =	sbr.rel @p2 .LBB3_23-.Ltmp20, $4  }
0x6cd: {  	_ = 	snop  }
0x6ce: {  	s31 =	spop @!p3 (v2sf)  }
0x6cf: {  	s24 =	simm.s32 @!p3 $0x0;
	s26 =	smov.u32 s31  }
0x6d0: {  	[sflag:s20] =	ssyncpa.u1 $0x0;
	s31 =	smov.u32 @p3 s2;
	s26 =	smov.u32 @p3 s28  }
0x6d1: {  	v1 =	vld.msk [tilespmem:s25+$0x0], $0x1;
	_ =	sdelay $0x4  }
0x6d2: {  	(v2sf) =	vpush v1, $0x0;
	_ =	sdelay $0xe  }
0x6d3: {  	s1 =	smul.u32 $0x24000, s1;
	s2 =	spop (v2sf)  }
0x6d4: {  	s28 =	simm.s32 $0x0;
	s7 =	smov.u32 s31;
	p2 =	seq.s32 s31, s2  }
0x6d5: {  	s30 =	ssub.s32 $0x0, s0;
	p3 =	sgt.s32 @!p2 s31, $0x0;
	s6 =	smul.u32 @!p2 $0x280, s28  }
0x6d6: {  	s0 =	sadd.s32 $0x1, s30;
	s1 =	sshrl.u32 s1, $0x2;
	p3 =	por !p3, p2  }
0x6d7: {  	s29 =	sadd.s32 $0xCDE8, s1;
	s7 =	simm.s32 @p3 $0x0;
	s1 =	sshra.s32 @!p2 s6, $0x2  }
0x6d8: {  	p3 =	seq.s32 s0, $0x0;
	s6 =	smin.u32 @!p2 s7, $0x4E17C;
	s7 =	simm.s32 @!p2 $0x1  }
.Ltmp21:
0x6d9: {  	s10 =	sadd.s32 @!p2 $0x5BE8, s1;
	s12 =	sand.u32 @!p2 $0x7FFF8, s6;
	(pc) =	sbr.rel @p3 .LBB3_15-.Ltmp21, $4  }
0x6da: {  	s13 =	sadd.s32 @!p2 $0x80, s6;
	s6 =	sand.u32 @!p2 $0x7, s6;
	s12 =	sadd.s32 @!p2 s5, s12  }
0x6db: {  	[tilespmem:s10], [sflag:$0x2] =	stream.linear.gather @!p2 [hbm4b:s12+s6], $0x80, $0x38;
	[tilespmem:$0x1ED98] =	vst v63  }
0x6dc: {  	s7 =	smov.u32 @p2 s28;
	s12 =	sand.u32 @!p2 $0xFFFF8, s13  }
0x6dd: {  	s10 =	sadd.s32 @!p2 $0x5C68, s1;
	s1 =	sadd.s32 $0x1, s25;
	s12 =	sadd.s32 @!p2 s5, s12  }
.LBB3_14:
0x6de: {  	s13 =	smov.u32 s7  }
0x6df: {  	[tilespmem:s10], [sflag:$0x2] =	stream.linear.gather @!p2 [hbm4b:s12+s6], $0x20, $0x38;
	[tilespmem:$0x1ED98] =	vst v63  }
0x6e0: {  	s0 =	sadd.s32 $0x1, s0;
	s6 =	smov.u32 s2;
	v1 =	vld.msk [tilespmem:s1+$0x0], $0x1  }
0x6e1: {  	p3 =	seq.s32 s0, $0x0;
	_ =	sdelay $0x3  }
0x6e2: {  	(v2sf) =	vpush v1, $0x0;
	_ =	sdelay $0xe  }
0x6e3: {  	s2 =	spop (v2sf)  }
0x6e4: {  	p2 =	seq.s32 s6, s2  }
0x6e5: {  	p4 =	sgt.s32 @!p2 s6, $0x0;
	s10 =	smul.u32 @!p2 $0x280, s7;
	s7 =	sadd.s32 @!p2 $0x1, s7  }
0x6e6: {  	p4 =	por !p4, p2;
	s7 =	smov.u32 @p2 s13  }
0x6e7: {  	s6 =	simm.s32 @p4 $0x0;
	s10 =	sshra.s32 @!p2 s10, $0x2  }
.Ltmp22:
0x6e8: {  	s6 =	smin.u32 @!p2 s6, $0x4E17C;
	s12 =	sadd.s32 @!p2 $0x5BE8, s10;
	(pc) =	sbr.rel @!p3 .LBB3_14-.Ltmp22, $4  }
0x6e9: {  	s10 =	sadd.s32 @!p2 $0x5C68, s10;
	s13 =	sand.u32 @!p2 $0x7FFF8, s6;
	s3 =	sadd.s32 @!p2 $0x80, s6  }
0x6ea: {  	s6 =	sand.u32 @!p2 $0x7, s6;
	s13 =	sadd.s32 @!p2 s5, s13;
	s3 =	sand.u32 @!p2 $0xFFFF8, s3  }
0x6eb: {  	[tilespmem:s12], [sflag:$0x2] =	stream.linear.gather @!p2 [hbm4b:s13+s6], $0x80, $0x38;
	[tilespmem:$0x1ED98] =	vst v63  }
0x6ec: {  	s1 =	sadd.s32 $0x1, s1;
	s12 =	sadd.s32 @!p2 s5, s3  }
.LBB3_15:
0x6ed: {  	s0 =	smul.u32 $0x280, s7  }
0x6ee: {  	[tilespmem:s10], [sflag:$0x2] =	stream.linear.gather @!p2 [hbm4b:s12+s6], $0x20, $0x38;
	[tilespmem:$0x1ED98] =	vst v63  }
.Ltmp23:
0x6ef: {  	_ = 	snop;
	(pc) =	sbr.rel .LBB3_16-.Ltmp23, $4  }
0x6f0: {  	s1 =	simm.s32 $0x2;
	s0 =	sshrl.u32 s0, $0x2  }
0x6f1: {  	_ =	swait.ge [sflag:s1], s0  }
0x6f2: {  	s0 =	ssub.s32 $0x0, s0;
	[sflag:s1] =	ssyncset.done $0x0  }
0x6f3: {  	s10 =	simm.s32 $0x1;
	[sflag:s1] =	ssyncadd.s32 s0;
	s1 =	simm.s32 $0x0  }
.LBB3_17:
0x6f4: {  	v1 =	vld [tilespmem:s29+$0xFFFFFFB0];
	_ =	sdelay $0x4  }
0x6f5: {  	[tilespmem:s2+$0x148] =	vst.add.f32.msk $0xffff, v1  }
0x6f6: {  	v1 =	vld [tilespmem:s29+$0xFFFFFFC0];
	_ =	sdelay $0x4  }
0x6f7: {  	[tilespmem:s2+$0x158] =	vst.add.f32.msk $0xffff, v1  }
0x6f8: {  	v1 =	vld [tilespmem:s29+$0xFFFFFFD0];
	_ =	sdelay $0x4  }
0x6f9: {  	[tilespmem:s2+$0x168] =	vst.add.f32.msk $0xffff, v1  }
0x6fa: {  	v1 =	vld [tilespmem:s29+$0xFFFFFFE0];
	_ =	sdelay $0x4  }
0x6fb: {  	[tilespmem:s2+$0x178] =	vst.add.f32.msk $0xffff, v1  }
0x6fc: {  	v1 =	vld [tilespmem:s29+$0xFFFFFFF0];
	_ =	sdelay $0x4  }
0x6fd: {  	[tilespmem:s2+$0x188] =	vst.add.f32.msk $0xffff, v1  }
0x6fe: {  	v1 =	vld [tilespmem:s29+$0x0];
	_ =	sdelay $0x4  }
0x6ff: {  	[tilespmem:s2+$0x198] =	vst.add.f32.msk $0xffff, v1  }
0x700: {  	v1 =	vld [tilespmem:s29+$0x10];
	_ =	sdelay $0x4  }
0x701: {  	[tilespmem:s2+$0x1A8] =	vst.add.f32.msk $0xffff, v1  }
0x702: {  	v1 =	vld [tilespmem:s29+$0x20];
	_ =	sdelay $0x4  }
0x703: {  	[tilespmem:s2+$0x1B8] =	vst.add.f32.msk $0xffff, v1  }
0x704: {  	v1 =	vld [tilespmem:s29+$0x30];
	_ =	sdelay $0x4  }
0x705: {  	[tilespmem:s2+$0x1C8] =	vst.add.f32.msk $0xffff, v1  }
0x706: {  	v1 =	vld [tilespmem:s29+$0x40];
	_ =	sdelay $0x4  }
0x707: {  	[tilespmem:s2+$0x1D8] =	vst.add.f32.msk $0xffff, v1  }
.LBB3_21:
0x708: {  	s30 =	sadd.s32 $0x1, s30  }
0x709: {  	p2 =	seq.s32 s30, $0x0  }
.Ltmp24:
0x70a: {  	_ = 	snop;
	(pc) =	sbr.rel @p2 .LBB3_22-.Ltmp24, $2  }
0x70b: {  	_ =	sdelay $0x2  }
0x70c: {  	s25 =	sadd.s32 $0x1, s25;
	s29 =	sadd.s32 $0x100, s29;
	s31 =	smov.u32 s0  }
.LBB3_16:
0x70d: {  	v1 =	vld.msk [tilespmem:s25+$0x0], $0x1;
	_ =	sdelay $0x4  }
0x70e: {  	(v2sf) =	vpush v1, $0x0;
	_ =	sdelay $0xe  }
0x70f: {  	s0 =	spop (v2sf)  }
0x710: {  	p2 =	sne.s32 s31, s0  }
.Ltmp25:
0x711: {  	_ = 	snop;
	(pc) =	sbr.rel @!p2 .LBB3_17-.Ltmp25, $3  }
0x712: {  	_ = 	snop  }
0x713: {  	s2 =	smul.u32 $0x280, s24;
	_ =	sdelay $0x1  }
0x714: {  	s2 =	sshra.s32 s2, $0x2  }
0x715: {  	p2 =	seq.s32 s31, s26  }
.Ltmp26:
0x716: {  	_ = 	snop;
	(pc) =	sbr.rel @!p2 .LBB3_19-.Ltmp26, $1  }
0x717: {  	_ =	sdelay $0x3  }
.Ltmp27:
0x718: {  	s2 =	sadd.s32 $0x148, s2;
	(pc) =	sbr.rel .LBB3_20-.Ltmp27, $4  }
0x719: {  	[spmem:s16] =	stream.linear.scatter [tilespmem:s2], [sflag:$0x1], $0xA0, $0x38;
	[tilespmem:$0x1ED98] =	vst v63  }
0x71a: {  	_ =	swait.ge [sflag:s10], $0xA0  }
0x71b: {  	[sflag:s10] =	ssyncset.done $0x0  }
0x71c: {  	[sflag:s10] =	ssyncadd.s32 $0xFFFFFF60  }
.LBB3_19:
0x71d: {  	s3 =	smul.u32 $0x280, s28;
	_ =	sdelay $0x1  }
0x71e: {  	s3 =	sshra.s32 s3, $0x2  }
0x71f: {  	v1 =	vld [tilespmem:s3+$0x5BE8];
	_ =	sdelay $0x4  }
0x720: {  	[tilespmem:s2+$0x148] =	vst.add.f32.msk $0xffff, v1  }
0x721: {  	v1 =	vld [tilespmem:s3+$0x5BF8];
	_ =	sdelay $0x4  }
0x722: {  	[tilespmem:s2+$0x158] =	vst.add.f32.msk $0xffff, v1  }
0x723: {  	v1 =	vld [tilespmem:s3+$0x5C08];
	_ =	sdelay $0x4  }
0x724: {  	[tilespmem:s2+$0x168] =	vst.add.f32.msk $0xffff, v1  }
0x725: {  	v1 =	vld [tilespmem:s3+$0x5C18];
	_ =	sdelay $0x4  }
0x726: {  	[tilespmem:s2+$0x178] =	vst.add.f32.msk $0xffff, v1  }
0x727: {  	v1 =	vld [tilespmem:s3+$0x5C28];
	_ =	sdelay $0x4  }
0x728: {  	[tilespmem:s2+$0x188] =	vst.add.f32.msk $0xffff, v1  }
0x729: {  	v1 =	vld [tilespmem:s3+$0x5C38];
	_ =	sdelay $0x4  }
0x72a: {  	[tilespmem:s2+$0x198] =	vst.add.f32.msk $0xffff, v1  }
0x72b: {  	v1 =	vld [tilespmem:s3+$0x5C48];
	_ =	sdelay $0x4  }
0x72c: {  	[tilespmem:s2+$0x1A8] =	vst.add.f32.msk $0xffff, v1  }
0x72d: {  	v1 =	vld [tilespmem:s3+$0x5C58];
	_ =	sdelay $0x4  }
0x72e: {  	[tilespmem:s2+$0x1B8] =	vst.add.f32.msk $0xffff, v1  }
0x72f: {  	v1 =	vld [tilespmem:s3+$0x5C68];
	_ =	sdelay $0x4  }
0x730: {  	[tilespmem:s2+$0x1C8] =	vst.add.f32.msk $0xffff, v1  }
0x731: {  	v1 =	vld [tilespmem:s3+$0x5C78];
	_ =	sdelay $0x2  }
0x732: {  	p2 =	sgt.u32 s31, $0x4E17C  }
0x733: {  	s3 =	sand.u32 @!p2 $0x7FFF8, s31  }
0x734: {  	s6 =	sadd.s32 $0x148, s2;
	s7 =	sand.u32 @!p2 $0x7, s31;
	s3 =	sadd.s32 @!p2 s5, s3;
	[tilespmem:s2+$0x1D8] =	vst.add.f32.msk $0xffff, v1  }
0x735: {  	[hbm4b:s3+s7] =	stream.linear.scatter @!p2 [tilespmem:s6], [sflag:$0xC], $0x80, $0x38;
	[tilespmem:$0x1ED98] =	vst v63  }
0x736: {  	s3 =	sadd.s32 @!p2 $0x80, s31  }
0x737: {  	s3 =	sand.u32 @!p2 $0xFFFF8, s3  }
0x738: {  	s2 =	sadd.s32 $0x1C8, s2;
	s3 =	sadd.s32 @!p2 s5, s3  }
0x739: {  	[hbm4b:s3+s7] =	stream.linear.scatter @!p2 [tilespmem:s2], [sflag:$0xC], $0x20, $0x38;
	[tilespmem:$0x1ED98] =	vst v63  }
0x73a: {  	s2 =	simm.s32 $0x0  }
0x73b: {  	s2 =	simm.s32 @!p2 $0x280  }
0x73c: {  	s1 =	sadd.s32 s2, s1  }
.LBB3_20:
0x73d: {  	s2 =	sadd.s32 $0x1, s24  }
0x73e: {  	s3 =	smulhi.u32 $0x38E38E39, s2;
	_ =	sdelay $0x1  }
0x73f: {  	s3 =	sshrl.u32 s3, $0x5  }
0x740: {  	s3 =	smul.u32 $0x90, s3  }
0x741: {  	v1 =	vld [tilespmem:s29+$0xFFFFFFB0]  }
0x742: {  	s24 =	ssub.s32 s2, s3  }
0x743: {  	s2 =	smul.u32 $0x280, s24;
	_ =	sdelay $0x1  }
0x744: {  	s2 =	sshrl.u32 s2, $0x2  }
0x745: {  	[tilespmem:s2+$0x148] =	vst v1  }
0x746: {  	v1 =	vld [tilespmem:s29+$0xFFFFFFC0];
	_ =	sdelay $0x4  }
0x747: {  	[tilespmem:s2+$0x158] =	vst v1  }
0x748: {  	v1 =	vld [tilespmem:s29+$0xFFFFFFD0];
	_ =	sdelay $0x4  }
0x749: {  	[tilespmem:s2+$0x168] =	vst v1  }
0x74a: {  	v1 =	vld [tilespmem:s29+$0xFFFFFFE0];
	_ =	sdelay $0x4  }
0x74b: {  	[tilespmem:s2+$0x178] =	vst v1  }
0x74c: {  	v1 =	vld [tilespmem:s29+$0xFFFFFFF0];
	_ =	sdelay $0x4  }
0x74d: {  	[tilespmem:s2+$0x188] =	vst v1  }
0x74e: {  	v1 =	vld [tilespmem:s29+$0x0];
	_ =	sdelay $0x4  }
0x74f: {  	[tilespmem:s2+$0x198] =	vst v1  }
0x750: {  	v1 =	vld [tilespmem:s29+$0x10];
	_ =	sdelay $0x4  }
0x751: {  	[tilespmem:s2+$0x1A8] =	vst v1  }
0x752: {  	v1 =	vld [tilespmem:s29+$0x20];
	_ =	sdelay $0x4  }
0x753: {  	[tilespmem:s2+$0x1B8] =	vst v1  }
0x754: {  	v1 =	vld [tilespmem:s29+$0x30];
	_ =	sdelay $0x4  }
0x755: {  	[tilespmem:s2+$0x1C8] =	vst v1  }
0x756: {  	v1 =	vld [tilespmem:s29+$0x40]  }
.Ltmp28:
0x757: {  	_ = 	snop;
	(pc) =	sbr.rel .LBB3_21-.Ltmp28, $2  }
0x758: {  	_ =	sdelay $0x2  }
0x759: {  	s28 =	sadd.s32 $0x1, s28;
	[tilespmem:s2+$0x1D8] =	vst v1  }
.LBB3_23:
.Ltmp29:
0x75a: {  	(pc) =	sbr.rel .LBB3_24-.Ltmp29, $4  }
0x75b: {  	_ = 	snop  }
0x75c: {  	s0 =	simm.s32 $0x2  }
0x75d: {  	_ =	swait.ge [sflag:s0], $0x0  }
0x75e: {  	s1 =	simm.s32 $0x0;
	[sflag:s0] =	ssyncset.done $0x0;
	s0 =	smov.u32 s31  }
.LBB3_26:
0x75f: {  	_ =	sfence.sel $0x180000  }
0x760: {  	s0 =	simm.s32 $0x9;
	[bflag:$0x0] =	sbarrier.arrive $0xFFFF  }
0x761: {  	s24 =	simm.s32 $0xA;
	[sflag:s0] =	ssyncpa.u1 $0x1  }
0x762: {  	s25 =	simm.s32 $0xB;
	[sflag:s24] =	ssyncpa.u1 $0x1  }
0x763: {  	s26 =	simm.s32 $0x2;
	[sflag:s25] =	ssyncpa.u1 $0x1  }
0x764: {  	[sflag:s26] =	ssyncpa.u1 $0x1  }
0x765: {  	v0 =	vld [tilespmem:$0xB688];
	_ =	sdelay $0x4  }
0x766: {  	(v2sf) =	vpush v0, $0x0  }
0x767: {  	(v2sf) =	vpush v0, $0x1  }
0x768: {  	(v2sf) =	vpush v0, $0x2;
	_ =	sdelay $0xc  }
0x769: {  	s0 =	spop (v2sf)  }
0x76a: {  	s1 =	spop (v2sf)  }
0x76b: {  	s2 =	smov.u32 s0;
	p0 =	sne.s32 s0, s1;
	s3 =	spop (v2sf)  }
0x76c: {  	s2 =	simm.s32 @!p0 $0xFFFFFFFF;
	p0 =	seq.s32 s3, $0xFFFFFFFF  }
0x76d: {  	v2 =	vimm.s32 $0x1;
	v3 =	vlaneseq.u32;
	v1 =	vmov s2;
	p1 =	sne.s32 @!p0 s0, s1  }
0x76e: {  	s14 =	stileid.u32;
	v0 =	vperm.xlane v0, v2;
	s0 =	simm.s32 @!p0 $0x1;
	v1 =	vperm.xlane v1, v3;
	p1 =	por !p1, p0  }
0x76f: {  	vm0 =	vcmask $0x3F04;
	s2 =	sshll.u32 s14, $0x1;
	s1 =	smul.u32 @!p0 $0x280, s3;
	s0 =	simm.s32 @p1 $0x0  }
0x770: {  	s6 =	simm.s32 $0xB688;
	v0 =	vsel vm0, v1, v0;
	s0 =	sor.u32 @!p0 s0, s2  }
0x771: {  	s4 =	sor.u32 $0x1400, s2;
	s1 =	sshra.s32 @!p0 s1, $0x2;
	[tilespmem:$0xB688] =	vst v0;
	s0 =	smul.u32 @!p0 $0x280, s0  }
0x772: {  	[spmem:s4] =	stream.linear.scatter [tilespmem:s6], [sflag:$0x1], $0x2, $0x38;
	[tilespmem:$0x1ED98] =	vst v63  }
0x773: {  	s1 =	sadd.s32 @!p0 $0x148, s1;
	s0 =	sshrl.u32 @!p0 s0, $0x2  }
0x774: {  	[spmem:s0] =	stream.linear.scatter @!p0 [tilespmem:s1], [sflag:$0x1], $0xA0, $0x38;
	[tilespmem:$0x1ED98] =	vst v63  }
0x775: {  	s0 =	simm.s32 @!p0 $0xA2  }
0x776: {  	s28 =	simm.s32 $0x1;
	s0 =	simm.s32 @p0 $0x2  }
0x777: {  	_ =	swait.ge [sflag:s28], s0  }
0x778: {  	s0 =	ssub.s32 $0x0, s0;
	[sflag:s28] =	ssyncset.done $0x0  }
0x779: {  	p0 =	sne.s32 s14, $0x0;
	[sflag:s28] =	ssyncadd.s32 s0  }
.Ltmp30:
0x77a: {  	_ =	sfence.stream.spmem;
	(pc) =	sbr.rel @p0 .LBB3_43-.Ltmp30, $4  }
0x77b: {  	s29 =	simm.s32 $0x3;
	[bflag:$0x0] =	sbarrier.arrive $0xFFFF  }
0x77c: {  	s30 =	simm.s32 $0x4;
	[sflag:s29] =	ssyncpa.u1 $0x1  }
0x77d: {  	s31 =	simm.s32 $0x3C;
	[sflag:s30] =	ssyncpa.u1 $0x1  }
0x77e: {  	s15 =	rddreg [dreg:$0x4];
	[sflag:s31] =	ssyncpa.u1 $0x1  }
0x77f: {  	_ =	sfence.stream.spmem;
	s0 =	simm.s32 $0x5  }
0x780: {  	s1 =	simm.s32 $0x1400;
	s2 =	simm.s32 $0xB698;
	[sflag:s0] =	ssyncpa.u1 $0x0  }
0x781: {  	[tilespmem:s2], [sflag:$0x5] =	stream.linear.gather [spmem:s1], $0x20, $0x38;
	[tilespmem:$0x1ED98] =	vst v63  }
0x782: {  	s26 =	simm.s32 $0x0;
	s28 =	simm.s32 $0xB6B8  }
0x783: {  	[tilespmem:s28], [sflag:$0x5] =	stream.linear.gather [spmem:s26], $0x1400, $0x38;
	[tilespmem:$0x1ED98] =	vst v63  }
0x784: {  	_ =	swait.ge [sflag:s0], $0x1420  }
0x785: {  	[sflag:s0] =	ssyncset.done $0x0  }
0x786: {  	s29 =	simm.s32 $0x0;
	[sflag:s0] =	ssyncadd.s32 $0xFFFFEBE0  }
0x787: {  	v0 =	vld.msk [tilespmem:s29+$0xB698], $0x1;
	_ =	sdelay $0x1  }
0x788: {  	s30 =	simm.s32 $0x1  }
0x789: {  	v1 =	vld.msk [tilespmem:s30+$0xB698], $0x1;
	_ =	sdelay $0x1  }
0x78a: {  	(v2sf) =	vpush v0, $0x0;
	_ =	sdelay $0x2  }
0x78b: {  	(v2sf) =	vpush v1, $0x0;
	_ =	sdelay $0x2  }
0x78c: {  	s31 =	simm.s32 $0x2  }
0x78d: {  	v0 =	vld.msk [tilespmem:s31+$0xB698], $0x1;
	_ =	sdelay $0x2  }
0x78e: {  	s1 =	simm.s32 $0xFFFFFFFF;
	s2 =	simm.s32 $0xFFFFFFFF;
	s0 =	simm.s32 $0xC  }
.LBB3_28:
0x78f: {  	s3 =	smov.u32 s2;
	s4 =	smov.u32 s1  }
0x790: {  	s1 =	sshra.s32 s0, $0x2;
	p1 =	sne.s32 s0, $0x7C;
	s0 =	sadd.s32 $0x4, s0;
	(v2sf) =	vpush v0, $0x0  }
0x791: {  	v0 =	vld.msk [tilespmem:s1+$0xB698], $0x1  }
.Ltmp31:
0x792: {  	(pc) =	sbr.rel @p1 .LBB3_28-.Ltmp31, $4  }
0x793: {  	s2 =	spop (v2sf)  }
0x794: {  	p2 =	sne.s32 s4, $0xFFFFFFFF;
	s1 =	smov.u32 s2  }
0x795: {  	p3 =	seq.s32 s2, $0xFFFFFFFF;
	s1 =	smov.u32 @p2 s4  }
0x796: {  	s2 =	smov.u32 @p3 s3;
	s1 =	smov.u32 @p3 s4  }
0x797: {  	(v2sf) =	vpush v0, $0x0;
	_ =	sdelay $0x8  }
0x798: {  	s0 =	spop (v2sf)  }
0x799: {  	p1 =	sne.s32 s1, $0xFFFFFFFF;
	s9 =	simm.s32 $0x6;
	s3 =	smov.u32 s0  }
0x79a: {  	s10 =	simm.s32 $0xB5E8;
	p2 =	seq.s32 s0, $0xFFFFFFFF;
	s3 =	smov.u32 @p1 s1  }
0x79b: {  	s11 =	simm.s32 $0xB668;
	s3 =	smov.u32 @p2 s1;
	s1 =	spop (v2sf)  }
0x79c: {  	s0 =	smov.u32 @p2 s2;
	p1 =	sne.s32 s3, $0xFFFFFFFF;
	s6 =	smov.u32 s1  }
.Ltmp32:
0x79d: {  	p2 =	seq.s32 s1, $0xFFFFFFFF;
	s6 =	smov.u32 @p1 s3;
	(pc) =	sbr.rel .LBB3_30-.Ltmp32, $4  }
0x79e: {  	s12 =	simm.s32 $0x0;
	s6 =	smov.u32 @p2 s3;
	s4 =	spop (v2sf)  }
0x79f: {  	[sflag:s9] =	ssyncpa.u1 $0x0;
	p1 =	sne.s32 s6, $0xFFFFFFFF;
	s8 =	smov.u32 s4  }
0x7a0: {  	s1 =	smov.u32 @p2 s0;
	p2 =	seq.s32 s4, $0xFFFFFFFF;
	s8 =	smov.u32 @p1 s6  }
0x7a1: {  	s3 =	simm.s32 $0x0;
	s4 =	smov.u32 @p2 s1;
	s8 =	smov.u32 @p2 s6  }
.LBB3_36:
0x7a2: {  	p1 =	sgt.u32 s0, $0x4E17C  }
0x7a3: {  	p2 =	seq.s32 @!p1 s0, s8  }
0x7a4: {  	p1 =	por p1, p2  }
0x7a5: {  	p2 =	sne.s32 @!p1 s0, s4  }
0x7a6: {  	p1 =	por p1, !p2  }
0x7a7: {  	s0 =	smul.u32 @p1 $0x280, s12;
	_ =	sdelay $0x1  }
0x7a8: {  	s1 =	sand.u32 @!p1 $0x7FFF8, s0;
	s2 =	sand.u32 @!p1 $0x7, s0;
	s0 =	sadd.s32 @!p1 $0x80, s0  }
0x7a9: {  	s1 =	sadd.s32 @!p1 s5, s1;
	s0 =	sand.u32 @!p1 $0xFFFF8, s0  }
0x7aa: {  	[tilespmem:s10], [sflag:$0x6] =	stream.linear.gather @!p1 [hbm4b:s1+s2], $0x80, $0x38;
	[tilespmem:$0x1ED98] =	vst v63  }
0x7ab: {  	s0 =	sadd.s32 @!p1 s5, s0  }
0x7ac: {  	[tilespmem:s11], [sflag:$0x6] =	stream.linear.gather @!p1 [hbm4b:s0+s2], $0x20, $0x38;
	[tilespmem:$0x1ED98] =	vst v63  }
0x7ad: {  	_ =	swait.ge @!p1 [sflag:s9], $0xA0  }
0x7ae: {  	[sflag:s9] =	ssyncset.done @!p1 $0x0  }
0x7af: {  	[sflag:s9] =	ssyncadd.s32 @!p1 $0xFFFFFF60  }
0x7b0: {  	v1 =	vld @!p1 [tilespmem:$0xB5E8];
	_ =	sdelay $0x1  }
0x7b1: {  	s0 =	smul.u32 @!p1 $0x280, s12;
	_ =	sdelay $0x1  }
0x7b2: {  	s1 =	sshra.s32 @!p1 s0, $0x2  }
0x7b3: {  	[tilespmem:s1+$0xB6B8] =	vst.add.f32.msk @!p1 $0xffff, v1  }
0x7b4: {  	v1 =	vld @!p1 [tilespmem:$0xB5F8];
	_ =	sdelay $0x4  }
0x7b5: {  	[tilespmem:s1+$0xB6C8] =	vst.add.f32.msk @!p1 $0xffff, v1  }
0x7b6: {  	v1 =	vld @!p1 [tilespmem:$0xB608];
	_ =	sdelay $0x4  }
0x7b7: {  	[tilespmem:s1+$0xB6D8] =	vst.add.f32.msk @!p1 $0xffff, v1  }
0x7b8: {  	v1 =	vld @!p1 [tilespmem:$0xB618];
	_ =	sdelay $0x4  }
0x7b9: {  	[tilespmem:s1+$0xB6E8] =	vst.add.f32.msk @!p1 $0xffff, v1  }
0x7ba: {  	v1 =	vld @!p1 [tilespmem:$0xB628];
	_ =	sdelay $0x4  }
0x7bb: {  	[tilespmem:s1+$0xB6F8] =	vst.add.f32.msk @!p1 $0xffff, v1  }
0x7bc: {  	v1 =	vld @!p1 [tilespmem:$0xB638];
	_ =	sdelay $0x4  }
0x7bd: {  	[tilespmem:s1+$0xB708] =	vst.add.f32.msk @!p1 $0xffff, v1  }
0x7be: {  	v1 =	vld @!p1 [tilespmem:$0xB648];
	_ =	sdelay $0x4  }
0x7bf: {  	[tilespmem:s1+$0xB718] =	vst.add.f32.msk @!p1 $0xffff, v1  }
0x7c0: {  	v1 =	vld @!p1 [tilespmem:$0xB658];
	_ =	sdelay $0x4  }
0x7c1: {  	[tilespmem:s1+$0xB728] =	vst.add.f32.msk @!p1 $0xffff, v1  }
0x7c2: {  	v1 =	vld @!p1 [tilespmem:$0xB668];
	_ =	sdelay $0x4  }
0x7c3: {  	[tilespmem:s1+$0xB738] =	vst.add.f32.msk @!p1 $0xffff, v1  }
0x7c4: {  	v1 =	vld @!p1 [tilespmem:$0xB678];
	_ =	sdelay $0x4  }
0x7c5: {  	[tilespmem:s1+$0xB748] =	vst.add.f32.msk @!p1 $0xffff, v1  }
0x7c6: {  	s0 =	sshra.s32 s0, $0x2;
	[tilespmem:s3+$0xB698] =	vst.msk $0x1, v0  }
0x7c7: {  	v0 =	vld [tilespmem:s0+$0xB6B8];
	_ =	sdelay $0x1  }
0x7c8: {  	s31 =	smul.u32 $0x280, s3;
	_ =	sdelay $0x1  }
0x7c9: {  	s1 =	sshra.s32 s31, $0x2  }
0x7ca: {  	[tilespmem:s1+$0xB6B8] =	vst v0  }
0x7cb: {  	v0 =	vld [tilespmem:s0+$0xB6C8];
	_ =	sdelay $0x4  }
0x7cc: {  	[tilespmem:s1+$0xB6C8] =	vst v0  }
0x7cd: {  	v0 =	vld [tilespmem:s0+$0xB6D8];
	_ =	sdelay $0x4  }
0x7ce: {  	[tilespmem:s1+$0xB6D8] =	vst v0  }
0x7cf: {  	v0 =	vld [tilespmem:s0+$0xB6E8];
	_ =	sdelay $0x4  }
0x7d0: {  	[tilespmem:s1+$0xB6E8] =	vst v0  }
0x7d1: {  	v0 =	vld [tilespmem:s0+$0xB6F8];
	_ =	sdelay $0x4  }
0x7d2: {  	[tilespmem:s1+$0xB6F8] =	vst v0  }
0x7d3: {  	v0 =	vld [tilespmem:s0+$0xB708];
	_ =	sdelay $0x4  }
0x7d4: {  	[tilespmem:s1+$0xB708] =	vst v0  }
0x7d5: {  	v0 =	vld [tilespmem:s0+$0xB718];
	_ =	sdelay $0x4  }
0x7d6: {  	[tilespmem:s1+$0xB718] =	vst v0  }
0x7d7: {  	v0 =	vld [tilespmem:s0+$0xB728];
	_ =	sdelay $0x4  }
0x7d8: {  	[tilespmem:s1+$0xB728] =	vst v0  }
0x7d9: {  	v0 =	vld [tilespmem:s0+$0xB738];
	_ =	sdelay $0x4  }
0x7da: {  	[tilespmem:s1+$0xB738] =	vst v0  }
0x7db: {  	v0 =	vld [tilespmem:s0+$0xB748];
	_ =	sdelay $0x4  }
0x7dc: {  	s3 =	sadd.s32 $0x1, s3;
	[tilespmem:s1+$0xB748] =	vst v0  }
.LBB3_37:
0x7dd: {  	s12 =	sadd.s32 $0x1, s12  }
0x7de: {  	p1 =	sne.s32 s12, $0x20  }
.Ltmp33:
0x7df: {  	_ = 	snop;
	(pc) =	sbr.rel @!p1 .LBB3_38-.Ltmp33, $1  }
0x7e0: {  	_ =	sdelay $0x3  }
.LBB3_30:
0x7e1: {  	v0 =	vld.msk [tilespmem:s12+$0xB698], $0x1;
	_ =	sdelay $0x4  }
0x7e2: {  	(v2sf) =	vpush v0, $0x0;
	_ =	sdelay $0xe  }
0x7e3: {  	s0 =	spop (v2sf)  }
0x7e4: {  	p1 =	seq.s32 s0, $0xFFFFFFFF  }
.Ltmp34:
0x7e5: {  	_ = 	snop;
	(pc) =	sbr.rel @p1 .LBB3_37-.Ltmp34, $1  }
0x7e6: {  	_ =	sdelay $0x3  }
0x7e7: {  	p1 =	slt.s32 s3, $0x1  }
.Ltmp35:
0x7e8: {  	_ = 	snop;
	(pc) =	sbr.rel @p1 .LBB3_36-.Ltmp35, $1  }
0x7e9: {  	_ =	sdelay $0x3  }
0x7ea: {  	s1 =	simm.s32 $0xB698;
	p1 =	por $0x0, $0x0  }
0x7eb: {  	v1 =	vld.msk @!p1 [tilespmem:s1+$0x0], $0x1;
	_ =	sdelay $0x4  }
0x7ec: {  	(v2sf) =	vpush @!p1 v1, $0x0;
	_ =	sdelay $0xd  }
0x7ed: {  	p3 =	sne.s32 s3, $0x1  }
.Ltmp36:
0x7ee: {  	s2 =	spop @!p1 (v2sf);
	(pc) =	sbr.rel @!p3 .LBB3_34-.Ltmp36, $4  }
0x7ef: {  	p2 =	seq.s32 @!p1 s0, s2  }
0x7f0: {  	s2 =	simm.s32 $0x0;
	p2 =	por !p2, p1  }
0x7f1: {  	s6 =	simm.s32 $0xFFFFFFFF;
	s2 =	simm.s32 @p2 $0xFFFFFFFF  }
0x7f2: {  	s13 =	simm.s32 $0x1;
	s2 =	smov.u32 @p1 s6  }
.LBB3_33:
0x7f3: {  	s6 =	smov.u32 s2;
	p1 =	sne.s32 s2, $0xFFFFFFFF  }
0x7f4: {  	s1 =	sadd.s32 $0x1, s1;
	s2 =	smov.u32 s13;
	s13 =	sadd.s32 $0x1, s13  }
0x7f5: {  	p2 =	sne.s32 s3, s13;
	v1 =	vld.msk @!p1 [tilespmem:s1+$0x0], $0x1;
	_ =	sdelay $0x4  }
0x7f6: {  	(v2sf) =	vpush @!p1 v1, $0x0;
	_ =	sdelay $0xe  }
.Ltmp37:
0x7f7: {  	s7 =	spop @!p1 (v2sf);
	(pc) =	sbr.rel @p2 .LBB3_33-.Ltmp37, $4  }
0x7f8: {  	p3 =	seq.s32 @!p1 s0, s7  }
0x7f9: {  	p3 =	por !p3, p1  }
0x7fa: {  	s2 =	simm.s32 @p3 $0xFFFFFFFF  }
0x7fb: {  	s2 =	smov.u32 @p1 s6  }
.LBB3_34:
0x7fc: {  	p1 =	seq.s32 s2, $0xFFFFFFFF  }
.Ltmp38:
0x7fd: {  	_ = 	snop;
	(pc) =	sbr.rel @p1 .LBB3_36-.Ltmp38, $1  }
0x7fe: {  	_ =	sdelay $0x3  }
0x7ff: {  	s0 =	smul.u32 $0x280, s12;
	_ =	sdelay $0x1  }
0x800: {  	s0 =	sshra.s32 s0, $0x2  }
0x801: {  	v0 =	vld [tilespmem:s0+$0xB6B8];
	_ =	sdelay $0x1  }
0x802: {  	s1 =	smul.u32 $0x280, s2;
	_ =	sdelay $0x1  }
0x803: {  	s1 =	sshra.s32 s1, $0x2  }
0x804: {  	[tilespmem:s1+$0xB6B8] =	vst.add.f32.msk $0xffff, v0  }
0x805: {  	v0 =	vld [tilespmem:s0+$0xB6C8];
	_ =	sdelay $0x4  }
0x806: {  	[tilespmem:s1+$0xB6C8] =	vst.add.f32.msk $0xffff, v0  }
0x807: {  	v0 =	vld [tilespmem:s0+$0xB6D8];
	_ =	sdelay $0x4  }
0x808: {  	[tilespmem:s1+$0xB6D8] =	vst.add.f32.msk $0xffff, v0  }
0x809: {  	v0 =	vld [tilespmem:s0+$0xB6E8];
	_ =	sdelay $0x4  }
0x80a: {  	[tilespmem:s1+$0xB6E8] =	vst.add.f32.msk $0xffff, v0  }
0x80b: {  	v0 =	vld [tilespmem:s0+$0xB6F8];
	_ =	sdelay $0x4  }
0x80c: {  	[tilespmem:s1+$0xB6F8] =	vst.add.f32.msk $0xffff, v0  }
0x80d: {  	v0 =	vld [tilespmem:s0+$0xB708];
	_ =	sdelay $0x4  }
0x80e: {  	[tilespmem:s1+$0xB708] =	vst.add.f32.msk $0xffff, v0  }
0x80f: {  	v0 =	vld [tilespmem:s0+$0xB718];
	_ =	sdelay $0x4  }
0x810: {  	[tilespmem:s1+$0xB718] =	vst.add.f32.msk $0xffff, v0  }
0x811: {  	v0 =	vld [tilespmem:s0+$0xB728];
	_ =	sdelay $0x4  }
0x812: {  	[tilespmem:s1+$0xB728] =	vst.add.f32.msk $0xffff, v0  }
0x813: {  	v0 =	vld [tilespmem:s0+$0xB738];
	_ =	sdelay $0x4  }
0x814: {  	[tilespmem:s1+$0xB738] =	vst.add.f32.msk $0xffff, v0  }
0x815: {  	v0 =	vld [tilespmem:s0+$0xB748]  }
.Ltmp39:
0x816: {  	_ = 	snop;
	(pc) =	sbr.rel .LBB3_37-.Ltmp39, $2  }
0x817: {  	_ =	sdelay $0x2  }
0x818: {  	[tilespmem:s1+$0xB748] =	vst.add.f32.msk $0xffff, v0  }
.LBB3_38:
0x819: {  	s0 =	simm.s32 $0x6;
	p1 =	seq.s32 s3, $0x0  }
0x81a: {  	[sflag:s0] =	ssyncpa.u1 $0x1;
	v0 =	vimm.s32 @p1 $0xFFFFFFFF  }
0x81b: {  	s0 =	sadd.s32 $0xFFFFFFFF, s3;
	[tilespmem:$0xCAB8] =	vst @p1 v0  }
0x81c: {  	v0 =	vld.msk @!p1 [tilespmem:s0+$0xB698], $0x1;
	_ =	sdelay $0x1  }
0x81d: {  	v1 =	vld.msk @!p1 [tilespmem:$0xB698], $0x1;
	_ =	sdelay $0x2  }
0x81e: {  	p2 =	seq.s32 @!p1 s0, $0x0;
	v0 =	vbroadcast @!p1 v0, $0x0  }
0x81f: {  	vm0 =	vmmov @!p1 $0x1;
	p3 =	por !p2, p1  }
0x820: {  	p2 =	sne.s32 @!p1 s8, s4;
	v1 =	vnsel @!p1 vm0, $0xFFFFFFFF, v1;
	vm0 =	vcmask @!p1 $0x308;
	v0 =	vpsel !p3, $0xFFFFFFFF, v0  }
0x821: {  	p3 =	por !p2, p1;
	v0 =	vsel @!p1 vm0, v1, v0  }
0x822: {  	s1 =	simm.s32 @!p1 $0xB6B8;
	s2 =	simm.s32 @!p1 $0x0;
	s4 =	smul.u32 @!p3 $0x280, s0;
	[tilespmem:$0xCAB8] =	vst @!p1 v0  }
0x823: {  	[spmem:s2] =	stream.linear.scatter @!p1 [tilespmem:s1], [sflag:$0x1], $0xA0, $0x38;
	[tilespmem:$0x1ED98] =	vst v63  }
0x824: {  	s1 =	sshra.s32 @!p3 s4, $0x2  }
0x825: {  	s2 =	simm.s32 @!p3 $0xA0;
	s1 =	sadd.s32 @!p3 $0xB6B8, s1  }
0x826: {  	[spmem:s2] =	stream.linear.scatter @!p3 [tilespmem:s1], [sflag:$0x1], $0xA0, $0x38;
	[tilespmem:$0x1ED98] =	vst v63  }
0x827: {  	s1 =	simm.s32 @!p3 $0x1  }
0x828: {  	_ =	swait.ge @!p3 [sflag:s1], $0x140  }
0x829: {  	p1 =	por p2, p1;
	[sflag:s1] =	ssyncset.done @!p3 $0x0  }
0x82a: {  	[sflag:s1] =	ssyncadd.s32 @!p3 $0xFFFFFEC0;
	s1 =	simm.s32 @!p1 $0x1  }
0x82b: {  	_ =	swait.ge @!p1 [sflag:s1], $0xA0  }
0x82c: {  	s29 =	simm.s32 $0xCAB8;
	[sflag:s1] =	ssyncset.done @!p1 $0x0  }
0x82d: {  	s30 =	simm.s32 $0x1400;
	s31 =	simm.s32 $0x1;
	[sflag:s1] =	ssyncadd.s32 @!p1 $0xFFFFFF60  }
0x82e: {  	[spmem:s30] =	stream.linear.scatter [tilespmem:s29], [sflag:$0x1], $0x10, $0x38;
	[tilespmem:$0x1ED98] =	vst v63  }
0x82f: {  	_ =	swait.ge [sflag:s31], $0x10  }
0x830: {  	[sflag:s31] =	ssyncset.done $0x0  }
0x831: {  	p1 =	seq.s32 s15, $0x0;
	s9 =	rddreg [dreg:$0x1];
	[sflag:s31] =	ssyncadd.s32 $0xFFFFFFF0  }
0x832: {  	s2 =	sshll.u32 @p1 s9, $0xE;
	s8 =	rddreg [dreg:$0x2]  }
0x833: {  	s1 =	sadd.s32 @p1 $0x15C3C, s2;
	s2 =	sshll.u32 @p1 s8, $0x11  }
0x834: {  	_ =	sfence.stream.spmem;
	s1 =	sor.u32 @p1 s2, s1  }
0x835: {  	[sflag:s1] =	ssyncadd.remote.s32 @p1 $0x1;
	s1 =	simm.s32 @p1 $0x4  }
0x836: {  	s4 =	simm.s32 @!p1 $0x3C;
	s2 =	sand.u32 $0xFFFFFFFE, s9;
	_ =	swait.ge @p1 [sflag:s1], $0x2A  }
0x837: {  	s6 =	simm.s32 @!p1 $0x0;
	s2 =	sadd.s32 @!p1 $0x4, s2;
	[sflag:s1] =	ssyncset.done @p1 $0x0  }
0x838: {  	s7 =	simm.s32 @!p1 $0x140;
	[sflag:s1] =	ssyncadd.s32 @p1 $0xFFFFFFD6;
	s1 =	sshll.u32 @!p1 s2, $0x1A  }
0x839: {  	s2 =	sshll.u32 @!p1 s2, $0xD;
	s1 =	sor.u32 @!p1 s1, s8;
	_ =	swait.eq @!p1 [sflag:s4], $0x1  }
0x83a: {  	s2 =	sor.u32 @!p1 $0x1C04, s2;
	s4 =	simm.s32 @!p1 $0x1C03;
	s1 =	sor.u32 @!p1 $0x80004000, s1  }
0x83b: {  	[spmem:s7], [sflag:s2] =	dma.general @!p1 [spmem:s6], [sflag:s4], length:$0x28, [dreg:$0x0], stride_count:$0x0, ici_dest:s1, dma_misc:DstOpCode:WRITE  }
0x83c: {  	p2 =	slt.s32 s0, $0x2;
	s6 =	simm.s32 @!p1 $0x280;
	s7 =	simm.s32 @!p1 $0x282  }
0x83d: {  	[spmem:s7], [sflag:s2] =	dma.general @!p1 [spmem:s6], [sflag:s4], length:$0x2, [dreg:$0x0], stride_count:$0x0, ici_dest:s1, dma_misc:DstOpCode:WRITE  }
.Ltmp40:
0x83e: {  	s1 =	simm.s32 @!p1 $0x3;
	(pc) =	sbr.rel @p2 .LBB3_42-.Ltmp40, $4  }
0x83f: {  	s2 =	sshll.u32 @!p1 s9, $0xE;
	_ =	swait.ge @!p1 [sflag:s1], $0x2A  }
0x840: {  	s4 =	sshll.u32 @!p1 s8, $0x11;
	s2 =	sadd.s32 @!p1 $0x11C3C, s2;
	[sflag:s1] =	ssyncset.done @!p1 $0x0  }
0x841: {  	[sflag:s1] =	ssyncadd.s32 @!p1 $0xFFFFFFD6;
	s1 =	sor.u32 @!p1 s4, s2  }
0x842: {  	s0 =	simm.s32 $0x0;
	[sflag:s1] =	ssyncadd.remote.s32 @!p1 $0xFFFFFFFF  }
0x843: {  	s0 =	simm.s32 $0xB699  }
0x844: {  	v0 =	vld.msk [tilespmem:s0+$0x0], $0x1;
	_ =	sdelay $0x4  }
0x845: {  	(v2sf) =	vpush v0, $0x0;
	_ =	sdelay $0xd  }
0x846: {  	s31 =	sadd.s32 $0xFFFFFFFE, s3  }
0x847: {  	s3 =	simm.s32 $0x0;
	s0 =	sadd.s32 $0xFFFFFFFF, s31;
	s2 =	spop (v2sf)  }
0x848: {  	s6 =	simm.s32 $0xB758;
	p1 =	sne.s32 s0, $0x0;
	p2 =	sgt.u32 s2, $0x4E17C  }
.Ltmp41:
0x849: {  	s1 =	simm.s32 $0xB7F8;
	s4 =	sand.u32 @!p2 $0x7FFF8, s2;
	(pc) =	sbr.rel @!p1 .LBB3_41-.Ltmp41, $4  }
0x84a: {  	s7 =	sadd.s32 @!p2 $0x80, s2;
	s3 =	simm.s32 @!p2 $0x280;
	s8 =	sadd.s32 @!p2 s5, s4  }
0x84b: {  	s4 =	sand.u32 @!p2 $0x7, s2;
	s2 =	simm.s32 $0xB69A;
	s7 =	sand.u32 @!p2 $0xFFFF8, s7  }
0x84c: {  	[hbm4b:s8+s4] =	stream.linear.scatter @!p2 [tilespmem:s6], [sflag:$0x5], $0x80, $0x38;
	[tilespmem:$0x1ED98] =	vst v63  }
0x84d: {  	s3 =	sadd.s32 $0x0, s3;
	s6 =	simm.s32 @!p2 $0xB7D8;
	s7 =	sadd.s32 @!p2 s5, s7  }
.LBB3_40:
0x84e: {  	[hbm4b:s7+s4] =	stream.linear.scatter @!p2 [tilespmem:s6], [sflag:$0x5], $0x20, $0x38;
	[tilespmem:$0x1ED98] =	vst v63  }
0x84f: {  	s0 =	sadd.s32 $0xFFFFFFFF, s0;
	s6 =	smov.u32 s1;
	v0 =	vld.msk [tilespmem:s2+$0x0], $0x1  }
0x850: {  	p1 =	sne.s32 s0, $0x0;
	_ =	sdelay $0x3  }
0x851: {  	(v2sf) =	vpush v0, $0x0;
	_ =	sdelay $0xe  }
0x852: {  	s1 =	sadd.s32 $0xA0, s1;
	s8 =	simm.s32 $0x0;
	s4 =	spop (v2sf)  }
.Ltmp42:
0x853: {  	s2 =	sadd.s32 $0x1, s2;
	p2 =	sgt.u32 s4, $0x4E17C;
	(pc) =	sbr.rel @p1 .LBB3_40-.Ltmp42, $4  }
0x854: {  	s8 =	simm.s32 @!p2 $0x280;
	s7 =	sand.u32 @!p2 $0x7FFF8, s4;
	s9 =	sadd.s32 @!p2 $0x80, s4  }
0x855: {  	s4 =	sand.u32 @!p2 $0x7, s4;
	s7 =	sadd.s32 @!p2 s5, s7;
	s9 =	sand.u32 @!p2 $0xFFFF8, s9  }
0x856: {  	[hbm4b:s7+s4] =	stream.linear.scatter @!p2 [tilespmem:s6], [sflag:$0x5], $0x80, $0x38;
	[tilespmem:$0x1ED98] =	vst v63  }
0x857: {  	s3 =	sadd.s32 s3, s8;
	s6 =	sadd.s32 @!p2 $0x80, s6;
	s7 =	sadd.s32 @!p2 s5, s9  }
.LBB3_41:
0x858: {  	[hbm4b:s7+s4] =	stream.linear.scatter @!p2 [tilespmem:s6], [sflag:$0x5], $0x20, $0x38;
	[tilespmem:$0x1ED98] =	vst v63  }
0x859: {  	s0 =	sshrl.u32 s3, $0x2  }
.LBB3_42:
0x85a: {  	s1 =	simm.s32 $0x5  }
0x85b: {  	_ =	swait.ge [sflag:s1], s0  }
0x85c: {  	s31 =	ssub.s32 $0x0, s0;
	[sflag:s1] =	ssyncset.done $0x0  }
0x85d: {  	[sflag:s1] =	ssyncadd.s32 s31  }
0x85e: {  	[sflag:s1] =	ssyncpa.u1 $0x1  }
.LBB3_43:
0x85f: {  	s0 =	sor.u32 s15, s14  }
0x860: {  	p1 =	sne.s32 s0, $0x0  }
.Ltmp43:
0x861: {  	_ = 	snop;
	(pc) =	sbr.rel @p1 .LBB3_58-.Ltmp43, $3  }
0x862: {  	_ =	sdelay $0x1  }
0x863: {  	[bflag:$0x0] =	sbarrier.arrive $0xFFFF  }
0x864: {  	_ =	sfence  }
0x865: {  	s0 =	simm.s32 $0x7  }
0x866: {  	s1 =	simm.s32 $0x1400;
	s2 =	simm.s32 $0xB698;
	[sflag:s0] =	ssyncpa.u1 $0x0  }
0x867: {  	[tilespmem:s2], [sflag:$0x7] =	stream.linear.gather [spmem:s1], $0x20, $0x38;
	[tilespmem:$0x1ED98] =	vst v63  }
0x868: {  	s30 =	simm.s32 $0xB6B8;
	s1 =	simm.s32 $0x0  }
0x869: {  	[tilespmem:s30], [sflag:$0x7] =	stream.linear.gather [spmem:s1], $0x1400, $0x38;
	[tilespmem:$0x1ED98] =	vst v63  }
.Ltmp44:
0x86a: {  	_ = 	snop;
	(pc) =	sbr.rel .LBB3_45-.Ltmp44, $4  }
0x86b: {  	_ =	swait.ge [sflag:s0], $0x1420  }
0x86c: {  	[sflag:s0] =	ssyncset.done $0x0  }
0x86d: {  	s31 =	simm.s32 $0x8;
	[sflag:s0] =	ssyncadd.s32 $0xFFFFEBE0  }
0x86e: {  	s2 =	simm.s32 $0x0;
	[sflag:s31] =	ssyncpa.u1 $0x0  }
.LBB3_51:
0x86f: {  	p1 =	slt.u32 s0, $0x4E17D  }
0x870: {  	s3 =	sand.u32 @p1 $0x7FFF8, s0;
	s4 =	sand.u32 @p1 $0x7, s0;
	s0 =	sadd.s32 @p1 $0x80, s0  }
0x871: {  	s6 =	simm.s32 @p1 $0xB5E8;
	s3 =	sadd.s32 @p1 s5, s3;
	s0 =	sand.u32 @p1 $0xFFFF8, s0  }
0x872: {  	[tilespmem:s6], [sflag:$0x8] =	stream.linear.gather @p1 [hbm4b:s3+s4], $0x80, $0x38;
	[tilespmem:$0x1ED98] =	vst v63  }
0x873: {  	s0 =	sadd.s32 @p1 s5, s0;
	s3 =	simm.s32 @p1 $0xB668  }
0x874: {  	[tilespmem:s3], [sflag:$0x8] =	stream.linear.gather @p1 [hbm4b:s0+s4], $0x20, $0x38;
	[tilespmem:$0x1ED98] =	vst v63  }
0x875: {  	s0 =	simm.s32 @p1 $0x8  }
0x876: {  	_ =	swait.ge @p1 [sflag:s0], $0xA0  }
0x877: {  	[sflag:s0] =	ssyncset.done @p1 $0x0  }
0x878: {  	[sflag:s0] =	ssyncadd.s32 @p1 $0xFFFFFF60  }
0x879: {  	v1 =	vld @p1 [tilespmem:$0xB5E8];
	_ =	sdelay $0x1  }
0x87a: {  	s0 =	smul.u32 @p1 $0x280, s2;
	_ =	sdelay $0x1  }
0x87b: {  	s3 =	sshra.s32 @p1 s0, $0x2  }
0x87c: {  	[tilespmem:s3+$0xB6B8] =	vst.add.f32.msk @p1 $0xffff, v1  }
0x87d: {  	v1 =	vld @p1 [tilespmem:$0xB5F8];
	_ =	sdelay $0x4  }
0x87e: {  	[tilespmem:s3+$0xB6C8] =	vst.add.f32.msk @p1 $0xffff, v1  }
0x87f: {  	v1 =	vld @p1 [tilespmem:$0xB608];
	_ =	sdelay $0x4  }
0x880: {  	[tilespmem:s3+$0xB6D8] =	vst.add.f32.msk @p1 $0xffff, v1  }
0x881: {  	v1 =	vld @p1 [tilespmem:$0xB618];
	_ =	sdelay $0x4  }
0x882: {  	[tilespmem:s3+$0xB6E8] =	vst.add.f32.msk @p1 $0xffff, v1  }
0x883: {  	v1 =	vld @p1 [tilespmem:$0xB628];
	_ =	sdelay $0x4  }
0x884: {  	[tilespmem:s3+$0xB6F8] =	vst.add.f32.msk @p1 $0xffff, v1  }
0x885: {  	v1 =	vld @p1 [tilespmem:$0xB638];
	_ =	sdelay $0x4  }
0x886: {  	[tilespmem:s3+$0xB708] =	vst.add.f32.msk @p1 $0xffff, v1  }
0x887: {  	v1 =	vld @p1 [tilespmem:$0xB648];
	_ =	sdelay $0x4  }
0x888: {  	[tilespmem:s3+$0xB718] =	vst.add.f32.msk @p1 $0xffff, v1  }
0x889: {  	v1 =	vld @p1 [tilespmem:$0xB658];
	_ =	sdelay $0x4  }
0x88a: {  	[tilespmem:s3+$0xB728] =	vst.add.f32.msk @p1 $0xffff, v1  }
0x88b: {  	v1 =	vld @p1 [tilespmem:$0xB668];
	_ =	sdelay $0x4  }
0x88c: {  	[tilespmem:s3+$0xB738] =	vst.add.f32.msk @p1 $0xffff, v1  }
0x88d: {  	v1 =	vld @p1 [tilespmem:$0xB678];
	_ =	sdelay $0x2  }
0x88e: {  	s4 =	smul.u32 @!p1 $0x280, s2;
	_ =	sdelay $0x1  }
0x88f: {  	s4 =	smov.u32 @p1 s0;
	[tilespmem:s3+$0xB748] =	vst.add.f32.msk @p1 $0xffff, v1  }
0x890: {  	s0 =	sshra.s32 s4, $0x2;
	[tilespmem:s1+$0xB698] =	vst.msk $0x1, v0  }
0x891: {  	v0 =	vld [tilespmem:s0+$0xB6B8];
	_ =	sdelay $0x1  }
0x892: {  	s31 =	smul.u32 $0x280, s1;
	_ =	sdelay $0x1  }
0x893: {  	s3 =	sshra.s32 s31, $0x2  }
0x894: {  	[tilespmem:s3+$0xB6B8] =	vst v0  }
0x895: {  	v0 =	vld [tilespmem:s0+$0xB6C8];
	_ =	sdelay $0x4  }
0x896: {  	[tilespmem:s3+$0xB6C8] =	vst v0  }
0x897: {  	v0 =	vld [tilespmem:s0+$0xB6D8];
	_ =	sdelay $0x4  }
0x898: {  	[tilespmem:s3+$0xB6D8] =	vst v0  }
0x899: {  	v0 =	vld [tilespmem:s0+$0xB6E8];
	_ =	sdelay $0x4  }
0x89a: {  	[tilespmem:s3+$0xB6E8] =	vst v0  }
0x89b: {  	v0 =	vld [tilespmem:s0+$0xB6F8];
	_ =	sdelay $0x4  }
0x89c: {  	[tilespmem:s3+$0xB6F8] =	vst v0  }
0x89d: {  	v0 =	vld [tilespmem:s0+$0xB708];
	_ =	sdelay $0x4  }
0x89e: {  	[tilespmem:s3+$0xB708] =	vst v0  }
0x89f: {  	v0 =	vld [tilespmem:s0+$0xB718];
	_ =	sdelay $0x4  }
0x8a0: {  	[tilespmem:s3+$0xB718] =	vst v0  }
0x8a1: {  	v0 =	vld [tilespmem:s0+$0xB728];
	_ =	sdelay $0x4  }
0x8a2: {  	[tilespmem:s3+$0xB728] =	vst v0  }
0x8a3: {  	v0 =	vld [tilespmem:s0+$0xB738];
	_ =	sdelay $0x4  }
0x8a4: {  	[tilespmem:s3+$0xB738] =	vst v0  }
0x8a5: {  	v0 =	vld [tilespmem:s0+$0xB748];
	_ =	sdelay $0x4  }
0x8a6: {  	s1 =	sadd.s32 $0x1, s1;
	[tilespmem:s3+$0xB748] =	vst v0  }
.LBB3_52:
0x8a7: {  	s2 =	sadd.s32 $0x1, s2  }
0x8a8: {  	p1 =	sne.s32 s2, $0x20  }
.Ltmp45:
0x8a9: {  	_ = 	snop;
	(pc) =	sbr.rel @!p1 .LBB3_53-.Ltmp45, $1  }
0x8aa: {  	_ =	sdelay $0x3  }
.LBB3_45:
0x8ab: {  	v0 =	vld.msk [tilespmem:s2+$0xB698], $0x1;
	_ =	sdelay $0x4  }
0x8ac: {  	(v2sf) =	vpush v0, $0x0;
	_ =	sdelay $0xe  }
0x8ad: {  	s0 =	spop (v2sf)  }
0x8ae: {  	p1 =	seq.s32 s0, $0xFFFFFFFF  }
.Ltmp46:
0x8af: {  	_ = 	snop;
	(pc) =	sbr.rel @p1 .LBB3_52-.Ltmp46, $1  }
0x8b0: {  	_ =	sdelay $0x3  }
0x8b1: {  	p1 =	slt.s32 s1, $0x1  }
.Ltmp47:
0x8b2: {  	_ = 	snop;
	(pc) =	sbr.rel @p1 .LBB3_51-.Ltmp47, $1  }
0x8b3: {  	_ =	sdelay $0x3  }
0x8b4: {  	s3 =	simm.s32 $0xB698;
	p1 =	por $0x0, $0x0  }
0x8b5: {  	v1 =	vld.msk @!p1 [tilespmem:s3+$0x0], $0x1;
	_ =	sdelay $0x4  }
0x8b6: {  	(v2sf) =	vpush @!p1 v1, $0x0;
	_ =	sdelay $0xd  }
0x8b7: {  	p3 =	sne.s32 s1, $0x1  }
.Ltmp48:
0x8b8: {  	s4 =	spop @!p1 (v2sf);
	(pc) =	sbr.rel @!p3 .LBB3_49-.Ltmp48, $4  }
0x8b9: {  	p2 =	seq.s32 @!p1 s0, s4  }
0x8ba: {  	s4 =	simm.s32 $0x0;
	p2 =	por !p2, p1  }
0x8bb: {  	s7 =	simm.s32 $0xFFFFFFFF;
	s4 =	simm.s32 @p2 $0xFFFFFFFF  }
0x8bc: {  	s6 =	simm.s32 $0x1;
	s4 =	smov.u32 @p1 s7  }
.LBB3_48:
0x8bd: {  	s7 =	smov.u32 s4;
	p1 =	sne.s32 s4, $0xFFFFFFFF  }
0x8be: {  	s3 =	sadd.s32 $0x1, s3;
	s4 =	smov.u32 s6;
	s6 =	sadd.s32 $0x1, s6  }
0x8bf: {  	p2 =	sne.s32 s1, s6;
	v1 =	vld.msk @!p1 [tilespmem:s3+$0x0], $0x1;
	_ =	sdelay $0x4  }
0x8c0: {  	(v2sf) =	vpush @!p1 v1, $0x0;
	_ =	sdelay $0xe  }
.Ltmp49:
0x8c1: {  	s8 =	spop @!p1 (v2sf);
	(pc) =	sbr.rel @p2 .LBB3_48-.Ltmp49, $4  }
0x8c2: {  	p3 =	seq.s32 @!p1 s0, s8  }
0x8c3: {  	p3 =	por !p3, p1  }
0x8c4: {  	s4 =	simm.s32 @p3 $0xFFFFFFFF  }
0x8c5: {  	s4 =	smov.u32 @p1 s7  }
.LBB3_49:
0x8c6: {  	p1 =	seq.s32 s4, $0xFFFFFFFF  }
.Ltmp50:
0x8c7: {  	_ = 	snop;
	(pc) =	sbr.rel @p1 .LBB3_51-.Ltmp50, $1  }
0x8c8: {  	_ =	sdelay $0x3  }
0x8c9: {  	s0 =	smul.u32 $0x280, s2;
	_ =	sdelay $0x1  }
0x8ca: {  	s0 =	sshra.s32 s0, $0x2  }
0x8cb: {  	v0 =	vld [tilespmem:s0+$0xB6B8];
	_ =	sdelay $0x1  }
0x8cc: {  	s3 =	smul.u32 $0x280, s4;
	_ =	sdelay $0x1  }
0x8cd: {  	s3 =	sshra.s32 s3, $0x2  }
0x8ce: {  	[tilespmem:s3+$0xB6B8] =	vst.add.f32.msk $0xffff, v0  }
0x8cf: {  	v0 =	vld [tilespmem:s0+$0xB6C8];
	_ =	sdelay $0x4  }
0x8d0: {  	[tilespmem:s3+$0xB6C8] =	vst.add.f32.msk $0xffff, v0  }
0x8d1: {  	v0 =	vld [tilespmem:s0+$0xB6D8];
	_ =	sdelay $0x4  }
0x8d2: {  	[tilespmem:s3+$0xB6D8] =	vst.add.f32.msk $0xffff, v0  }
0x8d3: {  	v0 =	vld [tilespmem:s0+$0xB6E8];
	_ =	sdelay $0x4  }
0x8d4: {  	[tilespmem:s3+$0xB6E8] =	vst.add.f32.msk $0xffff, v0  }
0x8d5: {  	v0 =	vld [tilespmem:s0+$0xB6F8];
	_ =	sdelay $0x4  }
0x8d6: {  	[tilespmem:s3+$0xB6F8] =	vst.add.f32.msk $0xffff, v0  }
0x8d7: {  	v0 =	vld [tilespmem:s0+$0xB708];
	_ =	sdelay $0x4  }
0x8d8: {  	[tilespmem:s3+$0xB708] =	vst.add.f32.msk $0xffff, v0  }
0x8d9: {  	v0 =	vld [tilespmem:s0+$0xB718];
	_ =	sdelay $0x4  }
0x8da: {  	[tilespmem:s3+$0xB718] =	vst.add.f32.msk $0xffff, v0  }
0x8db: {  	v0 =	vld [tilespmem:s0+$0xB728];
	_ =	sdelay $0x4  }
0x8dc: {  	[tilespmem:s3+$0xB728] =	vst.add.f32.msk $0xffff, v0  }
0x8dd: {  	v0 =	vld [tilespmem:s0+$0xB738];
	_ =	sdelay $0x4  }
0x8de: {  	[tilespmem:s3+$0xB738] =	vst.add.f32.msk $0xffff, v0  }
0x8df: {  	v0 =	vld [tilespmem:s0+$0xB748]  }
.Ltmp51:
0x8e0: {  	_ = 	snop;
	(pc) =	sbr.rel .LBB3_52-.Ltmp51, $2  }
0x8e1: {  	_ =	sdelay $0x2  }
0x8e2: {  	[tilespmem:s3+$0xB748] =	vst.add.f32.msk $0xffff, v0  }
.LBB3_53:
0x8e3: {  	p1 =	slt.s32 s1, $0x1  }
.Ltmp52:
0x8e4: {  	_ = 	snop;
	(pc) =	sbr.rel @p1 .LBB3_57-.Ltmp52, $3  }
0x8e5: {  	_ =	sdelay $0x1  }
0x8e6: {  	s0 =	simm.s32 $0x8  }
0x8e7: {  	s3 =	simm.s32 $0x0;
	[sflag:s0] =	ssyncpa.u1 $0x1  }
0x8e8: {  	s0 =	simm.s32 $0xB698  }
0x8e9: {  	v0 =	vld.msk [tilespmem:s0+$0x0], $0x1;
	_ =	sdelay $0x4  }
0x8ea: {  	(v2sf) =	vpush v0, $0x0;
	_ =	sdelay $0xe  }
0x8eb: {  	s0 =	sadd.s32 $0xFFFFFFFF, s1;
	s2 =	spop (v2sf)  }
0x8ec: {  	s6 =	simm.s32 $0xB6B8;
	p1 =	sne.s32 s0, $0x0;
	p2 =	sgt.u32 s2, $0x4E17C  }
.Ltmp53:
0x8ed: {  	s1 =	simm.s32 $0xB758;
	s4 =	sand.u32 @!p2 $0x7FFF8, s2;
	(pc) =	sbr.rel @!p1 .LBB3_56-.Ltmp53, $4  }
0x8ee: {  	s7 =	sadd.s32 @!p2 $0x80, s2;
	s3 =	simm.s32 @!p2 $0x280;
	s8 =	sadd.s32 @!p2 s5, s4  }
0x8ef: {  	s4 =	sand.u32 @!p2 $0x7, s2;
	s2 =	simm.s32 $0xB699;
	s7 =	sand.u32 @!p2 $0xFFFF8, s7  }
0x8f0: {  	[hbm4b:s8+s4] =	stream.linear.scatter @!p2 [tilespmem:s6], [sflag:$0x7], $0x80, $0x38;
	[tilespmem:$0x1ED98] =	vst v63  }
0x8f1: {  	s3 =	sadd.s32 $0x0, s3;
	s6 =	simm.s32 @!p2 $0xB738;
	s7 =	sadd.s32 @!p2 s5, s7  }
.LBB3_55:
0x8f2: {  	[hbm4b:s7+s4] =	stream.linear.scatter @!p2 [tilespmem:s6], [sflag:$0x7], $0x20, $0x38;
	[tilespmem:$0x1ED98] =	vst v63  }
0x8f3: {  	s0 =	sadd.s32 $0xFFFFFFFF, s0;
	s6 =	smov.u32 s1;
	v0 =	vld.msk [tilespmem:s2+$0x0], $0x1  }
0x8f4: {  	p1 =	sne.s32 s0, $0x0;
	_ =	sdelay $0x3  }
0x8f5: {  	(v2sf) =	vpush v0, $0x0;
	_ =	sdelay $0xe  }
0x8f6: {  	s1 =	sadd.s32 $0xA0, s1;
	s8 =	simm.s32 $0x0;
	s4 =	spop (v2sf)  }
.Ltmp54:
0x8f7: {  	s2 =	sadd.s32 $0x1, s2;
	p2 =	sgt.u32 s4, $0x4E17C;
	(pc) =	sbr.rel @p1 .LBB3_55-.Ltmp54, $4  }
0x8f8: {  	s8 =	simm.s32 @!p2 $0x280;
	s7 =	sand.u32 @!p2 $0x7FFF8, s4;
	s9 =	sadd.s32 @!p2 $0x80, s4  }
0x8f9: {  	s4 =	sand.u32 @!p2 $0x7, s4;
	s7 =	sadd.s32 @!p2 s5, s7;
	s9 =	sand.u32 @!p2 $0xFFFF8, s9  }
0x8fa: {  	[hbm4b:s7+s4] =	stream.linear.scatter @!p2 [tilespmem:s6], [sflag:$0x7], $0x80, $0x38;
	[tilespmem:$0x1ED98] =	vst v63  }
0x8fb: {  	s3 =	sadd.s32 s3, s8;
	s6 =	sadd.s32 @!p2 $0x80, s6;
	s7 =	sadd.s32 @!p2 s5, s9  }
.LBB3_56:
0x8fc: {  	[hbm4b:s7+s4] =	stream.linear.scatter @!p2 [tilespmem:s6], [sflag:$0x7], $0x20, $0x38;
	[tilespmem:$0x1ED98] =	vst v63  }
0x8fd: {  	s3 =	sshrl.u32 s3, $0x2  }
.LBB3_57:
0x8fe: {  	s0 =	simm.s32 $0x7  }
0x8ff: {  	_ =	swait.ge [sflag:s0], s3  }
0x900: {  	s1 =	ssub.s32 $0x0, s3;
	[sflag:s0] =	ssyncset.done $0x0  }
0x901: {  	[sflag:s0] =	ssyncadd.s32 s1  }
0x902: {  	[sflag:s0] =	ssyncpa.u1 $0x1  }
.LBB3_58:
0x903: {  	_ =	sfence;
	s0 =	simm.s32 $0x1  }
0x904: {  	[sflag:s0] =	ssyncpa.u1 $0x1  }
0x905: {  	_ =	strace $0x90000050  }
0x906: {  	[bflag:$0x2] =	sbarrier.arrive $0xFFFF  }
0x907: {  	s0 =	rddreg [dreg:$0x3]  }
0x908: {  	s0 =	sadd.s32 @!p0 $0x100000, s0  }
0x909: {  	[sflag:s0] =	ssyncadd.tile.s32 @!p0 $0x1;
	_ =	shalt  }
.Lfunc_end3:
_tile_overlayer_lowered:
.L_overlay_start_3:
0x90a: {  	(tag) =	ssettag $0x3  }
0x90b: {  	s0 =	rddreg [dreg:$0x0];
	s2 =	stileid.u32  }
0x90c: {  	s1 =	rddreg [dreg:$0x1];
	p0 =	sne.s32 s2, $0x0  }
0x90d: {  	s3 =	rddreg [dreg:$0x2];
	[bflag:$0x3] =	sbarrier.arrive $0xFFFF;
	s2 =	simm.s32 @!p0 $0x1C01  }
0x90e: {  	[timem:s3], [sflag:s2] =	dma.local @!p0 [hbm:s0], s1  }
0x90f: {  	s0 =	simm.s32 @!p0 $0x1  }
0x910: {  	_ =	swait.ge @!p0 [sflag:s0], s1  }
0x911: {  	s1 =	ssub.s32 @!p0 $0x0, s1;
	[sflag:s0] =	ssyncset.done @!p0 $0x0  }
0x912: {  	[sflag:s0] =	ssyncadd.s32 @!p0 s1  }
0x913: {  	[bflag:$0x3] =	sbarrier.arrive $0xFFFF  }
0x914: {  	_ =	shalt  }

</sc_bundles>
